<compile_context>
chip_gen: v7x
topology: tpu7x:2x2x1
jax: 0.10.2.dev20260603
libtpu: 0.0.44.dev20260713+nightly
codegen_flags: <defaults>
</compile_context>

<pallas_src>
import functools
import jax
import jax.numpy as jnp
from jax import lax
from jax.experimental import pallas as pl
from jax.experimental.pallas import tpu as pltpu
from jax.experimental.pallas import tpu_sc as plsc

_NC = 2
_NS = 16
_NW = _NC * _NS
_L = 16
_BB = 512


def _body(T, B0, H, ttab_hbm, idxt_hbm, out_hbm,
          ttile, idx0, idx1, stag0, stag1,
          sem_t, sem_i0, sem_i1, sem_w0, sem_w1):
    nblk = B0 // _BB
    nunits = T * nblk // (_NW // 2)
    wid = lax.axis_index("s") * _NC + lax.axis_index("c")
    ig = wid // 2
    h = wid % 2
    idxb = (idx0, idx1)
    stag = (stag0, stag1)
    sem_i = (sem_i0, sem_i1)
    sem_w = (sem_w0, sem_w1)

    pltpu.async_copy(ttab_hbm.at[pl.ds(h * H, H)], ttile, sem_t).wait()

    def unit_coords(u):
        g = ig + u * (_NW // 2)
        return g // nblk, g % nblk

    def idx_start(u, b):
        t, blk = unit_coords(u)
        pltpu.async_copy(
            idxt_hbm.at[t, pl.ds(blk * (_BB // _L), _BB // _L)],
            idxb[b], sem_i[b])

    def idx_wait(u, b):
        t, blk = unit_coords(u)
        pltpu.make_async_copy(
            idxt_hbm.at[t, pl.ds(blk * (_BB // _L), _BB // _L)],
            idxb[b], sem_i[b]).wait()

    def w_start(u, b):
        t, blk = unit_coords(u)
        pltpu.async_copy(
            stag[b], out_hbm.at[t, pl.ds(h * H, H), pl.ds(blk * _BB, _BB)],
            sem_w[b])

    def w_wait(u, b):
        t, blk = unit_coords(u)
        pltpu.make_async_copy(
            stag[b], out_hbm.at[t, pl.ds(h * H, H), pl.ds(blk * _BB, _BB)],
            sem_w[b]).wait()

    cols = [jnp.full((_L,), d, jnp.int32) for d in range(H)]

    def compute(b):
        @plsc.parallel_loop(0, _BB // _L, unroll=1)
        def group(g):
            iv = idxb[b][g]
            for d in range(H):
                vals = plsc.load_gather(ttile, [cols[d], iv])
                stag[b][d, pl.ds(g * _L, _L)] = vals

    for b in range(2):
        idx_start(b, b)

    def pair(p, carry):
        for b in range(2):
            u = 2 * p + b
            idx_wait(u, b)
            compute(b)
            w_start(u, b)
            w_wait(u, b)
            idx_start(u + 2, b)
        return carry

    npairs = nunits // 2
    lax.fori_loop(0, npairs - 1, pair, 0)

    for b in range(2):
        u = (npairs - 1) * 2 + b
        idx_wait(u, b)
        compute(b)
        w_start(u, b)
    for b in range(2):
        u = (npairs - 1) * 2 + b
        w_wait(u, b)


def kernel(input_pos_tensors, table):
    B0, T = input_pos_tensors.shape
    V, D = table.shape
    H = D // 2
    ttab = table.T
    idxt = input_pos_tensors.astype(jnp.int32).T.reshape(T, B0 // _L, _L)

    mesh = plsc.VectorSubcoreMesh(
        core_axis_name="c", subcore_axis_name="s",
        num_cores=_NC, num_subcores=_NS)
    run = pl.kernel(
        functools.partial(_body, T, B0, H),
        out_type=jax.ShapeDtypeStruct((T, D, B0), jnp.float32),
        mesh=mesh,
        scratch_types=[
            pltpu.VMEM((H, V), jnp.float32),
            pltpu.VMEM((_BB // _L, _L), jnp.int32),
            pltpu.VMEM((_BB // _L, _L), jnp.int32),
            pltpu.VMEM((H, _BB), jnp.float32),
            pltpu.VMEM((H, _BB), jnp.float32),
            pltpu.SemaphoreType.DMA,
            pltpu.SemaphoreType.DMA,
            pltpu.SemaphoreType.DMA,
            pltpu.SemaphoreType.DMA,
            pltpu.SemaphoreType.DMA,
        ],
        compiler_params=pltpu.CompilerParams(
            use_tc_tiling_on_sc=False, needs_layout_passes=False),
    )
    out = run(ttab, idxt)
    return jnp.transpose(out, (2, 0, 1))

# --- scband reference (transcript-rebuilt; emitter-appended) ---
"""Pipeline reference for scband-sinusoid-positional-embedding-56418690400839 (READ-ONLY COPY).

The authoritative reference and input builder live on the scoring server;
editing this copy changes nothing except your own understanding.
"""

import jax, jax.numpy as jnp
import numpy as np


def _sinusoid_table(n_position, d_hid, padding_idx=0):
    pos = np.arange(n_position, dtype=np.float64)[:, None]
    hid = np.arange(d_hid)[None, :]
    angle = pos / np.power(10000.0, 2 * (hid // 2) / d_hid)
    table = angle.copy()
    table[:, 0::2] = np.sin(table[:, 0::2])
    table[:, 1::2] = np.cos(table[:, 1::2])
    if padding_idx is not None:
        table[padding_idx] = 0.0
    return jnp.asarray(table, dtype=jnp.float32)


def setup_inputs(seed: int = 0):
    key = jax.random.key(seed)
    input_pos_tensors = jax.random.randint(key, (4096, 200), 0, 2048, dtype=jnp.int64 if jax.config.read('jax_enable_x64') else jnp.int32)
    table = _sinusoid_table(2048, 64, padding_idx=0)
    return {"input_pos_tensors": input_pos_tensors, "table": table}


def reference(input_pos_tensors, table):
    # nn.Embedding lookup into the frozen sinusoid table
    return jnp.take(table, input_pos_tensors, axis=0)

if __name__ == "__main__":
    import jax
    _d = setup_inputs()
    print(jax.jit(kernel)(*tuple(_d.values())))

</pallas_src>

<mosaic_0001>
#map = affine_map<(d0, d1) -> (0, 0)>
#map1 = affine_map<(d0, d1) -> (0, 0, 0)>
module attributes {stable_mosaic.version = 14 : i64} {
  func.func @_body(%arg0: i32, %arg1: i32, %arg2: memref<64x2048xf32, #tpu.memory_space<hbm>>, %arg3: memref<200x256x16xi32, #tpu.memory_space<hbm>>, %arg4: memref<200x64x4096xf32, #tpu.memory_space<hbm>>, %arg5: memref<32x2048xf32, #tpu.memory_space<vmem>>, %arg6: memref<32x16xi32, #tpu.memory_space<vmem>>, %arg7: memref<32x16xi32, #tpu.memory_space<vmem>>, %arg8: memref<32x512xf32, #tpu.memory_space<vmem>>, %arg9: memref<32x512xf32, #tpu.memory_space<vmem>>, %arg10: memref<!tpu.dma_semaphore, #tpu.memory_space<semaphore_mem>>, %arg11: memref<!tpu.dma_semaphore, #tpu.memory_space<semaphore_mem>>, %arg12: memref<!tpu.dma_semaphore, #tpu.memory_space<semaphore_mem>>, %arg13: memref<!tpu.dma_semaphore, #tpu.memory_space<semaphore_mem>>, %arg14: memref<!tpu.dma_semaphore, #tpu.memory_space<semaphore_mem>>) attributes {dimension_semantics = [#tpu.dimension_semantics<core_parallel>, #tpu.dimension_semantics<subcore_parallel>], iteration_bounds = array<i64: 2, 16>, scalar_prefetch = 0 : i64, scratch_operands = 10 : i64, tpu.core_type = #tpu.core_type<sc_vector_subcore>, window_params = [{transform_indices = #map}, {transform_indices = #map1}, {transform_indices = #map1}]} {
    %mul3A = arith.constant 2 : i32
    %mul3A_0 = arith.muli %arg1, %mul3A : i32
    %add3A = arith.addi %mul3A_0, %arg0 : i32
    %jit3A = arith.constant 2 : i32
    %div3A = arith.divsi %add3A, %jit3A : i32
    %sign3A = arith.constant 0 : i32
    %sign3A_1 = arith.cmpi sgt, %add3A, %sign3A : i32
    %sign3A_2 = arith.extui %sign3A_1 : i1 to i32
    %sign3A_3 = arith.constant 0 : i32
    %sign3A_4 = arith.cmpi slt, %add3A, %sign3A_3 : i32
    %sign3A_5 = arith.extui %sign3A_4 : i1 to i32
    %sign3A_6 = arith.subi %sign3A_2, %sign3A_5 : i32
    %sign3A_7 = arith.constant 0 : i32
    %sign3A_8 = arith.cmpi sgt, %jit3A, %sign3A_7 : i32
    %sign3A_9 = arith.extui %sign3A_8 : i1 to i32
    %sign3A_10 = arith.constant 0 : i32
    %sign3A_11 = arith.cmpi slt, %jit3A, %sign3A_10 : i32
    %sign3A_12 = arith.extui %sign3A_11 : i1 to i32
    %sign3A_13 = arith.subi %sign3A_9, %sign3A_12 : i32
    %ne3A = arith.cmpi ne, %sign3A_6, %sign3A_13 : i32
    %rem3A = arith.remsi %add3A, %jit3A : i32
    %ne3A_14 = arith.constant 0 : i32
    %ne3A_15 = arith.cmpi ne, %rem3A, %ne3A_14 : i32
    %and3A = arith.andi %ne3A, %ne3A_15 : i1
    %sub3A = arith.constant 1 : i32
    %sub3A_16 = arith.subi %div3A, %sub3A : i32
    %select_n3A = arith.select %and3A, %sub3A_16, %div3A : i32
    %jit3A_17 = arith.constant 2 : i32
    %eq3A = arith.constant 0 : i32
    %eq3A_18 = arith.cmpi eq, %jit3A_17, %eq3A : i32
    %jit3A_19 = arith.constant 1 : i32
    %select_n3A_20 = arith.select %eq3A_18, %jit3A_19, %jit3A_17 : i32
    %rem3A_21 = arith.remsi %add3A, %select_n3A_20 : i32
    %ne3A_22 = arith.constant 0 : i32
    %ne3A_23 = arith.cmpi ne, %rem3A_21, %ne3A_22 : i32
    %lt3A = arith.constant 0 : i32
    %lt3A_24 = arith.cmpi slt, %rem3A_21, %lt3A : i32
    %lt3A_25 = arith.constant 0 : i32
    %lt3A_26 = arith.cmpi slt, %select_n3A_20, %lt3A_25 : i32
    %ne3A_27 = arith.xori %lt3A_24, %lt3A_26 : i1
    %and3A_28 = arith.andi %ne3A_27, %ne3A_23 : i1
    %add3A_29 = arith.addi %rem3A_21, %select_n3A_20 : i32
    %select_n3A_30 = arith.select %and3A_28, %add3A_29, %rem3A_21 : i32
    %mul3A_31 = arith.constant 32 : i32
    %mul3A_32 = arith.muli %select_n3A_30, %mul3A_31 : i32
    %dma_start3A = arith.constant 0 : i32
    %dma_start3A_33 = tpu.memref_slice %arg2[%mul3A_32, %dma_start3A] : memref<64x2048xf32, #tpu.memory_space<hbm>> -> memref<32x2048xf32, #tpu.memory_space<hbm>>
    %dma_start3A_34 = arith.constant 0 : i32
    %dma_start3A_35 = tpu.memref_slice %arg2[%mul3A_32, %dma_start3A_34] : memref<64x2048xf32, #tpu.memory_space<hbm>> -> memref<32x2048xf32, #tpu.memory_space<hbm>>
    tpu.enqueue_dma source(%dma_start3A_35 : memref<32x2048xf32, #tpu.memory_space<hbm>>) target(%arg5 : memref<32x2048xf32, #tpu.memory_space<vmem>>) target_semaphore(%arg10 : memref<!tpu.dma_semaphore, #tpu.memory_space<semaphore_mem>>)
    %dma_wait3A = arith.constant 0 : i32
    %dma_wait3A_36 = tpu.memref_slice %arg2[%mul3A_32, %dma_wait3A] : memref<64x2048xf32, #tpu.memory_space<hbm>> -> memref<32x2048xf32, #tpu.memory_space<hbm>>
    %dma_wait3A_37 = arith.constant 0 : i32
    %dma_wait3A_38 = tpu.memref_slice %arg2[%mul3A_32, %dma_wait3A_37] : memref<64x2048xf32, #tpu.memory_space<hbm>> -> memref<32x2048xf32, #tpu.memory_space<hbm>>
    tpu.wait_dma2 semaphore(%arg10 : memref<!tpu.dma_semaphore, #tpu.memory_space<semaphore_mem>>) src(%dma_wait3A_38 : memref<32x2048xf32, #tpu.memory_space<hbm>>) dst(%arg5 : memref<32x2048xf32, #tpu.memory_space<vmem>>)
    %broadcast_in_dim3A = arith.constant 0 : i32
    %broadcast_in_dim3A_39 = vector.broadcast %broadcast_in_dim3A : i32 to vector<16xi32>
    %broadcast_in_dim3A_40 = arith.constant 1 : i32
    %broadcast_in_dim3A_41 = vector.broadcast %broadcast_in_dim3A_40 : i32 to vector<16xi32>
    %broadcast_in_dim3A_42 = arith.constant 2 : i32
    %broadcast_in_dim3A_43 = vector.broadcast %broadcast_in_dim3A_42 : i32 to vector<16xi32>
    %broadcast_in_dim3A_44 = arith.constant 3 : i32
    %broadcast_in_dim3A_45 = vector.broadcast %broadcast_in_dim3A_44 : i32 to vector<16xi32>
    %broadcast_in_dim3A_46 = arith.constant 4 : i32
    %broadcast_in_dim3A_47 = vector.broadcast %broadcast_in_dim3A_46 : i32 to vector<16xi32>
    %broadcast_in_dim3A_48 = arith.constant 5 : i32
    %broadcast_in_dim3A_49 = vector.broadcast %broadcast_in_dim3A_48 : i32 to vector<16xi32>
    %broadcast_in_dim3A_50 = arith.constant 6 : i32
    %broadcast_in_dim3A_51 = vector.broadcast %broadcast_in_dim3A_50 : i32 to vector<16xi32>
    %broadcast_in_dim3A_52 = arith.constant 7 : i32
    %broadcast_in_dim3A_53 = vector.broadcast %broadcast_in_dim3A_52 : i32 to vector<16xi32>
    %broadcast_in_dim3A_54 = arith.constant 8 : i32
    %broadcast_in_dim3A_55 = vector.broadcast %broadcast_in_dim3A_54 : i32 to vector<16xi32>
    %broadcast_in_dim3A_56 = arith.constant 9 : i32
    %broadcast_in_dim3A_57 = vector.broadcast %broadcast_in_dim3A_56 : i32 to vector<16xi32>
    %broadcast_in_dim3A_58 = arith.constant 10 : i32
    %broadcast_in_dim3A_59 = vector.broadcast %broadcast_in_dim3A_58 : i32 to vector<16xi32>
    %broadcast_in_dim3A_60 = arith.constant 11 : i32
    %broadcast_in_dim3A_61 = vector.broadcast %broadcast_in_dim3A_60 : i32 to vector<16xi32>
    %broadcast_in_dim3A_62 = arith.constant 12 : i32
    %broadcast_in_dim3A_63 = vector.broadcast %broadcast_in_dim3A_62 : i32 to vector<16xi32>
    %broadcast_in_dim3A_64 = arith.constant 13 : i32
    %broadcast_in_dim3A_65 = vector.broadcast %broadcast_in_dim3A_64 : i32 to vector<16xi32>
    %broadcast_in_dim3A_66 = arith.constant 14 : i32
    %broadcast_in_dim3A_67 = vector.broadcast %broadcast_in_dim3A_66 : i32 to vector<16xi32>
    %broadcast_in_dim3A_68 = arith.constant 15 : i32
    %broadcast_in_dim3A_69 = vector.broadcast %broadcast_in_dim3A_68 : i32 to vector<16xi32>
    %broadcast_in_dim3A_70 = arith.constant 16 : i32
    %broadcast_in_dim3A_71 = vector.broadcast %broadcast_in_dim3A_70 : i32 to vector<16xi32>
    %broadcast_in_dim3A_72 = arith.constant 17 : i32
    %broadcast_in_dim3A_73 = vector.broadcast %broadcast_in_dim3A_72 : i32 to vector<16xi32>
    %broadcast_in_dim3A_74 = arith.constant 18 : i32
    %broadcast_in_dim3A_75 = vector.broadcast %broadcast_in_dim3A_74 : i32 to vector<16xi32>
    %broadcast_in_dim3A_76 = arith.constant 19 : i32
    %broadcast_in_dim3A_77 = vector.broadcast %broadcast_in_dim3A_76 : i32 to vector<16xi32>
    %broadcast_in_dim3A_78 = arith.constant 20 : i32
    %broadcast_in_dim3A_79 = vector.broadcast %broadcast_in_dim3A_78 : i32 to vector<16xi32>
    %broadcast_in_dim3A_80 = arith.constant 21 : i32
    %broadcast_in_dim3A_81 = vector.broadcast %broadcast_in_dim3A_80 : i32 to vector<16xi32>
    %broadcast_in_dim3A_82 = arith.constant 22 : i32
    %broadcast_in_dim3A_83 = vector.broadcast %broadcast_in_dim3A_82 : i32 to vector<16xi32>
    %broadcast_in_dim3A_84 = arith.constant 23 : i32
    %broadcast_in_dim3A_85 = vector.broadcast %broadcast_in_dim3A_84 : i32 to vector<16xi32>
    %broadcast_in_dim3A_86 = arith.constant 24 : i32
    %broadcast_in_dim3A_87 = vector.broadcast %broadcast_in_dim3A_86 : i32 to vector<16xi32>
    %broadcast_in_dim3A_88 = arith.constant 25 : i32
    %broadcast_in_dim3A_89 = vector.broadcast %broadcast_in_dim3A_88 : i32 to vector<16xi32>
    %broadcast_in_dim3A_90 = arith.constant 26 : i32
    %broadcast_in_dim3A_91 = vector.broadcast %broadcast_in_dim3A_90 : i32 to vector<16xi32>
    %broadcast_in_dim3A_92 = arith.constant 27 : i32
    %broadcast_in_dim3A_93 = vector.broadcast %broadcast_in_dim3A_92 : i32 to vector<16xi32>
    %broadcast_in_dim3A_94 = arith.constant 28 : i32
    %broadcast_in_dim3A_95 = vector.broadcast %broadcast_in_dim3A_94 : i32 to vector<16xi32>
    %broadcast_in_dim3A_96 = arith.constant 29 : i32
    %broadcast_in_dim3A_97 = vector.broadcast %broadcast_in_dim3A_96 : i32 to vector<16xi32>
    %broadcast_in_dim3A_98 = arith.constant 30 : i32
    %broadcast_in_dim3A_99 = vector.broadcast %broadcast_in_dim3A_98 : i32 to vector<16xi32>
    %broadcast_in_dim3A_100 = arith.constant 31 : i32
    %broadcast_in_dim3A_101 = vector.broadcast %broadcast_in_dim3A_100 : i32 to vector<16xi32>
    %add3A_102 = arith.constant 0 : i32
    %add3A_103 = arith.addi %select_n3A, %add3A_102 : i32
    %jit3A_104 = arith.constant 8 : i32
    %div3A_105 = arith.divsi %add3A_103, %jit3A_104 : i32
    %sign3A_106 = arith.constant 0 : i32
    %sign3A_107 = arith.cmpi sgt, %add3A_103, %sign3A_106 : i32
    %sign3A_108 = arith.extui %sign3A_107 : i1 to i32
    %sign3A_109 = arith.constant 0 : i32
    %sign3A_110 = arith.cmpi slt, %add3A_103, %sign3A_109 : i32
    %sign3A_111 = arith.extui %sign3A_110 : i1 to i32
    %sign3A_112 = arith.subi %sign3A_108, %sign3A_111 : i32
    %sign3A_113 = arith.constant 0 : i32
    %sign3A_114 = arith.cmpi sgt, %jit3A_104, %sign3A_113 : i32
    %sign3A_115 = arith.extui %sign3A_114 : i1 to i32
    %sign3A_116 = arith.constant 0 : i32
    %sign3A_117 = arith.cmpi slt, %jit3A_104, %sign3A_116 : i32
    %sign3A_118 = arith.extui %sign3A_117 : i1 to i32
    %sign3A_119 = arith.subi %sign3A_115, %sign3A_118 : i32
    %ne3A_120 = arith.cmpi ne, %sign3A_112, %sign3A_119 : i32
    %rem3A_121 = arith.remsi %add3A_103, %jit3A_104 : i32
    %ne3A_122 = arith.constant 0 : i32
    %ne3A_123 = arith.cmpi ne, %rem3A_121, %ne3A_122 : i32
    %and3A_124 = arith.andi %ne3A_120, %ne3A_123 : i1
    %sub3A_125 = arith.constant 1 : i32
    %sub3A_126 = arith.subi %div3A_105, %sub3A_125 : i32
    %select_n3A_127 = arith.select %and3A_124, %sub3A_126, %div3A_105 : i32
    %jit3A_128 = arith.constant 8 : i32
    %eq3A_129 = arith.constant 0 : i32
    %eq3A_130 = arith.cmpi eq, %jit3A_128, %eq3A_129 : i32
    %jit3A_131 = arith.constant 1 : i32
    %select_n3A_132 = arith.select %eq3A_130, %jit3A_131, %jit3A_128 : i32
    %rem3A_133 = arith.remsi %add3A_103, %select_n3A_132 : i32
    %ne3A_134 = arith.constant 0 : i32
    %ne3A_135 = arith.cmpi ne, %rem3A_133, %ne3A_134 : i32
    %lt3A_136 = arith.constant 0 : i32
    %lt3A_137 = arith.cmpi slt, %rem3A_133, %lt3A_136 : i32
    %lt3A_138 = arith.constant 0 : i32
    %lt3A_139 = arith.cmpi slt, %select_n3A_132, %lt3A_138 : i32
    %ne3A_140 = arith.xori %lt3A_137, %lt3A_139 : i1
    %and3A_141 = arith.andi %ne3A_140, %ne3A_135 : i1
    %add3A_142 = arith.addi %rem3A_133, %select_n3A_132 : i32
    %select_n3A_143 = arith.select %and3A_141, %add3A_142, %rem3A_133 : i32
    %mul3A_144 = arith.constant 32 : i32
    %mul3A_145 = arith.muli %select_n3A_143, %mul3A_144 : i32
    %dma_start3A_146 = arith.constant 0 : i32
    %dma_start3A_147 = tpu.memref_slice %arg3[%select_n3A_127, %mul3A_145, %dma_start3A_146] : memref<200x256x16xi32, #tpu.memory_space<hbm>> -> memref<1x32x16xi32, #tpu.memory_space<hbm>>
    %dma_start3A_148 = tpu.memref_squeeze %dma_start3A_147 : memref<1x32x16xi32, #tpu.memory_space<hbm>> -> memref<32x16xi32, #tpu.memory_space<hbm>>
    %dma_start3A_149 = arith.constant 0 : i32
    %dma_start3A_150 = tpu.memref_slice %arg3[%select_n3A_127, %mul3A_145, %dma_start3A_149] : memref<200x256x16xi32, #tpu.memory_space<hbm>> -> memref<1x32x16xi32, #tpu.memory_space<hbm>>
    %dma_start3A_151 = tpu.memref_squeeze %dma_start3A_150 : memref<1x32x16xi32, #tpu.memory_space<hbm>> -> memref<32x16xi32, #tpu.memory_space<hbm>>
    tpu.enqueue_dma source(%dma_start3A_151 : memref<32x16xi32, #tpu.memory_space<hbm>>) target(%arg6 : memref<32x16xi32, #tpu.memory_space<vmem>>) target_semaphore(%arg11 : memref<!tpu.dma_semaphore, #tpu.memory_space<semaphore_mem>>)
    %add3A_152 = arith.constant 16 : i32
    %add3A_153 = arith.addi %select_n3A, %add3A_152 : i32
    %jit3A_154 = arith.constant 8 : i32
    %div3A_155 = arith.divsi %add3A_153, %jit3A_154 : i32
    %sign3A_156 = arith.constant 0 : i32
    %sign3A_157 = arith.cmpi sgt, %add3A_153, %sign3A_156 : i32
    %sign3A_158 = arith.extui %sign3A_157 : i1 to i32
    %sign3A_159 = arith.constant 0 : i32
    %sign3A_160 = arith.cmpi slt, %add3A_153, %sign3A_159 : i32
    %sign3A_161 = arith.extui %sign3A_160 : i1 to i32
    %sign3A_162 = arith.subi %sign3A_158, %sign3A_161 : i32
    %sign3A_163 = arith.constant 0 : i32
    %sign3A_164 = arith.cmpi sgt, %jit3A_154, %sign3A_163 : i32
    %sign3A_165 = arith.extui %sign3A_164 : i1 to i32
    %sign3A_166 = arith.constant 0 : i32
    %sign3A_167 = arith.cmpi slt, %jit3A_154, %sign3A_166 : i32
    %sign3A_168 = arith.extui %sign3A_167 : i1 to i32
    %sign3A_169 = arith.subi %sign3A_165, %sign3A_168 : i32
    %ne3A_170 = arith.cmpi ne, %sign3A_162, %sign3A_169 : i32
    %rem3A_171 = arith.remsi %add3A_153, %jit3A_154 : i32
    %ne3A_172 = arith.constant 0 : i32
    %ne3A_173 = arith.cmpi ne, %rem3A_171, %ne3A_172 : i32
    %and3A_174 = arith.andi %ne3A_170, %ne3A_173 : i1
    %sub3A_175 = arith.constant 1 : i32
    %sub3A_176 = arith.subi %div3A_155, %sub3A_175 : i32
    %select_n3A_177 = arith.select %and3A_174, %sub3A_176, %div3A_155 : i32
    %jit3A_178 = arith.constant 8 : i32
    %eq3A_179 = arith.constant 0 : i32
    %eq3A_180 = arith.cmpi eq, %jit3A_178, %eq3A_179 : i32
    %jit3A_181 = arith.constant 1 : i32
    %select_n3A_182 = arith.select %eq3A_180, %jit3A_181, %jit3A_178 : i32
    %rem3A_183 = arith.remsi %add3A_153, %select_n3A_182 : i32
    %ne3A_184 = arith.constant 0 : i32
    %ne3A_185 = arith.cmpi ne, %rem3A_183, %ne3A_184 : i32
    %lt3A_186 = arith.constant 0 : i32
    %lt3A_187 = arith.cmpi slt, %rem3A_183, %lt3A_186 : i32
    %lt3A_188 = arith.constant 0 : i32
    %lt3A_189 = arith.cmpi slt, %select_n3A_182, %lt3A_188 : i32
    %ne3A_190 = arith.xori %lt3A_187, %lt3A_189 : i1
    %and3A_191 = arith.andi %ne3A_190, %ne3A_185 : i1
    %add3A_192 = arith.addi %rem3A_183, %select_n3A_182 : i32
    %select_n3A_193 = arith.select %and3A_191, %add3A_192, %rem3A_183 : i32
    %mul3A_194 = arith.constant 32 : i32
    %mul3A_195 = arith.muli %select_n3A_193, %mul3A_194 : i32
    %dma_start3A_196 = arith.constant 0 : i32
    %dma_start3A_197 = tpu.memref_slice %arg3[%select_n3A_177, %mul3A_195, %dma_start3A_196] : memref<200x256x16xi32, #tpu.memory_space<hbm>> -> memref<1x32x16xi32, #tpu.memory_space<hbm>>
    %dma_start3A_198 = tpu.memref_squeeze %dma_start3A_197 : memref<1x32x16xi32, #tpu.memory_space<hbm>> -> memref<32x16xi32, #tpu.memory_space<hbm>>
    %dma_start3A_199 = arith.constant 0 : i32
    %dma_start3A_200 = tpu.memref_slice %arg3[%select_n3A_177, %mul3A_195, %dma_start3A_199] : memref<200x256x16xi32, #tpu.memory_space<hbm>> -> memref<1x32x16xi32, #tpu.memory_space<hbm>>
    %dma_start3A_201 = tpu.memref_squeeze %dma_start3A_200 : memref<1x32x16xi32, #tpu.memory_space<hbm>> -> memref<32x16xi32, #tpu.memory_space<hbm>>
    tpu.enqueue_dma source(%dma_start3A_201 : memref<32x16xi32, #tpu.memory_space<hbm>>) target(%arg7 : memref<32x16xi32, #tpu.memory_space<vmem>>) target_semaphore(%arg12 : memref<!tpu.dma_semaphore, #tpu.memory_space<semaphore_mem>>)
    %scan3A = arith.constant 0 : i32
    %scan3A_202 = arith.constant 0 : i32
    %scan3A_203 = arith.constant 49 : i32
    %scan3A_204 = arith.addi %scan3A_202, %scan3A_203 : i32
    %scan3A_205 = arith.constant 1 : i32
    scf.for %scan3A_512 = %scan3A_202 to %scan3A_204 step %scan3A_205  : i32 {
      %mul3A_513 = arith.constant 2 : i32
      %mul3A_514 = arith.muli %mul3A_513, %scan3A_512 : i32
      %add3A_515 = arith.constant 0 : i32
      %add3A_516 = arith.addi %mul3A_514, %add3A_515 : i32
      %mul3A_517 = arith.constant 16 : i32
      %mul3A_518 = arith.muli %add3A_516, %mul3A_517 : i32
      %add3A_519 = arith.addi %select_n3A, %mul3A_518 : i32
      %jit3A_520 = arith.constant 8 : i32
      %div3A_521 = arith.divsi %add3A_519, %jit3A_520 : i32
      %sign3A_522 = arith.constant 0 : i32
      %sign3A_523 = arith.cmpi sgt, %add3A_519, %sign3A_522 : i32
      %sign3A_524 = arith.extui %sign3A_523 : i1 to i32
      %sign3A_525 = arith.constant 0 : i32
      %sign3A_526 = arith.cmpi slt, %add3A_519, %sign3A_525 : i32
      %sign3A_527 = arith.extui %sign3A_526 : i1 to i32
      %sign3A_528 = arith.subi %sign3A_524, %sign3A_527 : i32
      %sign3A_529 = arith.constant 0 : i32
      %sign3A_530 = arith.cmpi sgt, %jit3A_520, %sign3A_529 : i32
      %sign3A_531 = arith.extui %sign3A_530 : i1 to i32
      %sign3A_532 = arith.constant 0 : i32
      %sign3A_533 = arith.cmpi slt, %jit3A_520, %sign3A_532 : i32
      %sign3A_534 = arith.extui %sign3A_533 : i1 to i32
      %sign3A_535 = arith.subi %sign3A_531, %sign3A_534 : i32
      %ne3A_536 = arith.cmpi ne, %sign3A_528, %sign3A_535 : i32
      %rem3A_537 = arith.remsi %add3A_519, %jit3A_520 : i32
      %ne3A_538 = arith.constant 0 : i32
      %ne3A_539 = arith.cmpi ne, %rem3A_537, %ne3A_538 : i32
      %and3A_540 = arith.andi %ne3A_536, %ne3A_539 : i1
      %sub3A_541 = arith.constant 1 : i32
      %sub3A_542 = arith.subi %div3A_521, %sub3A_541 : i32
      %select_n3A_543 = arith.select %and3A_540, %sub3A_542, %div3A_521 : i32
      %jit3A_544 = arith.constant 8 : i32
      %eq3A_545 = arith.constant 0 : i32
      %eq3A_546 = arith.cmpi eq, %jit3A_544, %eq3A_545 : i32
      %jit3A_547 = arith.constant 1 : i32
      %select_n3A_548 = arith.select %eq3A_546, %jit3A_547, %jit3A_544 : i32
      %rem3A_549 = arith.remsi %add3A_519, %select_n3A_548 : i32
      %ne3A_550 = arith.constant 0 : i32
      %ne3A_551 = arith.cmpi ne, %rem3A_549, %ne3A_550 : i32
      %lt3A_552 = arith.constant 0 : i32
      %lt3A_553 = arith.cmpi slt, %rem3A_549, %lt3A_552 : i32
      %lt3A_554 = arith.constant 0 : i32
      %lt3A_555 = arith.cmpi slt, %select_n3A_548, %lt3A_554 : i32
      %ne3A_556 = arith.xori %lt3A_553, %lt3A_555 : i1
      %and3A_557 = arith.andi %ne3A_556, %ne3A_551 : i1
      %add3A_558 = arith.addi %rem3A_549, %select_n3A_548 : i32
      %select_n3A_559 = arith.select %and3A_557, %add3A_558, %rem3A_549 : i32
      %mul3A_560 = arith.constant 32 : i32
      %mul3A_561 = arith.muli %select_n3A_559, %mul3A_560 : i32
      %dma_wait3A_562 = arith.constant 0 : i32
      %dma_wait3A_563 = tpu.memref_slice %arg3[%select_n3A_543, %mul3A_561, %dma_wait3A_562] : memref<200x256x16xi32, #tpu.memory_space<hbm>> -> memref<1x32x16xi32, #tpu.memory_space<hbm>>
      %dma_wait3A_564 = tpu.memref_squeeze %dma_wait3A_563 : memref<1x32x16xi32, #tpu.memory_space<hbm>> -> memref<32x16xi32, #tpu.memory_space<hbm>>
      %dma_wait3A_565 = arith.constant 0 : i32
      %dma_wait3A_566 = tpu.memref_slice %arg3[%select_n3A_543, %mul3A_561, %dma_wait3A_565] : memref<200x256x16xi32, #tpu.memory_space<hbm>> -> memref<1x32x16xi32, #tpu.memory_space<hbm>>
      %dma_wait3A_567 = tpu.memref_squeeze %dma_wait3A_566 : memref<1x32x16xi32, #tpu.memory_space<hbm>> -> memref<32x16xi32, #tpu.memory_space<hbm>>
      tpu.wait_dma2 semaphore(%arg11 : memref<!tpu.dma_semaphore, #tpu.memory_space<semaphore_mem>>) src(%dma_wait3A_567 : memref<32x16xi32, #tpu.memory_space<hbm>>) dst(%arg6 : memref<32x16xi32, #tpu.memory_space<vmem>>)
      %parallel_loop3A_568 = arith.constant 0 : i32
      %parallel_loop3A_569 = arith.constant 32 : i32
      %parallel_loop3A_570 = arith.constant 1 : i32
      scf.for %parallel_loop3A_939 = %parallel_loop3A_568 to %parallel_loop3A_569 step %parallel_loop3A_570  : i32 {
        %parallel_loop3A_940 = arith.index_cast %parallel_loop3A_939 : i32 to index
        %parallel_loop3A_941 = arith.constant 0 : index
        %parallel_loop3A_942 = tpu.vector_load %arg6[%parallel_loop3A_940, %parallel_loop3A_941] {strides = array<i32>} : memref<32x16xi32, #tpu.memory_space<vmem>>, vector<16xi32>,
        %parallel_loop3A_943 = tpu.vector_load_idx %arg5[%broadcast_in_dim3A_39, %parallel_loop3A_942] : memref<32x2048xf32, #tpu.memory_space<vmem>>[vector<16xi32>, vector<16xi32>], vector<16xf32>,
        %parallel_loop3A_944 = arith.constant 16 : i32
        %parallel_loop3A_945 = arith.muli %parallel_loop3A_939, %parallel_loop3A_944 : i32
        %parallel_loop3A_946 = arith.constant 0 : i32
        %parallel_loop3A_947 = arith.index_cast %parallel_loop3A_946 : i32 to index
        %parallel_loop3A_948 = arith.index_cast %parallel_loop3A_945 : i32 to index
        %parallel_loop3A_949 = tpu.vector_load %arg8[%parallel_loop3A_947, %parallel_loop3A_948] {strides = array<i32>} : memref<32x512xf32, #tpu.memory_space<vmem>>, vector<16xf32>,
        tpu.vector_store %arg8[%parallel_loop3A_947, %parallel_loop3A_948], %parallel_loop3A_943 {strides = array<i32>} : memref<32x512xf32, #tpu.memory_space<vmem>>, vector<16xf32>,
        %parallel_loop3A_950 = tpu.vector_load_idx %arg5[%broadcast_in_dim3A_41, %parallel_loop3A_942] : memref<32x2048xf32, #tpu.memory_space<vmem>>[vector<16xi32>, vector<16xi32>], vector<16xf32>,
        %parallel_loop3A_951 = arith.constant 16 : i32
        %parallel_loop3A_952 = arith.muli %parallel_loop3A_939, %parallel_loop3A_951 : i32
        %parallel_loop3A_953 = arith.constant 1 : i32
        %parallel_loop3A_954 = arith.index_cast %parallel_loop3A_953 : i32 to index
        %parallel_loop3A_955 = arith.index_cast %parallel_loop3A_952 : i32 to index
        %parallel_loop3A_956 = tpu.vector_load %arg8[%parallel_loop3A_954, %parallel_loop3A_955] {strides = array<i32>} : memref<32x512xf32, #tpu.memory_space<vmem>>, vector<16xf32>,
        tpu.vector_store %arg8[%parallel_loop3A_954, %parallel_loop3A_955], %parallel_loop3A_950 {strides = array<i32>} : memref<32x512xf32, #tpu.memory_space<vmem>>, vector<16xf32>,
        %parallel_loop3A_957 = tpu.vector_load_idx %arg5[%broadcast_in_dim3A_43, %parallel_loop3A_942] : memref<32x2048xf32, #tpu.memory_space<vmem>>[vector<16xi32>, vector<16xi32>], vector<16xf32>,
        %parallel_loop3A_958 = arith.constant 16 : i32
        %parallel_loop3A_959 = arith.muli %parallel_loop3A_939, %parallel_loop3A_958 : i32
        %parallel_loop3A_960 = arith.constant 2 : i32
        %parallel_loop3A_961 = arith.index_cast %parallel_loop3A_960 : i32 to index
        %parallel_loop3A_962 = arith.index_cast %parallel_loop3A_959 : i32 to index
        %parallel_loop3A_963 = tpu.vector_load %arg8[%parallel_loop3A_961, %parallel_loop3A_962] {strides = array<i32>} : memref<32x512xf32, #tpu.memory_space<vmem>>, vector<16xf32>,
        tpu.vector_store %arg8[%parallel_loop3A_961, %parallel_loop3A_962], %parallel_loop3A_957 {strides = array<i32>} : memref<32x512xf32, #tpu.memory_space<vmem>>, vector<16xf32>,
        %parallel_loop3A_964 = tpu.vector_load_idx %arg5[%broadcast_in_dim3A_45, %parallel_loop3A_942] : memref<32x2048xf32, #tpu.memory_space<vmem>>[vector<16xi32>, vector<16xi32>], vector<16xf32>,
        %parallel_loop3A_965 = arith.constant 16 : i32
        %parallel_loop3A_966 = arith.muli %parallel_loop3A_939, %parallel_loop3A_965 : i32
        %parallel_loop3A_967 = arith.constant 3 : i32
        %parallel_loop3A_968 = arith.index_cast %parallel_loop3A_967 : i32 to index
        %parallel_loop3A_969 = arith.index_cast %parallel_loop3A_966 : i32 to index
        %parallel_loop3A_970 = tpu.vector_load %arg8[%parallel_loop3A_968, %parallel_loop3A_969] {strides = array<i32>} : memref<32x512xf32, #tpu.memory_space<vmem>>, vector<16xf32>,
        tpu.vector_store %arg8[%parallel_loop3A_968, %parallel_loop3A_969], %parallel_loop3A_964 {strides = array<i32>} : memref<32x512xf32, #tpu.memory_space<vmem>>, vector<16xf32>,
        %parallel_loop3A_971 = tpu.vector_load_idx %arg5[%broadcast_in_dim3A_47, %parallel_loop3A_942] : memref<32x2048xf32, #tpu.memory_space<vmem>>[vector<16xi32>, vector<16xi32>], vector<16xf32>,
        %parallel_loop3A_972 = arith.constant 16 : i32
        %parallel_loop3A_973 = arith.muli %parallel_loop3A_939, %parallel_loop3A_972 : i32
        %parallel_loop3A_974 = arith.constant 4 : i32
        %parallel_loop3A_975 = arith.index_cast %parallel_loop3A_974 : i32 to index
        %parallel_loop3A_976 = arith.index_cast %parallel_loop3A_973 : i32 to index
        %parallel_loop3A_977 = tpu.vector_load %arg8[%parallel_loop3A_975, %parallel_loop3A_976] {strides = array<i32>} : memref<32x512xf32, #tpu.memory_space<vmem>>, vector<16xf32>,
        tpu.vector_store %arg8[%parallel_loop3A_975, %parallel_loop3A_976], %parallel_loop3A_971 {strides = array<i32>} : memref<32x512xf32, #tpu.memory_space<vmem>>, vector<16xf32>,
        %parallel_loop3A_978 = tpu.vector_load_idx %arg5[%broadcast_in_dim3A_49, %parallel_loop3A_942] : memref<32x2048xf32, #tpu.memory_space<vmem>>[vector<16xi32>, vector<16xi32>], vector<16xf32>,
        %parallel_loop3A_979 = arith.constant 16 : i32
        %parallel_loop3A_980 = arith.muli %parallel_loop3A_939, %parallel_loop3A_979 : i32
        %parallel_loop3A_981 = arith.constant 5 : i32
        %parallel_loop3A_982 = arith.index_cast %parallel_loop3A_981 : i32 to index
        %parallel_loop3A_983 = arith.index_cast %parallel_loop3A_980 : i32 to index
        %parallel_loop3A_984 = tpu.vector_load %arg8[%parallel_loop3A_982, %parallel_loop3A_983] {strides = array<i32>} : memref<32x512xf32, #tpu.memory_space<vmem>>, vector<16xf32>,
        tpu.vector_store %arg8[%parallel_loop3A_982, %parallel_loop3A_983], %parallel_loop3A_978 {strides = array<i32>} : memref<32x512xf32, #tpu.memory_space<vmem>>, vector<16xf32>,
        %parallel_loop3A_985 = tpu.vector_load_idx %arg5[%broadcast_in_dim3A_51, %parallel_loop3A_942] : memref<32x2048xf32, #tpu.memory_space<vmem>>[vector<16xi32>, vector<16xi32>], vector<16xf32>,
        %parallel_loop3A_986 = arith.constant 16 : i32
        %parallel_loop3A_987 = arith.muli %parallel_loop3A_939, %parallel_loop3A_986 : i32
        %parallel_loop3A_988 = arith.constant 6 : i32
        %parallel_loop3A_989 = arith.index_cast %parallel_loop3A_988 : i32 to index
        %parallel_loop3A_990 = arith.index_cast %parallel_loop3A_987 : i32 to index
        %parallel_loop3A_991 = tpu.vector_load %arg8[%parallel_loop3A_989, %parallel_loop3A_990] {strides = array<i32>} : memref<32x512xf32, #tpu.memory_space<vmem>>, vector<16xf32>,
        tpu.vector_store %arg8[%parallel_loop3A_989, %parallel_loop3A_990], %parallel_loop3A_985 {strides = array<i32>} : memref<32x512xf32, #tpu.memory_space<vmem>>, vector<16xf32>,
        %parallel_loop3A_992 = tpu.vector_load_idx %arg5[%broadcast_in_dim3A_53, %parallel_loop3A_942] : memref<32x2048xf32, #tpu.memory_space<vmem>>[vector<16xi32>, vector<16xi32>], vector<16xf32>,
        %parallel_loop3A_993 = arith.constant 16 : i32
        %parallel_loop3A_994 = arith.muli %parallel_loop3A_939, %parallel_loop3A_993 : i32
        %parallel_loop3A_995 = arith.constant 7 : i32
        %parallel_loop3A_996 = arith.index_cast %parallel_loop3A_995 : i32 to index
        %parallel_loop3A_997 = arith.index_cast %parallel_loop3A_994 : i32 to index
        %parallel_loop3A_998 = tpu.vector_load %arg8[%parallel_loop3A_996, %parallel_loop3A_997] {strides = array<i32>} : memref<32x512xf32, #tpu.memory_space<vmem>>, vector<16xf32>,
        tpu.vector_store %arg8[%parallel_loop3A_996, %parallel_loop3A_997], %parallel_loop3A_992 {strides = array<i32>} : memref<32x512xf32, #tpu.memory_space<vmem>>, vector<16xf32>,
        %parallel_loop3A_999 = tpu.vector_load_idx %arg5[%broadcast_in_dim3A_55, %parallel_loop3A_942] : memref<32x2048xf32, #tpu.memory_space<vmem>>[vector<16xi32>, vector<16xi32>], vector<16xf32>,
        %parallel_loop3A_1000 = arith.constant 16 : i32
        %parallel_loop3A_1001 = arith.muli %parallel_loop3A_939, %parallel_loop3A_1000 : i32
        %parallel_loop3A_1002 = arith.constant 8 : i32
        %parallel_loop3A_1003 = arith.index_cast %parallel_loop3A_1002 : i32 to index
        %parallel_loop3A_1004 = arith.index_cast %parallel_loop3A_1001 : i32 to index
        %parallel_loop3A_1005 = tpu.vector_load %arg8[%parallel_loop3A_1003, %parallel_loop3A_1004] {strides = array<i32>} : memref<32x512xf32, #tpu.memory_space<vmem>>, vector<16xf32>,
        tpu.vector_store %arg8[%parallel_loop3A_1003, %parallel_loop3A_1004], %parallel_loop3A_999 {strides = array<i32>} : memref<32x512xf32, #tpu.memory_space<vmem>>, vector<16xf32>,
        %parallel_loop3A_1006 = tpu.vector_load_idx %arg5[%broadcast_in_dim3A_57, %parallel_loop3A_942] : memref<32x2048xf32, #tpu.memory_space<vmem>>[vector<16xi32>, vector<16xi32>], vector<16xf32>,
        %parallel_loop3A_1007 = arith.constant 16 : i32
        %parallel_loop3A_1008 = arith.muli %parallel_loop3A_939, %parallel_loop3A_1007 : i32
        %parallel_loop3A_1009 = arith.constant 9 : i32
        %parallel_loop3A_1010 = arith.index_cast %parallel_loop3A_1009 : i32 to index
        %parallel_loop3A_1011 = arith.index_cast %parallel_loop3A_1008 : i32 to index
        %parallel_loop3A_1012 = tpu.vector_load %arg8[%parallel_loop3A_1010, %parallel_loop3A_1011] {strides = array<i32>} : memref<32x512xf32, #tpu.memory_space<vmem>>, vector<16xf32>,
        tpu.vector_store %arg8[%parallel_loop3A_1010, %parallel_loop3A_1011], %parallel_loop3A_1006 {strides = array<i32>} : memref<32x512xf32, #tpu.memory_space<vmem>>, vector<16xf32>,
        %parallel_loop3A_1013 = tpu.vector_load_idx %arg5[%broadcast_in_dim3A_59, %parallel_loop3A_942] : memref<32x2048xf32, #tpu.memory_space<vmem>>[vector<16xi32>, vector<16xi32>], vector<16xf32>,
        %parallel_loop3A_1014 = arith.constant 16 : i32
        %parallel_loop3A_1015 = arith.muli %parallel_loop3A_939, %parallel_loop3A_1014 : i32
        %parallel_loop3A_1016 = arith.constant 10 : i32
        %parallel_loop3A_1017 = arith.index_cast %parallel_loop3A_1016 : i32 to index
        %parallel_loop3A_1018 = arith.index_cast %parallel_loop3A_1015 : i32 to index
        %parallel_loop3A_1019 = tpu.vector_load %arg8[%parallel_loop3A_1017, %parallel_loop3A_1018] {strides = array<i32>} : memref<32x512xf32, #tpu.memory_space<vmem>>, vector<16xf32>,
        tpu.vector_store %arg8[%parallel_loop3A_1017, %parallel_loop3A_1018], %parallel_loop3A_1013 {strides = array<i32>} : memref<32x512xf32, #tpu.memory_space<vmem>>, vector<16xf32>,
        %parallel_loop3A_1020 = tpu.vector_load_idx %arg5[%broadcast_in_dim3A_61, %parallel_loop3A_942] : memref<32x2048xf32, #tpu.memory_space<vmem>>[vector<16xi32>, vector<16xi32>], vector<16xf32>,
        %parallel_loop3A_1021 = arith.constant 16 : i32
        %parallel_loop3A_1022 = arith.muli %parallel_loop3A_939, %parallel_loop3A_1021 : i32
        %parallel_loop3A_1023 = arith.constant 11 : i32
        %parallel_loop3A_1024 = arith.index_cast %parallel_loop3A_1023 : i32 to index
        %parallel_loop3A_1025 = arith.index_cast %parallel_loop3A_1022 : i32 to index
        %parallel_loop3A_1026 = tpu.vector_load %arg8[%parallel_loop3A_1024, %parallel_loop3A_1025] {strides = array<i32>} : memref<32x512xf32, #tpu.memory_space<vmem>>, vector<16xf32>,
        tpu.vector_store %arg8[%parallel_loop3A_1024, %parallel_loop3A_1025], %parallel_loop3A_1020 {strides = array<i32>} : memref<32x512xf32, #tpu.memory_space<vmem>>, vector<16xf32>,
        %parallel_loop3A_1027 = tpu.vector_load_idx %arg5[%broadcast_in_dim3A_63, %parallel_loop3A_942] : memref<32x2048xf32, #tpu.memory_space<vmem>>[vector<16xi32>, vector<16xi32>], vector<16xf32>,
        %parallel_loop3A_1028 = arith.constant 16 : i32
        %parallel_loop3A_1029 = arith.muli %parallel_loop3A_939, %parallel_loop3A_1028 : i32
        %parallel_loop3A_1030 = arith.constant 12 : i32
        %parallel_loop3A_1031 = arith.index_cast %parallel_loop3A_1030 : i32 to index
        %parallel_loop3A_1032 = arith.index_cast %parallel_loop3A_1029 : i32 to index
        %parallel_loop3A_1033 = tpu.vector_load %arg8[%parallel_loop3A_1031, %parallel_loop3A_1032] {strides = array<i32>} : memref<32x512xf32, #tpu.memory_space<vmem>>, vector<16xf32>,
        tpu.vector_store %arg8[%parallel_loop3A_1031, %parallel_loop3A_1032], %parallel_loop3A_1027 {strides = array<i32>} : memref<32x512xf32, #tpu.memory_space<vmem>>, vector<16xf32>,
        %parallel_loop3A_1034 = tpu.vector_load_idx %arg5[%broadcast_in_dim3A_65, %parallel_loop3A_942] : memref<32x2048xf32, #tpu.memory_space<vmem>>[vector<16xi32>, vector<16xi32>], vector<16xf32>,
        %parallel_loop3A_1035 = arith.constant 16 : i32
        %parallel_loop3A_1036 = arith.muli %parallel_loop3A_939, %parallel_loop3A_1035 : i32
        %parallel_loop3A_1037 = arith.constant 13 : i32
        %parallel_loop3A_1038 = arith.index_cast %parallel_loop3A_1037 : i32 to index
        %parallel_loop3A_1039 = arith.index_cast %parallel_loop3A_1036 : i32 to index
        %parallel_loop3A_1040 = tpu.vector_load %arg8[%parallel_loop3A_1038, %parallel_loop3A_1039] {strides = array<i32>} : memref<32x512xf32, #tpu.memory_space<vmem>>, vector<16xf32>,
        tpu.vector_store %arg8[%parallel_loop3A_1038, %parallel_loop3A_1039], %parallel_loop3A_1034 {strides = array<i32>} : memref<32x512xf32, #tpu.memory_space<vmem>>, vector<16xf32>,
        %parallel_loop3A_1041 = tpu.vector_load_idx %arg5[%broadcast_in_dim3A_67, %parallel_loop3A_942] : memref<32x2048xf32, #tpu.memory_space<vmem>>[vector<16xi32>, vector<16xi32>], vector<16xf32>,
        %parallel_loop3A_1042 = arith.constant 16 : i32
        %parallel_loop3A_1043 = arith.muli %parallel_loop3A_939, %parallel_loop3A_1042 : i32
        %parallel_loop3A_1044 = arith.constant 14 : i32
        %parallel_loop3A_1045 = arith.index_cast %parallel_loop3A_1044 : i32 to index
        %parallel_loop3A_1046 = arith.index_cast %parallel_loop3A_1043 : i32 to index
        %parallel_loop3A_1047 = tpu.vector_load %arg8[%parallel_loop3A_1045, %parallel_loop3A_1046] {strides = array<i32>} : memref<32x512xf32, #tpu.memory_space<vmem>>, vector<16xf32>,
        tpu.vector_store %arg8[%parallel_loop3A_1045, %parallel_loop3A_1046], %parallel_loop3A_1041 {strides = array<i32>} : memref<32x512xf32, #tpu.memory_space<vmem>>, vector<16xf32>,
        %parallel_loop3A_1048 = tpu.vector_load_idx %arg5[%broadcast_in_dim3A_69, %parallel_loop3A_942] : memref<32x2048xf32, #tpu.memory_space<vmem>>[vector<16xi32>, vector<16xi32>], vector<16xf32>,
        %parallel_loop3A_1049 = arith.constant 16 : i32
        %parallel_loop3A_1050 = arith.muli %parallel_loop3A_939, %parallel_loop3A_1049 : i32
        %parallel_loop3A_1051 = arith.constant 15 : i32
        %parallel_loop3A_1052 = arith.index_cast %parallel_loop3A_1051 : i32 to index
        %parallel_loop3A_1053 = arith.index_cast %parallel_loop3A_1050 : i32 to index
        %parallel_loop3A_1054 = tpu.vector_load %arg8[%parallel_loop3A_1052, %parallel_loop3A_1053] {strides = array<i32>} : memref<32x512xf32, #tpu.memory_space<vmem>>, vector<16xf32>,
        tpu.vector_store %arg8[%parallel_loop3A_1052, %parallel_loop3A_1053], %parallel_loop3A_1048 {strides = array<i32>} : memref<32x512xf32, #tpu.memory_space<vmem>>, vector<16xf32>,
        %parallel_loop3A_1055 = tpu.vector_load_idx %arg5[%broadcast_in_dim3A_71, %parallel_loop3A_942] : memref<32x2048xf32, #tpu.memory_space<vmem>>[vector<16xi32>, vector<16xi32>], vector<16xf32>,
        %parallel_loop3A_1056 = arith.constant 16 : i32
        %parallel_loop3A_1057 = arith.muli %parallel_loop3A_939, %parallel_loop3A_1056 : i32
        %parallel_loop3A_1058 = arith.constant 16 : i32
        %parallel_loop3A_1059 = arith.index_cast %parallel_loop3A_1058 : i32 to index
        %parallel_loop3A_1060 = arith.index_cast %parallel_loop3A_1057 : i32 to index
        %parallel_loop3A_1061 = tpu.vector_load %arg8[%parallel_loop3A_1059, %parallel_loop3A_1060] {strides = array<i32>} : memref<32x512xf32, #tpu.memory_space<vmem>>, vector<16xf32>,
        tpu.vector_store %arg8[%parallel_loop3A_1059, %parallel_loop3A_1060], %parallel_loop3A_1055 {strides = array<i32>} : memref<32x512xf32, #tpu.memory_space<vmem>>, vector<16xf32>,
        %parallel_loop3A_1062 = tpu.vector_load_idx %arg5[%broadcast_in_dim3A_73, %parallel_loop3A_942] : memref<32x2048xf32, #tpu.memory_space<vmem>>[vector<16xi32>, vector<16xi32>], vector<16xf32>,
        %parallel_loop3A_1063 = arith.constant 16 : i32
        %parallel_loop3A_1064 = arith.muli %parallel_loop3A_939, %parallel_loop3A_1063 : i32
        %parallel_loop3A_1065 = arith.constant 17 : i32
        %parallel_loop3A_1066 = arith.index_cast %parallel_loop3A_1065 : i32 to index
        %parallel_loop3A_1067 = arith.index_cast %parallel_loop3A_1064 : i32 to index
        %parallel_loop3A_1068 = tpu.vector_load %arg8[%parallel_loop3A_1066, %parallel_loop3A_1067] {strides = array<i32>} : memref<32x512xf32, #tpu.memory_space<vmem>>, vector<16xf32>,
        tpu.vector_store %arg8[%parallel_loop3A_1066, %parallel_loop3A_1067], %parallel_loop3A_1062 {strides = array<i32>} : memref<32x512xf32, #tpu.memory_space<vmem>>, vector<16xf32>,
        %parallel_loop3A_1069 = tpu.vector_load_idx %arg5[%broadcast_in_dim3A_75, %parallel_loop3A_942] : memref<32x2048xf32, #tpu.memory_space<vmem>>[vector<16xi32>, vector<16xi32>], vector<16xf32>,
        %parallel_loop3A_1070 = arith.constant 16 : i32
        %parallel_loop3A_1071 = arith.muli %parallel_loop3A_939, %parallel_loop3A_1070 : i32
        %parallel_loop3A_1072 = arith.constant 18 : i32
        %parallel_loop3A_1073 = arith.index_cast %parallel_loop3A_1072 : i32 to index
        %parallel_loop3A_1074 = arith.index_cast %parallel_loop3A_1071 : i32 to index
        %parallel_loop3A_1075 = tpu.vector_load %arg8[%parallel_loop3A_1073, %parallel_loop3A_1074] {strides = array<i32>} : memref<32x512xf32, #tpu.memory_space<vmem>>, vector<16xf32>,
        tpu.vector_store %arg8[%parallel_loop3A_1073, %parallel_loop3A_1074], %parallel_loop3A_1069 {strides = array<i32>} : memref<32x512xf32, #tpu.memory_space<vmem>>, vector<16xf32>,
        %parallel_loop3A_1076 = tpu.vector_load_idx %arg5[%broadcast_in_dim3A_77, %parallel_loop3A_942] : memref<32x2048xf32, #tpu.memory_space<vmem>>[vector<16xi32>, vector<16xi32>], vector<16xf32>,
        %parallel_loop3A_1077 = arith.constant 16 : i32
        %parallel_loop3A_1078 = arith.muli %parallel_loop3A_939, %parallel_loop3A_1077 : i32
        %parallel_loop3A_1079 = arith.constant 19 : i32
        %parallel_loop3A_1080 = arith.index_cast %parallel_loop3A_1079 : i32 to index
        %parallel_loop3A_1081 = arith.index_cast %parallel_loop3A_1078 : i32 to index
        %parallel_loop3A_1082 = tpu.vector_load %arg8[%parallel_loop3A_1080, %parallel_loop3A_1081] {strides = array<i32>} : memref<32x512xf32, #tpu.memory_space<vmem>>, vector<16xf32>,
        tpu.vector_store %arg8[%parallel_loop3A_1080, %parallel_loop3A_1081], %parallel_loop3A_1076 {strides = array<i32>} : memref<32x512xf32, #tpu.memory_space<vmem>>, vector<16xf32>,
        %parallel_loop3A_1083 = tpu.vector_load_idx %arg5[%broadcast_in_dim3A_79, %parallel_loop3A_942] : memref<32x2048xf32, #tpu.memory_space<vmem>>[vector<16xi32>, vector<16xi32>], vector<16xf32>,
        %parallel_loop3A_1084 = arith.constant 16 : i32
        %parallel_loop3A_1085 = arith.muli %parallel_loop3A_939, %parallel_loop3A_1084 : i32
        %parallel_loop3A_1086 = arith.constant 20 : i32
        %parallel_loop3A_1087 = arith.index_cast %parallel_loop3A_1086 : i32 to index
        %parallel_loop3A_1088 = arith.index_cast %parallel_loop3A_1085 : i32 to index
        %parallel_loop3A_1089 = tpu.vector_load %arg8[%parallel_loop3A_1087, %parallel_loop3A_1088] {strides = array<i32>} : memref<32x512xf32, #tpu.memory_space<vmem>>, vector<16xf32>,
        tpu.vector_store %arg8[%parallel_loop3A_1087, %parallel_loop3A_1088], %parallel_loop3A_1083 {strides = array<i32>} : memref<32x512xf32, #tpu.memory_space<vmem>>, vector<16xf32>,
        %parallel_loop3A_1090 = tpu.vector_load_idx %arg5[%broadcast_in_dim3A_81, %parallel_loop3A_942] : memref<32x2048xf32, #tpu.memory_space<vmem>>[vector<16xi32>, vector<16xi32>], vector<16xf32>,
        %parallel_loop3A_1091 = arith.constant 16 : i32
        %parallel_loop3A_1092 = arith.muli %parallel_loop3A_939, %parallel_loop3A_1091 : i32
        %parallel_loop3A_1093 = arith.constant 21 : i32
        %parallel_loop3A_1094 = arith.index_cast %parallel_loop3A_1093 : i32 to index
        %parallel_loop3A_1095 = arith.index_cast %parallel_loop3A_1092 : i32 to index
        %parallel_loop3A_1096 = tpu.vector_load %arg8[%parallel_loop3A_1094, %parallel_loop3A_1095] {strides = array<i32>} : memref<32x512xf32, #tpu.memory_space<vmem>>, vector<16xf32>,
        tpu.vector_store %arg8[%parallel_loop3A_1094, %parallel_loop3A_1095], %parallel_loop3A_1090 {strides = array<i32>} : memref<32x512xf32, #tpu.memory_space<vmem>>, vector<16xf32>,
        %parallel_loop3A_1097 = tpu.vector_load_idx %arg5[%broadcast_in_dim3A_83, %parallel_loop3A_942] : memref<32x2048xf32, #tpu.memory_space<vmem>>[vector<16xi32>, vector<16xi32>], vector<16xf32>,
        %parallel_loop3A_1098 = arith.constant 16 : i32
        %parallel_loop3A_1099 = arith.muli %parallel_loop3A_939, %parallel_loop3A_1098 : i32
        %parallel_loop3A_1100 = arith.constant 22 : i32
        %parallel_loop3A_1101 = arith.index_cast %parallel_loop3A_1100 : i32 to index
        %parallel_loop3A_1102 = arith.index_cast %parallel_loop3A_1099 : i32 to index
        %parallel_loop3A_1103 = tpu.vector_load %arg8[%parallel_loop3A_1101, %parallel_loop3A_1102] {strides = array<i32>} : memref<32x512xf32, #tpu.memory_space<vmem>>, vector<16xf32>,
        tpu.vector_store %arg8[%parallel_loop3A_1101, %parallel_loop3A_1102], %parallel_loop3A_1097 {strides = array<i32>} : memref<32x512xf32, #tpu.memory_space<vmem>>, vector<16xf32>,
        %parallel_loop3A_1104 = tpu.vector_load_idx %arg5[%broadcast_in_dim3A_85, %parallel_loop3A_942] : memref<32x2048xf32, #tpu.memory_space<vmem>>[vector<16xi32>, vector<16xi32>], vector<16xf32>,
        %parallel_loop3A_1105 = arith.constant 16 : i32
        %parallel_loop3A_1106 = arith.muli %parallel_loop3A_939, %parallel_loop3A_1105 : i32
        %parallel_loop3A_1107 = arith.constant 23 : i32
        %parallel_loop3A_1108 = arith.index_cast %parallel_loop3A_1107 : i32 to index
        %parallel_loop3A_1109 = arith.index_cast %parallel_loop3A_1106 : i32 to index
        %parallel_loop3A_1110 = tpu.vector_load %arg8[%parallel_loop3A_1108, %parallel_loop3A_1109] {strides = array<i32>} : memref<32x512xf32, #tpu.memory_space<vmem>>, vector<16xf32>,
        tpu.vector_store %arg8[%parallel_loop3A_1108, %parallel_loop3A_1109], %parallel_loop3A_1104 {strides = array<i32>} : memref<32x512xf32, #tpu.memory_space<vmem>>, vector<16xf32>,
        %parallel_loop3A_1111 = tpu.vector_load_idx %arg5[%broadcast_in_dim3A_87, %parallel_loop3A_942] : memref<32x2048xf32, #tpu.memory_space<vmem>>[vector<16xi32>, vector<16xi32>], vector<16xf32>,
        %parallel_loop3A_1112 = arith.constant 16 : i32
        %parallel_loop3A_1113 = arith.muli %parallel_loop3A_939, %parallel_loop3A_1112 : i32
        %parallel_loop3A_1114 = arith.constant 24 : i32
        %parallel_loop3A_1115 = arith.index_cast %parallel_loop3A_1114 : i32 to index
        %parallel_loop3A_1116 = arith.index_cast %parallel_loop3A_1113 : i32 to index
        %parallel_loop3A_1117 = tpu.vector_load %arg8[%parallel_loop3A_1115, %parallel_loop3A_1116] {strides = array<i32>} : memref<32x512xf32, #tpu.memory_space<vmem>>, vector<16xf32>,
        tpu.vector_store %arg8[%parallel_loop3A_1115, %parallel_loop3A_1116], %parallel_loop3A_1111 {strides = array<i32>} : memref<32x512xf32, #tpu.memory_space<vmem>>, vector<16xf32>,
        %parallel_loop3A_1118 = tpu.vector_load_idx %arg5[%broadcast_in_dim3A_89, %parallel_loop3A_942] : memref<32x2048xf32, #tpu.memory_space<vmem>>[vector<16xi32>, vector<16xi32>], vector<16xf32>,
        %parallel_loop3A_1119 = arith.constant 16 : i32
        %parallel_loop3A_1120 = arith.muli %parallel_loop3A_939, %parallel_loop3A_1119 : i32
        %parallel_loop3A_1121 = arith.constant 25 : i32
        %parallel_loop3A_1122 = arith.index_cast %parallel_loop3A_1121 : i32 to index
        %parallel_loop3A_1123 = arith.index_cast %parallel_loop3A_1120 : i32 to index
        %parallel_loop3A_1124 = tpu.vector_load %arg8[%parallel_loop3A_1122, %parallel_loop3A_1123] {strides = array<i32>} : memref<32x512xf32, #tpu.memory_space<vmem>>, vector<16xf32>,
        tpu.vector_store %arg8[%parallel_loop3A_1122, %parallel_loop3A_1123], %parallel_loop3A_1118 {strides = array<i32>} : memref<32x512xf32, #tpu.memory_space<vmem>>, vector<16xf32>,
        %parallel_loop3A_1125 = tpu.vector_load_idx %arg5[%broadcast_in_dim3A_91, %parallel_loop3A_942] : memref<32x2048xf32, #tpu.memory_space<vmem>>[vector<16xi32>, vector<16xi32>], vector<16xf32>,
        %parallel_loop3A_1126 = arith.constant 16 : i32
        %parallel_loop3A_1127 = arith.muli %parallel_loop3A_939, %parallel_loop3A_1126 : i32
        %parallel_loop3A_1128 = arith.constant 26 : i32
        %parallel_loop3A_1129 = arith.index_cast %parallel_loop3A_1128 : i32 to index
        %parallel_loop3A_1130 = arith.index_cast %parallel_loop3A_1127 : i32 to index
        %parallel_loop3A_1131 = tpu.vector_load %arg8[%parallel_loop3A_1129, %parallel_loop3A_1130] {strides = array<i32>} : memref<32x512xf32, #tpu.memory_space<vmem>>, vector<16xf32>,
        tpu.vector_store %arg8[%parallel_loop3A_1129, %parallel_loop3A_1130], %parallel_loop3A_1125 {strides = array<i32>} : memref<32x512xf32, #tpu.memory_space<vmem>>, vector<16xf32>,
        %parallel_loop3A_1132 = tpu.vector_load_idx %arg5[%broadcast_in_dim3A_93, %parallel_loop3A_942] : memref<32x2048xf32, #tpu.memory_space<vmem>>[vector<16xi32>, vector<16xi32>], vector<16xf32>,
        %parallel_loop3A_1133 = arith.constant 16 : i32
        %parallel_loop3A_1134 = arith.muli %parallel_loop3A_939, %parallel_loop3A_1133 : i32
        %parallel_loop3A_1135 = arith.constant 27 : i32
        %parallel_loop3A_1136 = arith.index_cast %parallel_loop3A_1135 : i32 to index
        %parallel_loop3A_1137 = arith.index_cast %parallel_loop3A_1134 : i32 to index
        %parallel_loop3A_1138 = tpu.vector_load %arg8[%parallel_loop3A_1136, %parallel_loop3A_1137] {strides = array<i32>} : memref<32x512xf32, #tpu.memory_space<vmem>>, vector<16xf32>,
        tpu.vector_store %arg8[%parallel_loop3A_1136, %parallel_loop3A_1137], %parallel_loop3A_1132 {strides = array<i32>} : memref<32x512xf32, #tpu.memory_space<vmem>>, vector<16xf32>,
        %parallel_loop3A_1139 = tpu.vector_load_idx %arg5[%broadcast_in_dim3A_95, %parallel_loop3A_942] : memref<32x2048xf32, #tpu.memory_space<vmem>>[vector<16xi32>, vector<16xi32>], vector<16xf32>,
        %parallel_loop3A_1140 = arith.constant 16 : i32
        %parallel_loop3A_1141 = arith.muli %parallel_loop3A_939, %parallel_loop3A_1140 : i32
        %parallel_loop3A_1142 = arith.constant 28 : i32
        %parallel_loop3A_1143 = arith.index_cast %parallel_loop3A_1142 : i32 to index
        %parallel_loop3A_1144 = arith.index_cast %parallel_loop3A_1141 : i32 to index
        %parallel_loop3A_1145 = tpu.vector_load %arg8[%parallel_loop3A_1143, %parallel_loop3A_1144] {strides = array<i32>} : memref<32x512xf32, #tpu.memory_space<vmem>>, vector<16xf32>,
        tpu.vector_store %arg8[%parallel_loop3A_1143, %parallel_loop3A_1144], %parallel_loop3A_1139 {strides = array<i32>} : memref<32x512xf32, #tpu.memory_space<vmem>>, vector<16xf32>,
        %parallel_loop3A_1146 = tpu.vector_load_idx %arg5[%broadcast_in_dim3A_97, %parallel_loop3A_942] : memref<32x2048xf32, #tpu.memory_space<vmem>>[vector<16xi32>, vector<16xi32>], vector<16xf32>,
        %parallel_loop3A_1147 = arith.constant 16 : i32
        %parallel_loop3A_1148 = arith.muli %parallel_loop3A_939, %parallel_loop3A_1147 : i32
        %parallel_loop3A_1149 = arith.constant 29 : i32
        %parallel_loop3A_1150 = arith.index_cast %parallel_loop3A_1149 : i32 to index
        %parallel_loop3A_1151 = arith.index_cast %parallel_loop3A_1148 : i32 to index
        %parallel_loop3A_1152 = tpu.vector_load %arg8[%parallel_loop3A_1150, %parallel_loop3A_1151] {strides = array<i32>} : memref<32x512xf32, #tpu.memory_space<vmem>>, vector<16xf32>,
        tpu.vector_store %arg8[%parallel_loop3A_1150, %parallel_loop3A_1151], %parallel_loop3A_1146 {strides = array<i32>} : memref<32x512xf32, #tpu.memory_space<vmem>>, vector<16xf32>,
        %parallel_loop3A_1153 = tpu.vector_load_idx %arg5[%broadcast_in_dim3A_99, %parallel_loop3A_942] : memref<32x2048xf32, #tpu.memory_space<vmem>>[vector<16xi32>, vector<16xi32>], vector<16xf32>,
        %parallel_loop3A_1154 = arith.constant 16 : i32
        %parallel_loop3A_1155 = arith.muli %parallel_loop3A_939, %parallel_loop3A_1154 : i32
        %parallel_loop3A_1156 = arith.constant 30 : i32
        %parallel_loop3A_1157 = arith.index_cast %parallel_loop3A_1156 : i32 to index
        %parallel_loop3A_1158 = arith.index_cast %parallel_loop3A_1155 : i32 to index
        %parallel_loop3A_1159 = tpu.vector_load %arg8[%parallel_loop3A_1157, %parallel_loop3A_1158] {strides = array<i32>} : memref<32x512xf32, #tpu.memory_space<vmem>>, vector<16xf32>,
        tpu.vector_store %arg8[%parallel_loop3A_1157, %parallel_loop3A_1158], %parallel_loop3A_1153 {strides = array<i32>} : memref<32x512xf32, #tpu.memory_space<vmem>>, vector<16xf32>,
        %parallel_loop3A_1160 = tpu.vector_load_idx %arg5[%broadcast_in_dim3A_101, %parallel_loop3A_942] : memref<32x2048xf32, #tpu.memory_space<vmem>>[vector<16xi32>, vector<16xi32>], vector<16xf32>,
        %parallel_loop3A_1161 = arith.constant 16 : i32
        %parallel_loop3A_1162 = arith.muli %parallel_loop3A_939, %parallel_loop3A_1161 : i32
        %parallel_loop3A_1163 = arith.constant 31 : i32
        %parallel_loop3A_1164 = arith.index_cast %parallel_loop3A_1163 : i32 to index
        %parallel_loop3A_1165 = arith.index_cast %parallel_loop3A_1162 : i32 to index
        %parallel_loop3A_1166 = tpu.vector_load %arg8[%parallel_loop3A_1164, %parallel_loop3A_1165] {strides = array<i32>} : memref<32x512xf32, #tpu.memory_space<vmem>>, vector<16xf32>,
        tpu.vector_store %arg8[%parallel_loop3A_1164, %parallel_loop3A_1165], %parallel_loop3A_1160 {strides = array<i32>} : memref<32x512xf32, #tpu.memory_space<vmem>>, vector<16xf32>,
      } {sc.loop_unroll_factor = 1 : i64, sc.parallel_access}
      %mul3A_571 = arith.constant 16 : i32
      %mul3A_572 = arith.muli %add3A_516, %mul3A_571 : i32
      %add3A_573 = arith.addi %select_n3A, %mul3A_572 : i32
      %jit3A_574 = arith.constant 8 : i32
      %div3A_575 = arith.divsi %add3A_573, %jit3A_574 : i32
      %sign3A_576 = arith.constant 0 : i32
      %sign3A_577 = arith.cmpi sgt, %add3A_573, %sign3A_576 : i32
      %sign3A_578 = arith.extui %sign3A_577 : i1 to i32
      %sign3A_579 = arith.constant 0 : i32
      %sign3A_580 = arith.cmpi slt, %add3A_573, %sign3A_579 : i32
      %sign3A_581 = arith.extui %sign3A_580 : i1 to i32
      %sign3A_582 = arith.subi %sign3A_578, %sign3A_581 : i32
      %sign3A_583 = arith.constant 0 : i32
      %sign3A_584 = arith.cmpi sgt, %jit3A_574, %sign3A_583 : i32
      %sign3A_585 = arith.extui %sign3A_584 : i1 to i32
      %sign3A_586 = arith.constant 0 : i32
      %sign3A_587 = arith.cmpi slt, %jit3A_574, %sign3A_586 : i32
      %sign3A_588 = arith.extui %sign3A_587 : i1 to i32
      %sign3A_589 = arith.subi %sign3A_585, %sign3A_588 : i32
      %ne3A_590 = arith.cmpi ne, %sign3A_582, %sign3A_589 : i32
      %rem3A_591 = arith.remsi %add3A_573, %jit3A_574 : i32
      %ne3A_592 = arith.constant 0 : i32
      %ne3A_593 = arith.cmpi ne, %rem3A_591, %ne3A_592 : i32
      %and3A_594 = arith.andi %ne3A_590, %ne3A_593 : i1
      %sub3A_595 = arith.constant 1 : i32
      %sub3A_596 = arith.subi %div3A_575, %sub3A_595 : i32
      %select_n3A_597 = arith.select %and3A_594, %sub3A_596, %div3A_575 : i32
      %jit3A_598 = arith.constant 8 : i32
      %eq3A_599 = arith.constant 0 : i32
      %eq3A_600 = arith.cmpi eq, %jit3A_598, %eq3A_599 : i32
      %jit3A_601 = arith.constant 1 : i32
      %select_n3A_602 = arith.select %eq3A_600, %jit3A_601, %jit3A_598 : i32
      %rem3A_603 = arith.remsi %add3A_573, %select_n3A_602 : i32
      %ne3A_604 = arith.constant 0 : i32
      %ne3A_605 = arith.cmpi ne, %rem3A_603, %ne3A_604 : i32
      %lt3A_606 = arith.constant 0 : i32
      %lt3A_607 = arith.cmpi slt, %rem3A_603, %lt3A_606 : i32
      %lt3A_608 = arith.constant 0 : i32
      %lt3A_609 = arith.cmpi slt, %select_n3A_602, %lt3A_608 : i32
      %ne3A_610 = arith.xori %lt3A_607, %lt3A_609 : i1
      %and3A_611 = arith.andi %ne3A_610, %ne3A_605 : i1
      %add3A_612 = arith.addi %rem3A_603, %select_n3A_602 : i32
      %select_n3A_613 = arith.select %and3A_611, %add3A_612, %rem3A_603 : i32
      %mul3A_614 = arith.constant 32 : i32
      %mul3A_615 = arith.muli %select_n3A_30, %mul3A_614 : i32
      %mul3A_616 = arith.constant 512 : i32
      %mul3A_617 = arith.muli %select_n3A_613, %mul3A_616 : i32
      %dma_start3A_618 = tpu.memref_slice %arg4[%select_n3A_597, %mul3A_615, %mul3A_617] : memref<200x64x4096xf32, #tpu.memory_space<hbm>> -> memref<1x32x512xf32, #tpu.memory_space<hbm>>
      %dma_start3A_619 = tpu.memref_squeeze %dma_start3A_618 : memref<1x32x512xf32, #tpu.memory_space<hbm>> -> memref<32x512xf32, #tpu.memory_space<hbm>>
      %dma_start3A_620 = tpu.memref_slice %arg4[%select_n3A_597, %mul3A_615, %mul3A_617] : memref<200x64x4096xf32, #tpu.memory_space<hbm>> -> memref<1x32x512xf32, #tpu.memory_space<hbm>>
      %dma_start3A_621 = tpu.memref_squeeze %dma_start3A_620 : memref<1x32x512xf32, #tpu.memory_space<hbm>> -> memref<32x512xf32, #tpu.memory_space<hbm>>
      tpu.enqueue_dma source(%arg8 : memref<32x512xf32, #tpu.memory_space<vmem>>) target(%dma_start3A_621 : memref<32x512xf32, #tpu.memory_space<hbm>>) target_semaphore(%arg13 : memref<!tpu.dma_semaphore, #tpu.memory_space<semaphore_mem>>)
      %mul3A_622 = arith.constant 16 : i32
      %mul3A_623 = arith.muli %add3A_516, %mul3A_622 : i32
      %add3A_624 = arith.addi %select_n3A, %mul3A_623 : i32
      %jit3A_625 = arith.constant 8 : i32
      %div3A_626 = arith.divsi %add3A_624, %jit3A_625 : i32
      %sign3A_627 = arith.constant 0 : i32
      %sign3A_628 = arith.cmpi sgt, %add3A_624, %sign3A_627 : i32
      %sign3A_629 = arith.extui %sign3A_628 : i1 to i32
      %sign3A_630 = arith.constant 0 : i32
      %sign3A_631 = arith.cmpi slt, %add3A_624, %sign3A_630 : i32
      %sign3A_632 = arith.extui %sign3A_631 : i1 to i32
      %sign3A_633 = arith.subi %sign3A_629, %sign3A_632 : i32
      %sign3A_634 = arith.constant 0 : i32
      %sign3A_635 = arith.cmpi sgt, %jit3A_625, %sign3A_634 : i32
      %sign3A_636 = arith.extui %sign3A_635 : i1 to i32
      %sign3A_637 = arith.constant 0 : i32
      %sign3A_638 = arith.cmpi slt, %jit3A_625, %sign3A_637 : i32
      %sign3A_639 = arith.extui %sign3A_638 : i1 to i32
      %sign3A_640 = arith.subi %sign3A_636, %sign3A_639 : i32
      %ne3A_641 = arith.cmpi ne, %sign3A_633, %sign3A_640 : i32
      %rem3A_642 = arith.remsi %add3A_624, %jit3A_625 : i32
      %ne3A_643 = arith.constant 0 : i32
      %ne3A_644 = arith.cmpi ne, %rem3A_642, %ne3A_643 : i32
      %and3A_645 = arith.andi %ne3A_641, %ne3A_644 : i1
      %sub3A_646 = arith.constant 1 : i32
      %sub3A_647 = arith.subi %div3A_626, %sub3A_646 : i32
      %select_n3A_648 = arith.select %and3A_645, %sub3A_647, %div3A_626 : i32
      %jit3A_649 = arith.constant 8 : i32
      %eq3A_650 = arith.constant 0 : i32
      %eq3A_651 = arith.cmpi eq, %jit3A_649, %eq3A_650 : i32
      %jit3A_652 = arith.constant 1 : i32
      %select_n3A_653 = arith.select %eq3A_651, %jit3A_652, %jit3A_649 : i32
      %rem3A_654 = arith.remsi %add3A_624, %select_n3A_653 : i32
      %ne3A_655 = arith.constant 0 : i32
      %ne3A_656 = arith.cmpi ne, %rem3A_654, %ne3A_655 : i32
      %lt3A_657 = arith.constant 0 : i32
      %lt3A_658 = arith.cmpi slt, %rem3A_654, %lt3A_657 : i32
      %lt3A_659 = arith.constant 0 : i32
      %lt3A_660 = arith.cmpi slt, %select_n3A_653, %lt3A_659 : i32
      %ne3A_661 = arith.xori %lt3A_658, %lt3A_660 : i1
      %and3A_662 = arith.andi %ne3A_661, %ne3A_656 : i1
      %add3A_663 = arith.addi %rem3A_654, %select_n3A_653 : i32
      %select_n3A_664 = arith.select %and3A_662, %add3A_663, %rem3A_654 : i32
      %mul3A_665 = arith.constant 32 : i32
      %mul3A_666 = arith.muli %select_n3A_30, %mul3A_665 : i32
      %mul3A_667 = arith.constant 512 : i32
      %mul3A_668 = arith.muli %select_n3A_664, %mul3A_667 : i32
      %dma_wait3A_669 = tpu.memref_slice %arg4[%select_n3A_648, %mul3A_666, %mul3A_668] : memref<200x64x4096xf32, #tpu.memory_space<hbm>> -> memref<1x32x512xf32, #tpu.memory_space<hbm>>
      %dma_wait3A_670 = tpu.memref_squeeze %dma_wait3A_669 : memref<1x32x512xf32, #tpu.memory_space<hbm>> -> memref<32x512xf32, #tpu.memory_space<hbm>>
      %dma_wait3A_671 = tpu.memref_slice %arg4[%select_n3A_648, %mul3A_666, %mul3A_668] : memref<200x64x4096xf32, #tpu.memory_space<hbm>> -> memref<1x32x512xf32, #tpu.memory_space<hbm>>
      %dma_wait3A_672 = tpu.memref_squeeze %dma_wait3A_671 : memref<1x32x512xf32, #tpu.memory_space<hbm>> -> memref<32x512xf32, #tpu.memory_space<hbm>>
      tpu.wait_dma2 semaphore(%arg13 : memref<!tpu.dma_semaphore, #tpu.memory_space<semaphore_mem>>) src(%arg8 : memref<32x512xf32, #tpu.memory_space<vmem>>) dst(%dma_wait3A_672 : memref<32x512xf32, #tpu.memory_space<hbm>>)
      %add3A_673 = arith.constant 2 : i32
      %add3A_674 = arith.addi %add3A_516, %add3A_673 : i32
      %mul3A_675 = arith.constant 16 : i32
      %mul3A_676 = arith.muli %add3A_674, %mul3A_675 : i32
      %add3A_677 = arith.addi %select_n3A, %mul3A_676 : i32
      %jit3A_678 = arith.constant 8 : i32
      %div3A_679 = arith.divsi %add3A_677, %jit3A_678 : i32
      %sign3A_680 = arith.constant 0 : i32
      %sign3A_681 = arith.cmpi sgt, %add3A_677, %sign3A_680 : i32
      %sign3A_682 = arith.extui %sign3A_681 : i1 to i32
      %sign3A_683 = arith.constant 0 : i32
      %sign3A_684 = arith.cmpi slt, %add3A_677, %sign3A_683 : i32
      %sign3A_685 = arith.extui %sign3A_684 : i1 to i32
      %sign3A_686 = arith.subi %sign3A_682, %sign3A_685 : i32
      %sign3A_687 = arith.constant 0 : i32
      %sign3A_688 = arith.cmpi sgt, %jit3A_678, %sign3A_687 : i32
      %sign3A_689 = arith.extui %sign3A_688 : i1 to i32
      %sign3A_690 = arith.constant 0 : i32
      %sign3A_691 = arith.cmpi slt, %jit3A_678, %sign3A_690 : i32
      %sign3A_692 = arith.extui %sign3A_691 : i1 to i32
      %sign3A_693 = arith.subi %sign3A_689, %sign3A_692 : i32
      %ne3A_694 = arith.cmpi ne, %sign3A_686, %sign3A_693 : i32
      %rem3A_695 = arith.remsi %add3A_677, %jit3A_678 : i32
      %ne3A_696 = arith.constant 0 : i32
      %ne3A_697 = arith.cmpi ne, %rem3A_695, %ne3A_696 : i32
      %and3A_698 = arith.andi %ne3A_694, %ne3A_697 : i1
      %sub3A_699 = arith.constant 1 : i32
      %sub3A_700 = arith.subi %div3A_679, %sub3A_699 : i32
      %select_n3A_701 = arith.select %and3A_698, %sub3A_700, %div3A_679 : i32
      %jit3A_702 = arith.constant 8 : i32
      %eq3A_703 = arith.constant 0 : i32
      %eq3A_704 = arith.cmpi eq, %jit3A_702, %eq3A_703 : i32
      %jit3A_705 = arith.constant 1 : i32
      %select_n3A_706 = arith.select %eq3A_704, %jit3A_705, %jit3A_702 : i32
      %rem3A_707 = arith.remsi %add3A_677, %select_n3A_706 : i32
      %ne3A_708 = arith.constant 0 : i32
      %ne3A_709 = arith.cmpi ne, %rem3A_707, %ne3A_708 : i32
      %lt3A_710 = arith.constant 0 : i32
      %lt3A_711 = arith.cmpi slt, %rem3A_707, %lt3A_710 : i32
      %lt3A_712 = arith.constant 0 : i32
      %lt3A_713 = arith.cmpi slt, %select_n3A_706, %lt3A_712 : i32
      %ne3A_714 = arith.xori %lt3A_711, %lt3A_713 : i1
      %and3A_715 = arith.andi %ne3A_714, %ne3A_709 : i1
      %add3A_716 = arith.addi %rem3A_707, %select_n3A_706 : i32
      %select_n3A_717 = arith.select %and3A_715, %add3A_716, %rem3A_707 : i32
      %mul3A_718 = arith.constant 32 : i32
      %mul3A_719 = arith.muli %select_n3A_717, %mul3A_718 : i32
      %dma_start3A_720 = arith.constant 0 : i32
      %dma_start3A_721 = tpu.memref_slice %arg3[%select_n3A_701, %mul3A_719, %dma_start3A_720] : memref<200x256x16xi32, #tpu.memory_space<hbm>> -> memref<1x32x16xi32, #tpu.memory_space<hbm>>
      %dma_start3A_722 = tpu.memref_squeeze %dma_start3A_721 : memref<1x32x16xi32, #tpu.memory_space<hbm>> -> memref<32x16xi32, #tpu.memory_space<hbm>>
      %dma_start3A_723 = arith.constant 0 : i32
      %dma_start3A_724 = tpu.memref_slice %arg3[%select_n3A_701, %mul3A_719, %dma_start3A_723] : memref<200x256x16xi32, #tpu.memory_space<hbm>> -> memref<1x32x16xi32, #tpu.memory_space<hbm>>
      %dma_start3A_725 = tpu.memref_squeeze %dma_start3A_724 : memref<1x32x16xi32, #tpu.memory_space<hbm>> -> memref<32x16xi32, #tpu.memory_space<hbm>>
      tpu.enqueue_dma source(%dma_start3A_725 : memref<32x16xi32, #tpu.memory_space<hbm>>) target(%arg6 : memref<32x16xi32, #tpu.memory_space<vmem>>) target_semaphore(%arg11 : memref<!tpu.dma_semaphore, #tpu.memory_space<semaphore_mem>>)
      %mul3A_726 = arith.constant 2 : i32
      %mul3A_727 = arith.muli %mul3A_726, %scan3A_512 : i32
      %add3A_728 = arith.constant 1 : i32
      %add3A_729 = arith.addi %mul3A_727, %add3A_728 : i32
      %mul3A_730 = arith.constant 16 : i32
      %mul3A_731 = arith.muli %add3A_729, %mul3A_730 : i32
      %add3A_732 = arith.addi %select_n3A, %mul3A_731 : i32
      %jit3A_733 = arith.constant 8 : i32
      %div3A_734 = arith.divsi %add3A_732, %jit3A_733 : i32
      %sign3A_735 = arith.constant 0 : i32
      %sign3A_736 = arith.cmpi sgt, %add3A_732, %sign3A_735 : i32
      %sign3A_737 = arith.extui %sign3A_736 : i1 to i32
      %sign3A_738 = arith.constant 0 : i32
      %sign3A_739 = arith.cmpi slt, %add3A_732, %sign3A_738 : i32
      %sign3A_740 = arith.extui %sign3A_739 : i1 to i32
      %sign3A_741 = arith.subi %sign3A_737, %sign3A_740 : i32
      %sign3A_742 = arith.constant 0 : i32
      %sign3A_743 = arith.cmpi sgt, %jit3A_733, %sign3A_742 : i32
      %sign3A_744 = arith.extui %sign3A_743 : i1 to i32
      %sign3A_745 = arith.constant 0 : i32
      %sign3A_746 = arith.cmpi slt, %jit3A_733, %sign3A_745 : i32
      %sign3A_747 = arith.extui %sign3A_746 : i1 to i32
      %sign3A_748 = arith.subi %sign3A_744, %sign3A_747 : i32
      %ne3A_749 = arith.cmpi ne, %sign3A_741, %sign3A_748 : i32
      %rem3A_750 = arith.remsi %add3A_732, %jit3A_733 : i32
      %ne3A_751 = arith.constant 0 : i32
      %ne3A_752 = arith.cmpi ne, %rem3A_750, %ne3A_751 : i32
      %and3A_753 = arith.andi %ne3A_749, %ne3A_752 : i1
      %sub3A_754 = arith.constant 1 : i32
      %sub3A_755 = arith.subi %div3A_734, %sub3A_754 : i32
      %select_n3A_756 = arith.select %and3A_753, %sub3A_755, %div3A_734 : i32
      %jit3A_757 = arith.constant 8 : i32
      %eq3A_758 = arith.constant 0 : i32
      %eq3A_759 = arith.cmpi eq, %jit3A_757, %eq3A_758 : i32
      %jit3A_760 = arith.constant 1 : i32
      %select_n3A_761 = arith.select %eq3A_759, %jit3A_760, %jit3A_757 : i32
      %rem3A_762 = arith.remsi %add3A_732, %select_n3A_761 : i32
      %ne3A_763 = arith.constant 0 : i32
      %ne3A_764 = arith.cmpi ne, %rem3A_762, %ne3A_763 : i32
      %lt3A_765 = arith.constant 0 : i32
      %lt3A_766 = arith.cmpi slt, %rem3A_762, %lt3A_765 : i32
      %lt3A_767 = arith.constant 0 : i32
      %lt3A_768 = arith.cmpi slt, %select_n3A_761, %lt3A_767 : i32
      %ne3A_769 = arith.xori %lt3A_766, %lt3A_768 : i1
      %and3A_770 = arith.andi %ne3A_769, %ne3A_764 : i1
      %add3A_771 = arith.addi %rem3A_762, %select_n3A_761 : i32
      %select_n3A_772 = arith.select %and3A_770, %add3A_771, %rem3A_762 : i32
      %mul3A_773 = arith.constant 32 : i32
      %mul3A_774 = arith.muli %select_n3A_772, %mul3A_773 : i32
      %dma_wait3A_775 = arith.constant 0 : i32
      %dma_wait3A_776 = tpu.memref_slice %arg3[%select_n3A_756, %mul3A_774, %dma_wait3A_775] : memref<200x256x16xi32, #tpu.memory_space<hbm>> -> memref<1x32x16xi32, #tpu.memory_space<hbm>>
      %dma_wait3A_777 = tpu.memref_squeeze %dma_wait3A_776 : memref<1x32x16xi32, #tpu.memory_space<hbm>> -> memref<32x16xi32, #tpu.memory_space<hbm>>
      %dma_wait3A_778 = arith.constant 0 : i32
      %dma_wait3A_779 = tpu.memref_slice %arg3[%select_n3A_756, %mul3A_774, %dma_wait3A_778] : memref<200x256x16xi32, #tpu.memory_space<hbm>> -> memref<1x32x16xi32, #tpu.memory_space<hbm>>
      %dma_wait3A_780 = tpu.memref_squeeze %dma_wait3A_779 : memref<1x32x16xi32, #tpu.memory_space<hbm>> -> memref<32x16xi32, #tpu.memory_space<hbm>>
      tpu.wait_dma2 semaphore(%arg12 : memref<!tpu.dma_semaphore, #tpu.memory_space<semaphore_mem>>) src(%dma_wait3A_780 : memref<32x16xi32, #tpu.memory_space<hbm>>) dst(%arg7 : memref<32x16xi32, #tpu.memory_space<vmem>>)
      %parallel_loop3A_781 = arith.constant 0 : i32
      %parallel_loop3A_782 = arith.constant 32 : i32
      %parallel_loop3A_783 = arith.constant 1 : i32
      scf.for %parallel_loop3A_939 = %parallel_loop3A_781 to %parallel_loop3A_782 step %parallel_loop3A_783  : i32 {
        %parallel_loop3A_940 = arith.index_cast %parallel_loop3A_939 : i32 to index
        %parallel_loop3A_941 = arith.constant 0 : index
        %parallel_loop3A_942 = tpu.vector_load %arg7[%parallel_loop3A_940, %parallel_loop3A_941] {strides = array<i32>} : memref<32x16xi32, #tpu.memory_space<vmem>>, vector<16xi32>,
        %parallel_loop3A_943 = tpu.vector_load_idx %arg5[%broadcast_in_dim3A_39, %parallel_loop3A_942] : memref<32x2048xf32, #tpu.memory_space<vmem>>[vector<16xi32>, vector<16xi32>], vector<16xf32>,
        %parallel_loop3A_944 = arith.constant 16 : i32
        %parallel_loop3A_945 = arith.muli %parallel_loop3A_939, %parallel_loop3A_944 : i32
        %parallel_loop3A_946 = arith.constant 0 : i32
        %parallel_loop3A_947 = arith.index_cast %parallel_loop3A_946 : i32 to index
        %parallel_loop3A_948 = arith.index_cast %parallel_loop3A_945 : i32 to index
        %parallel_loop3A_949 = tpu.vector_load %arg9[%parallel_loop3A_947, %parallel_loop3A_948] {strides = array<i32>} : memref<32x512xf32, #tpu.memory_space<vmem>>, vector<16xf32>,
        tpu.vector_store %arg9[%parallel_loop3A_947, %parallel_loop3A_948], %parallel_loop3A_943 {strides = array<i32>} : memref<32x512xf32, #tpu.memory_space<vmem>>, vector<16xf32>,
        %parallel_loop3A_950 = tpu.vector_load_idx %arg5[%broadcast_in_dim3A_41, %parallel_loop3A_942] : memref<32x2048xf32, #tpu.memory_space<vmem>>[vector<16xi32>, vector<16xi32>], vector<16xf32>,
        %parallel_loop3A_951 = arith.constant 16 : i32
        %parallel_loop3A_952 = arith.muli %parallel_loop3A_939, %parallel_loop3A_951 : i32
        %parallel_loop3A_953 = arith.constant 1 : i32
        %parallel_loop3A_954 = arith.index_cast %parallel_loop3A_953 : i32 to index
        %parallel_loop3A_955 = arith.index_cast %parallel_loop3A_952 : i32 to index
        %parallel_loop3A_956 = tpu.vector_load %arg9[%parallel_loop3A_954, %parallel_loop3A_955] {strides = array<i32>} : memref<32x512xf32, #tpu.memory_space<vmem>>, vector<16xf32>,
        tpu.vector_store %arg9[%parallel_loop3A_954, %parallel_loop3A_955], %parallel_loop3A_950 {strides = array<i32>} : memref<32x512xf32, #tpu.memory_space<vmem>>, vector<16xf32>,
        %parallel_loop3A_957 = tpu.vector_load_idx %arg5[%broadcast_in_dim3A_43, %parallel_loop3A_942] : memref<32x2048xf32, #tpu.memory_space<vmem>>[vector<16xi32>, vector<16xi32>], vector<16xf32>,
        %parallel_loop3A_958 = arith.constant 16 : i32
        %parallel_loop3A_959 = arith.muli %parallel_loop3A_939, %parallel_loop3A_958 : i32
        %parallel_loop3A_960 = arith.constant 2 : i32
        %parallel_loop3A_961 = arith.index_cast %parallel_loop3A_960 : i32 to index
        %parallel_loop3A_962 = arith.index_cast %parallel_loop3A_959 : i32 to index
        %parallel_loop3A_963 = tpu.vector_load %arg9[%parallel_loop3A_961, %parallel_loop3A_962] {strides = array<i32>} : memref<32x512xf32, #tpu.memory_space<vmem>>, vector<16xf32>,
        tpu.vector_store %arg9[%parallel_loop3A_961, %parallel_loop3A_962], %parallel_loop3A_957 {strides = array<i32>} : memref<32x512xf32, #tpu.memory_space<vmem>>, vector<16xf32>,
        %parallel_loop3A_964 = tpu.vector_load_idx %arg5[%broadcast_in_dim3A_45, %parallel_loop3A_942] : memref<32x2048xf32, #tpu.memory_space<vmem>>[vector<16xi32>, vector<16xi32>], vector<16xf32>,
        %parallel_loop3A_965 = arith.constant 16 : i32
        %parallel_loop3A_966 = arith.muli %parallel_loop3A_939, %parallel_loop3A_965 : i32
        %parallel_loop3A_967 = arith.constant 3 : i32
        %parallel_loop3A_968 = arith.index_cast %parallel_loop3A_967 : i32 to index
        %parallel_loop3A_969 = arith.index_cast %parallel_loop3A_966 : i32 to index
        %parallel_loop3A_970 = tpu.vector_load %arg9[%parallel_loop3A_968, %parallel_loop3A_969] {strides = array<i32>} : memref<32x512xf32, #tpu.memory_space<vmem>>, vector<16xf32>,
        tpu.vector_store %arg9[%parallel_loop3A_968, %parallel_loop3A_969], %parallel_loop3A_964 {strides = array<i32>} : memref<32x512xf32, #tpu.memory_space<vmem>>, vector<16xf32>,
        %parallel_loop3A_971 = tpu.vector_load_idx %arg5[%broadcast_in_dim3A_47, %parallel_loop3A_942] : memref<32x2048xf32, #tpu.memory_space<vmem>>[vector<16xi32>, vector<16xi32>], vector<16xf32>,
        %parallel_loop3A_972 = arith.constant 16 : i32
        %parallel_loop3A_973 = arith.muli %parallel_loop3A_939, %parallel_loop3A_972 : i32
        %parallel_loop3A_974 = arith.constant 4 : i32
        %parallel_loop3A_975 = arith.index_cast %parallel_loop3A_974 : i32 to index
        %parallel_loop3A_976 = arith.index_cast %parallel_loop3A_973 : i32 to index
        %parallel_loop3A_977 = tpu.vector_load %arg9[%parallel_loop3A_975, %parallel_loop3A_976] {strides = array<i32>} : memref<32x512xf32, #tpu.memory_space<vmem>>, vector<16xf32>,
        tpu.vector_store %arg9[%parallel_loop3A_975, %parallel_loop3A_976], %parallel_loop3A_971 {strides = array<i32>} : memref<32x512xf32, #tpu.memory_space<vmem>>, vector<16xf32>,
        %parallel_loop3A_978 = tpu.vector_load_idx %arg5[%broadcast_in_dim3A_49, %parallel_loop3A_942] : memref<32x2048xf32, #tpu.memory_space<vmem>>[vector<16xi32>, vector<16xi32>], vector<16xf32>,
        %parallel_loop3A_979 = arith.constant 16 : i32
        %parallel_loop3A_980 = arith.muli %parallel_loop3A_939, %parallel_loop3A_979 : i32
        %parallel_loop3A_981 = arith.constant 5 : i32
        %parallel_loop3A_982 = arith.index_cast %parallel_loop3A_981 : i32 to index
        %parallel_loop3A_983 = arith.index_cast %parallel_loop3A_980 : i32 to index
        %parallel_loop3A_984 = tpu.vector_load %arg9[%parallel_loop3A_982, %parallel_loop3A_983] {strides = array<i32>} : memref<32x512xf32, #tpu.memory_space<vmem>>, vector<16xf32>,
        tpu.vector_store %arg9[%parallel_loop3A_982, %parallel_loop3A_983], %parallel_loop3A_978 {strides = array<i32>} : memref<32x512xf32, #tpu.memory_space<vmem>>, vector<16xf32>,
        %parallel_loop3A_985 = tpu.vector_load_idx %arg5[%broadcast_in_dim3A_51, %parallel_loop3A_942] : memref<32x2048xf32, #tpu.memory_space<vmem>>[vector<16xi32>, vector<16xi32>], vector<16xf32>,
        %parallel_loop3A_986 = arith.constant 16 : i32
        %parallel_loop3A_987 = arith.muli %parallel_loop3A_939, %parallel_loop3A_986 : i32
        %parallel_loop3A_988 = arith.constant 6 : i32
        %parallel_loop3A_989 = arith.index_cast %parallel_loop3A_988 : i32 to index
        %parallel_loop3A_990 = arith.index_cast %parallel_loop3A_987 : i32 to index
        %parallel_loop3A_991 = tpu.vector_load %arg9[%parallel_loop3A_989, %parallel_loop3A_990] {strides = array<i32>} : memref<32x512xf32, #tpu.memory_space<vmem>>, vector<16xf32>,
        tpu.vector_store %arg9[%parallel_loop3A_989, %parallel_loop3A_990], %parallel_loop3A_985 {strides = array<i32>} : memref<32x512xf32, #tpu.memory_space<vmem>>, vector<16xf32>,
        %parallel_loop3A_992 = tpu.vector_load_idx %arg5[%broadcast_in_dim3A_53, %parallel_loop3A_942] : memref<32x2048xf32, #tpu.memory_space<vmem>>[vector<16xi32>, vector<16xi32>], vector<16xf32>,
        %parallel_loop3A_993 = arith.constant 16 : i32
        %parallel_loop3A_994 = arith.muli %parallel_loop3A_939, %parallel_loop3A_993 : i32
        %parallel_loop3A_995 = arith.constant 7 : i32
        %parallel_loop3A_996 = arith.index_cast %parallel_loop3A_995 : i32 to index
        %parallel_loop3A_997 = arith.index_cast %parallel_loop3A_994 : i32 to index
        %parallel_loop3A_998 = tpu.vector_load %arg9[%parallel_loop3A_996, %parallel_loop3A_997] {strides = array<i32>} : memref<32x512xf32, #tpu.memory_space<vmem>>, vector<16xf32>,
        tpu.vector_store %arg9[%parallel_loop3A_996, %parallel_loop3A_997], %parallel_loop3A_992 {strides = array<i32>} : memref<32x512xf32, #tpu.memory_space<vmem>>, vector<16xf32>,
        %parallel_loop3A_999 = tpu.vector_load_idx %arg5[%broadcast_in_dim3A_55, %parallel_loop3A_942] : memref<32x2048xf32, #tpu.memory_space<vmem>>[vector<16xi32>, vector<16xi32>], vector<16xf32>,
        %parallel_loop3A_1000 = arith.constant 16 : i32
        %parallel_loop3A_1001 = arith.muli %parallel_loop3A_939, %parallel_loop3A_1000 : i32
        %parallel_loop3A_1002 = arith.constant 8 : i32
        %parallel_loop3A_1003 = arith.index_cast %parallel_loop3A_1002 : i32 to index
        %parallel_loop3A_1004 = arith.index_cast %parallel_loop3A_1001 : i32 to index
        %parallel_loop3A_1005 = tpu.vector_load %arg9[%parallel_loop3A_1003, %parallel_loop3A_1004] {strides = array<i32>} : memref<32x512xf32, #tpu.memory_space<vmem>>, vector<16xf32>,
        tpu.vector_store %arg9[%parallel_loop3A_1003, %parallel_loop3A_1004], %parallel_loop3A_999 {strides = array<i32>} : memref<32x512xf32, #tpu.memory_space<vmem>>, vector<16xf32>,
        %parallel_loop3A_1006 = tpu.vector_load_idx %arg5[%broadcast_in_dim3A_57, %parallel_loop3A_942] : memref<32x2048xf32, #tpu.memory_space<vmem>>[vector<16xi32>, vector<16xi32>], vector<16xf32>,
        %parallel_loop3A_1007 = arith.constant 16 : i32
        %parallel_loop3A_1008 = arith.muli %parallel_loop3A_939, %parallel_loop3A_1007 : i32
        %parallel_loop3A_1009 = arith.constant 9 : i32
        %parallel_loop3A_1010 = arith.index_cast %parallel_loop3A_1009 : i32 to index
        %parallel_loop3A_1011 = arith.index_cast %parallel_loop3A_1008 : i32 to index
        %parallel_loop3A_1012 = tpu.vector_load %arg9[%parallel_loop3A_1010, %parallel_loop3A_1011] {strides = array<i32>} : memref<32x512xf32, #tpu.memory_space<vmem>>, vector<16xf32>,
        tpu.vector_store %arg9[%parallel_loop3A_1010, %parallel_loop3A_1011], %parallel_loop3A_1006 {strides = array<i32>} : memref<32x512xf32, #tpu.memory_space<vmem>>, vector<16xf32>,
        %parallel_loop3A_1013 = tpu.vector_load_idx %arg5[%broadcast_in_dim3A_59, %parallel_loop3A_942] : memref<32x2048xf32, #tpu.memory_space<vmem>>[vector<16xi32>, vector<16xi32>], vector<16xf32>,
        %parallel_loop3A_1014 = arith.constant 16 : i32
        %parallel_loop3A_1015 = arith.muli %parallel_loop3A_939, %parallel_loop3A_1014 : i32
        %parallel_loop3A_1016 = arith.constant 10 : i32
        %parallel_loop3A_1017 = arith.index_cast %parallel_loop3A_1016 : i32 to index
        %parallel_loop3A_1018 = arith.index_cast %parallel_loop3A_1015 : i32 to index
        %parallel_loop3A_1019 = tpu.vector_load %arg9[%parallel_loop3A_1017, %parallel_loop3A_1018] {strides = array<i32>} : memref<32x512xf32, #tpu.memory_space<vmem>>, vector<16xf32>,
        tpu.vector_store %arg9[%parallel_loop3A_1017, %parallel_loop3A_1018], %parallel_loop3A_1013 {strides = array<i32>} : memref<32x512xf32, #tpu.memory_space<vmem>>, vector<16xf32>,
        %parallel_loop3A_1020 = tpu.vector_load_idx %arg5[%broadcast_in_dim3A_61, %parallel_loop3A_942] : memref<32x2048xf32, #tpu.memory_space<vmem>>[vector<16xi32>, vector<16xi32>], vector<16xf32>,
        %parallel_loop3A_1021 = arith.constant 16 : i32
        %parallel_loop3A_1022 = arith.muli %parallel_loop3A_939, %parallel_loop3A_1021 : i32
        %parallel_loop3A_1023 = arith.constant 11 : i32
        %parallel_loop3A_1024 = arith.index_cast %parallel_loop3A_1023 : i32 to index
        %parallel_loop3A_1025 = arith.index_cast %parallel_loop3A_1022 : i32 to index
        %parallel_loop3A_1026 = tpu.vector_load %arg9[%parallel_loop3A_1024, %parallel_loop3A_1025] {strides = array<i32>} : memref<32x512xf32, #tpu.memory_space<vmem>>, vector<16xf32>,
        tpu.vector_store %arg9[%parallel_loop3A_1024, %parallel_loop3A_1025], %parallel_loop3A_1020 {strides = array<i32>} : memref<32x512xf32, #tpu.memory_space<vmem>>, vector<16xf32>,
        %parallel_loop3A_1027 = tpu.vector_load_idx %arg5[%broadcast_in_dim3A_63, %parallel_loop3A_942] : memref<32x2048xf32, #tpu.memory_space<vmem>>[vector<16xi32>, vector<16xi32>], vector<16xf32>,
        %parallel_loop3A_1028 = arith.constant 16 : i32
        %parallel_loop3A_1029 = arith.muli %parallel_loop3A_939, %parallel_loop3A_1028 : i32
        %parallel_loop3A_1030 = arith.constant 12 : i32
        %parallel_loop3A_1031 = arith.index_cast %parallel_loop3A_1030 : i32 to index
        %parallel_loop3A_1032 = arith.index_cast %parallel_loop3A_1029 : i32 to index
        %parallel_loop3A_1033 = tpu.vector_load %arg9[%parallel_loop3A_1031, %parallel_loop3A_1032] {strides = array<i32>} : memref<32x512xf32, #tpu.memory_space<vmem>>, vector<16xf32>,
        tpu.vector_store %arg9[%parallel_loop3A_1031, %parallel_loop3A_1032], %parallel_loop3A_1027 {strides = array<i32>} : memref<32x512xf32, #tpu.memory_space<vmem>>, vector<16xf32>,
        %parallel_loop3A_1034 = tpu.vector_load_idx %arg5[%broadcast_in_dim3A_65, %parallel_loop3A_942] : memref<32x2048xf32, #tpu.memory_space<vmem>>[vector<16xi32>, vector<16xi32>], vector<16xf32>,
        %parallel_loop3A_1035 = arith.constant 16 : i32
        %parallel_loop3A_1036 = arith.muli %parallel_loop3A_939, %parallel_loop3A_1035 : i32
        %parallel_loop3A_1037 = arith.constant 13 : i32
        %parallel_loop3A_1038 = arith.index_cast %parallel_loop3A_1037 : i32 to index
        %parallel_loop3A_1039 = arith.index_cast %parallel_loop3A_1036 : i32 to index
        %parallel_loop3A_1040 = tpu.vector_load %arg9[%parallel_loop3A_1038, %parallel_loop3A_1039] {strides = array<i32>} : memref<32x512xf32, #tpu.memory_space<vmem>>, vector<16xf32>,
        tpu.vector_store %arg9[%parallel_loop3A_1038, %parallel_loop3A_1039], %parallel_loop3A_1034 {strides = array<i32>} : memref<32x512xf32, #tpu.memory_space<vmem>>, vector<16xf32>,
        %parallel_loop3A_1041 = tpu.vector_load_idx %arg5[%broadcast_in_dim3A_67, %parallel_loop3A_942] : memref<32x2048xf32, #tpu.memory_space<vmem>>[vector<16xi32>, vector<16xi32>], vector<16xf32>,
        %parallel_loop3A_1042 = arith.constant 16 : i32
        %parallel_loop3A_1043 = arith.muli %parallel_loop3A_939, %parallel_loop3A_1042 : i32
        %parallel_loop3A_1044 = arith.constant 14 : i32
        %parallel_loop3A_1045 = arith.index_cast %parallel_loop3A_1044 : i32 to index
        %parallel_loop3A_1046 = arith.index_cast %parallel_loop3A_1043 : i32 to index
        %parallel_loop3A_1047 = tpu.vector_load %arg9[%parallel_loop3A_1045, %parallel_loop3A_1046] {strides = array<i32>} : memref<32x512xf32, #tpu.memory_space<vmem>>, vector<16xf32>,
        tpu.vector_store %arg9[%parallel_loop3A_1045, %parallel_loop3A_1046], %parallel_loop3A_1041 {strides = array<i32>} : memref<32x512xf32, #tpu.memory_space<vmem>>, vector<16xf32>,
        %parallel_loop3A_1048 = tpu.vector_load_idx %arg5[%broadcast_in_dim3A_69, %parallel_loop3A_942] : memref<32x2048xf32, #tpu.memory_space<vmem>>[vector<16xi32>, vector<16xi32>], vector<16xf32>,
        %parallel_loop3A_1049 = arith.constant 16 : i32
        %parallel_loop3A_1050 = arith.muli %parallel_loop3A_939, %parallel_loop3A_1049 : i32
        %parallel_loop3A_1051 = arith.constant 15 : i32
        %parallel_loop3A_1052 = arith.index_cast %parallel_loop3A_1051 : i32 to index
        %parallel_loop3A_1053 = arith.index_cast %parallel_loop3A_1050 : i32 to index
        %parallel_loop3A_1054 = tpu.vector_load %arg9[%parallel_loop3A_1052, %parallel_loop3A_1053] {strides = array<i32>} : memref<32x512xf32, #tpu.memory_space<vmem>>, vector<16xf32>,
        tpu.vector_store %arg9[%parallel_loop3A_1052, %parallel_loop3A_1053], %parallel_loop3A_1048 {strides = array<i32>} : memref<32x512xf32, #tpu.memory_space<vmem>>, vector<16xf32>,
        %parallel_loop3A_1055 = tpu.vector_load_idx %arg5[%broadcast_in_dim3A_71, %parallel_loop3A_942] : memref<32x2048xf32, #tpu.memory_space<vmem>>[vector<16xi32>, vector<16xi32>], vector<16xf32>,
        %parallel_loop3A_1056 = arith.constant 16 : i32
        %parallel_loop3A_1057 = arith.muli %parallel_loop3A_939, %parallel_loop3A_1056 : i32
        %parallel_loop3A_1058 = arith.constant 16 : i32
        %parallel_loop3A_1059 = arith.index_cast %parallel_loop3A_1058 : i32 to index
        %parallel_loop3A_1060 = arith.index_cast %parallel_loop3A_1057 : i32 to index
        %parallel_loop3A_1061 = tpu.vector_load %arg9[%parallel_loop3A_1059, %parallel_loop3A_1060] {strides = array<i32>} : memref<32x512xf32, #tpu.memory_space<vmem>>, vector<16xf32>,
        tpu.vector_store %arg9[%parallel_loop3A_1059, %parallel_loop3A_1060], %parallel_loop3A_1055 {strides = array<i32>} : memref<32x512xf32, #tpu.memory_space<vmem>>, vector<16xf32>,
        %parallel_loop3A_1062 = tpu.vector_load_idx %arg5[%broadcast_in_dim3A_73, %parallel_loop3A_942] : memref<32x2048xf32, #tpu.memory_space<vmem>>[vector<16xi32>, vector<16xi32>], vector<16xf32>,
        %parallel_loop3A_1063 = arith.constant 16 : i32
        %parallel_loop3A_1064 = arith.muli %parallel_loop3A_939, %parallel_loop3A_1063 : i32
        %parallel_loop3A_1065 = arith.constant 17 : i32
        %parallel_loop3A_1066 = arith.index_cast %parallel_loop3A_1065 : i32 to index
        %parallel_loop3A_1067 = arith.index_cast %parallel_loop3A_1064 : i32 to index
        %parallel_loop3A_1068 = tpu.vector_load %arg9[%parallel_loop3A_1066, %parallel_loop3A_1067] {strides = array<i32>} : memref<32x512xf32, #tpu.memory_space<vmem>>, vector<16xf32>,
        tpu.vector_store %arg9[%parallel_loop3A_1066, %parallel_loop3A_1067], %parallel_loop3A_1062 {strides = array<i32>} : memref<32x512xf32, #tpu.memory_space<vmem>>, vector<16xf32>,
        %parallel_loop3A_1069 = tpu.vector_load_idx %arg5[%broadcast_in_dim3A_75, %parallel_loop3A_942] : memref<32x2048xf32, #tpu.memory_space<vmem>>[vector<16xi32>, vector<16xi32>], vector<16xf32>,
        %parallel_loop3A_1070 = arith.constant 16 : i32
        %parallel_loop3A_1071 = arith.muli %parallel_loop3A_939, %parallel_loop3A_1070 : i32
        %parallel_loop3A_1072 = arith.constant 18 : i32
        %parallel_loop3A_1073 = arith.index_cast %parallel_loop3A_1072 : i32 to index
        %parallel_loop3A_1074 = arith.index_cast %parallel_loop3A_1071 : i32 to index
        %parallel_loop3A_1075 = tpu.vector_load %arg9[%parallel_loop3A_1073, %parallel_loop3A_1074] {strides = array<i32>} : memref<32x512xf32, #tpu.memory_space<vmem>>, vector<16xf32>,
        tpu.vector_store %arg9[%parallel_loop3A_1073, %parallel_loop3A_1074], %parallel_loop3A_1069 {strides = array<i32>} : memref<32x512xf32, #tpu.memory_space<vmem>>, vector<16xf32>,
        %parallel_loop3A_1076 = tpu.vector_load_idx %arg5[%broadcast_in_dim3A_77, %parallel_loop3A_942] : memref<32x2048xf32, #tpu.memory_space<vmem>>[vector<16xi32>, vector<16xi32>], vector<16xf32>,
        %parallel_loop3A_1077 = arith.constant 16 : i32
        %parallel_loop3A_1078 = arith.muli %parallel_loop3A_939, %parallel_loop3A_1077 : i32
        %parallel_loop3A_1079 = arith.constant 19 : i32
        %parallel_loop3A_1080 = arith.index_cast %parallel_loop3A_1079 : i32 to index
        %parallel_loop3A_1081 = arith.index_cast %parallel_loop3A_1078 : i32 to index
        %parallel_loop3A_1082 = tpu.vector_load %arg9[%parallel_loop3A_1080, %parallel_loop3A_1081] {strides = array<i32>} : memref<32x512xf32, #tpu.memory_space<vmem>>, vector<16xf32>,
        tpu.vector_store %arg9[%parallel_loop3A_1080, %parallel_loop3A_1081], %parallel_loop3A_1076 {strides = array<i32>} : memref<32x512xf32, #tpu.memory_space<vmem>>, vector<16xf32>,
        %parallel_loop3A_1083 = tpu.vector_load_idx %arg5[%broadcast_in_dim3A_79, %parallel_loop3A_942] : memref<32x2048xf32, #tpu.memory_space<vmem>>[vector<16xi32>, vector<16xi32>], vector<16xf32>,
        %parallel_loop3A_1084 = arith.constant 16 : i32
        %parallel_loop3A_1085 = arith.muli %parallel_loop3A_939, %parallel_loop3A_1084 : i32
        %parallel_loop3A_1086 = arith.constant 20 : i32
        %parallel_loop3A_1087 = arith.index_cast %parallel_loop3A_1086 : i32 to index
        %parallel_loop3A_1088 = arith.index_cast %parallel_loop3A_1085 : i32 to index
        %parallel_loop3A_1089 = tpu.vector_load %arg9[%parallel_loop3A_1087, %parallel_loop3A_1088] {strides = array<i32>} : memref<32x512xf32, #tpu.memory_space<vmem>>, vector<16xf32>,
        tpu.vector_store %arg9[%parallel_loop3A_1087, %parallel_loop3A_1088], %parallel_loop3A_1083 {strides = array<i32>} : memref<32x512xf32, #tpu.memory_space<vmem>>, vector<16xf32>,
        %parallel_loop3A_1090 = tpu.vector_load_idx %arg5[%broadcast_in_dim3A_81, %parallel_loop3A_942] : memref<32x2048xf32, #tpu.memory_space<vmem>>[vector<16xi32>, vector<16xi32>], vector<16xf32>,
        %parallel_loop3A_1091 = arith.constant 16 : i32
        %parallel_loop3A_1092 = arith.muli %parallel_loop3A_939, %parallel_loop3A_1091 : i32
        %parallel_loop3A_1093 = arith.constant 21 : i32
        %parallel_loop3A_1094 = arith.index_cast %parallel_loop3A_1093 : i32 to index
        %parallel_loop3A_1095 = arith.index_cast %parallel_loop3A_1092 : i32 to index
        %parallel_loop3A_1096 = tpu.vector_load %arg9[%parallel_loop3A_1094, %parallel_loop3A_1095] {strides = array<i32>} : memref<32x512xf32, #tpu.memory_space<vmem>>, vector<16xf32>,
        tpu.vector_store %arg9[%parallel_loop3A_1094, %parallel_loop3A_1095], %parallel_loop3A_1090 {strides = array<i32>} : memref<32x512xf32, #tpu.memory_space<vmem>>, vector<16xf32>,
        %parallel_loop3A_1097 = tpu.vector_load_idx %arg5[%broadcast_in_dim3A_83, %parallel_loop3A_942] : memref<32x2048xf32, #tpu.memory_space<vmem>>[vector<16xi32>, vector<16xi32>], vector<16xf32>,
        %parallel_loop3A_1098 = arith.constant 16 : i32
        %parallel_loop3A_1099 = arith.muli %parallel_loop3A_939, %parallel_loop3A_1098 : i32
        %parallel_loop3A_1100 = arith.constant 22 : i32
        %parallel_loop3A_1101 = arith.index_cast %parallel_loop3A_1100 : i32 to index
        %parallel_loop3A_1102 = arith.index_cast %parallel_loop3A_1099 : i32 to index
        %parallel_loop3A_1103 = tpu.vector_load %arg9[%parallel_loop3A_1101, %parallel_loop3A_1102] {strides = array<i32>} : memref<32x512xf32, #tpu.memory_space<vmem>>, vector<16xf32>,
        tpu.vector_store %arg9[%parallel_loop3A_1101, %parallel_loop3A_1102], %parallel_loop3A_1097 {strides = array<i32>} : memref<32x512xf32, #tpu.memory_space<vmem>>, vector<16xf32>,
        %parallel_loop3A_1104 = tpu.vector_load_idx %arg5[%broadcast_in_dim3A_85, %parallel_loop3A_942] : memref<32x2048xf32, #tpu.memory_space<vmem>>[vector<16xi32>, vector<16xi32>], vector<16xf32>,
        %parallel_loop3A_1105 = arith.constant 16 : i32
        %parallel_loop3A_1106 = arith.muli %parallel_loop3A_939, %parallel_loop3A_1105 : i32
        %parallel_loop3A_1107 = arith.constant 23 : i32
        %parallel_loop3A_1108 = arith.index_cast %parallel_loop3A_1107 : i32 to index
        %parallel_loop3A_1109 = arith.index_cast %parallel_loop3A_1106 : i32 to index
        %parallel_loop3A_1110 = tpu.vector_load %arg9[%parallel_loop3A_1108, %parallel_loop3A_1109] {strides = array<i32>} : memref<32x512xf32, #tpu.memory_space<vmem>>, vector<16xf32>,
        tpu.vector_store %arg9[%parallel_loop3A_1108, %parallel_loop3A_1109], %parallel_loop3A_1104 {strides = array<i32>} : memref<32x512xf32, #tpu.memory_space<vmem>>, vector<16xf32>,
        %parallel_loop3A_1111 = tpu.vector_load_idx %arg5[%broadcast_in_dim3A_87, %parallel_loop3A_942] : memref<32x2048xf32, #tpu.memory_space<vmem>>[vector<16xi32>, vector<16xi32>], vector<16xf32>,
        %parallel_loop3A_1112 = arith.constant 16 : i32
        %parallel_loop3A_1113 = arith.muli %parallel_loop3A_939, %parallel_loop3A_1112 : i32
        %parallel_loop3A_1114 = arith.constant 24 : i32
        %parallel_loop3A_1115 = arith.index_cast %parallel_loop3A_1114 : i32 to index
        %parallel_loop3A_1116 = arith.index_cast %parallel_loop3A_1113 : i32 to index
        %parallel_loop3A_1117 = tpu.vector_load %arg9[%parallel_loop3A_1115, %parallel_loop3A_1116] {strides = array<i32>} : memref<32x512xf32, #tpu.memory_space<vmem>>, vector<16xf32>,
        tpu.vector_store %arg9[%parallel_loop3A_1115, %parallel_loop3A_1116], %parallel_loop3A_1111 {strides = array<i32>} : memref<32x512xf32, #tpu.memory_space<vmem>>, vector<16xf32>,
        %parallel_loop3A_1118 = tpu.vector_load_idx %arg5[%broadcast_in_dim3A_89, %parallel_loop3A_942] : memref<32x2048xf32, #tpu.memory_space<vmem>>[vector<16xi32>, vector<16xi32>], vector<16xf32>,
        %parallel_loop3A_1119 = arith.constant 16 : i32
        %parallel_loop3A_1120 = arith.muli %parallel_loop3A_939, %parallel_loop3A_1119 : i32
        %parallel_loop3A_1121 = arith.constant 25 : i32
        %parallel_loop3A_1122 = arith.index_cast %parallel_loop3A_1121 : i32 to index
        %parallel_loop3A_1123 = arith.index_cast %parallel_loop3A_1120 : i32 to index
        %parallel_loop3A_1124 = tpu.vector_load %arg9[%parallel_loop3A_1122, %parallel_loop3A_1123] {strides = array<i32>} : memref<32x512xf32, #tpu.memory_space<vmem>>, vector<16xf32>,
        tpu.vector_store %arg9[%parallel_loop3A_1122, %parallel_loop3A_1123], %parallel_loop3A_1118 {strides = array<i32>} : memref<32x512xf32, #tpu.memory_space<vmem>>, vector<16xf32>,
        %parallel_loop3A_1125 = tpu.vector_load_idx %arg5[%broadcast_in_dim3A_91, %parallel_loop3A_942] : memref<32x2048xf32, #tpu.memory_space<vmem>>[vector<16xi32>, vector<16xi32>], vector<16xf32>,
        %parallel_loop3A_1126 = arith.constant 16 : i32
        %parallel_loop3A_1127 = arith.muli %parallel_loop3A_939, %parallel_loop3A_1126 : i32
        %parallel_loop3A_1128 = arith.constant 26 : i32
        %parallel_loop3A_1129 = arith.index_cast %parallel_loop3A_1128 : i32 to index
        %parallel_loop3A_1130 = arith.index_cast %parallel_loop3A_1127 : i32 to index
        %parallel_loop3A_1131 = tpu.vector_load %arg9[%parallel_loop3A_1129, %parallel_loop3A_1130] {strides = array<i32>} : memref<32x512xf32, #tpu.memory_space<vmem>>, vector<16xf32>,
        tpu.vector_store %arg9[%parallel_loop3A_1129, %parallel_loop3A_1130], %parallel_loop3A_1125 {strides = array<i32>} : memref<32x512xf32, #tpu.memory_space<vmem>>, vector<16xf32>,
        %parallel_loop3A_1132 = tpu.vector_load_idx %arg5[%broadcast_in_dim3A_93, %parallel_loop3A_942] : memref<32x2048xf32, #tpu.memory_space<vmem>>[vector<16xi32>, vector<16xi32>], vector<16xf32>,
        %parallel_loop3A_1133 = arith.constant 16 : i32
        %parallel_loop3A_1134 = arith.muli %parallel_loop3A_939, %parallel_loop3A_1133 : i32
        %parallel_loop3A_1135 = arith.constant 27 : i32
        %parallel_loop3A_1136 = arith.index_cast %parallel_loop3A_1135 : i32 to index
        %parallel_loop3A_1137 = arith.index_cast %parallel_loop3A_1134 : i32 to index
        %parallel_loop3A_1138 = tpu.vector_load %arg9[%parallel_loop3A_1136, %parallel_loop3A_1137] {strides = array<i32>} : memref<32x512xf32, #tpu.memory_space<vmem>>, vector<16xf32>,
        tpu.vector_store %arg9[%parallel_loop3A_1136, %parallel_loop3A_1137], %parallel_loop3A_1132 {strides = array<i32>} : memref<32x512xf32, #tpu.memory_space<vmem>>, vector<16xf32>,
        %parallel_loop3A_1139 = tpu.vector_load_idx %arg5[%broadcast_in_dim3A_95, %parallel_loop3A_942] : memref<32x2048xf32, #tpu.memory_space<vmem>>[vector<16xi32>, vector<16xi32>], vector<16xf32>,
        %parallel_loop3A_1140 = arith.constant 16 : i32
        %parallel_loop3A_1141 = arith.muli %parallel_loop3A_939, %parallel_loop3A_1140 : i32
        %parallel_loop3A_1142 = arith.constant 28 : i32
        %parallel_loop3A_1143 = arith.index_cast %parallel_loop3A_1142 : i32 to index
        %parallel_loop3A_1144 = arith.index_cast %parallel_loop3A_1141 : i32 to index
        %parallel_loop3A_1145 = tpu.vector_load %arg9[%parallel_loop3A_1143, %parallel_loop3A_1144] {strides = array<i32>} : memref<32x512xf32, #tpu.memory_space<vmem>>, vector<16xf32>,
        tpu.vector_store %arg9[%parallel_loop3A_1143, %parallel_loop3A_1144], %parallel_loop3A_1139 {strides = array<i32>} : memref<32x512xf32, #tpu.memory_space<vmem>>, vector<16xf32>,
        %parallel_loop3A_1146 = tpu.vector_load_idx %arg5[%broadcast_in_dim3A_97, %parallel_loop3A_942] : memref<32x2048xf32, #tpu.memory_space<vmem>>[vector<16xi32>, vector<16xi32>], vector<16xf32>,
        %parallel_loop3A_1147 = arith.constant 16 : i32
        %parallel_loop3A_1148 = arith.muli %parallel_loop3A_939, %parallel_loop3A_1147 : i32
        %parallel_loop3A_1149 = arith.constant 29 : i32
        %parallel_loop3A_1150 = arith.index_cast %parallel_loop3A_1149 : i32 to index
        %parallel_loop3A_1151 = arith.index_cast %parallel_loop3A_1148 : i32 to index
        %parallel_loop3A_1152 = tpu.vector_load %arg9[%parallel_loop3A_1150, %parallel_loop3A_1151] {strides = array<i32>} : memref<32x512xf32, #tpu.memory_space<vmem>>, vector<16xf32>,
        tpu.vector_store %arg9[%parallel_loop3A_1150, %parallel_loop3A_1151], %parallel_loop3A_1146 {strides = array<i32>} : memref<32x512xf32, #tpu.memory_space<vmem>>, vector<16xf32>,
        %parallel_loop3A_1153 = tpu.vector_load_idx %arg5[%broadcast_in_dim3A_99, %parallel_loop3A_942] : memref<32x2048xf32, #tpu.memory_space<vmem>>[vector<16xi32>, vector<16xi32>], vector<16xf32>,
        %parallel_loop3A_1154 = arith.constant 16 : i32
        %parallel_loop3A_1155 = arith.muli %parallel_loop3A_939, %parallel_loop3A_1154 : i32
        %parallel_loop3A_1156 = arith.constant 30 : i32
        %parallel_loop3A_1157 = arith.index_cast %parallel_loop3A_1156 : i32 to index
        %parallel_loop3A_1158 = arith.index_cast %parallel_loop3A_1155 : i32 to index
        %parallel_loop3A_1159 = tpu.vector_load %arg9[%parallel_loop3A_1157, %parallel_loop3A_1158] {strides = array<i32>} : memref<32x512xf32, #tpu.memory_space<vmem>>, vector<16xf32>,
        tpu.vector_store %arg9[%parallel_loop3A_1157, %parallel_loop3A_1158], %parallel_loop3A_1153 {strides = array<i32>} : memref<32x512xf32, #tpu.memory_space<vmem>>, vector<16xf32>,
        %parallel_loop3A_1160 = tpu.vector_load_idx %arg5[%broadcast_in_dim3A_101, %parallel_loop3A_942] : memref<32x2048xf32, #tpu.memory_space<vmem>>[vector<16xi32>, vector<16xi32>], vector<16xf32>,
        %parallel_loop3A_1161 = arith.constant 16 : i32
        %parallel_loop3A_1162 = arith.muli %parallel_loop3A_939, %parallel_loop3A_1161 : i32
        %parallel_loop3A_1163 = arith.constant 31 : i32
        %parallel_loop3A_1164 = arith.index_cast %parallel_loop3A_1163 : i32 to index
        %parallel_loop3A_1165 = arith.index_cast %parallel_loop3A_1162 : i32 to index
        %parallel_loop3A_1166 = tpu.vector_load %arg9[%parallel_loop3A_1164, %parallel_loop3A_1165] {strides = array<i32>} : memref<32x512xf32, #tpu.memory_space<vmem>>, vector<16xf32>,
        tpu.vector_store %arg9[%parallel_loop3A_1164, %parallel_loop3A_1165], %parallel_loop3A_1160 {strides = array<i32>} : memref<32x512xf32, #tpu.memory_space<vmem>>, vector<16xf32>,
      } {sc.loop_unroll_factor = 1 : i64, sc.parallel_access}
      %mul3A_784 = arith.constant 16 : i32
      %mul3A_785 = arith.muli %add3A_729, %mul3A_784 : i32
      %add3A_786 = arith.addi %select_n3A, %mul3A_785 : i32
      %jit3A_787 = arith.constant 8 : i32
      %div3A_788 = arith.divsi %add3A_786, %jit3A_787 : i32
      %sign3A_789 = arith.constant 0 : i32
      %sign3A_790 = arith.cmpi sgt, %add3A_786, %sign3A_789 : i32
      %sign3A_791 = arith.extui %sign3A_790 : i1 to i32
      %sign3A_792 = arith.constant 0 : i32
      %sign3A_793 = arith.cmpi slt, %add3A_786, %sign3A_792 : i32
      %sign3A_794 = arith.extui %sign3A_793 : i1 to i32
      %sign3A_795 = arith.subi %sign3A_791, %sign3A_794 : i32
      %sign3A_796 = arith.constant 0 : i32
      %sign3A_797 = arith.cmpi sgt, %jit3A_787, %sign3A_796 : i32
      %sign3A_798 = arith.extui %sign3A_797 : i1 to i32
      %sign3A_799 = arith.constant 0 : i32
      %sign3A_800 = arith.cmpi slt, %jit3A_787, %sign3A_799 : i32
      %sign3A_801 = arith.extui %sign3A_800 : i1 to i32
      %sign3A_802 = arith.subi %sign3A_798, %sign3A_801 : i32
      %ne3A_803 = arith.cmpi ne, %sign3A_795, %sign3A_802 : i32
      %rem3A_804 = arith.remsi %add3A_786, %jit3A_787 : i32
      %ne3A_805 = arith.constant 0 : i32
      %ne3A_806 = arith.cmpi ne, %rem3A_804, %ne3A_805 : i32
      %and3A_807 = arith.andi %ne3A_803, %ne3A_806 : i1
      %sub3A_808 = arith.constant 1 : i32
      %sub3A_809 = arith.subi %div3A_788, %sub3A_808 : i32
      %select_n3A_810 = arith.select %and3A_807, %sub3A_809, %div3A_788 : i32
      %jit3A_811 = arith.constant 8 : i32
      %eq3A_812 = arith.constant 0 : i32
      %eq3A_813 = arith.cmpi eq, %jit3A_811, %eq3A_812 : i32
      %jit3A_814 = arith.constant 1 : i32
      %select_n3A_815 = arith.select %eq3A_813, %jit3A_814, %jit3A_811 : i32
      %rem3A_816 = arith.remsi %add3A_786, %select_n3A_815 : i32
      %ne3A_817 = arith.constant 0 : i32
      %ne3A_818 = arith.cmpi ne, %rem3A_816, %ne3A_817 : i32
      %lt3A_819 = arith.constant 0 : i32
      %lt3A_820 = arith.cmpi slt, %rem3A_816, %lt3A_819 : i32
      %lt3A_821 = arith.constant 0 : i32
      %lt3A_822 = arith.cmpi slt, %select_n3A_815, %lt3A_821 : i32
      %ne3A_823 = arith.xori %lt3A_820, %lt3A_822 : i1
      %and3A_824 = arith.andi %ne3A_823, %ne3A_818 : i1
      %add3A_825 = arith.addi %rem3A_816, %select_n3A_815 : i32
      %select_n3A_826 = arith.select %and3A_824, %add3A_825, %rem3A_816 : i32
      %mul3A_827 = arith.constant 32 : i32
      %mul3A_828 = arith.muli %select_n3A_30, %mul3A_827 : i32
      %mul3A_829 = arith.constant 512 : i32
      %mul3A_830 = arith.muli %select_n3A_826, %mul3A_829 : i32
      %dma_start3A_831 = tpu.memref_slice %arg4[%select_n3A_810, %mul3A_828, %mul3A_830] : memref<200x64x4096xf32, #tpu.memory_space<hbm>> -> memref<1x32x512xf32, #tpu.memory_space<hbm>>
      %dma_start3A_832 = tpu.memref_squeeze %dma_start3A_831 : memref<1x32x512xf32, #tpu.memory_space<hbm>> -> memref<32x512xf32, #tpu.memory_space<hbm>>
      %dma_start3A_833 = tpu.memref_slice %arg4[%select_n3A_810, %mul3A_828, %mul3A_830] : memref<200x64x4096xf32, #tpu.memory_space<hbm>> -> memref<1x32x512xf32, #tpu.memory_space<hbm>>
      %dma_start3A_834 = tpu.memref_squeeze %dma_start3A_833 : memref<1x32x512xf32, #tpu.memory_space<hbm>> -> memref<32x512xf32, #tpu.memory_space<hbm>>
      tpu.enqueue_dma source(%arg9 : memref<32x512xf32, #tpu.memory_space<vmem>>) target(%dma_start3A_834 : memref<32x512xf32, #tpu.memory_space<hbm>>) target_semaphore(%arg14 : memref<!tpu.dma_semaphore, #tpu.memory_space<semaphore_mem>>)
      %mul3A_835 = arith.constant 16 : i32
      %mul3A_836 = arith.muli %add3A_729, %mul3A_835 : i32
      %add3A_837 = arith.addi %select_n3A, %mul3A_836 : i32
      %jit3A_838 = arith.constant 8 : i32
      %div3A_839 = arith.divsi %add3A_837, %jit3A_838 : i32
      %sign3A_840 = arith.constant 0 : i32
      %sign3A_841 = arith.cmpi sgt, %add3A_837, %sign3A_840 : i32
      %sign3A_842 = arith.extui %sign3A_841 : i1 to i32
      %sign3A_843 = arith.constant 0 : i32
      %sign3A_844 = arith.cmpi slt, %add3A_837, %sign3A_843 : i32
      %sign3A_845 = arith.extui %sign3A_844 : i1 to i32
      %sign3A_846 = arith.subi %sign3A_842, %sign3A_845 : i32
      %sign3A_847 = arith.constant 0 : i32
      %sign3A_848 = arith.cmpi sgt, %jit3A_838, %sign3A_847 : i32
      %sign3A_849 = arith.extui %sign3A_848 : i1 to i32
      %sign3A_850 = arith.constant 0 : i32
      %sign3A_851 = arith.cmpi slt, %jit3A_838, %sign3A_850 : i32
      %sign3A_852 = arith.extui %sign3A_851 : i1 to i32
      %sign3A_853 = arith.subi %sign3A_849, %sign3A_852 : i32
      %ne3A_854 = arith.cmpi ne, %sign3A_846, %sign3A_853 : i32
      %rem3A_855 = arith.remsi %add3A_837, %jit3A_838 : i32
      %ne3A_856 = arith.constant 0 : i32
      %ne3A_857 = arith.cmpi ne, %rem3A_855, %ne3A_856 : i32
      %and3A_858 = arith.andi %ne3A_854, %ne3A_857 : i1
      %sub3A_859 = arith.constant 1 : i32
      %sub3A_860 = arith.subi %div3A_839, %sub3A_859 : i32
      %select_n3A_861 = arith.select %and3A_858, %sub3A_860, %div3A_839 : i32
      %jit3A_862 = arith.constant 8 : i32
      %eq3A_863 = arith.constant 0 : i32
      %eq3A_864 = arith.cmpi eq, %jit3A_862, %eq3A_863 : i32
      %jit3A_865 = arith.constant 1 : i32
      %select_n3A_866 = arith.select %eq3A_864, %jit3A_865, %jit3A_862 : i32
      %rem3A_867 = arith.remsi %add3A_837, %select_n3A_866 : i32
      %ne3A_868 = arith.constant 0 : i32
      %ne3A_869 = arith.cmpi ne, %rem3A_867, %ne3A_868 : i32
      %lt3A_870 = arith.constant 0 : i32
      %lt3A_871 = arith.cmpi slt, %rem3A_867, %lt3A_870 : i32
      %lt3A_872 = arith.constant 0 : i32
      %lt3A_873 = arith.cmpi slt, %select_n3A_866, %lt3A_872 : i32
      %ne3A_874 = arith.xori %lt3A_871, %lt3A_873 : i1
      %and3A_875 = arith.andi %ne3A_874, %ne3A_869 : i1
      %add3A_876 = arith.addi %rem3A_867, %select_n3A_866 : i32
      %select_n3A_877 = arith.select %and3A_875, %add3A_876, %rem3A_867 : i32
      %mul3A_878 = arith.constant 32 : i32
      %mul3A_879 = arith.muli %select_n3A_30, %mul3A_878 : i32
      %mul3A_880 = arith.constant 512 : i32
      %mul3A_881 = arith.muli %select_n3A_877, %mul3A_880 : i32
      %dma_wait3A_882 = tpu.memref_slice %arg4[%select_n3A_861, %mul3A_879, %mul3A_881] : memref<200x64x4096xf32, #tpu.memory_space<hbm>> -> memref<1x32x512xf32, #tpu.memory_space<hbm>>
      %dma_wait3A_883 = tpu.memref_squeeze %dma_wait3A_882 : memref<1x32x512xf32, #tpu.memory_space<hbm>> -> memref<32x512xf32, #tpu.memory_space<hbm>>
      %dma_wait3A_884 = tpu.memref_slice %arg4[%select_n3A_861, %mul3A_879, %mul3A_881] : memref<200x64x4096xf32, #tpu.memory_space<hbm>> -> memref<1x32x512xf32, #tpu.memory_space<hbm>>
      %dma_wait3A_885 = tpu.memref_squeeze %dma_wait3A_884 : memref<1x32x512xf32, #tpu.memory_space<hbm>> -> memref<32x512xf32, #tpu.memory_space<hbm>>
      tpu.wait_dma2 semaphore(%arg14 : memref<!tpu.dma_semaphore, #tpu.memory_space<semaphore_mem>>) src(%arg9 : memref<32x512xf32, #tpu.memory_space<vmem>>) dst(%dma_wait3A_885 : memref<32x512xf32, #tpu.memory_space<hbm>>)
      %add3A_886 = arith.constant 2 : i32
      %add3A_887 = arith.addi %add3A_729, %add3A_886 : i32
      %mul3A_888 = arith.constant 16 : i32
      %mul3A_889 = arith.muli %add3A_887, %mul3A_888 : i32
      %add3A_890 = arith.addi %select_n3A, %mul3A_889 : i32
      %jit3A_891 = arith.constant 8 : i32
      %div3A_892 = arith.divsi %add3A_890, %jit3A_891 : i32
      %sign3A_893 = arith.constant 0 : i32
      %sign3A_894 = arith.cmpi sgt, %add3A_890, %sign3A_893 : i32
      %sign3A_895 = arith.extui %sign3A_894 : i1 to i32
      %sign3A_896 = arith.constant 0 : i32
      %sign3A_897 = arith.cmpi slt, %add3A_890, %sign3A_896 : i32
      %sign3A_898 = arith.extui %sign3A_897 : i1 to i32
      %sign3A_899 = arith.subi %sign3A_895, %sign3A_898 : i32
      %sign3A_900 = arith.constant 0 : i32
      %sign3A_901 = arith.cmpi sgt, %jit3A_891, %sign3A_900 : i32
      %sign3A_902 = arith.extui %sign3A_901 : i1 to i32
      %sign3A_903 = arith.constant 0 : i32
      %sign3A_904 = arith.cmpi slt, %jit3A_891, %sign3A_903 : i32
      %sign3A_905 = arith.extui %sign3A_904 : i1 to i32
      %sign3A_906 = arith.subi %sign3A_902, %sign3A_905 : i32
      %ne3A_907 = arith.cmpi ne, %sign3A_899, %sign3A_906 : i32
      %rem3A_908 = arith.remsi %add3A_890, %jit3A_891 : i32
      %ne3A_909 = arith.constant 0 : i32
      %ne3A_910 = arith.cmpi ne, %rem3A_908, %ne3A_909 : i32
      %and3A_911 = arith.andi %ne3A_907, %ne3A_910 : i1
      %sub3A_912 = arith.constant 1 : i32
      %sub3A_913 = arith.subi %div3A_892, %sub3A_912 : i32
      %select_n3A_914 = arith.select %and3A_911, %sub3A_913, %div3A_892 : i32
      %jit3A_915 = arith.constant 8 : i32
      %eq3A_916 = arith.constant 0 : i32
      %eq3A_917 = arith.cmpi eq, %jit3A_915, %eq3A_916 : i32
      %jit3A_918 = arith.constant 1 : i32
      %select_n3A_919 = arith.select %eq3A_917, %jit3A_918, %jit3A_915 : i32
      %rem3A_920 = arith.remsi %add3A_890, %select_n3A_919 : i32
      %ne3A_921 = arith.constant 0 : i32
      %ne3A_922 = arith.cmpi ne, %rem3A_920, %ne3A_921 : i32
      %lt3A_923 = arith.constant 0 : i32
      %lt3A_924 = arith.cmpi slt, %rem3A_920, %lt3A_923 : i32
      %lt3A_925 = arith.constant 0 : i32
      %lt3A_926 = arith.cmpi slt, %select_n3A_919, %lt3A_925 : i32
      %ne3A_927 = arith.xori %lt3A_924, %lt3A_926 : i1
      %and3A_928 = arith.andi %ne3A_927, %ne3A_922 : i1
      %add3A_929 = arith.addi %rem3A_920, %select_n3A_919 : i32
      %select_n3A_930 = arith.select %and3A_928, %add3A_929, %rem3A_920 : i32
      %mul3A_931 = arith.constant 32 : i32
      %mul3A_932 = arith.muli %select_n3A_930, %mul3A_931 : i32
      %dma_start3A_933 = arith.constant 0 : i32
      %dma_start3A_934 = tpu.memref_slice %arg3[%select_n3A_914, %mul3A_932, %dma_start3A_933] : memref<200x256x16xi32, #tpu.memory_space<hbm>> -> memref<1x32x16xi32, #tpu.memory_space<hbm>>
      %dma_start3A_935 = tpu.memref_squeeze %dma_start3A_934 : memref<1x32x16xi32, #tpu.memory_space<hbm>> -> memref<32x16xi32, #tpu.memory_space<hbm>>
      %dma_start3A_936 = arith.constant 0 : i32
      %dma_start3A_937 = tpu.memref_slice %arg3[%select_n3A_914, %mul3A_932, %dma_start3A_936] : memref<200x256x16xi32, #tpu.memory_space<hbm>> -> memref<1x32x16xi32, #tpu.memory_space<hbm>>
      %dma_start3A_938 = tpu.memref_squeeze %dma_start3A_937 : memref<1x32x16xi32, #tpu.memory_space<hbm>> -> memref<32x16xi32, #tpu.memory_space<hbm>>
      tpu.enqueue_dma source(%dma_start3A_938 : memref<32x16xi32, #tpu.memory_space<hbm>>) target(%arg7 : memref<32x16xi32, #tpu.memory_space<vmem>>) target_semaphore(%arg12 : memref<!tpu.dma_semaphore, #tpu.memory_space<semaphore_mem>>)
    }
    %scan3A_206 = arith.constant 49 : i32
    %add3A_207 = arith.constant 1568 : i32
    %add3A_208 = arith.addi %select_n3A, %add3A_207 : i32
    %jit3A_209 = arith.constant 8 : i32
    %div3A_210 = arith.divsi %add3A_208, %jit3A_209 : i32
    %sign3A_211 = arith.constant 0 : i32
    %sign3A_212 = arith.cmpi sgt, %add3A_208, %sign3A_211 : i32
    %sign3A_213 = arith.extui %sign3A_212 : i1 to i32
    %sign3A_214 = arith.constant 0 : i32
    %sign3A_215 = arith.cmpi slt, %add3A_208, %sign3A_214 : i32
    %sign3A_216 = arith.extui %sign3A_215 : i1 to i32
    %sign3A_217 = arith.subi %sign3A_213, %sign3A_216 : i32
    %sign3A_218 = arith.constant 0 : i32
    %sign3A_219 = arith.cmpi sgt, %jit3A_209, %sign3A_218 : i32
    %sign3A_220 = arith.extui %sign3A_219 : i1 to i32
    %sign3A_221 = arith.constant 0 : i32
    %sign3A_222 = arith.cmpi slt, %jit3A_209, %sign3A_221 : i32
    %sign3A_223 = arith.extui %sign3A_222 : i1 to i32
    %sign3A_224 = arith.subi %sign3A_220, %sign3A_223 : i32
    %ne3A_225 = arith.cmpi ne, %sign3A_217, %sign3A_224 : i32
    %rem3A_226 = arith.remsi %add3A_208, %jit3A_209 : i32
    %ne3A_227 = arith.constant 0 : i32
    %ne3A_228 = arith.cmpi ne, %rem3A_226, %ne3A_227 : i32
    %and3A_229 = arith.andi %ne3A_225, %ne3A_228 : i1
    %sub3A_230 = arith.constant 1 : i32
    %sub3A_231 = arith.subi %div3A_210, %sub3A_230 : i32
    %select_n3A_232 = arith.select %and3A_229, %sub3A_231, %div3A_210 : i32
    %jit3A_233 = arith.constant 8 : i32
    %eq3A_234 = arith.constant 0 : i32
    %eq3A_235 = arith.cmpi eq, %jit3A_233, %eq3A_234 : i32
    %jit3A_236 = arith.constant 1 : i32
    %select_n3A_237 = arith.select %eq3A_235, %jit3A_236, %jit3A_233 : i32
    %rem3A_238 = arith.remsi %add3A_208, %select_n3A_237 : i32
    %ne3A_239 = arith.constant 0 : i32
    %ne3A_240 = arith.cmpi ne, %rem3A_238, %ne3A_239 : i32
    %lt3A_241 = arith.constant 0 : i32
    %lt3A_242 = arith.cmpi slt, %rem3A_238, %lt3A_241 : i32
    %lt3A_243 = arith.constant 0 : i32
    %lt3A_244 = arith.cmpi slt, %select_n3A_237, %lt3A_243 : i32
    %ne3A_245 = arith.xori %lt3A_242, %lt3A_244 : i1
    %and3A_246 = arith.andi %ne3A_245, %ne3A_240 : i1
    %add3A_247 = arith.addi %rem3A_238, %select_n3A_237 : i32
    %select_n3A_248 = arith.select %and3A_246, %add3A_247, %rem3A_238 : i32
    %mul3A_249 = arith.constant 32 : i32
    %mul3A_250 = arith.muli %select_n3A_248, %mul3A_249 : i32
    %dma_wait3A_251 = arith.constant 0 : i32
    %dma_wait3A_252 = tpu.memref_slice %arg3[%select_n3A_232, %mul3A_250, %dma_wait3A_251] : memref<200x256x16xi32, #tpu.memory_space<hbm>> -> memref<1x32x16xi32, #tpu.memory_space<hbm>>
    %dma_wait3A_253 = tpu.memref_squeeze %dma_wait3A_252 : memref<1x32x16xi32, #tpu.memory_space<hbm>> -> memref<32x16xi32, #tpu.memory_space<hbm>>
    %dma_wait3A_254 = arith.constant 0 : i32
    %dma_wait3A_255 = tpu.memref_slice %arg3[%select_n3A_232, %mul3A_250, %dma_wait3A_254] : memref<200x256x16xi32, #tpu.memory_space<hbm>> -> memref<1x32x16xi32, #tpu.memory_space<hbm>>
    %dma_wait3A_256 = tpu.memref_squeeze %dma_wait3A_255 : memref<1x32x16xi32, #tpu.memory_space<hbm>> -> memref<32x16xi32, #tpu.memory_space<hbm>>
    tpu.wait_dma2 semaphore(%arg11 : memref<!tpu.dma_semaphore, #tpu.memory_space<semaphore_mem>>) src(%dma_wait3A_256 : memref<32x16xi32, #tpu.memory_space<hbm>>) dst(%arg6 : memref<32x16xi32, #tpu.memory_space<vmem>>)
    %parallel_loop3A = arith.constant 0 : i32
    %parallel_loop3A_257 = arith.constant 32 : i32
    %parallel_loop3A_258 = arith.constant 1 : i32
    scf.for %parallel_loop3A_512 = %parallel_loop3A to %parallel_loop3A_257 step %parallel_loop3A_258  : i32 {
      %parallel_loop3A_513 = arith.index_cast %parallel_loop3A_512 : i32 to index
      %parallel_loop3A_514 = arith.constant 0 : index
      %parallel_loop3A_515 = tpu.vector_load %arg6[%parallel_loop3A_513, %parallel_loop3A_514] {strides = array<i32>} : memref<32x16xi32, #tpu.memory_space<vmem>>, vector<16xi32>,
      %parallel_loop3A_516 = tpu.vector_load_idx %arg5[%broadcast_in_dim3A_39, %parallel_loop3A_515] : memref<32x2048xf32, #tpu.memory_space<vmem>>[vector<16xi32>, vector<16xi32>], vector<16xf32>,
      %parallel_loop3A_517 = arith.constant 16 : i32
      %parallel_loop3A_518 = arith.muli %parallel_loop3A_512, %parallel_loop3A_517 : i32
      %parallel_loop3A_519 = arith.constant 0 : i32
      %parallel_loop3A_520 = arith.index_cast %parallel_loop3A_519 : i32 to index
      %parallel_loop3A_521 = arith.index_cast %parallel_loop3A_518 : i32 to index
      %parallel_loop3A_522 = tpu.vector_load %arg8[%parallel_loop3A_520, %parallel_loop3A_521] {strides = array<i32>} : memref<32x512xf32, #tpu.memory_space<vmem>>, vector<16xf32>,
      tpu.vector_store %arg8[%parallel_loop3A_520, %parallel_loop3A_521], %parallel_loop3A_516 {strides = array<i32>} : memref<32x512xf32, #tpu.memory_space<vmem>>, vector<16xf32>,
      %parallel_loop3A_523 = tpu.vector_load_idx %arg5[%broadcast_in_dim3A_41, %parallel_loop3A_515] : memref<32x2048xf32, #tpu.memory_space<vmem>>[vector<16xi32>, vector<16xi32>], vector<16xf32>,
      %parallel_loop3A_524 = arith.constant 16 : i32
      %parallel_loop3A_525 = arith.muli %parallel_loop3A_512, %parallel_loop3A_524 : i32
      %parallel_loop3A_526 = arith.constant 1 : i32
      %parallel_loop3A_527 = arith.index_cast %parallel_loop3A_526 : i32 to index
      %parallel_loop3A_528 = arith.index_cast %parallel_loop3A_525 : i32 to index
      %parallel_loop3A_529 = tpu.vector_load %arg8[%parallel_loop3A_527, %parallel_loop3A_528] {strides = array<i32>} : memref<32x512xf32, #tpu.memory_space<vmem>>, vector<16xf32>,
      tpu.vector_store %arg8[%parallel_loop3A_527, %parallel_loop3A_528], %parallel_loop3A_523 {strides = array<i32>} : memref<32x512xf32, #tpu.memory_space<vmem>>, vector<16xf32>,
      %parallel_loop3A_530 = tpu.vector_load_idx %arg5[%broadcast_in_dim3A_43, %parallel_loop3A_515] : memref<32x2048xf32, #tpu.memory_space<vmem>>[vector<16xi32>, vector<16xi32>], vector<16xf32>,
      %parallel_loop3A_531 = arith.constant 16 : i32
      %parallel_loop3A_532 = arith.muli %parallel_loop3A_512, %parallel_loop3A_531 : i32
      %parallel_loop3A_533 = arith.constant 2 : i32
      %parallel_loop3A_534 = arith.index_cast %parallel_loop3A_533 : i32 to index
      %parallel_loop3A_535 = arith.index_cast %parallel_loop3A_532 : i32 to index
      %parallel_loop3A_536 = tpu.vector_load %arg8[%parallel_loop3A_534, %parallel_loop3A_535] {strides = array<i32>} : memref<32x512xf32, #tpu.memory_space<vmem>>, vector<16xf32>,
      tpu.vector_store %arg8[%parallel_loop3A_534, %parallel_loop3A_535], %parallel_loop3A_530 {strides = array<i32>} : memref<32x512xf32, #tpu.memory_space<vmem>>, vector<16xf32>,
      %parallel_loop3A_537 = tpu.vector_load_idx %arg5[%broadcast_in_dim3A_45, %parallel_loop3A_515] : memref<32x2048xf32, #tpu.memory_space<vmem>>[vector<16xi32>, vector<16xi32>], vector<16xf32>,
      %parallel_loop3A_538 = arith.constant 16 : i32
      %parallel_loop3A_539 = arith.muli %parallel_loop3A_512, %parallel_loop3A_538 : i32
      %parallel_loop3A_540 = arith.constant 3 : i32
      %parallel_loop3A_541 = arith.index_cast %parallel_loop3A_540 : i32 to index
      %parallel_loop3A_542 = arith.index_cast %parallel_loop3A_539 : i32 to index
      %parallel_loop3A_543 = tpu.vector_load %arg8[%parallel_loop3A_541, %parallel_loop3A_542] {strides = array<i32>} : memref<32x512xf32, #tpu.memory_space<vmem>>, vector<16xf32>,
      tpu.vector_store %arg8[%parallel_loop3A_541, %parallel_loop3A_542], %parallel_loop3A_537 {strides = array<i32>} : memref<32x512xf32, #tpu.memory_space<vmem>>, vector<16xf32>,
      %parallel_loop3A_544 = tpu.vector_load_idx %arg5[%broadcast_in_dim3A_47, %parallel_loop3A_515] : memref<32x2048xf32, #tpu.memory_space<vmem>>[vector<16xi32>, vector<16xi32>], vector<16xf32>,
      %parallel_loop3A_545 = arith.constant 16 : i32
      %parallel_loop3A_546 = arith.muli %parallel_loop3A_512, %parallel_loop3A_545 : i32
      %parallel_loop3A_547 = arith.constant 4 : i32
      %parallel_loop3A_548 = arith.index_cast %parallel_loop3A_547 : i32 to index
      %parallel_loop3A_549 = arith.index_cast %parallel_loop3A_546 : i32 to index
      %parallel_loop3A_550 = tpu.vector_load %arg8[%parallel_loop3A_548, %parallel_loop3A_549] {strides = array<i32>} : memref<32x512xf32, #tpu.memory_space<vmem>>, vector<16xf32>,
      tpu.vector_store %arg8[%parallel_loop3A_548, %parallel_loop3A_549], %parallel_loop3A_544 {strides = array<i32>} : memref<32x512xf32, #tpu.memory_space<vmem>>, vector<16xf32>,
      %parallel_loop3A_551 = tpu.vector_load_idx %arg5[%broadcast_in_dim3A_49, %parallel_loop3A_515] : memref<32x2048xf32, #tpu.memory_space<vmem>>[vector<16xi32>, vector<16xi32>], vector<16xf32>,
      %parallel_loop3A_552 = arith.constant 16 : i32
      %parallel_loop3A_553 = arith.muli %parallel_loop3A_512, %parallel_loop3A_552 : i32
      %parallel_loop3A_554 = arith.constant 5 : i32
      %parallel_loop3A_555 = arith.index_cast %parallel_loop3A_554 : i32 to index
      %parallel_loop3A_556 = arith.index_cast %parallel_loop3A_553 : i32 to index
      %parallel_loop3A_557 = tpu.vector_load %arg8[%parallel_loop3A_555, %parallel_loop3A_556] {strides = array<i32>} : memref<32x512xf32, #tpu.memory_space<vmem>>, vector<16xf32>,
      tpu.vector_store %arg8[%parallel_loop3A_555, %parallel_loop3A_556], %parallel_loop3A_551 {strides = array<i32>} : memref<32x512xf32, #tpu.memory_space<vmem>>, vector<16xf32>,
      %parallel_loop3A_558 = tpu.vector_load_idx %arg5[%broadcast_in_dim3A_51, %parallel_loop3A_515] : memref<32x2048xf32, #tpu.memory_space<vmem>>[vector<16xi32>, vector<16xi32>], vector<16xf32>,
      %parallel_loop3A_559 = arith.constant 16 : i32
      %parallel_loop3A_560 = arith.muli %parallel_loop3A_512, %parallel_loop3A_559 : i32
      %parallel_loop3A_561 = arith.constant 6 : i32
      %parallel_loop3A_562 = arith.index_cast %parallel_loop3A_561 : i32 to index
      %parallel_loop3A_563 = arith.index_cast %parallel_loop3A_560 : i32 to index
      %parallel_loop3A_564 = tpu.vector_load %arg8[%parallel_loop3A_562, %parallel_loop3A_563] {strides = array<i32>} : memref<32x512xf32, #tpu.memory_space<vmem>>, vector<16xf32>,
      tpu.vector_store %arg8[%parallel_loop3A_562, %parallel_loop3A_563], %parallel_loop3A_558 {strides = array<i32>} : memref<32x512xf32, #tpu.memory_space<vmem>>, vector<16xf32>,
      %parallel_loop3A_565 = tpu.vector_load_idx %arg5[%broadcast_in_dim3A_53, %parallel_loop3A_515] : memref<32x2048xf32, #tpu.memory_space<vmem>>[vector<16xi32>, vector<16xi32>], vector<16xf32>,
      %parallel_loop3A_566 = arith.constant 16 : i32
      %parallel_loop3A_567 = arith.muli %parallel_loop3A_512, %parallel_loop3A_566 : i32
      %parallel_loop3A_568 = arith.constant 7 : i32
      %parallel_loop3A_569 = arith.index_cast %parallel_loop3A_568 : i32 to index
      %parallel_loop3A_570 = arith.index_cast %parallel_loop3A_567 : i32 to index
      %parallel_loop3A_571 = tpu.vector_load %arg8[%parallel_loop3A_569, %parallel_loop3A_570] {strides = array<i32>} : memref<32x512xf32, #tpu.memory_space<vmem>>, vector<16xf32>,
      tpu.vector_store %arg8[%parallel_loop3A_569, %parallel_loop3A_570], %parallel_loop3A_565 {strides = array<i32>} : memref<32x512xf32, #tpu.memory_space<vmem>>, vector<16xf32>,
      %parallel_loop3A_572 = tpu.vector_load_idx %arg5[%broadcast_in_dim3A_55, %parallel_loop3A_515] : memref<32x2048xf32, #tpu.memory_space<vmem>>[vector<16xi32>, vector<16xi32>], vector<16xf32>,
      %parallel_loop3A_573 = arith.constant 16 : i32
      %parallel_loop3A_574 = arith.muli %parallel_loop3A_512, %parallel_loop3A_573 : i32
      %parallel_loop3A_575 = arith.constant 8 : i32
      %parallel_loop3A_576 = arith.index_cast %parallel_loop3A_575 : i32 to index
      %parallel_loop3A_577 = arith.index_cast %parallel_loop3A_574 : i32 to index
      %parallel_loop3A_578 = tpu.vector_load %arg8[%parallel_loop3A_576, %parallel_loop3A_577] {strides = array<i32>} : memref<32x512xf32, #tpu.memory_space<vmem>>, vector<16xf32>,
      tpu.vector_store %arg8[%parallel_loop3A_576, %parallel_loop3A_577], %parallel_loop3A_572 {strides = array<i32>} : memref<32x512xf32, #tpu.memory_space<vmem>>, vector<16xf32>,
      %parallel_loop3A_579 = tpu.vector_load_idx %arg5[%broadcast_in_dim3A_57, %parallel_loop3A_515] : memref<32x2048xf32, #tpu.memory_space<vmem>>[vector<16xi32>, vector<16xi32>], vector<16xf32>,
      %parallel_loop3A_580 = arith.constant 16 : i32
      %parallel_loop3A_581 = arith.muli %parallel_loop3A_512, %parallel_loop3A_580 : i32
      %parallel_loop3A_582 = arith.constant 9 : i32
      %parallel_loop3A_583 = arith.index_cast %parallel_loop3A_582 : i32 to index
      %parallel_loop3A_584 = arith.index_cast %parallel_loop3A_581 : i32 to index
      %parallel_loop3A_585 = tpu.vector_load %arg8[%parallel_loop3A_583, %parallel_loop3A_584] {strides = array<i32>} : memref<32x512xf32, #tpu.memory_space<vmem>>, vector<16xf32>,
      tpu.vector_store %arg8[%parallel_loop3A_583, %parallel_loop3A_584], %parallel_loop3A_579 {strides = array<i32>} : memref<32x512xf32, #tpu.memory_space<vmem>>, vector<16xf32>,
      %parallel_loop3A_586 = tpu.vector_load_idx %arg5[%broadcast_in_dim3A_59, %parallel_loop3A_515] : memref<32x2048xf32, #tpu.memory_space<vmem>>[vector<16xi32>, vector<16xi32>], vector<16xf32>,
      %parallel_loop3A_587 = arith.constant 16 : i32
      %parallel_loop3A_588 = arith.muli %parallel_loop3A_512, %parallel_loop3A_587 : i32
      %parallel_loop3A_589 = arith.constant 10 : i32
      %parallel_loop3A_590 = arith.index_cast %parallel_loop3A_589 : i32 to index
      %parallel_loop3A_591 = arith.index_cast %parallel_loop3A_588 : i32 to index
      %parallel_loop3A_592 = tpu.vector_load %arg8[%parallel_loop3A_590, %parallel_loop3A_591] {strides = array<i32>} : memref<32x512xf32, #tpu.memory_space<vmem>>, vector<16xf32>,
      tpu.vector_store %arg8[%parallel_loop3A_590, %parallel_loop3A_591], %parallel_loop3A_586 {strides = array<i32>} : memref<32x512xf32, #tpu.memory_space<vmem>>, vector<16xf32>,
      %parallel_loop3A_593 = tpu.vector_load_idx %arg5[%broadcast_in_dim3A_61, %parallel_loop3A_515] : memref<32x2048xf32, #tpu.memory_space<vmem>>[vector<16xi32>, vector<16xi32>], vector<16xf32>,
      %parallel_loop3A_594 = arith.constant 16 : i32
      %parallel_loop3A_595 = arith.muli %parallel_loop3A_512, %parallel_loop3A_594 : i32
      %parallel_loop3A_596 = arith.constant 11 : i32
      %parallel_loop3A_597 = arith.index_cast %parallel_loop3A_596 : i32 to index
      %parallel_loop3A_598 = arith.index_cast %parallel_loop3A_595 : i32 to index
      %parallel_loop3A_599 = tpu.vector_load %arg8[%parallel_loop3A_597, %parallel_loop3A_598] {strides = array<i32>} : memref<32x512xf32, #tpu.memory_space<vmem>>, vector<16xf32>,
      tpu.vector_store %arg8[%parallel_loop3A_597, %parallel_loop3A_598], %parallel_loop3A_593 {strides = array<i32>} : memref<32x512xf32, #tpu.memory_space<vmem>>, vector<16xf32>,
      %parallel_loop3A_600 = tpu.vector_load_idx %arg5[%broadcast_in_dim3A_63, %parallel_loop3A_515] : memref<32x2048xf32, #tpu.memory_space<vmem>>[vector<16xi32>, vector<16xi32>], vector<16xf32>,
      %parallel_loop3A_601 = arith.constant 16 : i32
      %parallel_loop3A_602 = arith.muli %parallel_loop3A_512, %parallel_loop3A_601 : i32
      %parallel_loop3A_603 = arith.constant 12 : i32
      %parallel_loop3A_604 = arith.index_cast %parallel_loop3A_603 : i32 to index
      %parallel_loop3A_605 = arith.index_cast %parallel_loop3A_602 : i32 to index
      %parallel_loop3A_606 = tpu.vector_load %arg8[%parallel_loop3A_604, %parallel_loop3A_605] {strides = array<i32>} : memref<32x512xf32, #tpu.memory_space<vmem>>, vector<16xf32>,
      tpu.vector_store %arg8[%parallel_loop3A_604, %parallel_loop3A_605], %parallel_loop3A_600 {strides = array<i32>} : memref<32x512xf32, #tpu.memory_space<vmem>>, vector<16xf32>,
      %parallel_loop3A_607 = tpu.vector_load_idx %arg5[%broadcast_in_dim3A_65, %parallel_loop3A_515] : memref<32x2048xf32, #tpu.memory_space<vmem>>[vector<16xi32>, vector<16xi32>], vector<16xf32>,
      %parallel_loop3A_608 = arith.constant 16 : i32
      %parallel_loop3A_609 = arith.muli %parallel_loop3A_512, %parallel_loop3A_608 : i32
      %parallel_loop3A_610 = arith.constant 13 : i32
      %parallel_loop3A_611 = arith.index_cast %parallel_loop3A_610 : i32 to index
      %parallel_loop3A_612 = arith.index_cast %parallel_loop3A_609 : i32 to index
      %parallel_loop3A_613 = tpu.vector_load %arg8[%parallel_loop3A_611, %parallel_loop3A_612] {strides = array<i32>} : memref<32x512xf32, #tpu.memory_space<vmem>>, vector<16xf32>,
      tpu.vector_store %arg8[%parallel_loop3A_611, %parallel_loop3A_612], %parallel_loop3A_607 {strides = array<i32>} : memref<32x512xf32, #tpu.memory_space<vmem>>, vector<16xf32>,
      %parallel_loop3A_614 = tpu.vector_load_idx %arg5[%broadcast_in_dim3A_67, %parallel_loop3A_515] : memref<32x2048xf32, #tpu.memory_space<vmem>>[vector<16xi32>, vector<16xi32>], vector<16xf32>,
      %parallel_loop3A_615 = arith.constant 16 : i32
      %parallel_loop3A_616 = arith.muli %parallel_loop3A_512, %parallel_loop3A_615 : i32
      %parallel_loop3A_617 = arith.constant 14 : i32
      %parallel_loop3A_618 = arith.index_cast %parallel_loop3A_617 : i32 to index
      %parallel_loop3A_619 = arith.index_cast %parallel_loop3A_616 : i32 to index
      %parallel_loop3A_620 = tpu.vector_load %arg8[%parallel_loop3A_618, %parallel_loop3A_619] {strides = array<i32>} : memref<32x512xf32, #tpu.memory_space<vmem>>, vector<16xf32>,
      tpu.vector_store %arg8[%parallel_loop3A_618, %parallel_loop3A_619], %parallel_loop3A_614 {strides = array<i32>} : memref<32x512xf32, #tpu.memory_space<vmem>>, vector<16xf32>,
      %parallel_loop3A_621 = tpu.vector_load_idx %arg5[%broadcast_in_dim3A_69, %parallel_loop3A_515] : memref<32x2048xf32, #tpu.memory_space<vmem>>[vector<16xi32>, vector<16xi32>], vector<16xf32>,
      %parallel_loop3A_622 = arith.constant 16 : i32
      %parallel_loop3A_623 = arith.muli %parallel_loop3A_512, %parallel_loop3A_622 : i32
      %parallel_loop3A_624 = arith.constant 15 : i32
      %parallel_loop3A_625 = arith.index_cast %parallel_loop3A_624 : i32 to index
      %parallel_loop3A_626 = arith.index_cast %parallel_loop3A_623 : i32 to index
      %parallel_loop3A_627 = tpu.vector_load %arg8[%parallel_loop3A_625, %parallel_loop3A_626] {strides = array<i32>} : memref<32x512xf32, #tpu.memory_space<vmem>>, vector<16xf32>,
      tpu.vector_store %arg8[%parallel_loop3A_625, %parallel_loop3A_626], %parallel_loop3A_621 {strides = array<i32>} : memref<32x512xf32, #tpu.memory_space<vmem>>, vector<16xf32>,
      %parallel_loop3A_628 = tpu.vector_load_idx %arg5[%broadcast_in_dim3A_71, %parallel_loop3A_515] : memref<32x2048xf32, #tpu.memory_space<vmem>>[vector<16xi32>, vector<16xi32>], vector<16xf32>,
      %parallel_loop3A_629 = arith.constant 16 : i32
      %parallel_loop3A_630 = arith.muli %parallel_loop3A_512, %parallel_loop3A_629 : i32
      %parallel_loop3A_631 = arith.constant 16 : i32
      %parallel_loop3A_632 = arith.index_cast %parallel_loop3A_631 : i32 to index
      %parallel_loop3A_633 = arith.index_cast %parallel_loop3A_630 : i32 to index
      %parallel_loop3A_634 = tpu.vector_load %arg8[%parallel_loop3A_632, %parallel_loop3A_633] {strides = array<i32>} : memref<32x512xf32, #tpu.memory_space<vmem>>, vector<16xf32>,
      tpu.vector_store %arg8[%parallel_loop3A_632, %parallel_loop3A_633], %parallel_loop3A_628 {strides = array<i32>} : memref<32x512xf32, #tpu.memory_space<vmem>>, vector<16xf32>,
      %parallel_loop3A_635 = tpu.vector_load_idx %arg5[%broadcast_in_dim3A_73, %parallel_loop3A_515] : memref<32x2048xf32, #tpu.memory_space<vmem>>[vector<16xi32>, vector<16xi32>], vector<16xf32>,
      %parallel_loop3A_636 = arith.constant 16 : i32
      %parallel_loop3A_637 = arith.muli %parallel_loop3A_512, %parallel_loop3A_636 : i32
      %parallel_loop3A_638 = arith.constant 17 : i32
      %parallel_loop3A_639 = arith.index_cast %parallel_loop3A_638 : i32 to index
      %parallel_loop3A_640 = arith.index_cast %parallel_loop3A_637 : i32 to index
      %parallel_loop3A_641 = tpu.vector_load %arg8[%parallel_loop3A_639, %parallel_loop3A_640] {strides = array<i32>} : memref<32x512xf32, #tpu.memory_space<vmem>>, vector<16xf32>,
      tpu.vector_store %arg8[%parallel_loop3A_639, %parallel_loop3A_640], %parallel_loop3A_635 {strides = array<i32>} : memref<32x512xf32, #tpu.memory_space<vmem>>, vector<16xf32>,
      %parallel_loop3A_642 = tpu.vector_load_idx %arg5[%broadcast_in_dim3A_75, %parallel_loop3A_515] : memref<32x2048xf32, #tpu.memory_space<vmem>>[vector<16xi32>, vector<16xi32>], vector<16xf32>,
      %parallel_loop3A_643 = arith.constant 16 : i32
      %parallel_loop3A_644 = arith.muli %parallel_loop3A_512, %parallel_loop3A_643 : i32
      %parallel_loop3A_645 = arith.constant 18 : i32
      %parallel_loop3A_646 = arith.index_cast %parallel_loop3A_645 : i32 to index
      %parallel_loop3A_647 = arith.index_cast %parallel_loop3A_644 : i32 to index
      %parallel_loop3A_648 = tpu.vector_load %arg8[%parallel_loop3A_646, %parallel_loop3A_647] {strides = array<i32>} : memref<32x512xf32, #tpu.memory_space<vmem>>, vector<16xf32>,
      tpu.vector_store %arg8[%parallel_loop3A_646, %parallel_loop3A_647], %parallel_loop3A_642 {strides = array<i32>} : memref<32x512xf32, #tpu.memory_space<vmem>>, vector<16xf32>,
      %parallel_loop3A_649 = tpu.vector_load_idx %arg5[%broadcast_in_dim3A_77, %parallel_loop3A_515] : memref<32x2048xf32, #tpu.memory_space<vmem>>[vector<16xi32>, vector<16xi32>], vector<16xf32>,
      %parallel_loop3A_650 = arith.constant 16 : i32
      %parallel_loop3A_651 = arith.muli %parallel_loop3A_512, %parallel_loop3A_650 : i32
      %parallel_loop3A_652 = arith.constant 19 : i32
      %parallel_loop3A_653 = arith.index_cast %parallel_loop3A_652 : i32 to index
      %parallel_loop3A_654 = arith.index_cast %parallel_loop3A_651 : i32 to index
      %parallel_loop3A_655 = tpu.vector_load %arg8[%parallel_loop3A_653, %parallel_loop3A_654] {strides = array<i32>} : memref<32x512xf32, #tpu.memory_space<vmem>>, vector<16xf32>,
      tpu.vector_store %arg8[%parallel_loop3A_653, %parallel_loop3A_654], %parallel_loop3A_649 {strides = array<i32>} : memref<32x512xf32, #tpu.memory_space<vmem>>, vector<16xf32>,
      %parallel_loop3A_656 = tpu.vector_load_idx %arg5[%broadcast_in_dim3A_79, %parallel_loop3A_515] : memref<32x2048xf32, #tpu.memory_space<vmem>>[vector<16xi32>, vector<16xi32>], vector<16xf32>,
      %parallel_loop3A_657 = arith.constant 16 : i32
      %parallel_loop3A_658 = arith.muli %parallel_loop3A_512, %parallel_loop3A_657 : i32
      %parallel_loop3A_659 = arith.constant 20 : i32
      %parallel_loop3A_660 = arith.index_cast %parallel_loop3A_659 : i32 to index
      %parallel_loop3A_661 = arith.index_cast %parallel_loop3A_658 : i32 to index
      %parallel_loop3A_662 = tpu.vector_load %arg8[%parallel_loop3A_660, %parallel_loop3A_661] {strides = array<i32>} : memref<32x512xf32, #tpu.memory_space<vmem>>, vector<16xf32>,
      tpu.vector_store %arg8[%parallel_loop3A_660, %parallel_loop3A_661], %parallel_loop3A_656 {strides = array<i32>} : memref<32x512xf32, #tpu.memory_space<vmem>>, vector<16xf32>,
      %parallel_loop3A_663 = tpu.vector_load_idx %arg5[%broadcast_in_dim3A_81, %parallel_loop3A_515] : memref<32x2048xf32, #tpu.memory_space<vmem>>[vector<16xi32>, vector<16xi32>], vector<16xf32>,
      %parallel_loop3A_664 = arith.constant 16 : i32
      %parallel_loop3A_665 = arith.muli %parallel_loop3A_512, %parallel_loop3A_664 : i32
      %parallel_loop3A_666 = arith.constant 21 : i32
      %parallel_loop3A_667 = arith.index_cast %parallel_loop3A_666 : i32 to index
      %parallel_loop3A_668 = arith.index_cast %parallel_loop3A_665 : i32 to index
      %parallel_loop3A_669 = tpu.vector_load %arg8[%parallel_loop3A_667, %parallel_loop3A_668] {strides = array<i32>} : memref<32x512xf32, #tpu.memory_space<vmem>>, vector<16xf32>,
      tpu.vector_store %arg8[%parallel_loop3A_667, %parallel_loop3A_668], %parallel_loop3A_663 {strides = array<i32>} : memref<32x512xf32, #tpu.memory_space<vmem>>, vector<16xf32>,
      %parallel_loop3A_670 = tpu.vector_load_idx %arg5[%broadcast_in_dim3A_83, %parallel_loop3A_515] : memref<32x2048xf32, #tpu.memory_space<vmem>>[vector<16xi32>, vector<16xi32>], vector<16xf32>,
      %parallel_loop3A_671 = arith.constant 16 : i32
      %parallel_loop3A_672 = arith.muli %parallel_loop3A_512, %parallel_loop3A_671 : i32
      %parallel_loop3A_673 = arith.constant 22 : i32
      %parallel_loop3A_674 = arith.index_cast %parallel_loop3A_673 : i32 to index
      %parallel_loop3A_675 = arith.index_cast %parallel_loop3A_672 : i32 to index
      %parallel_loop3A_676 = tpu.vector_load %arg8[%parallel_loop3A_674, %parallel_loop3A_675] {strides = array<i32>} : memref<32x512xf32, #tpu.memory_space<vmem>>, vector<16xf32>,
      tpu.vector_store %arg8[%parallel_loop3A_674, %parallel_loop3A_675], %parallel_loop3A_670 {strides = array<i32>} : memref<32x512xf32, #tpu.memory_space<vmem>>, vector<16xf32>,
      %parallel_loop3A_677 = tpu.vector_load_idx %arg5[%broadcast_in_dim3A_85, %parallel_loop3A_515] : memref<32x2048xf32, #tpu.memory_space<vmem>>[vector<16xi32>, vector<16xi32>], vector<16xf32>,
      %parallel_loop3A_678 = arith.constant 16 : i32
      %parallel_loop3A_679 = arith.muli %parallel_loop3A_512, %parallel_loop3A_678 : i32
      %parallel_loop3A_680 = arith.constant 23 : i32
      %parallel_loop3A_681 = arith.index_cast %parallel_loop3A_680 : i32 to index
      %parallel_loop3A_682 = arith.index_cast %parallel_loop3A_679 : i32 to index
      %parallel_loop3A_683 = tpu.vector_load %arg8[%parallel_loop3A_681, %parallel_loop3A_682] {strides = array<i32>} : memref<32x512xf32, #tpu.memory_space<vmem>>, vector<16xf32>,
      tpu.vector_store %arg8[%parallel_loop3A_681, %parallel_loop3A_682], %parallel_loop3A_677 {strides = array<i32>} : memref<32x512xf32, #tpu.memory_space<vmem>>, vector<16xf32>,
      %parallel_loop3A_684 = tpu.vector_load_idx %arg5[%broadcast_in_dim3A_87, %parallel_loop3A_515] : memref<32x2048xf32, #tpu.memory_space<vmem>>[vector<16xi32>, vector<16xi32>], vector<16xf32>,
      %parallel_loop3A_685 = arith.constant 16 : i32
      %parallel_loop3A_686 = arith.muli %parallel_loop3A_512, %parallel_loop3A_685 : i32
      %parallel_loop3A_687 = arith.constant 24 : i32
      %parallel_loop3A_688 = arith.index_cast %parallel_loop3A_687 : i32 to index
      %parallel_loop3A_689 = arith.index_cast %parallel_loop3A_686 : i32 to index
      %parallel_loop3A_690 = tpu.vector_load %arg8[%parallel_loop3A_688, %parallel_loop3A_689] {strides = array<i32>} : memref<32x512xf32, #tpu.memory_space<vmem>>, vector<16xf32>,
      tpu.vector_store %arg8[%parallel_loop3A_688, %parallel_loop3A_689], %parallel_loop3A_684 {strides = array<i32>} : memref<32x512xf32, #tpu.memory_space<vmem>>, vector<16xf32>,
      %parallel_loop3A_691 = tpu.vector_load_idx %arg5[%broadcast_in_dim3A_89, %parallel_loop3A_515] : memref<32x2048xf32, #tpu.memory_space<vmem>>[vector<16xi32>, vector<16xi32>], vector<16xf32>,
      %parallel_loop3A_692 = arith.constant 16 : i32
      %parallel_loop3A_693 = arith.muli %parallel_loop3A_512, %parallel_loop3A_692 : i32
      %parallel_loop3A_694 = arith.constant 25 : i32
      %parallel_loop3A_695 = arith.index_cast %parallel_loop3A_694 : i32 to index
      %parallel_loop3A_696 = arith.index_cast %parallel_loop3A_693 : i32 to index
      %parallel_loop3A_697 = tpu.vector_load %arg8[%parallel_loop3A_695, %parallel_loop3A_696] {strides = array<i32>} : memref<32x512xf32, #tpu.memory_space<vmem>>, vector<16xf32>,
      tpu.vector_store %arg8[%parallel_loop3A_695, %parallel_loop3A_696], %parallel_loop3A_691 {strides = array<i32>} : memref<32x512xf32, #tpu.memory_space<vmem>>, vector<16xf32>,
      %parallel_loop3A_698 = tpu.vector_load_idx %arg5[%broadcast_in_dim3A_91, %parallel_loop3A_515] : memref<32x2048xf32, #tpu.memory_space<vmem>>[vector<16xi32>, vector<16xi32>], vector<16xf32>,
      %parallel_loop3A_699 = arith.constant 16 : i32
      %parallel_loop3A_700 = arith.muli %parallel_loop3A_512, %parallel_loop3A_699 : i32
      %parallel_loop3A_701 = arith.constant 26 : i32
      %parallel_loop3A_702 = arith.index_cast %parallel_loop3A_701 : i32 to index
      %parallel_loop3A_703 = arith.index_cast %parallel_loop3A_700 : i32 to index
      %parallel_loop3A_704 = tpu.vector_load %arg8[%parallel_loop3A_702, %parallel_loop3A_703] {strides = array<i32>} : memref<32x512xf32, #tpu.memory_space<vmem>>, vector<16xf32>,
      tpu.vector_store %arg8[%parallel_loop3A_702, %parallel_loop3A_703], %parallel_loop3A_698 {strides = array<i32>} : memref<32x512xf32, #tpu.memory_space<vmem>>, vector<16xf32>,
      %parallel_loop3A_705 = tpu.vector_load_idx %arg5[%broadcast_in_dim3A_93, %parallel_loop3A_515] : memref<32x2048xf32, #tpu.memory_space<vmem>>[vector<16xi32>, vector<16xi32>], vector<16xf32>,
      %parallel_loop3A_706 = arith.constant 16 : i32
      %parallel_loop3A_707 = arith.muli %parallel_loop3A_512, %parallel_loop3A_706 : i32
      %parallel_loop3A_708 = arith.constant 27 : i32
      %parallel_loop3A_709 = arith.index_cast %parallel_loop3A_708 : i32 to index
      %parallel_loop3A_710 = arith.index_cast %parallel_loop3A_707 : i32 to index
      %parallel_loop3A_711 = tpu.vector_load %arg8[%parallel_loop3A_709, %parallel_loop3A_710] {strides = array<i32>} : memref<32x512xf32, #tpu.memory_space<vmem>>, vector<16xf32>,
      tpu.vector_store %arg8[%parallel_loop3A_709, %parallel_loop3A_710], %parallel_loop3A_705 {strides = array<i32>} : memref<32x512xf32, #tpu.memory_space<vmem>>, vector<16xf32>,
      %parallel_loop3A_712 = tpu.vector_load_idx %arg5[%broadcast_in_dim3A_95, %parallel_loop3A_515] : memref<32x2048xf32, #tpu.memory_space<vmem>>[vector<16xi32>, vector<16xi32>], vector<16xf32>,
      %parallel_loop3A_713 = arith.constant 16 : i32
      %parallel_loop3A_714 = arith.muli %parallel_loop3A_512, %parallel_loop3A_713 : i32
      %parallel_loop3A_715 = arith.constant 28 : i32
      %parallel_loop3A_716 = arith.index_cast %parallel_loop3A_715 : i32 to index
      %parallel_loop3A_717 = arith.index_cast %parallel_loop3A_714 : i32 to index
      %parallel_loop3A_718 = tpu.vector_load %arg8[%parallel_loop3A_716, %parallel_loop3A_717] {strides = array<i32>} : memref<32x512xf32, #tpu.memory_space<vmem>>, vector<16xf32>,
      tpu.vector_store %arg8[%parallel_loop3A_716, %parallel_loop3A_717], %parallel_loop3A_712 {strides = array<i32>} : memref<32x512xf32, #tpu.memory_space<vmem>>, vector<16xf32>,
      %parallel_loop3A_719 = tpu.vector_load_idx %arg5[%broadcast_in_dim3A_97, %parallel_loop3A_515] : memref<32x2048xf32, #tpu.memory_space<vmem>>[vector<16xi32>, vector<16xi32>], vector<16xf32>,
      %parallel_loop3A_720 = arith.constant 16 : i32
      %parallel_loop3A_721 = arith.muli %parallel_loop3A_512, %parallel_loop3A_720 : i32
      %parallel_loop3A_722 = arith.constant 29 : i32
      %parallel_loop3A_723 = arith.index_cast %parallel_loop3A_722 : i32 to index
      %parallel_loop3A_724 = arith.index_cast %parallel_loop3A_721 : i32 to index
      %parallel_loop3A_725 = tpu.vector_load %arg8[%parallel_loop3A_723, %parallel_loop3A_724] {strides = array<i32>} : memref<32x512xf32, #tpu.memory_space<vmem>>, vector<16xf32>,
      tpu.vector_store %arg8[%parallel_loop3A_723, %parallel_loop3A_724], %parallel_loop3A_719 {strides = array<i32>} : memref<32x512xf32, #tpu.memory_space<vmem>>, vector<16xf32>,
      %parallel_loop3A_726 = tpu.vector_load_idx %arg5[%broadcast_in_dim3A_99, %parallel_loop3A_515] : memref<32x2048xf32, #tpu.memory_space<vmem>>[vector<16xi32>, vector<16xi32>], vector<16xf32>,
      %parallel_loop3A_727 = arith.constant 16 : i32
      %parallel_loop3A_728 = arith.muli %parallel_loop3A_512, %parallel_loop3A_727 : i32
      %parallel_loop3A_729 = arith.constant 30 : i32
      %parallel_loop3A_730 = arith.index_cast %parallel_loop3A_729 : i32 to index
      %parallel_loop3A_731 = arith.index_cast %parallel_loop3A_728 : i32 to index
      %parallel_loop3A_732 = tpu.vector_load %arg8[%parallel_loop3A_730, %parallel_loop3A_731] {strides = array<i32>} : memref<32x512xf32, #tpu.memory_space<vmem>>, vector<16xf32>,
      tpu.vector_store %arg8[%parallel_loop3A_730, %parallel_loop3A_731], %parallel_loop3A_726 {strides = array<i32>} : memref<32x512xf32, #tpu.memory_space<vmem>>, vector<16xf32>,
      %parallel_loop3A_733 = tpu.vector_load_idx %arg5[%broadcast_in_dim3A_101, %parallel_loop3A_515] : memref<32x2048xf32, #tpu.memory_space<vmem>>[vector<16xi32>, vector<16xi32>], vector<16xf32>,
      %parallel_loop3A_734 = arith.constant 16 : i32
      %parallel_loop3A_735 = arith.muli %parallel_loop3A_512, %parallel_loop3A_734 : i32
      %parallel_loop3A_736 = arith.constant 31 : i32
      %parallel_loop3A_737 = arith.index_cast %parallel_loop3A_736 : i32 to index
      %parallel_loop3A_738 = arith.index_cast %parallel_loop3A_735 : i32 to index
      %parallel_loop3A_739 = tpu.vector_load %arg8[%parallel_loop3A_737, %parallel_loop3A_738] {strides = array<i32>} : memref<32x512xf32, #tpu.memory_space<vmem>>, vector<16xf32>,
      tpu.vector_store %arg8[%parallel_loop3A_737, %parallel_loop3A_738], %parallel_loop3A_733 {strides = array<i32>} : memref<32x512xf32, #tpu.memory_space<vmem>>, vector<16xf32>,
    } {sc.loop_unroll_factor = 1 : i64, sc.parallel_access}
    %add3A_259 = arith.constant 1568 : i32
    %add3A_260 = arith.addi %select_n3A, %add3A_259 : i32
    %jit3A_261 = arith.constant 8 : i32
    %div3A_262 = arith.divsi %add3A_260, %jit3A_261 : i32
    %sign3A_263 = arith.constant 0 : i32
    %sign3A_264 = arith.cmpi sgt, %add3A_260, %sign3A_263 : i32
    %sign3A_265 = arith.extui %sign3A_264 : i1 to i32
    %sign3A_266 = arith.constant 0 : i32
    %sign3A_267 = arith.cmpi slt, %add3A_260, %sign3A_266 : i32
    %sign3A_268 = arith.extui %sign3A_267 : i1 to i32
    %sign3A_269 = arith.subi %sign3A_265, %sign3A_268 : i32
    %sign3A_270 = arith.constant 0 : i32
    %sign3A_271 = arith.cmpi sgt, %jit3A_261, %sign3A_270 : i32
    %sign3A_272 = arith.extui %sign3A_271 : i1 to i32
    %sign3A_273 = arith.constant 0 : i32
    %sign3A_274 = arith.cmpi slt, %jit3A_261, %sign3A_273 : i32
    %sign3A_275 = arith.extui %sign3A_274 : i1 to i32
    %sign3A_276 = arith.subi %sign3A_272, %sign3A_275 : i32
    %ne3A_277 = arith.cmpi ne, %sign3A_269, %sign3A_276 : i32
    %rem3A_278 = arith.remsi %add3A_260, %jit3A_261 : i32
    %ne3A_279 = arith.constant 0 : i32
    %ne3A_280 = arith.cmpi ne, %rem3A_278, %ne3A_279 : i32
    %and3A_281 = arith.andi %ne3A_277, %ne3A_280 : i1
    %sub3A_282 = arith.constant 1 : i32
    %sub3A_283 = arith.subi %div3A_262, %sub3A_282 : i32
    %select_n3A_284 = arith.select %and3A_281, %sub3A_283, %div3A_262 : i32
    %jit3A_285 = arith.constant 8 : i32
    %eq3A_286 = arith.constant 0 : i32
    %eq3A_287 = arith.cmpi eq, %jit3A_285, %eq3A_286 : i32
    %jit3A_288 = arith.constant 1 : i32
    %select_n3A_289 = arith.select %eq3A_287, %jit3A_288, %jit3A_285 : i32
    %rem3A_290 = arith.remsi %add3A_260, %select_n3A_289 : i32
    %ne3A_291 = arith.constant 0 : i32
    %ne3A_292 = arith.cmpi ne, %rem3A_290, %ne3A_291 : i32
    %lt3A_293 = arith.constant 0 : i32
    %lt3A_294 = arith.cmpi slt, %rem3A_290, %lt3A_293 : i32
    %lt3A_295 = arith.constant 0 : i32
    %lt3A_296 = arith.cmpi slt, %select_n3A_289, %lt3A_295 : i32
    %ne3A_297 = arith.xori %lt3A_294, %lt3A_296 : i1
    %and3A_298 = arith.andi %ne3A_297, %ne3A_292 : i1
    %add3A_299 = arith.addi %rem3A_290, %select_n3A_289 : i32
    %select_n3A_300 = arith.select %and3A_298, %add3A_299, %rem3A_290 : i32
    %mul3A_301 = arith.constant 32 : i32
    %mul3A_302 = arith.muli %select_n3A_30, %mul3A_301 : i32
    %mul3A_303 = arith.constant 512 : i32
    %mul3A_304 = arith.muli %select_n3A_300, %mul3A_303 : i32
    %dma_start3A_305 = tpu.memref_slice %arg4[%select_n3A_284, %mul3A_302, %mul3A_304] : memref<200x64x4096xf32, #tpu.memory_space<hbm>> -> memref<1x32x512xf32, #tpu.memory_space<hbm>>
    %dma_start3A_306 = tpu.memref_squeeze %dma_start3A_305 : memref<1x32x512xf32, #tpu.memory_space<hbm>> -> memref<32x512xf32, #tpu.memory_space<hbm>>
    %dma_start3A_307 = tpu.memref_slice %arg4[%select_n3A_284, %mul3A_302, %mul3A_304] : memref<200x64x4096xf32, #tpu.memory_space<hbm>> -> memref<1x32x512xf32, #tpu.memory_space<hbm>>
    %dma_start3A_308 = tpu.memref_squeeze %dma_start3A_307 : memref<1x32x512xf32, #tpu.memory_space<hbm>> -> memref<32x512xf32, #tpu.memory_space<hbm>>
    tpu.enqueue_dma source(%arg8 : memref<32x512xf32, #tpu.memory_space<vmem>>) target(%dma_start3A_308 : memref<32x512xf32, #tpu.memory_space<hbm>>) target_semaphore(%arg13 : memref<!tpu.dma_semaphore, #tpu.memory_space<semaphore_mem>>)
    %add3A_309 = arith.constant 1584 : i32
    %add3A_310 = arith.addi %select_n3A, %add3A_309 : i32
    %jit3A_311 = arith.constant 8 : i32
    %div3A_312 = arith.divsi %add3A_310, %jit3A_311 : i32
    %sign3A_313 = arith.constant 0 : i32
    %sign3A_314 = arith.cmpi sgt, %add3A_310, %sign3A_313 : i32
    %sign3A_315 = arith.extui %sign3A_314 : i1 to i32
    %sign3A_316 = arith.constant 0 : i32
    %sign3A_317 = arith.cmpi slt, %add3A_310, %sign3A_316 : i32
    %sign3A_318 = arith.extui %sign3A_317 : i1 to i32
    %sign3A_319 = arith.subi %sign3A_315, %sign3A_318 : i32
    %sign3A_320 = arith.constant 0 : i32
    %sign3A_321 = arith.cmpi sgt, %jit3A_311, %sign3A_320 : i32
    %sign3A_322 = arith.extui %sign3A_321 : i1 to i32
    %sign3A_323 = arith.constant 0 : i32
    %sign3A_324 = arith.cmpi slt, %jit3A_311, %sign3A_323 : i32
    %sign3A_325 = arith.extui %sign3A_324 : i1 to i32
    %sign3A_326 = arith.subi %sign3A_322, %sign3A_325 : i32
    %ne3A_327 = arith.cmpi ne, %sign3A_319, %sign3A_326 : i32
    %rem3A_328 = arith.remsi %add3A_310, %jit3A_311 : i32
    %ne3A_329 = arith.constant 0 : i32
    %ne3A_330 = arith.cmpi ne, %rem3A_328, %ne3A_329 : i32
    %and3A_331 = arith.andi %ne3A_327, %ne3A_330 : i1
    %sub3A_332 = arith.constant 1 : i32
    %sub3A_333 = arith.subi %div3A_312, %sub3A_332 : i32
    %select_n3A_334 = arith.select %and3A_331, %sub3A_333, %div3A_312 : i32
    %jit3A_335 = arith.constant 8 : i32
    %eq3A_336 = arith.constant 0 : i32
    %eq3A_337 = arith.cmpi eq, %jit3A_335, %eq3A_336 : i32
    %jit3A_338 = arith.constant 1 : i32
    %select_n3A_339 = arith.select %eq3A_337, %jit3A_338, %jit3A_335 : i32
    %rem3A_340 = arith.remsi %add3A_310, %select_n3A_339 : i32
    %ne3A_341 = arith.constant 0 : i32
    %ne3A_342 = arith.cmpi ne, %rem3A_340, %ne3A_341 : i32
    %lt3A_343 = arith.constant 0 : i32
    %lt3A_344 = arith.cmpi slt, %rem3A_340, %lt3A_343 : i32
    %lt3A_345 = arith.constant 0 : i32
    %lt3A_346 = arith.cmpi slt, %select_n3A_339, %lt3A_345 : i32
    %ne3A_347 = arith.xori %lt3A_344, %lt3A_346 : i1
    %and3A_348 = arith.andi %ne3A_347, %ne3A_342 : i1
    %add3A_349 = arith.addi %rem3A_340, %select_n3A_339 : i32
    %select_n3A_350 = arith.select %and3A_348, %add3A_349, %rem3A_340 : i32
    %mul3A_351 = arith.constant 32 : i32
    %mul3A_352 = arith.muli %select_n3A_350, %mul3A_351 : i32
    %dma_wait3A_353 = arith.constant 0 : i32
    %dma_wait3A_354 = tpu.memref_slice %arg3[%select_n3A_334, %mul3A_352, %dma_wait3A_353] : memref<200x256x16xi32, #tpu.memory_space<hbm>> -> memref<1x32x16xi32, #tpu.memory_space<hbm>>
    %dma_wait3A_355 = tpu.memref_squeeze %dma_wait3A_354 : memref<1x32x16xi32, #tpu.memory_space<hbm>> -> memref<32x16xi32, #tpu.memory_space<hbm>>
    %dma_wait3A_356 = arith.constant 0 : i32
    %dma_wait3A_357 = tpu.memref_slice %arg3[%select_n3A_334, %mul3A_352, %dma_wait3A_356] : memref<200x256x16xi32, #tpu.memory_space<hbm>> -> memref<1x32x16xi32, #tpu.memory_space<hbm>>
    %dma_wait3A_358 = tpu.memref_squeeze %dma_wait3A_357 : memref<1x32x16xi32, #tpu.memory_space<hbm>> -> memref<32x16xi32, #tpu.memory_space<hbm>>
    tpu.wait_dma2 semaphore(%arg12 : memref<!tpu.dma_semaphore, #tpu.memory_space<semaphore_mem>>) src(%dma_wait3A_358 : memref<32x16xi32, #tpu.memory_space<hbm>>) dst(%arg7 : memref<32x16xi32, #tpu.memory_space<vmem>>)
    %parallel_loop3A_359 = arith.constant 0 : i32
    %parallel_loop3A_360 = arith.constant 32 : i32
    %parallel_loop3A_361 = arith.constant 1 : i32
    scf.for %parallel_loop3A_512 = %parallel_loop3A_359 to %parallel_loop3A_360 step %parallel_loop3A_361  : i32 {
      %parallel_loop3A_513 = arith.index_cast %parallel_loop3A_512 : i32 to index
      %parallel_loop3A_514 = arith.constant 0 : index
      %parallel_loop3A_515 = tpu.vector_load %arg7[%parallel_loop3A_513, %parallel_loop3A_514] {strides = array<i32>} : memref<32x16xi32, #tpu.memory_space<vmem>>, vector<16xi32>,
      %parallel_loop3A_516 = tpu.vector_load_idx %arg5[%broadcast_in_dim3A_39, %parallel_loop3A_515] : memref<32x2048xf32, #tpu.memory_space<vmem>>[vector<16xi32>, vector<16xi32>], vector<16xf32>,
      %parallel_loop3A_517 = arith.constant 16 : i32
      %parallel_loop3A_518 = arith.muli %parallel_loop3A_512, %parallel_loop3A_517 : i32
      %parallel_loop3A_519 = arith.constant 0 : i32
      %parallel_loop3A_520 = arith.index_cast %parallel_loop3A_519 : i32 to index
      %parallel_loop3A_521 = arith.index_cast %parallel_loop3A_518 : i32 to index
      %parallel_loop3A_522 = tpu.vector_load %arg9[%parallel_loop3A_520, %parallel_loop3A_521] {strides = array<i32>} : memref<32x512xf32, #tpu.memory_space<vmem>>, vector<16xf32>,
      tpu.vector_store %arg9[%parallel_loop3A_520, %parallel_loop3A_521], %parallel_loop3A_516 {strides = array<i32>} : memref<32x512xf32, #tpu.memory_space<vmem>>, vector<16xf32>,
      %parallel_loop3A_523 = tpu.vector_load_idx %arg5[%broadcast_in_dim3A_41, %parallel_loop3A_515] : memref<32x2048xf32, #tpu.memory_space<vmem>>[vector<16xi32>, vector<16xi32>], vector<16xf32>,
      %parallel_loop3A_524 = arith.constant 16 : i32
      %parallel_loop3A_525 = arith.muli %parallel_loop3A_512, %parallel_loop3A_524 : i32
      %parallel_loop3A_526 = arith.constant 1 : i32
      %parallel_loop3A_527 = arith.index_cast %parallel_loop3A_526 : i32 to index
      %parallel_loop3A_528 = arith.index_cast %parallel_loop3A_525 : i32 to index
      %parallel_loop3A_529 = tpu.vector_load %arg9[%parallel_loop3A_527, %parallel_loop3A_528] {strides = array<i32>} : memref<32x512xf32, #tpu.memory_space<vmem>>, vector<16xf32>,
      tpu.vector_store %arg9[%parallel_loop3A_527, %parallel_loop3A_528], %parallel_loop3A_523 {strides = array<i32>} : memref<32x512xf32, #tpu.memory_space<vmem>>, vector<16xf32>,
      %parallel_loop3A_530 = tpu.vector_load_idx %arg5[%broadcast_in_dim3A_43, %parallel_loop3A_515] : memref<32x2048xf32, #tpu.memory_space<vmem>>[vector<16xi32>, vector<16xi32>], vector<16xf32>,
      %parallel_loop3A_531 = arith.constant 16 : i32
      %parallel_loop3A_532 = arith.muli %parallel_loop3A_512, %parallel_loop3A_531 : i32
      %parallel_loop3A_533 = arith.constant 2 : i32
      %parallel_loop3A_534 = arith.index_cast %parallel_loop3A_533 : i32 to index
      %parallel_loop3A_535 = arith.index_cast %parallel_loop3A_532 : i32 to index
      %parallel_loop3A_536 = tpu.vector_load %arg9[%parallel_loop3A_534, %parallel_loop3A_535] {strides = array<i32>} : memref<32x512xf32, #tpu.memory_space<vmem>>, vector<16xf32>,
      tpu.vector_store %arg9[%parallel_loop3A_534, %parallel_loop3A_535], %parallel_loop3A_530 {strides = array<i32>} : memref<32x512xf32, #tpu.memory_space<vmem>>, vector<16xf32>,
      %parallel_loop3A_537 = tpu.vector_load_idx %arg5[%broadcast_in_dim3A_45, %parallel_loop3A_515] : memref<32x2048xf32, #tpu.memory_space<vmem>>[vector<16xi32>, vector<16xi32>], vector<16xf32>,
      %parallel_loop3A_538 = arith.constant 16 : i32
      %parallel_loop3A_539 = arith.muli %parallel_loop3A_512, %parallel_loop3A_538 : i32
      %parallel_loop3A_540 = arith.constant 3 : i32
      %parallel_loop3A_541 = arith.index_cast %parallel_loop3A_540 : i32 to index
      %parallel_loop3A_542 = arith.index_cast %parallel_loop3A_539 : i32 to index
      %parallel_loop3A_543 = tpu.vector_load %arg9[%parallel_loop3A_541, %parallel_loop3A_542] {strides = array<i32>} : memref<32x512xf32, #tpu.memory_space<vmem>>, vector<16xf32>,
      tpu.vector_store %arg9[%parallel_loop3A_541, %parallel_loop3A_542], %parallel_loop3A_537 {strides = array<i32>} : memref<32x512xf32, #tpu.memory_space<vmem>>, vector<16xf32>,
      %parallel_loop3A_544 = tpu.vector_load_idx %arg5[%broadcast_in_dim3A_47, %parallel_loop3A_515] : memref<32x2048xf32, #tpu.memory_space<vmem>>[vector<16xi32>, vector<16xi32>], vector<16xf32>,
      %parallel_loop3A_545 = arith.constant 16 : i32
      %parallel_loop3A_546 = arith.muli %parallel_loop3A_512, %parallel_loop3A_545 : i32
      %parallel_loop3A_547 = arith.constant 4 : i32
      %parallel_loop3A_548 = arith.index_cast %parallel_loop3A_547 : i32 to index
      %parallel_loop3A_549 = arith.index_cast %parallel_loop3A_546 : i32 to index
      %parallel_loop3A_550 = tpu.vector_load %arg9[%parallel_loop3A_548, %parallel_loop3A_549] {strides = array<i32>} : memref<32x512xf32, #tpu.memory_space<vmem>>, vector<16xf32>,
      tpu.vector_store %arg9[%parallel_loop3A_548, %parallel_loop3A_549], %parallel_loop3A_544 {strides = array<i32>} : memref<32x512xf32, #tpu.memory_space<vmem>>, vector<16xf32>,
      %parallel_loop3A_551 = tpu.vector_load_idx %arg5[%broadcast_in_dim3A_49, %parallel_loop3A_515] : memref<32x2048xf32, #tpu.memory_space<vmem>>[vector<16xi32>, vector<16xi32>], vector<16xf32>,
      %parallel_loop3A_552 = arith.constant 16 : i32
      %parallel_loop3A_553 = arith.muli %parallel_loop3A_512, %parallel_loop3A_552 : i32
      %parallel_loop3A_554 = arith.constant 5 : i32
      %parallel_loop3A_555 = arith.index_cast %parallel_loop3A_554 : i32 to index
      %parallel_loop3A_556 = arith.index_cast %parallel_loop3A_553 : i32 to index
      %parallel_loop3A_557 = tpu.vector_load %arg9[%parallel_loop3A_555, %parallel_loop3A_556] {strides = array<i32>} : memref<32x512xf32, #tpu.memory_space<vmem>>, vector<16xf32>,
      tpu.vector_store %arg9[%parallel_loop3A_555, %parallel_loop3A_556], %parallel_loop3A_551 {strides = array<i32>} : memref<32x512xf32, #tpu.memory_space<vmem>>, vector<16xf32>,
      %parallel_loop3A_558 = tpu.vector_load_idx %arg5[%broadcast_in_dim3A_51, %parallel_loop3A_515] : memref<32x2048xf32, #tpu.memory_space<vmem>>[vector<16xi32>, vector<16xi32>], vector<16xf32>,
      %parallel_loop3A_559 = arith.constant 16 : i32
      %parallel_loop3A_560 = arith.muli %parallel_loop3A_512, %parallel_loop3A_559 : i32
      %parallel_loop3A_561 = arith.constant 6 : i32
      %parallel_loop3A_562 = arith.index_cast %parallel_loop3A_561 : i32 to index
      %parallel_loop3A_563 = arith.index_cast %parallel_loop3A_560 : i32 to index
      %parallel_loop3A_564 = tpu.vector_load %arg9[%parallel_loop3A_562, %parallel_loop3A_563] {strides = array<i32>} : memref<32x512xf32, #tpu.memory_space<vmem>>, vector<16xf32>,
      tpu.vector_store %arg9[%parallel_loop3A_562, %parallel_loop3A_563], %parallel_loop3A_558 {strides = array<i32>} : memref<32x512xf32, #tpu.memory_space<vmem>>, vector<16xf32>,
      %parallel_loop3A_565 = tpu.vector_load_idx %arg5[%broadcast_in_dim3A_53, %parallel_loop3A_515] : memref<32x2048xf32, #tpu.memory_space<vmem>>[vector<16xi32>, vector<16xi32>], vector<16xf32>,
      %parallel_loop3A_566 = arith.constant 16 : i32
      %parallel_loop3A_567 = arith.muli %parallel_loop3A_512, %parallel_loop3A_566 : i32
      %parallel_loop3A_568 = arith.constant 7 : i32
      %parallel_loop3A_569 = arith.index_cast %parallel_loop3A_568 : i32 to index
      %parallel_loop3A_570 = arith.index_cast %parallel_loop3A_567 : i32 to index
      %parallel_loop3A_571 = tpu.vector_load %arg9[%parallel_loop3A_569, %parallel_loop3A_570] {strides = array<i32>} : memref<32x512xf32, #tpu.memory_space<vmem>>, vector<16xf32>,
      tpu.vector_store %arg9[%parallel_loop3A_569, %parallel_loop3A_570], %parallel_loop3A_565 {strides = array<i32>} : memref<32x512xf32, #tpu.memory_space<vmem>>, vector<16xf32>,
      %parallel_loop3A_572 = tpu.vector_load_idx %arg5[%broadcast_in_dim3A_55, %parallel_loop3A_515] : memref<32x2048xf32, #tpu.memory_space<vmem>>[vector<16xi32>, vector<16xi32>], vector<16xf32>,
      %parallel_loop3A_573 = arith.constant 16 : i32
      %parallel_loop3A_574 = arith.muli %parallel_loop3A_512, %parallel_loop3A_573 : i32
      %parallel_loop3A_575 = arith.constant 8 : i32
      %parallel_loop3A_576 = arith.index_cast %parallel_loop3A_575 : i32 to index
      %parallel_loop3A_577 = arith.index_cast %parallel_loop3A_574 : i32 to index
      %parallel_loop3A_578 = tpu.vector_load %arg9[%parallel_loop3A_576, %parallel_loop3A_577] {strides = array<i32>} : memref<32x512xf32, #tpu.memory_space<vmem>>, vector<16xf32>,
      tpu.vector_store %arg9[%parallel_loop3A_576, %parallel_loop3A_577], %parallel_loop3A_572 {strides = array<i32>} : memref<32x512xf32, #tpu.memory_space<vmem>>, vector<16xf32>,
      %parallel_loop3A_579 = tpu.vector_load_idx %arg5[%broadcast_in_dim3A_57, %parallel_loop3A_515] : memref<32x2048xf32, #tpu.memory_space<vmem>>[vector<16xi32>, vector<16xi32>], vector<16xf32>,
      %parallel_loop3A_580 = arith.constant 16 : i32
      %parallel_loop3A_581 = arith.muli %parallel_loop3A_512, %parallel_loop3A_580 : i32
      %parallel_loop3A_582 = arith.constant 9 : i32
      %parallel_loop3A_583 = arith.index_cast %parallel_loop3A_582 : i32 to index
      %parallel_loop3A_584 = arith.index_cast %parallel_loop3A_581 : i32 to index
      %parallel_loop3A_585 = tpu.vector_load %arg9[%parallel_loop3A_583, %parallel_loop3A_584] {strides = array<i32>} : memref<32x512xf32, #tpu.memory_space<vmem>>, vector<16xf32>,
      tpu.vector_store %arg9[%parallel_loop3A_583, %parallel_loop3A_584], %parallel_loop3A_579 {strides = array<i32>} : memref<32x512xf32, #tpu.memory_space<vmem>>, vector<16xf32>,
      %parallel_loop3A_586 = tpu.vector_load_idx %arg5[%broadcast_in_dim3A_59, %parallel_loop3A_515] : memref<32x2048xf32, #tpu.memory_space<vmem>>[vector<16xi32>, vector<16xi32>], vector<16xf32>,
      %parallel_loop3A_587 = arith.constant 16 : i32
      %parallel_loop3A_588 = arith.muli %parallel_loop3A_512, %parallel_loop3A_587 : i32
      %parallel_loop3A_589 = arith.constant 10 : i32
      %parallel_loop3A_590 = arith.index_cast %parallel_loop3A_589 : i32 to index
      %parallel_loop3A_591 = arith.index_cast %parallel_loop3A_588 : i32 to index
      %parallel_loop3A_592 = tpu.vector_load %arg9[%parallel_loop3A_590, %parallel_loop3A_591] {strides = array<i32>} : memref<32x512xf32, #tpu.memory_space<vmem>>, vector<16xf32>,
      tpu.vector_store %arg9[%parallel_loop3A_590, %parallel_loop3A_591], %parallel_loop3A_586 {strides = array<i32>} : memref<32x512xf32, #tpu.memory_space<vmem>>, vector<16xf32>,
      %parallel_loop3A_593 = tpu.vector_load_idx %arg5[%broadcast_in_dim3A_61, %parallel_loop3A_515] : memref<32x2048xf32, #tpu.memory_space<vmem>>[vector<16xi32>, vector<16xi32>], vector<16xf32>,
      %parallel_loop3A_594 = arith.constant 16 : i32
      %parallel_loop3A_595 = arith.muli %parallel_loop3A_512, %parallel_loop3A_594 : i32
      %parallel_loop3A_596 = arith.constant 11 : i32
      %parallel_loop3A_597 = arith.index_cast %parallel_loop3A_596 : i32 to index
      %parallel_loop3A_598 = arith.index_cast %parallel_loop3A_595 : i32 to index
      %parallel_loop3A_599 = tpu.vector_load %arg9[%parallel_loop3A_597, %parallel_loop3A_598] {strides = array<i32>} : memref<32x512xf32, #tpu.memory_space<vmem>>, vector<16xf32>,
      tpu.vector_store %arg9[%parallel_loop3A_597, %parallel_loop3A_598], %parallel_loop3A_593 {strides = array<i32>} : memref<32x512xf32, #tpu.memory_space<vmem>>, vector<16xf32>,
      %parallel_loop3A_600 = tpu.vector_load_idx %arg5[%broadcast_in_dim3A_63, %parallel_loop3A_515] : memref<32x2048xf32, #tpu.memory_space<vmem>>[vector<16xi32>, vector<16xi32>], vector<16xf32>,
      %parallel_loop3A_601 = arith.constant 16 : i32
      %parallel_loop3A_602 = arith.muli %parallel_loop3A_512, %parallel_loop3A_601 : i32
      %parallel_loop3A_603 = arith.constant 12 : i32
      %parallel_loop3A_604 = arith.index_cast %parallel_loop3A_603 : i32 to index
      %parallel_loop3A_605 = arith.index_cast %parallel_loop3A_602 : i32 to index
      %parallel_loop3A_606 = tpu.vector_load %arg9[%parallel_loop3A_604, %parallel_loop3A_605] {strides = array<i32>} : memref<32x512xf32, #tpu.memory_space<vmem>>, vector<16xf32>,
      tpu.vector_store %arg9[%parallel_loop3A_604, %parallel_loop3A_605], %parallel_loop3A_600 {strides = array<i32>} : memref<32x512xf32, #tpu.memory_space<vmem>>, vector<16xf32>,
      %parallel_loop3A_607 = tpu.vector_load_idx %arg5[%broadcast_in_dim3A_65, %parallel_loop3A_515] : memref<32x2048xf32, #tpu.memory_space<vmem>>[vector<16xi32>, vector<16xi32>], vector<16xf32>,
      %parallel_loop3A_608 = arith.constant 16 : i32
      %parallel_loop3A_609 = arith.muli %parallel_loop3A_512, %parallel_loop3A_608 : i32
      %parallel_loop3A_610 = arith.constant 13 : i32
      %parallel_loop3A_611 = arith.index_cast %parallel_loop3A_610 : i32 to index
      %parallel_loop3A_612 = arith.index_cast %parallel_loop3A_609 : i32 to index
      %parallel_loop3A_613 = tpu.vector_load %arg9[%parallel_loop3A_611, %parallel_loop3A_612] {strides = array<i32>} : memref<32x512xf32, #tpu.memory_space<vmem>>, vector<16xf32>,
      tpu.vector_store %arg9[%parallel_loop3A_611, %parallel_loop3A_612], %parallel_loop3A_607 {strides = array<i32>} : memref<32x512xf32, #tpu.memory_space<vmem>>, vector<16xf32>,
      %parallel_loop3A_614 = tpu.vector_load_idx %arg5[%broadcast_in_dim3A_67, %parallel_loop3A_515] : memref<32x2048xf32, #tpu.memory_space<vmem>>[vector<16xi32>, vector<16xi32>], vector<16xf32>,
      %parallel_loop3A_615 = arith.constant 16 : i32
      %parallel_loop3A_616 = arith.muli %parallel_loop3A_512, %parallel_loop3A_615 : i32
      %parallel_loop3A_617 = arith.constant 14 : i32
      %parallel_loop3A_618 = arith.index_cast %parallel_loop3A_617 : i32 to index
      %parallel_loop3A_619 = arith.index_cast %parallel_loop3A_616 : i32 to index
      %parallel_loop3A_620 = tpu.vector_load %arg9[%parallel_loop3A_618, %parallel_loop3A_619] {strides = array<i32>} : memref<32x512xf32, #tpu.memory_space<vmem>>, vector<16xf32>,
      tpu.vector_store %arg9[%parallel_loop3A_618, %parallel_loop3A_619], %parallel_loop3A_614 {strides = array<i32>} : memref<32x512xf32, #tpu.memory_space<vmem>>, vector<16xf32>,
      %parallel_loop3A_621 = tpu.vector_load_idx %arg5[%broadcast_in_dim3A_69, %parallel_loop3A_515] : memref<32x2048xf32, #tpu.memory_space<vmem>>[vector<16xi32>, vector<16xi32>], vector<16xf32>,
      %parallel_loop3A_622 = arith.constant 16 : i32
      %parallel_loop3A_623 = arith.muli %parallel_loop3A_512, %parallel_loop3A_622 : i32
      %parallel_loop3A_624 = arith.constant 15 : i32
      %parallel_loop3A_625 = arith.index_cast %parallel_loop3A_624 : i32 to index
      %parallel_loop3A_626 = arith.index_cast %parallel_loop3A_623 : i32 to index
      %parallel_loop3A_627 = tpu.vector_load %arg9[%parallel_loop3A_625, %parallel_loop3A_626] {strides = array<i32>} : memref<32x512xf32, #tpu.memory_space<vmem>>, vector<16xf32>,
      tpu.vector_store %arg9[%parallel_loop3A_625, %parallel_loop3A_626], %parallel_loop3A_621 {strides = array<i32>} : memref<32x512xf32, #tpu.memory_space<vmem>>, vector<16xf32>,
      %parallel_loop3A_628 = tpu.vector_load_idx %arg5[%broadcast_in_dim3A_71, %parallel_loop3A_515] : memref<32x2048xf32, #tpu.memory_space<vmem>>[vector<16xi32>, vector<16xi32>], vector<16xf32>,
      %parallel_loop3A_629 = arith.constant 16 : i32
      %parallel_loop3A_630 = arith.muli %parallel_loop3A_512, %parallel_loop3A_629 : i32
      %parallel_loop3A_631 = arith.constant 16 : i32
      %parallel_loop3A_632 = arith.index_cast %parallel_loop3A_631 : i32 to index
      %parallel_loop3A_633 = arith.index_cast %parallel_loop3A_630 : i32 to index
      %parallel_loop3A_634 = tpu.vector_load %arg9[%parallel_loop3A_632, %parallel_loop3A_633] {strides = array<i32>} : memref<32x512xf32, #tpu.memory_space<vmem>>, vector<16xf32>,
      tpu.vector_store %arg9[%parallel_loop3A_632, %parallel_loop3A_633], %parallel_loop3A_628 {strides = array<i32>} : memref<32x512xf32, #tpu.memory_space<vmem>>, vector<16xf32>,
      %parallel_loop3A_635 = tpu.vector_load_idx %arg5[%broadcast_in_dim3A_73, %parallel_loop3A_515] : memref<32x2048xf32, #tpu.memory_space<vmem>>[vector<16xi32>, vector<16xi32>], vector<16xf32>,
      %parallel_loop3A_636 = arith.constant 16 : i32
      %parallel_loop3A_637 = arith.muli %parallel_loop3A_512, %parallel_loop3A_636 : i32
      %parallel_loop3A_638 = arith.constant 17 : i32
      %parallel_loop3A_639 = arith.index_cast %parallel_loop3A_638 : i32 to index
      %parallel_loop3A_640 = arith.index_cast %parallel_loop3A_637 : i32 to index
      %parallel_loop3A_641 = tpu.vector_load %arg9[%parallel_loop3A_639, %parallel_loop3A_640] {strides = array<i32>} : memref<32x512xf32, #tpu.memory_space<vmem>>, vector<16xf32>,
      tpu.vector_store %arg9[%parallel_loop3A_639, %parallel_loop3A_640], %parallel_loop3A_635 {strides = array<i32>} : memref<32x512xf32, #tpu.memory_space<vmem>>, vector<16xf32>,
      %parallel_loop3A_642 = tpu.vector_load_idx %arg5[%broadcast_in_dim3A_75, %parallel_loop3A_515] : memref<32x2048xf32, #tpu.memory_space<vmem>>[vector<16xi32>, vector<16xi32>], vector<16xf32>,
      %parallel_loop3A_643 = arith.constant 16 : i32
      %parallel_loop3A_644 = arith.muli %parallel_loop3A_512, %parallel_loop3A_643 : i32
      %parallel_loop3A_645 = arith.constant 18 : i32
      %parallel_loop3A_646 = arith.index_cast %parallel_loop3A_645 : i32 to index
      %parallel_loop3A_647 = arith.index_cast %parallel_loop3A_644 : i32 to index
      %parallel_loop3A_648 = tpu.vector_load %arg9[%parallel_loop3A_646, %parallel_loop3A_647] {strides = array<i32>} : memref<32x512xf32, #tpu.memory_space<vmem>>, vector<16xf32>,
      tpu.vector_store %arg9[%parallel_loop3A_646, %parallel_loop3A_647], %parallel_loop3A_642 {strides = array<i32>} : memref<32x512xf32, #tpu.memory_space<vmem>>, vector<16xf32>,
      %parallel_loop3A_649 = tpu.vector_load_idx %arg5[%broadcast_in_dim3A_77, %parallel_loop3A_515] : memref<32x2048xf32, #tpu.memory_space<vmem>>[vector<16xi32>, vector<16xi32>], vector<16xf32>,
      %parallel_loop3A_650 = arith.constant 16 : i32
      %parallel_loop3A_651 = arith.muli %parallel_loop3A_512, %parallel_loop3A_650 : i32
      %parallel_loop3A_652 = arith.constant 19 : i32
      %parallel_loop3A_653 = arith.index_cast %parallel_loop3A_652 : i32 to index
      %parallel_loop3A_654 = arith.index_cast %parallel_loop3A_651 : i32 to index
      %parallel_loop3A_655 = tpu.vector_load %arg9[%parallel_loop3A_653, %parallel_loop3A_654] {strides = array<i32>} : memref<32x512xf32, #tpu.memory_space<vmem>>, vector<16xf32>,
      tpu.vector_store %arg9[%parallel_loop3A_653, %parallel_loop3A_654], %parallel_loop3A_649 {strides = array<i32>} : memref<32x512xf32, #tpu.memory_space<vmem>>, vector<16xf32>,
      %parallel_loop3A_656 = tpu.vector_load_idx %arg5[%broadcast_in_dim3A_79, %parallel_loop3A_515] : memref<32x2048xf32, #tpu.memory_space<vmem>>[vector<16xi32>, vector<16xi32>], vector<16xf32>,
      %parallel_loop3A_657 = arith.constant 16 : i32
      %parallel_loop3A_658 = arith.muli %parallel_loop3A_512, %parallel_loop3A_657 : i32
      %parallel_loop3A_659 = arith.constant 20 : i32
      %parallel_loop3A_660 = arith.index_cast %parallel_loop3A_659 : i32 to index
      %parallel_loop3A_661 = arith.index_cast %parallel_loop3A_658 : i32 to index
      %parallel_loop3A_662 = tpu.vector_load %arg9[%parallel_loop3A_660, %parallel_loop3A_661] {strides = array<i32>} : memref<32x512xf32, #tpu.memory_space<vmem>>, vector<16xf32>,
      tpu.vector_store %arg9[%parallel_loop3A_660, %parallel_loop3A_661], %parallel_loop3A_656 {strides = array<i32>} : memref<32x512xf32, #tpu.memory_space<vmem>>, vector<16xf32>,
      %parallel_loop3A_663 = tpu.vector_load_idx %arg5[%broadcast_in_dim3A_81, %parallel_loop3A_515] : memref<32x2048xf32, #tpu.memory_space<vmem>>[vector<16xi32>, vector<16xi32>], vector<16xf32>,
      %parallel_loop3A_664 = arith.constant 16 : i32
      %parallel_loop3A_665 = arith.muli %parallel_loop3A_512, %parallel_loop3A_664 : i32
      %parallel_loop3A_666 = arith.constant 21 : i32
      %parallel_loop3A_667 = arith.index_cast %parallel_loop3A_666 : i32 to index
      %parallel_loop3A_668 = arith.index_cast %parallel_loop3A_665 : i32 to index
      %parallel_loop3A_669 = tpu.vector_load %arg9[%parallel_loop3A_667, %parallel_loop3A_668] {strides = array<i32>} : memref<32x512xf32, #tpu.memory_space<vmem>>, vector<16xf32>,
      tpu.vector_store %arg9[%parallel_loop3A_667, %parallel_loop3A_668], %parallel_loop3A_663 {strides = array<i32>} : memref<32x512xf32, #tpu.memory_space<vmem>>, vector<16xf32>,
      %parallel_loop3A_670 = tpu.vector_load_idx %arg5[%broadcast_in_dim3A_83, %parallel_loop3A_515] : memref<32x2048xf32, #tpu.memory_space<vmem>>[vector<16xi32>, vector<16xi32>], vector<16xf32>,
      %parallel_loop3A_671 = arith.constant 16 : i32
      %parallel_loop3A_672 = arith.muli %parallel_loop3A_512, %parallel_loop3A_671 : i32
      %parallel_loop3A_673 = arith.constant 22 : i32
      %parallel_loop3A_674 = arith.index_cast %parallel_loop3A_673 : i32 to index
      %parallel_loop3A_675 = arith.index_cast %parallel_loop3A_672 : i32 to index
      %parallel_loop3A_676 = tpu.vector_load %arg9[%parallel_loop3A_674, %parallel_loop3A_675] {strides = array<i32>} : memref<32x512xf32, #tpu.memory_space<vmem>>, vector<16xf32>,
      tpu.vector_store %arg9[%parallel_loop3A_674, %parallel_loop3A_675], %parallel_loop3A_670 {strides = array<i32>} : memref<32x512xf32, #tpu.memory_space<vmem>>, vector<16xf32>,
      %parallel_loop3A_677 = tpu.vector_load_idx %arg5[%broadcast_in_dim3A_85, %parallel_loop3A_515] : memref<32x2048xf32, #tpu.memory_space<vmem>>[vector<16xi32>, vector<16xi32>], vector<16xf32>,
      %parallel_loop3A_678 = arith.constant 16 : i32
      %parallel_loop3A_679 = arith.muli %parallel_loop3A_512, %parallel_loop3A_678 : i32
      %parallel_loop3A_680 = arith.constant 23 : i32
      %parallel_loop3A_681 = arith.index_cast %parallel_loop3A_680 : i32 to index
      %parallel_loop3A_682 = arith.index_cast %parallel_loop3A_679 : i32 to index
      %parallel_loop3A_683 = tpu.vector_load %arg9[%parallel_loop3A_681, %parallel_loop3A_682] {strides = array<i32>} : memref<32x512xf32, #tpu.memory_space<vmem>>, vector<16xf32>,
      tpu.vector_store %arg9[%parallel_loop3A_681, %parallel_loop3A_682], %parallel_loop3A_677 {strides = array<i32>} : memref<32x512xf32, #tpu.memory_space<vmem>>, vector<16xf32>,
      %parallel_loop3A_684 = tpu.vector_load_idx %arg5[%broadcast_in_dim3A_87, %parallel_loop3A_515] : memref<32x2048xf32, #tpu.memory_space<vmem>>[vector<16xi32>, vector<16xi32>], vector<16xf32>,
      %parallel_loop3A_685 = arith.constant 16 : i32
      %parallel_loop3A_686 = arith.muli %parallel_loop3A_512, %parallel_loop3A_685 : i32
      %parallel_loop3A_687 = arith.constant 24 : i32
      %parallel_loop3A_688 = arith.index_cast %parallel_loop3A_687 : i32 to index
      %parallel_loop3A_689 = arith.index_cast %parallel_loop3A_686 : i32 to index
      %parallel_loop3A_690 = tpu.vector_load %arg9[%parallel_loop3A_688, %parallel_loop3A_689] {strides = array<i32>} : memref<32x512xf32, #tpu.memory_space<vmem>>, vector<16xf32>,
      tpu.vector_store %arg9[%parallel_loop3A_688, %parallel_loop3A_689], %parallel_loop3A_684 {strides = array<i32>} : memref<32x512xf32, #tpu.memory_space<vmem>>, vector<16xf32>,
      %parallel_loop3A_691 = tpu.vector_load_idx %arg5[%broadcast_in_dim3A_89, %parallel_loop3A_515] : memref<32x2048xf32, #tpu.memory_space<vmem>>[vector<16xi32>, vector<16xi32>], vector<16xf32>,
      %parallel_loop3A_692 = arith.constant 16 : i32
      %parallel_loop3A_693 = arith.muli %parallel_loop3A_512, %parallel_loop3A_692 : i32
      %parallel_loop3A_694 = arith.constant 25 : i32
      %parallel_loop3A_695 = arith.index_cast %parallel_loop3A_694 : i32 to index
      %parallel_loop3A_696 = arith.index_cast %parallel_loop3A_693 : i32 to index
      %parallel_loop3A_697 = tpu.vector_load %arg9[%parallel_loop3A_695, %parallel_loop3A_696] {strides = array<i32>} : memref<32x512xf32, #tpu.memory_space<vmem>>, vector<16xf32>,
      tpu.vector_store %arg9[%parallel_loop3A_695, %parallel_loop3A_696], %parallel_loop3A_691 {strides = array<i32>} : memref<32x512xf32, #tpu.memory_space<vmem>>, vector<16xf32>,
      %parallel_loop3A_698 = tpu.vector_load_idx %arg5[%broadcast_in_dim3A_91, %parallel_loop3A_515] : memref<32x2048xf32, #tpu.memory_space<vmem>>[vector<16xi32>, vector<16xi32>], vector<16xf32>,
      %parallel_loop3A_699 = arith.constant 16 : i32
      %parallel_loop3A_700 = arith.muli %parallel_loop3A_512, %parallel_loop3A_699 : i32
      %parallel_loop3A_701 = arith.constant 26 : i32
      %parallel_loop3A_702 = arith.index_cast %parallel_loop3A_701 : i32 to index
      %parallel_loop3A_703 = arith.index_cast %parallel_loop3A_700 : i32 to index
      %parallel_loop3A_704 = tpu.vector_load %arg9[%parallel_loop3A_702, %parallel_loop3A_703] {strides = array<i32>} : memref<32x512xf32, #tpu.memory_space<vmem>>, vector<16xf32>,
      tpu.vector_store %arg9[%parallel_loop3A_702, %parallel_loop3A_703], %parallel_loop3A_698 {strides = array<i32>} : memref<32x512xf32, #tpu.memory_space<vmem>>, vector<16xf32>,
      %parallel_loop3A_705 = tpu.vector_load_idx %arg5[%broadcast_in_dim3A_93, %parallel_loop3A_515] : memref<32x2048xf32, #tpu.memory_space<vmem>>[vector<16xi32>, vector<16xi32>], vector<16xf32>,
      %parallel_loop3A_706 = arith.constant 16 : i32
      %parallel_loop3A_707 = arith.muli %parallel_loop3A_512, %parallel_loop3A_706 : i32
      %parallel_loop3A_708 = arith.constant 27 : i32
      %parallel_loop3A_709 = arith.index_cast %parallel_loop3A_708 : i32 to index
      %parallel_loop3A_710 = arith.index_cast %parallel_loop3A_707 : i32 to index
      %parallel_loop3A_711 = tpu.vector_load %arg9[%parallel_loop3A_709, %parallel_loop3A_710] {strides = array<i32>} : memref<32x512xf32, #tpu.memory_space<vmem>>, vector<16xf32>,
      tpu.vector_store %arg9[%parallel_loop3A_709, %parallel_loop3A_710], %parallel_loop3A_705 {strides = array<i32>} : memref<32x512xf32, #tpu.memory_space<vmem>>, vector<16xf32>,
      %parallel_loop3A_712 = tpu.vector_load_idx %arg5[%broadcast_in_dim3A_95, %parallel_loop3A_515] : memref<32x2048xf32, #tpu.memory_space<vmem>>[vector<16xi32>, vector<16xi32>], vector<16xf32>,
      %parallel_loop3A_713 = arith.constant 16 : i32
      %parallel_loop3A_714 = arith.muli %parallel_loop3A_512, %parallel_loop3A_713 : i32
      %parallel_loop3A_715 = arith.constant 28 : i32
      %parallel_loop3A_716 = arith.index_cast %parallel_loop3A_715 : i32 to index
      %parallel_loop3A_717 = arith.index_cast %parallel_loop3A_714 : i32 to index
      %parallel_loop3A_718 = tpu.vector_load %arg9[%parallel_loop3A_716, %parallel_loop3A_717] {strides = array<i32>} : memref<32x512xf32, #tpu.memory_space<vmem>>, vector<16xf32>,
      tpu.vector_store %arg9[%parallel_loop3A_716, %parallel_loop3A_717], %parallel_loop3A_712 {strides = array<i32>} : memref<32x512xf32, #tpu.memory_space<vmem>>, vector<16xf32>,
      %parallel_loop3A_719 = tpu.vector_load_idx %arg5[%broadcast_in_dim3A_97, %parallel_loop3A_515] : memref<32x2048xf32, #tpu.memory_space<vmem>>[vector<16xi32>, vector<16xi32>], vector<16xf32>,
      %parallel_loop3A_720 = arith.constant 16 : i32
      %parallel_loop3A_721 = arith.muli %parallel_loop3A_512, %parallel_loop3A_720 : i32
      %parallel_loop3A_722 = arith.constant 29 : i32
      %parallel_loop3A_723 = arith.index_cast %parallel_loop3A_722 : i32 to index
      %parallel_loop3A_724 = arith.index_cast %parallel_loop3A_721 : i32 to index
      %parallel_loop3A_725 = tpu.vector_load %arg9[%parallel_loop3A_723, %parallel_loop3A_724] {strides = array<i32>} : memref<32x512xf32, #tpu.memory_space<vmem>>, vector<16xf32>,
      tpu.vector_store %arg9[%parallel_loop3A_723, %parallel_loop3A_724], %parallel_loop3A_719 {strides = array<i32>} : memref<32x512xf32, #tpu.memory_space<vmem>>, vector<16xf32>,
      %parallel_loop3A_726 = tpu.vector_load_idx %arg5[%broadcast_in_dim3A_99, %parallel_loop3A_515] : memref<32x2048xf32, #tpu.memory_space<vmem>>[vector<16xi32>, vector<16xi32>], vector<16xf32>,
      %parallel_loop3A_727 = arith.constant 16 : i32
      %parallel_loop3A_728 = arith.muli %parallel_loop3A_512, %parallel_loop3A_727 : i32
      %parallel_loop3A_729 = arith.constant 30 : i32
      %parallel_loop3A_730 = arith.index_cast %parallel_loop3A_729 : i32 to index
      %parallel_loop3A_731 = arith.index_cast %parallel_loop3A_728 : i32 to index
      %parallel_loop3A_732 = tpu.vector_load %arg9[%parallel_loop3A_730, %parallel_loop3A_731] {strides = array<i32>} : memref<32x512xf32, #tpu.memory_space<vmem>>, vector<16xf32>,
      tpu.vector_store %arg9[%parallel_loop3A_730, %parallel_loop3A_731], %parallel_loop3A_726 {strides = array<i32>} : memref<32x512xf32, #tpu.memory_space<vmem>>, vector<16xf32>,
      %parallel_loop3A_733 = tpu.vector_load_idx %arg5[%broadcast_in_dim3A_101, %parallel_loop3A_515] : memref<32x2048xf32, #tpu.memory_space<vmem>>[vector<16xi32>, vector<16xi32>], vector<16xf32>,
      %parallel_loop3A_734 = arith.constant 16 : i32
      %parallel_loop3A_735 = arith.muli %parallel_loop3A_512, %parallel_loop3A_734 : i32
      %parallel_loop3A_736 = arith.constant 31 : i32
      %parallel_loop3A_737 = arith.index_cast %parallel_loop3A_736 : i32 to index
      %parallel_loop3A_738 = arith.index_cast %parallel_loop3A_735 : i32 to index
      %parallel_loop3A_739 = tpu.vector_load %arg9[%parallel_loop3A_737, %parallel_loop3A_738] {strides = array<i32>} : memref<32x512xf32, #tpu.memory_space<vmem>>, vector<16xf32>,
      tpu.vector_store %arg9[%parallel_loop3A_737, %parallel_loop3A_738], %parallel_loop3A_733 {strides = array<i32>} : memref<32x512xf32, #tpu.memory_space<vmem>>, vector<16xf32>,
    } {sc.loop_unroll_factor = 1 : i64, sc.parallel_access}
    %add3A_362 = arith.constant 1584 : i32
    %add3A_363 = arith.addi %select_n3A, %add3A_362 : i32
    %jit3A_364 = arith.constant 8 : i32
    %div3A_365 = arith.divsi %add3A_363, %jit3A_364 : i32
    %sign3A_366 = arith.constant 0 : i32
    %sign3A_367 = arith.cmpi sgt, %add3A_363, %sign3A_366 : i32
    %sign3A_368 = arith.extui %sign3A_367 : i1 to i32
    %sign3A_369 = arith.constant 0 : i32
    %sign3A_370 = arith.cmpi slt, %add3A_363, %sign3A_369 : i32
    %sign3A_371 = arith.extui %sign3A_370 : i1 to i32
    %sign3A_372 = arith.subi %sign3A_368, %sign3A_371 : i32
    %sign3A_373 = arith.constant 0 : i32
    %sign3A_374 = arith.cmpi sgt, %jit3A_364, %sign3A_373 : i32
    %sign3A_375 = arith.extui %sign3A_374 : i1 to i32
    %sign3A_376 = arith.constant 0 : i32
    %sign3A_377 = arith.cmpi slt, %jit3A_364, %sign3A_376 : i32
    %sign3A_378 = arith.extui %sign3A_377 : i1 to i32
    %sign3A_379 = arith.subi %sign3A_375, %sign3A_378 : i32
    %ne3A_380 = arith.cmpi ne, %sign3A_372, %sign3A_379 : i32
    %rem3A_381 = arith.remsi %add3A_363, %jit3A_364 : i32
    %ne3A_382 = arith.constant 0 : i32
    %ne3A_383 = arith.cmpi ne, %rem3A_381, %ne3A_382 : i32
    %and3A_384 = arith.andi %ne3A_380, %ne3A_383 : i1
    %sub3A_385 = arith.constant 1 : i32
    %sub3A_386 = arith.subi %div3A_365, %sub3A_385 : i32
    %select_n3A_387 = arith.select %and3A_384, %sub3A_386, %div3A_365 : i32
    %jit3A_388 = arith.constant 8 : i32
    %eq3A_389 = arith.constant 0 : i32
    %eq3A_390 = arith.cmpi eq, %jit3A_388, %eq3A_389 : i32
    %jit3A_391 = arith.constant 1 : i32
    %select_n3A_392 = arith.select %eq3A_390, %jit3A_391, %jit3A_388 : i32
    %rem3A_393 = arith.remsi %add3A_363, %select_n3A_392 : i32
    %ne3A_394 = arith.constant 0 : i32
    %ne3A_395 = arith.cmpi ne, %rem3A_393, %ne3A_394 : i32
    %lt3A_396 = arith.constant 0 : i32
    %lt3A_397 = arith.cmpi slt, %rem3A_393, %lt3A_396 : i32
    %lt3A_398 = arith.constant 0 : i32
    %lt3A_399 = arith.cmpi slt, %select_n3A_392, %lt3A_398 : i32
    %ne3A_400 = arith.xori %lt3A_397, %lt3A_399 : i1
    %and3A_401 = arith.andi %ne3A_400, %ne3A_395 : i1
    %add3A_402 = arith.addi %rem3A_393, %select_n3A_392 : i32
    %select_n3A_403 = arith.select %and3A_401, %add3A_402, %rem3A_393 : i32
    %mul3A_404 = arith.constant 32 : i32
    %mul3A_405 = arith.muli %select_n3A_30, %mul3A_404 : i32
    %mul3A_406 = arith.constant 512 : i32
    %mul3A_407 = arith.muli %select_n3A_403, %mul3A_406 : i32
    %dma_start3A_408 = tpu.memref_slice %arg4[%select_n3A_387, %mul3A_405, %mul3A_407] : memref<200x64x4096xf32, #tpu.memory_space<hbm>> -> memref<1x32x512xf32, #tpu.memory_space<hbm>>
    %dma_start3A_409 = tpu.memref_squeeze %dma_start3A_408 : memref<1x32x512xf32, #tpu.memory_space<hbm>> -> memref<32x512xf32, #tpu.memory_space<hbm>>
    %dma_start3A_410 = tpu.memref_slice %arg4[%select_n3A_387, %mul3A_405, %mul3A_407] : memref<200x64x4096xf32, #tpu.memory_space<hbm>> -> memref<1x32x512xf32, #tpu.memory_space<hbm>>
    %dma_start3A_411 = tpu.memref_squeeze %dma_start3A_410 : memref<1x32x512xf32, #tpu.memory_space<hbm>> -> memref<32x512xf32, #tpu.memory_space<hbm>>
    tpu.enqueue_dma source(%arg9 : memref<32x512xf32, #tpu.memory_space<vmem>>) target(%dma_start3A_411 : memref<32x512xf32, #tpu.memory_space<hbm>>) target_semaphore(%arg14 : memref<!tpu.dma_semaphore, #tpu.memory_space<semaphore_mem>>)
    %add3A_412 = arith.constant 1568 : i32
    %add3A_413 = arith.addi %select_n3A, %add3A_412 : i32
    %jit3A_414 = arith.constant 8 : i32
    %div3A_415 = arith.divsi %add3A_413, %jit3A_414 : i32
    %sign3A_416 = arith.constant 0 : i32
    %sign3A_417 = arith.cmpi sgt, %add3A_413, %sign3A_416 : i32
    %sign3A_418 = arith.extui %sign3A_417 : i1 to i32
    %sign3A_419 = arith.constant 0 : i32
    %sign3A_420 = arith.cmpi slt, %add3A_413, %sign3A_419 : i32
    %sign3A_421 = arith.extui %sign3A_420 : i1 to i32
    %sign3A_422 = arith.subi %sign3A_418, %sign3A_421 : i32
    %sign3A_423 = arith.constant 0 : i32
    %sign3A_424 = arith.cmpi sgt, %jit3A_414, %sign3A_423 : i32
    %sign3A_425 = arith.extui %sign3A_424 : i1 to i32
    %sign3A_426 = arith.constant 0 : i32
    %sign3A_427 = arith.cmpi slt, %jit3A_414, %sign3A_426 : i32
    %sign3A_428 = arith.extui %sign3A_427 : i1 to i32
    %sign3A_429 = arith.subi %sign3A_425, %sign3A_428 : i32
    %ne3A_430 = arith.cmpi ne, %sign3A_422, %sign3A_429 : i32
    %rem3A_431 = arith.remsi %add3A_413, %jit3A_414 : i32
    %ne3A_432 = arith.constant 0 : i32
    %ne3A_433 = arith.cmpi ne, %rem3A_431, %ne3A_432 : i32
    %and3A_434 = arith.andi %ne3A_430, %ne3A_433 : i1
    %sub3A_435 = arith.constant 1 : i32
    %sub3A_436 = arith.subi %div3A_415, %sub3A_435 : i32
    %select_n3A_437 = arith.select %and3A_434, %sub3A_436, %div3A_415 : i32
    %jit3A_438 = arith.constant 8 : i32
    %eq3A_439 = arith.constant 0 : i32
    %eq3A_440 = arith.cmpi eq, %jit3A_438, %eq3A_439 : i32
    %jit3A_441 = arith.constant 1 : i32
    %select_n3A_442 = arith.select %eq3A_440, %jit3A_441, %jit3A_438 : i32
    %rem3A_443 = arith.remsi %add3A_413, %select_n3A_442 : i32
    %ne3A_444 = arith.constant 0 : i32
    %ne3A_445 = arith.cmpi ne, %rem3A_443, %ne3A_444 : i32
    %lt3A_446 = arith.constant 0 : i32
    %lt3A_447 = arith.cmpi slt, %rem3A_443, %lt3A_446 : i32
    %lt3A_448 = arith.constant 0 : i32
    %lt3A_449 = arith.cmpi slt, %select_n3A_442, %lt3A_448 : i32
    %ne3A_450 = arith.xori %lt3A_447, %lt3A_449 : i1
    %and3A_451 = arith.andi %ne3A_450, %ne3A_445 : i1
    %add3A_452 = arith.addi %rem3A_443, %select_n3A_442 : i32
    %select_n3A_453 = arith.select %and3A_451, %add3A_452, %rem3A_443 : i32
    %mul3A_454 = arith.constant 32 : i32
    %mul3A_455 = arith.muli %select_n3A_30, %mul3A_454 : i32
    %mul3A_456 = arith.constant 512 : i32
    %mul3A_457 = arith.muli %select_n3A_453, %mul3A_456 : i32
    %dma_wait3A_458 = tpu.memref_slice %arg4[%select_n3A_437, %mul3A_455, %mul3A_457] : memref<200x64x4096xf32, #tpu.memory_space<hbm>> -> memref<1x32x512xf32, #tpu.memory_space<hbm>>
    %dma_wait3A_459 = tpu.memref_squeeze %dma_wait3A_458 : memref<1x32x512xf32, #tpu.memory_space<hbm>> -> memref<32x512xf32, #tpu.memory_space<hbm>>
    %dma_wait3A_460 = tpu.memref_slice %arg4[%select_n3A_437, %mul3A_455, %mul3A_457] : memref<200x64x4096xf32, #tpu.memory_space<hbm>> -> memref<1x32x512xf32, #tpu.memory_space<hbm>>
    %dma_wait3A_461 = tpu.memref_squeeze %dma_wait3A_460 : memref<1x32x512xf32, #tpu.memory_space<hbm>> -> memref<32x512xf32, #tpu.memory_space<hbm>>
    tpu.wait_dma2 semaphore(%arg13 : memref<!tpu.dma_semaphore, #tpu.memory_space<semaphore_mem>>) src(%arg8 : memref<32x512xf32, #tpu.memory_space<vmem>>) dst(%dma_wait3A_461 : memref<32x512xf32, #tpu.memory_space<hbm>>)
    %add3A_462 = arith.constant 1584 : i32
    %add3A_463 = arith.addi %select_n3A, %add3A_462 : i32
    %jit3A_464 = arith.constant 8 : i32
    %div3A_465 = arith.divsi %add3A_463, %jit3A_464 : i32
    %sign3A_466 = arith.constant 0 : i32
    %sign3A_467 = arith.cmpi sgt, %add3A_463, %sign3A_466 : i32
    %sign3A_468 = arith.extui %sign3A_467 : i1 to i32
    %sign3A_469 = arith.constant 0 : i32
    %sign3A_470 = arith.cmpi slt, %add3A_463, %sign3A_469 : i32
    %sign3A_471 = arith.extui %sign3A_470 : i1 to i32
    %sign3A_472 = arith.subi %sign3A_468, %sign3A_471 : i32
    %sign3A_473 = arith.constant 0 : i32
    %sign3A_474 = arith.cmpi sgt, %jit3A_464, %sign3A_473 : i32
    %sign3A_475 = arith.extui %sign3A_474 : i1 to i32
    %sign3A_476 = arith.constant 0 : i32
    %sign3A_477 = arith.cmpi slt, %jit3A_464, %sign3A_476 : i32
    %sign3A_478 = arith.extui %sign3A_477 : i1 to i32
    %sign3A_479 = arith.subi %sign3A_475, %sign3A_478 : i32
    %ne3A_480 = arith.cmpi ne, %sign3A_472, %sign3A_479 : i32
    %rem3A_481 = arith.remsi %add3A_463, %jit3A_464 : i32
    %ne3A_482 = arith.constant 0 : i32
    %ne3A_483 = arith.cmpi ne, %rem3A_481, %ne3A_482 : i32
    %and3A_484 = arith.andi %ne3A_480, %ne3A_483 : i1
    %sub3A_485 = arith.constant 1 : i32
    %sub3A_486 = arith.subi %div3A_465, %sub3A_485 : i32
    %select_n3A_487 = arith.select %and3A_484, %sub3A_486, %div3A_465 : i32
    %jit3A_488 = arith.constant 8 : i32
    %eq3A_489 = arith.constant 0 : i32
    %eq3A_490 = arith.cmpi eq, %jit3A_488, %eq3A_489 : i32
    %jit3A_491 = arith.constant 1 : i32
    %select_n3A_492 = arith.select %eq3A_490, %jit3A_491, %jit3A_488 : i32
    %rem3A_493 = arith.remsi %add3A_463, %select_n3A_492 : i32
    %ne3A_494 = arith.constant 0 : i32
    %ne3A_495 = arith.cmpi ne, %rem3A_493, %ne3A_494 : i32
    %lt3A_496 = arith.constant 0 : i32
    %lt3A_497 = arith.cmpi slt, %rem3A_493, %lt3A_496 : i32
    %lt3A_498 = arith.constant 0 : i32
    %lt3A_499 = arith.cmpi slt, %select_n3A_492, %lt3A_498 : i32
    %ne3A_500 = arith.xori %lt3A_497, %lt3A_499 : i1
    %and3A_501 = arith.andi %ne3A_500, %ne3A_495 : i1
    %add3A_502 = arith.addi %rem3A_493, %select_n3A_492 : i32
    %select_n3A_503 = arith.select %and3A_501, %add3A_502, %rem3A_493 : i32
    %mul3A_504 = arith.constant 32 : i32
    %mul3A_505 = arith.muli %select_n3A_30, %mul3A_504 : i32
    %mul3A_506 = arith.constant 512 : i32
    %mul3A_507 = arith.muli %select_n3A_503, %mul3A_506 : i32
    %dma_wait3A_508 = tpu.memref_slice %arg4[%select_n3A_487, %mul3A_505, %mul3A_507] : memref<200x64x4096xf32, #tpu.memory_space<hbm>> -> memref<1x32x512xf32, #tpu.memory_space<hbm>>
    %dma_wait3A_509 = tpu.memref_squeeze %dma_wait3A_508 : memref<1x32x512xf32, #tpu.memory_space<hbm>> -> memref<32x512xf32, #tpu.memory_space<hbm>>
    %dma_wait3A_510 = tpu.memref_slice %arg4[%select_n3A_487, %mul3A_505, %mul3A_507] : memref<200x64x4096xf32, #tpu.memory_space<hbm>> -> memref<1x32x512xf32, #tpu.memory_space<hbm>>
    %dma_wait3A_511 = tpu.memref_squeeze %dma_wait3A_510 : memref<1x32x512xf32, #tpu.memory_space<hbm>> -> memref<32x512xf32, #tpu.memory_space<hbm>>
    tpu.wait_dma2 semaphore(%arg14 : memref<!tpu.dma_semaphore, #tpu.memory_space<semaphore_mem>>) src(%arg9 : memref<32x512xf32, #tpu.memory_space<vmem>>) dst(%dma_wait3A_511 : memref<32x512xf32, #tpu.memory_space<hbm>>)
    return
  }
}

</mosaic_0001>

<sc_bundles>
// kernel: kernel.3.cloned.1.call-start
scs
__scs_entry_jumppad:
0x0: {  	(pc) =	sbr.rel $0x88, $3  }
0x1: {  	(tag) =	ssettag $0x0;
	lr =	simm.s32 $0x1  }
0x2: {  	[smem:$0x3F9F] =	sst lr;
	_ =	strace $0xD0000000  }
0x3: {  	_ = 	snop  }
0x4: {  	_ = 	snop  }
0x5: {  	_ = 	snop  }
0x6: {  	_ = 	snop  }
0x7: {  	_ = 	snop  }
__scs_overlays_trampoline_lowered:
0x8: {  	[smem:$0x3FAE] =	sst s0  }
0x9: {  	[smem:$0x3FAF] =	sst s1  }
0xa: {  	[smem:$0x3FB0] =	sst s2  }
0xb: {  	[smem:$0x3FB1] =	sst s3  }
0xc: {  	[smem:$0x3FB2] =	sst s4  }
0xd: {  	[smem:$0x3FB3] =	sst s5  }
0xe: {  	[smem:$0x3FB4] =	sst s6  }
0xf: {  	[smem:$0x3FB5] =	sst s7  }
0x10: {  	[smem:$0x3FB6] =	sst s8  }
0x11: {  	[smem:$0x3FB7] =	sst s9;
	s0 =	simm.s32 @!p0 $0x0  }
0x12: {  	s1 =	sld [smem:$0x3F9D];
	s0 =	simm.s32 @p0 $0x1  }
0x13: {  	[smem:$0x3FB8] =	sst s0;
	s0 =	simm.s32 @!p1 $0x0  }
0x14: {  	s2 =	sld [smem:$0x3F9C];
	s0 =	simm.s32 @p1 $0x1  }
0x15: {  	[smem:$0x3FB9] =	sst s0;
	s0 =	simm.s32 @!p2 $0x0  }
0x16: {  	s3 =	sld [smem:$0x3FDB];
	s0 =	simm.s32 @p2 $0x1  }
0x17: {  	s4 =	simm.s32 $0x1BF5;
	[smem:$0x3FBB] =	sst s0  }
0x18: {  	s0 =	sld [smem:$0x3F9E];
	_ =	swait.ge [sflag:s4], $0x0  }
0x19: {  	s7 =	sld [smem:$0x3F9F]  }
0x1a: {  	s8 =	sadd.s32 $0xFFFFE003, lr  }
0x1b: {  	s9 =	sadd.s32 $0xFFFFFEF7, lr;
	s5 =	simm.s32 $0xFFFFFFFF;
	p2 =	slt.u32 s8, $0xFFFFF086  }
0x1c: {  	p1 =	slt.u32 s9, $0xF7A;
	s5 =	simm.s32 @!p2 $0x0  }
0x1d: {  	s5 =	simm.s32 @p1 $0x1;
	p0 =	seq.s32 s7, s2  }
0x1e: {  	s7 =	smul.u32 @!p0 $0xF7A, s2;
	p2 =	seq.s32 @!p0 s5, $0x0  }
0x1f: {  	s9 =	smul.u32 $0xF7A, s1;
	s8 =	simm.s32 @!p0 $0x1BF5;
	p2 =	por !p2, p0  }
0x20: {  	[sflag:s8] =	ssyncset.s32 @!p0 $0xFFFFF086;
	s6 =	sadd.s32 @!p0 s3, s7;
	s7 =	simm.s32 @!p0 $0x108  }
0x21: {  	s3 =	sadd.s32 s3, s9;
	s6 =	sadd.s32 @!p0 $0x88, s6;
	s7 =	simm.s32 @p2 $0x1082  }
0x22: {  	[simem:s7], [sflag:s8] =	dma.local @!p0 [hbm:s6], $0xF7A  }
0x23: {  	s9 =	sor.u32 $0xD0000000, s2;
	s6 =	simm.s32 $0x108;
	_ =	swait.ge @!p0 [sflag:s8], $0x0  }
0x24: {  	s3 =	sadd.s32 $0x88, s3;
	s6 =	simm.s32 @!p1 $0x1082;
	[sflag:s4] =	ssyncset.s32 $0xFFFFF086  }
0x25: {  	[simem:s6], [sflag:s4] =	dma.local [hbm:s3], $0xF7A  }
0x26: {  	[smem:$0x3F9F] =	sst s1;
	(tag) =	ssettag s2;
	_ =	strace s9  }
0x27: {  	s1 =	sld [smem:$0x3FAF]  }
0x28: {  	s2 =	sld [smem:$0x3FB0]  }
0x29: {  	s4 =	sld [smem:$0x3FB2]  }
0x2a: {  	p0 =	seq.s32 s5, $0x0;
	s5 =	sld [smem:$0x3FB3]  }
0x2b: {  	s6 =	sld [smem:$0x3FB4]  }
0x2c: {  	s7 =	sld [smem:$0x3FB5]  }
0x2d: {  	s3 =	simm.s32 $0x108;
	s8 =	sld [smem:$0x3FB6]  }
0x2e: {  	s3 =	simm.s32 @!p0 $0x1082;
	s9 =	sld [smem:$0x3FB7]  }
0x2f: {  	lr =	sadd.s32 s0, s3;
	s0 =	sld [smem:$0x3FAE]  }
0x30: {  	s3 =	sld [smem:$0x3FB1]  }
0x31: {  	[smem:$0x3FBA] =	sst s10  }
0x32: {  	s10 =	sld [smem:$0x3FB8];
	_ =	sdelay $0x3  }
0x33: {  	p0 =	seq.s32 s10, $0x1;
	s10 =	sld [smem:$0x3FBA];
	_ =	sdelay $0x3  }
0x34: {  	[smem:$0x3FBA] =	sst s10  }
0x35: {  	s10 =	sld [smem:$0x3FB9];
	_ =	sdelay $0x3  }
0x36: {  	p1 =	seq.s32 s10, $0x1;
	s10 =	sld [smem:$0x3FBA];
	_ =	sdelay $0x3  }
0x37: {  	[smem:$0x3FBA] =	sst s10  }
0x38: {  	s10 =	sld [smem:$0x3FBB]  }
0x39: {  	_ = 	snop;
	(pc) =	sbr.ind lr, $3  }
0x3a: {  	_ = 	snop  }
0x3b: {  	_ = 	snop  }
0x3c: {  	p2 =	seq.s32 s10, $0x1;
	s10 =	sld [smem:$0x3FBA]  }
0x3d: {  	_ =	shalt  }
0x3e: {  	_ =	shalt  }
0x3f: {  	_ =	shalt  }
0x40: {  	_ =	shalt  }
0x41: {  	_ =	shalt  }
0x42: {  	_ =	shalt  }
0x43: {  	_ =	shalt  }
0x44: {  	_ =	shalt  }
0x45: {  	_ =	shalt  }
0x46: {  	_ =	shalt  }
0x47: {  	_ =	shalt  }
0x48: {  	_ =	shalt  }
0x49: {  	_ =	shalt  }
0x4a: {  	_ =	shalt  }
0x4b: {  	_ =	shalt  }
0x4c: {  	_ =	shalt  }
0x4d: {  	_ =	shalt  }
0x4e: {  	_ =	shalt  }
0x4f: {  	_ =	shalt  }
0x50: {  	_ =	shalt  }
0x51: {  	_ =	shalt  }
0x52: {  	_ =	shalt  }
0x53: {  	_ =	shalt  }
0x54: {  	_ =	shalt  }
0x55: {  	_ =	shalt  }
0x56: {  	_ =	shalt  }
0x57: {  	_ =	shalt  }
0x58: {  	_ =	shalt  }
0x59: {  	_ =	shalt  }
0x5a: {  	_ =	shalt  }
0x5b: {  	_ =	shalt  }
0x5c: {  	_ =	shalt  }
0x5d: {  	_ =	shalt  }
0x5e: {  	_ =	shalt  }
0x5f: {  	_ =	shalt  }
0x60: {  	_ =	shalt  }
0x61: {  	_ =	shalt  }
0x62: {  	_ =	shalt  }
0x63: {  	_ =	shalt  }
0x64: {  	_ =	shalt  }
0x65: {  	_ =	shalt  }
0x66: {  	_ =	shalt  }
0x67: {  	_ =	shalt  }
0x68: {  	_ =	shalt  }
0x69: {  	_ =	shalt  }
0x6a: {  	_ =	shalt  }
0x6b: {  	_ =	shalt  }
0x6c: {  	_ =	shalt  }
0x6d: {  	_ =	shalt  }
0x6e: {  	_ =	shalt  }
0x6f: {  	_ =	shalt  }
0x70: {  	_ =	shalt  }
0x71: {  	_ =	shalt  }
0x72: {  	_ =	shalt  }
0x73: {  	_ =	shalt  }
0x74: {  	_ =	shalt  }
0x75: {  	_ =	shalt  }
0x76: {  	_ =	shalt  }
0x77: {  	_ =	shalt  }
0x78: {  	_ =	shalt  }
0x79: {  	_ =	shalt  }
0x7a: {  	_ =	shalt  }
0x7b: {  	_ =	shalt  }
0x7c: {  	_ =	shalt  }
0x7d: {  	_ =	shalt  }
0x7e: {  	_ =	shalt  }
0x7f: {  	_ =	shalt  }
0x80: {  	_ =	shalt  }
0x81: {  	_ =	shalt  }
0x82: {  	_ =	shalt  }
0x83: {  	_ =	shalt  }
0x84: {  	_ =	shalt  }
0x85: {  	_ =	shalt  }
0x86: {  	_ =	shalt  }
0x87: {  	_ =	shalt  }
.Lfunc_end0:
.L_simem_size_0:
called_computation_lowered:
.L_overlay_start_0:
0x88: {  	s2 =	sld [smem:$0x3FD9]  }
0x89: {  	s3 =	sld [smem:$0x3FFE];
	_ =	sdelay $0x1  }
0x8a: {  	s1 =	srdreg.scid  }
0x8b: {  	s0 =	sand.u32 $0x1, s1  }
0x8c: {  	s17 =	sshll.u32 s0, $0xA;
	s2 =	sadd.s32 s3, s2  }
0x8d: {  	s2 =	sadd.s32 s2, s17  }
0x8e: {  	[smem:$0x3FC6] =	sst s2  }
0x8f: {  	_ = 	snop  }
0x90: {  	s2 =	sld [smem:$0x3FD0];
	(tm) =	ssettm $0x1  }
0x91: {  	s18 =	sld [smem:$0x3FFB];
	_ =	sdelay $0x3  }
0x92: {  	_ =	strace s18  }
0x93: {  	s3 =	sld [smem:$0x3FFC];
	_ =	sdelay $0x3  }
0x94: {  	_ =	strace s3  }
0x95: {  	s3 =	sld [smem:$0x3FFD];
	_ =	sdelay $0x3  }
0x96: {  	_ =	strace s3  }
0x97: {  	_ =	strace $0x8FFFFFFF  }
0x98: {  	s19 =	sld [smem:$0x3FDB];
	_ =	sdelay $0x1  }
0x99: {  	s4 =	simm.s32 $_scs_section_size  }
0x9a: {  	s5 =	simm.s32 $_size__tile_overlayer_lowered;
	s6 =	simm.s32 $_tile_overlayer_lowered  }
0x9b: {  	s22 =	simm.s32 $0x1BFF;
	s21 =	sshll.u32 s6, $0x1;
	s3 =	sadd.s32 s4, s19  }
0x9c: {  	s7 =	simm.s32 $0x0;
	s20 =	sshll.u32 s5, $0x1;
	s5 =	sadd.s32 s21, s3  }
0x9d: {  	[timem:s7], [sflag:s22] =	dma.local [hbm:s5], s20  }
0x9e: {  	_ =	swait.ge [sflag:s22], s20  }
0x9f: {  	s4 =	ssub.s32 $0x0, s20;
	[sflag:s22] =	ssyncset.done $0x0  }
0xa0: {  	[sflag:s22] =	ssyncadd.s32 s4;
	_ =	sdelay $0x1  }
0xa1: {  	s23 =	simm.s32 $0x1B8B  }
0xa2: {  	_ =	swait.ge [sflag:s23], $0x1  }
0xa3: {  	[sflag:s23] =	ssyncset.done $0x0  }
0xa4: {  	s25 =	simm.s32 $0x1B8E;
	s24 =	sld [smem:$0x3FFE];
	[sflag:s23] =	ssyncadd.s32 $0xFFFFFFFF  }
0xa5: {  	s26 =	simm.s32 $execute0_lowered;
	[smem:$0x3FD2] =	sst s25  }
0xa6: {  	s5 =	sshll.u32 s26, $0x1;
	_ =	strace $0x80000046;
	[dreg:$0x1] =	wrdreg $0xFFFFFFFF  }
0xa7: {  	s28 =	simm.s32 $_size_execute0_lowered;
	s3 =	sadd.s32 s3, s5;
	[dreg:$0x0] =	wrdreg $0x0  }
0xa8: {  	s5 =	sshll.u32 s28, $0x1;
	[dreg:$0x2] =	wrdreg s3  }
0xa9: {  	[dreg:$0x3] =	wrdreg s5  }
0xaa: {  	[dreg:$0x4] =	wrdreg $0xC0  }
0xab: {  	_ =	task [dreg:s7], $0x5FFFF  }
0xac: {  	[dreg:$0x1] =	wrdreg $0xFFFFFFFF  }
0xad: {  	[dreg:$0x0] =	wrdreg $0x60  }
0xae: {  	[dreg:$0x2] =	wrdreg s24  }
0xaf: {  	[dreg:$0x3] =	wrdreg s2  }
0xb0: {  	[dreg:$0x4] =	wrdreg $0x9  }
0xb1: {  	_ =	task.clear_ibuf [dreg:s7], $0x5FFFF;
	_ =	strace $0x90000046  }
0xb2: {  	s29 =	simm.s32 $0x9;
	_ =	strace $0x80000048  }
0xb3: {  	_ =	swait.ge [sflag:s29], $0x1  }
0xb4: {  	[sflag:s29] =	ssyncadd.s32 $0xFFFFFFFF  }
0xb5: {  	_ =	strace $0x90000048  }
0xb6: {  	_ =	sfence  }
0xb7: {  	s30 =	sld [smem:$0x0];
	_ =	sdelay $0x2  }
0xb8: {  	s31 =	sshll.u32 s1, $0xD;
	s1 =	sshrl.u32 s1, $0x2  }
0xb9: {  	s3 =	sand.u32 $0x4000, s31;
	s1 =	sadd.s32 s1, s30  }
0xba: {  	s0 =	sor.u32 s3, s0;
	s1 =	sshll.u32 s1, $0x11  }
0xbb: {  	s0 =	sor.u32 s1, s0  }
0xbc: {  	s0 =	sadd.s32 $0x8F2B, s0  }
0xbd: {  	[sflag:s0] =	ssyncadd.remote.s32 $0x1  }
0xbe: {  	_ =	sfence.sel $0xFFFF  }
0xbf: {  	[dreg:$0x0] =	wrdreg $0xFFFFFFFF;
	(pc) =	sbr.abs _section_cstart, $3  }
0xc0: {  	[dreg:$0x1] =	wrdreg $0xFFFFFFFF  }
0xc1: {  	_ =	task.clear_ibuf [dreg:s7], $0x2FFFF;
	_ =	strace $0x9FFFFFFF  }
0xc2: {  	(tm) =	ssettm $0x7FFFFFFF  }
0xc3: {  	_ =	shalt  }
tec
execute0_lowered:
.L_overlay_start_1:
0x0: {  	(tag) =	ssettag $0x1  }
0x1: {  	s0 =	srdreg.scid  }
0x2: {  	s2 =	stileid.u32;
	s18 =	rddreg [dreg:$0x0]  }
0x3: {  	s3 =	rddreg [dreg:$0x1];
	s10 =	simm.s32 $0x1;
	s0 =	sand.u32 $0x1, s0  }
0x4: {  	s17 =	simm.s32 $0x10000;
	s28 =	simm.s32 $0x0;
	s1 =	sor.u32 s0, s2  }
0x5: {  	p1 =	seq.s32 s0, $0x1;
	s7 =	sshll.u32 s0, $0xD;
	p0 =	seq.s32 s1, $0x0  }
0x6: {  	s19 =	ssub.s32 $0x2, s0;
	s1 =	simm.s32 $0x1;
	p0 =	por !p0, !p1  }
0x7: {  	s9 =	sadd.s32 s7, s18;
	s20 =	sshrl.u32 s19, $0x1;
	p0 =	por !p0, !p0  }
0x8: {  	s7 =	sshll.u32 s0, $0x11;
	s22 =	sadd.s32 $0x400, s9;
	s1 =	simm.s32 @!p0 $0x0  }
0x9: {  	s2 =	ssub.s32 s2, s1;
	s1 =	ssub.s32 s19, s20;
	s19 =	simm.s32 $0x2  }
0xa: {  	s20 =	simm.s32 $0x200;
	s4 =	sand.u32 $0xE0, s2;
	p5 =	slt.s32 s2, $0x1  }
0xb: {  	s23 =	sshll.u32 s2, $0x9;
	s24 =	sshll.u32 s2, $0xF;
	s5 =	sshrl.u32 s4, $0x5  }
0xc: {  	s12 =	sadd.s32 $0x20, s2;
	s13 =	sadd.s32 $0x30, s2;
	s6 =	sadd.s32 s5, s2  }
0xd: {  	s31 =	smax.u32 s1, $0x1;
	s4 =	simm.s32 $0x0;
	s5 =	sand.u32 $0xFFFFFFF8, s6  }
0xe: {  	s9 =	sand.u32 $0xE00, s23;
	s25 =	sand.u32 $0xFFFC0000, s24;
	s8 =	ssub.s32 s2, s5  }
0xf: {  	s24 =	simm.s32 $0x3;
	[smem:$0x7FF] =	sst s4;
	p6 =	sne.s32 s8, $0x0  }
0x10: {  	_ =	strace $0x80000047;
	[dreg:$0x3] =	wrdreg s22;
	p0 =	por !p5, !p6  }
0x11: {  	s11 =	sshrl.u32 s6, $0x3;
	[dreg:$0x8] =	wrdreg s31;
	p0 =	por !p0, !p0  }
0x12: {  	s22 =	simm.s32 $0x10400;
	s5 =	sadd.s32 $0x4400, s18;
	s10 =	simm.s32 @!p0 $0x0  }
0x13: {  	s18 =	simm.s32 $0x10200;
	s8 =	sshll.u32 s8, $0x9;
	s21 =	ssub.s32 s11, s10  }
0x14: {  	s8 =	sand.u32 $0xE00, s8;
	s10 =	sadd.s32 $0x2000, s23;
	s0 =	sshll.u32 s21, $0xC  }
0x15: {  	s23 =	simm.s32 $0x4;
	s0 =	sor.u32 s8, s0;
	s8 =	sor.u32 s9, s25  }
0x16: {  	s26 =	sshrl.u32 s10, $0x3;
	s0 =	sshrl.u32 s0, $0x3;
	s8 =	sor.u32 s7, s8  }
0x17: {  	s0 =	sadd.s32 s3, s0;
	s29 =	sadd.s32 $0x3100000, s8;
	s8 =	sadd.s32 $0x3180000, s8  }
0x18: {  	[dreg:$0x4] =	wrdreg s0;
	s0 =	sadd.s32 s3, s26;
	s8 =	sshrl.u32 s8, $0x3  }
0x19: {  	[dreg:$0x5] =	wrdreg s0;
	s0 =	sshrl.u32 s29, $0x3;
	s30 =	sadd.s32 s5, s8  }
0x1a: {  	s21 =	simm.s32 $0x1000;
	s0 =	sadd.s32 s5, s0;
	[dreg:$0x7] =	wrdreg s30  }
0x1b: {  	s25 =	simm.s32 $0x14400;
	s26 =	simm.s32 $0x5;
	[dreg:$0x6] =	wrdreg s0  }
.LBB2_1:
0x1c: {  	s0 =	rddreg [dreg:$0x3];
	s16 =	simm.s32 $0x1  }
0x1d: {  	[tilespmem:s4], [sflag:$0x1] =	stream.linear.gather [hbm4b:s0+s4], $0x10000, $0x38;
	[tilespmem:$0x18400] =	vst v63  }
0x1e: {  	_ =	swait.ge [sflag:s16], $0x10000  }
0x1f: {  	[sflag:s16] =	ssyncset.done $0x0  }
0x20: {  	s30 =	rddreg [dreg:$0x4];
	[sflag:s16] =	ssyncadd.s32 $0xFFFF0000  }
0x21: {  	[tilespmem:s17], [sflag:$0x2] =	stream.linear.gather [hbm4b:s30+s4], $0x200, $0x38;
	[tilespmem:$0x18400] =	vst v63  }
0x22: {  	s29 =	simm.s32 $0x0;
	s31 =	rddreg [dreg:$0x5]  }
0x23: {  	[tilespmem:s18], [sflag:$0x3] =	stream.linear.gather [hbm4b:s31+s4], $0x200, $0x38;
	[tilespmem:$0x18400] =	vst v63  }
.LBB2_2:
0x24: {  	_ =	swait.ge [sflag:s19], $0x200  }
0x25: {  	[sflag:s19] =	ssyncset.done $0x0  }
0x26: {  	s14 =	simm.s32 $0x0;
	[sflag:s19] =	ssyncadd.s32 $0xFFFFFE00  }
0x27: {  	v7 =	vld [tilespmem:s14+$0x10000];
	_ =	sdelay $0x7  }
0x28: {  	v0 =	vld.idx.msk [tilespmem:v7+s4+$0x0], $0xffff  }
0x29: {  	v1 =	vadd.s32 $0x800, v7;
	_ =	sdelay $0x3  }
0x2a: {  	[tilespmem:s14+$0x10400] =	vst v0  }
0x2b: {  	v0 =	vld.idx.msk [tilespmem:v1+s4+$0x0], $0xffff  }
0x2c: {  	v1 =	vadd.s32 $0x1000, v7;
	_ =	sdelay $0x3  }
0x2d: {  	[tilespmem:s14+$0x10600] =	vst v0  }
0x2e: {  	v0 =	vld.idx.msk [tilespmem:v1+s4+$0x0], $0xffff  }
0x2f: {  	v1 =	vadd.s32 $0x1800, v7;
	_ =	sdelay $0x3  }
0x30: {  	[tilespmem:s14+$0x10800] =	vst v0  }
0x31: {  	v0 =	vld.idx.msk [tilespmem:v1+s4+$0x0], $0xffff  }
0x32: {  	s30 =	simm.s32 $0x10;
	v1 =	vadd.s32 $0x2000, v7  }
0x33: {  	v2 =	vld [tilespmem:s30+$0x10000];
	_ =	sdelay $0x2  }
0x34: {  	[tilespmem:s14+$0x10A00] =	vst v0  }
0x35: {  	v0 =	vld.idx.msk [tilespmem:v1+s4+$0x0], $0xffff  }
0x36: {  	v1 =	vadd.s32 $0x2800, v7;
	_ =	sdelay $0x2  }
0x37: {  	v3 =	vld.idx.msk [tilespmem:v2+s4+$0x0], $0xffff  }
0x38: {  	[tilespmem:s14+$0x10C00] =	vst v0;
	v0 =	vadd.s32 $0x800, v2  }
0x39: {  	v1 =	vld.idx.msk [tilespmem:v1+s4+$0x0], $0xffff  }
0x3a: {  	v4 =	vadd.s32 $0x3000, v7;
	_ =	sdelay $0x1  }
0x3b: {  	[tilespmem:s30+$0x10400] =	vst v3  }
0x3c: {  	v0 =	vld.idx.msk [tilespmem:v0+s4+$0x0], $0xffff  }
0x3d: {  	[tilespmem:s14+$0x10E00] =	vst v1;
	v1 =	vadd.s32 $0x1000, v2  }
0x3e: {  	v3 =	vld.idx.msk [tilespmem:v4+s4+$0x0], $0xffff  }
0x3f: {  	v4 =	vadd.s32 $0x3800, v7;
	_ =	sdelay $0x1  }
0x40: {  	[tilespmem:s30+$0x10600] =	vst v0  }
0x41: {  	v0 =	vld.idx.msk [tilespmem:v1+s4+$0x0], $0xffff  }
0x42: {  	v1 =	vadd.s32 $0x1800, v2;
	[tilespmem:s14+$0x11000] =	vst v3  }
0x43: {  	v3 =	vld.idx.msk [tilespmem:v4+s4+$0x0], $0xffff  }
0x44: {  	v4 =	vadd.s32 $0x4000, v7;
	_ =	sdelay $0x1  }
0x45: {  	[tilespmem:s30+$0x10800] =	vst v0  }
0x46: {  	s31 =	simm.s32 $0x20;
	v1 =	vld.idx.msk [tilespmem:v1+s4+$0x0], $0xffff  }
0x47: {  	v0 =	vld [tilespmem:s31+$0x10000];
	[tilespmem:s14+$0x11200] =	vst v3;
	v3 =	vadd.s32 $0x2000, v2  }
0x48: {  	v4 =	vld.idx.msk [tilespmem:v4+s4+$0x0], $0xffff  }
0x49: {  	v5 =	vadd.s32 $0x4800, v7;
	_ =	sdelay $0x1  }
0x4a: {  	[tilespmem:s30+$0x10A00] =	vst v1  }
0x4b: {  	v1 =	vld.idx.msk [tilespmem:v3+s4+$0x0], $0xffff  }
0x4c: {  	v3 =	vadd.s32 $0x2800, v2;
	[tilespmem:s14+$0x11400] =	vst v4  }
0x4d: {  	v4 =	vld.idx.msk [tilespmem:v5+s4+$0x0], $0xffff  }
0x4e: {  	v5 =	vadd.s32 $0x5000, v7  }
0x4f: {  	v6 =	vld.idx.msk [tilespmem:v0+s4+$0x0], $0xffff  }
0x50: {  	[tilespmem:s30+$0x10C00] =	vst v1;
	v1 =	vadd.s32 $0x800, v0  }
0x51: {  	v3 =	vld.idx.msk [tilespmem:v3+s4+$0x0], $0xffff  }
0x52: {  	[tilespmem:s14+$0x11600] =	vst v4;
	v4 =	vadd.s32 $0x3000, v2  }
0x53: {  	v5 =	vld.idx.msk [tilespmem:v5+s4+$0x0], $0xffff  }
0x54: {  	[tilespmem:s31+$0x10400] =	vst v6;
	v6 =	vadd.s32 $0x5800, v7  }
0x55: {  	v1 =	vld.idx.msk [tilespmem:v1+s4+$0x0], $0xffff  }
0x56: {  	[tilespmem:s30+$0x10E00] =	vst v3;
	v3 =	vadd.s32 $0x1000, v0  }
0x57: {  	v4 =	vld.idx.msk [tilespmem:v4+s4+$0x0], $0xffff  }
0x58: {  	[tilespmem:s14+$0x11800] =	vst v5;
	v5 =	vadd.s32 $0x3800, v2  }
0x59: {  	v6 =	vld.idx.msk [tilespmem:v6+s4+$0x0], $0xffff  }
0x5a: {  	[tilespmem:s31+$0x10600] =	vst v1;
	v1 =	vadd.s32 $0x6000, v7  }
0x5b: {  	v3 =	vld.idx.msk [tilespmem:v3+s4+$0x0], $0xffff  }
0x5c: {  	[tilespmem:s30+$0x11000] =	vst v4;
	v4 =	vadd.s32 $0x1800, v0  }
0x5d: {  	v5 =	vld.idx.msk [tilespmem:v5+s4+$0x0], $0xffff  }
0x5e: {  	[tilespmem:s14+$0x11A00] =	vst v6;
	v6 =	vadd.s32 $0x4000, v2  }
0x5f: {  	v8 =	vld.idx.msk [tilespmem:v1+s4+$0x0], $0xffff  }
0x60: {  	[tilespmem:s31+$0x10800] =	vst v3;
	v3 =	vadd.s32 $0x6800, v7  }
0x61: {  	v4 =	vld.idx.msk [tilespmem:v4+s4+$0x0], $0xffff  }
0x62: {  	[tilespmem:s30+$0x11200] =	vst v5;
	v5 =	vadd.s32 $0x2000, v0  }
0x63: {  	s1 =	simm.s32 $0x30;
	v6 =	vld.idx.msk [tilespmem:v6+s4+$0x0], $0xffff  }
0x64: {  	v1 =	vld [tilespmem:s1+$0x10000];
	[tilespmem:s14+$0x11C00] =	vst v8;
	v8 =	vadd.s32 $0x4800, v2  }
0x65: {  	v3 =	vld.idx.msk [tilespmem:v3+s4+$0x0], $0xffff  }
0x66: {  	[tilespmem:s31+$0x10A00] =	vst v4;
	v4 =	vadd.s32 $0x7000, v7  }
0x67: {  	v5 =	vld.idx.msk [tilespmem:v5+s4+$0x0], $0xffff  }
0x68: {  	[tilespmem:s30+$0x11400] =	vst v6;
	v6 =	vadd.s32 $0x2800, v0  }
0x69: {  	v8 =	vld.idx.msk [tilespmem:v8+s4+$0x0], $0xffff  }
0x6a: {  	[tilespmem:s14+$0x11E00] =	vst v3;
	v3 =	vadd.s32 $0x5000, v2  }
0x6b: {  	v4 =	vld.idx.msk [tilespmem:v4+s4+$0x0], $0xffff  }
0x6c: {  	v9 =	vld.idx.msk [tilespmem:v1+s4+$0x0], $0xffff;
	[tilespmem:s31+$0x10C00] =	vst v5;
	v5 =	vadd.s32 $0x7800, v7  }
0x6d: {  	v10 =	vadd.s32 $0x800, v1;
	v6 =	vld.idx.msk [tilespmem:v6+s4+$0x0], $0xffff  }
0x6e: {  	[tilespmem:s30+$0x11600] =	vst v8;
	v8 =	vadd.s32 $0x3000, v0  }
0x6f: {  	v3 =	vld.idx.msk [tilespmem:v3+s4+$0x0], $0xffff  }
0x70: {  	[tilespmem:s14+$0x12000] =	vst v4;
	v4 =	vadd.s32 $0x5800, v2  }
0x71: {  	[tilespmem:s1+$0x10400] =	vst v9;
	v5 =	vld.idx.msk [tilespmem:v5+s4+$0x0], $0xffff  }
0x72: {  	v9 =	vld.idx.msk [tilespmem:v10+s4+$0x0], $0xffff;
	[tilespmem:s31+$0x10E00] =	vst v6;
	v6 =	vadd.s32 $0x8000, v7  }
0x73: {  	v10 =	vadd.s32 $0x1000, v1;
	v8 =	vld.idx.msk [tilespmem:v8+s4+$0x0], $0xffff  }
0x74: {  	[tilespmem:s30+$0x11800] =	vst v3;
	v3 =	vadd.s32 $0x3800, v0  }
0x75: {  	v4 =	vld.idx.msk [tilespmem:v4+s4+$0x0], $0xffff  }
0x76: {  	[tilespmem:s14+$0x12200] =	vst v5;
	v5 =	vadd.s32 $0x6000, v2  }
0x77: {  	[tilespmem:s1+$0x10600] =	vst v9;
	v6 =	vld.idx.msk [tilespmem:v6+s4+$0x0], $0xffff  }
0x78: {  	v9 =	vld.idx.msk [tilespmem:v10+s4+$0x0], $0xffff;
	[tilespmem:s31+$0x11000] =	vst v8;
	v8 =	vadd.s32 $0x8800, v7  }
0x79: {  	v10 =	vadd.s32 $0x1800, v1;
	v3 =	vld.idx.msk [tilespmem:v3+s4+$0x0], $0xffff  }
0x7a: {  	[tilespmem:s30+$0x11A00] =	vst v4;
	v4 =	vadd.s32 $0x4000, v0  }
0x7b: {  	v5 =	vld.idx.msk [tilespmem:v5+s4+$0x0], $0xffff  }
0x7c: {  	[tilespmem:s14+$0x12400] =	vst v6;
	v6 =	vadd.s32 $0x6800, v2  }
0x7d: {  	[tilespmem:s1+$0x10800] =	vst v9;
	v8 =	vld.idx.msk [tilespmem:v8+s4+$0x0], $0xffff  }
0x7e: {  	v9 =	vld.idx.msk [tilespmem:v10+s4+$0x0], $0xffff;
	v10 =	vadd.s32 $0x9000, v7;
	[tilespmem:s31+$0x11200] =	vst v3  }
0x7f: {  	s0 =	simm.s32 $0x40;
	v11 =	vadd.s32 $0x2000, v1;
	v4 =	vld.idx.msk [tilespmem:v4+s4+$0x0], $0xffff  }
0x80: {  	v3 =	vld [tilespmem:s0+$0x10000];
	[tilespmem:s30+$0x11C00] =	vst v5;
	v5 =	vadd.s32 $0x4800, v0  }
0x81: {  	v6 =	vld.idx.msk [tilespmem:v6+s4+$0x0], $0xffff  }
0x82: {  	[tilespmem:s14+$0x12600] =	vst v8;
	v8 =	vadd.s32 $0x7000, v2  }
0x83: {  	[tilespmem:s1+$0x10A00] =	vst v9;
	v9 =	vld.idx.msk [tilespmem:v10+s4+$0x0], $0xffff  }
0x84: {  	v10 =	vld.idx.msk [tilespmem:v11+s4+$0x0], $0xffff;
	[tilespmem:s31+$0x11400] =	vst v4;
	v4 =	vadd.s32 $0x9800, v7  }
0x85: {  	v11 =	vadd.s32 $0x2800, v1;
	v5 =	vld.idx.msk [tilespmem:v5+s4+$0x0], $0xffff  }
0x86: {  	[tilespmem:s30+$0x11E00] =	vst v6  }
0x87: {  	v6 =	vadd.s32 $0x5000, v0;
	v8 =	vld.idx.msk [tilespmem:v8+s4+$0x0], $0xffff  }
0x88: {  	v12 =	vld.idx.msk [tilespmem:v3+s4+$0x0], $0xffff;
	[tilespmem:s14+$0x12800] =	vst v9;
	v9 =	vadd.s32 $0x7800, v2  }
0x89: {  	[tilespmem:s1+$0x10C00] =	vst v10;
	v10 =	vadd.s32 $0x800, v3;
	v4 =	vld.idx.msk [tilespmem:v4+s4+$0x0], $0xffff  }
0x8a: {  	v11 =	vld.idx.msk [tilespmem:v11+s4+$0x0], $0xffff;
	[tilespmem:s31+$0x11600] =	vst v5;
	v5 =	vadd.s32 $0xA000, v7  }
0x8b: {  	v13 =	vadd.s32 $0x3000, v1  }
0x8c: {  	v6 =	vld.idx.msk [tilespmem:v6+s4+$0x0], $0xffff;
	[tilespmem:s30+$0x12000] =	vst v8  }
0x8d: {  	[tilespmem:s0+$0x10400] =	vst v12;
	v8 =	vadd.s32 $0x5800, v0;
	v9 =	vld.idx.msk [tilespmem:v9+s4+$0x0], $0xffff  }
0x8e: {  	v10 =	vld.idx.msk [tilespmem:v10+s4+$0x0], $0xffff;
	[tilespmem:s14+$0x12A00] =	vst v4;
	v4 =	vadd.s32 $0x8000, v2  }
0x8f: {  	[tilespmem:s1+$0x10E00] =	vst v11;
	v11 =	vadd.s32 $0x1000, v3;
	v5 =	vld.idx.msk [tilespmem:v5+s4+$0x0], $0xffff  }
0x90: {  	v12 =	vld.idx.msk [tilespmem:v13+s4+$0x0], $0xffff  }
0x91: {  	[tilespmem:s31+$0x11800] =	vst v6;
	v6 =	vadd.s32 $0xA800, v7  }
0x92: {  	v13 =	vadd.s32 $0x3800, v1;
	v8 =	vld.idx.msk [tilespmem:v8+s4+$0x0], $0xffff;
	[tilespmem:s30+$0x12200] =	vst v9  }
0x93: {  	v9 =	vadd.s32 $0x6000, v0;
	[tilespmem:s0+$0x10600] =	vst v10;
	v10 =	vld.idx.msk [tilespmem:v4+s4+$0x0], $0xffff  }
0x94: {  	s8 =	simm.s32 $0x50;
	v11 =	vld.idx.msk [tilespmem:v11+s4+$0x0], $0xffff;
	[tilespmem:s14+$0x12C00] =	vst v5;
	v5 =	vadd.s32 $0x8800, v2  }
0x95: {  	v4 =	vld [tilespmem:s8+$0x10000];
	[tilespmem:s1+$0x11000] =	vst v12;
	v12 =	vadd.s32 $0x1800, v3  }
0x96: {  	v6 =	vld.idx.msk [tilespmem:v6+s4+$0x0], $0xffff  }
0x97: {  	v13 =	vld.idx.msk [tilespmem:v13+s4+$0x0], $0xffff;
	[tilespmem:s31+$0x11A00] =	vst v8;
	v8 =	vadd.s32 $0xB000, v7  }
0x98: {  	v14 =	vadd.s32 $0x4000, v1;
	v9 =	vld.idx.msk [tilespmem:v9+s4+$0x0], $0xffff;
	[tilespmem:s30+$0x12400] =	vst v10  }
0x99: {  	v10 =	vadd.s32 $0x6800, v0;
	[tilespmem:s0+$0x10800] =	vst v11;
	v11 =	vld.idx.msk [tilespmem:v5+s4+$0x0], $0xffff  }
0x9a: {  	s10 =	simm.s32 $0x60;
	v12 =	vld.idx.msk [tilespmem:v12+s4+$0x0], $0xffff  }
0x9b: {  	v5 =	vld [tilespmem:s10+$0x10000];
	[tilespmem:s14+$0x12E00] =	vst v6;
	v6 =	vadd.s32 $0x9000, v2  }
0x9c: {  	[tilespmem:s1+$0x11200] =	vst v13;
	v13 =	vadd.s32 $0x2000, v3;
	v8 =	vld.idx.msk [tilespmem:v8+s4+$0x0], $0xffff  }
0x9d: {  	v14 =	vld.idx.msk [tilespmem:v14+s4+$0x0], $0xffff;
	[tilespmem:s31+$0x11C00] =	vst v9;
	v9 =	vadd.s32 $0xB800, v7  }
0x9e: {  	v15 =	vadd.s32 $0x4800, v1;
	v10 =	vld.idx.msk [tilespmem:v10+s4+$0x0], $0xffff  }
0x9f: {  	v16 =	vld.idx.msk [tilespmem:v4+s4+$0x0], $0xffff;
	[tilespmem:s30+$0x12600] =	vst v11  }
0xa0: {  	v11 =	vadd.s32 $0x7000, v0;
	[tilespmem:s0+$0x10A00] =	vst v12;
	v6 =	vld.idx.msk [tilespmem:v6+s4+$0x0], $0xffff  }
0xa1: {  	v12 =	vld.idx.msk [tilespmem:v13+s4+$0x0], $0xffff;
	[tilespmem:s14+$0x13000] =	vst v8;
	v8 =	vadd.s32 $0x9800, v2  }
0xa2: {  	v13 =	vadd.s32 $0x2800, v3;
	[tilespmem:s1+$0x11400] =	vst v14;
	v9 =	vld.idx.msk [tilespmem:v9+s4+$0x0], $0xffff  }
0xa3: {  	v14 =	vld.idx.msk [tilespmem:v15+s4+$0x0], $0xffff;
	[tilespmem:s31+$0x11E00] =	vst v10;
	v10 =	vadd.s32 $0xC000, v7  }
0xa4: {  	v15 =	vadd.s32 $0x5000, v1;
	v18 =	vld.idx.msk [tilespmem:v5+s4+$0x0], $0xffff  }
0xa5: {  	v19 =	vadd.s32 $0x800, v5;
	v11 =	vld.idx.msk [tilespmem:v11+s4+$0x0], $0xffff;
	[tilespmem:s30+$0x12800] =	vst v6  }
0xa6: {  	v6 =	vadd.s32 $0x7800, v0;
	[tilespmem:s0+$0x10C00] =	vst v12;
	v8 =	vld.idx.msk [tilespmem:v8+s4+$0x0], $0xffff  }
0xa7: {  	v12 =	vadd.s32 $0x800, v4;
	v13 =	vld.idx.msk [tilespmem:v13+s4+$0x0], $0xffff;
	[tilespmem:s14+$0x13200] =	vst v9  }
0xa8: {  	v9 =	vadd.s32 $0xA000, v2;
	[tilespmem:s1+$0x11600] =	vst v14;
	v10 =	vld.idx.msk [tilespmem:v10+s4+$0x0], $0xffff  }
0xa9: {  	v14 =	vadd.s32 $0x3000, v3;
	[tilespmem:s10+$0x10400] =	vst v18;
	v15 =	vld.idx.msk [tilespmem:v15+s4+$0x0], $0xffff  }
0xaa: {  	v18 =	vld.idx.msk [tilespmem:v19+s4+$0x0], $0xffff;
	[tilespmem:s31+$0x12000] =	vst v11;
	v11 =	vadd.s32 $0xC800, v7  }
0xab: {  	[tilespmem:s8+$0x10400] =	vst v16;
	v16 =	vadd.s32 $0x5800, v1;
	v6 =	vld.idx.msk [tilespmem:v6+s4+$0x0], $0xffff  }
0xac: {  	v19 =	vadd.s32 $0x1000, v5;
	v12 =	vld.idx.msk [tilespmem:v12+s4+$0x0], $0xffff;
	[tilespmem:s30+$0x12A00] =	vst v8  }
0xad: {  	v8 =	vadd.s32 $0x8000, v0;
	[tilespmem:s0+$0x10E00] =	vst v13;
	v9 =	vld.idx.msk [tilespmem:v9+s4+$0x0], $0xffff  }
0xae: {  	v13 =	vadd.s32 $0x1000, v4;
	v14 =	vld.idx.msk [tilespmem:v14+s4+$0x0], $0xffff;
	[tilespmem:s14+$0x13400] =	vst v10  }
0xaf: {  	v10 =	vadd.s32 $0xA800, v2;
	[tilespmem:s1+$0x11800] =	vst v15;
	v11 =	vld.idx.msk [tilespmem:v11+s4+$0x0], $0xffff  }
0xb0: {  	v15 =	vadd.s32 $0x3800, v3;
	[tilespmem:s10+$0x10600] =	vst v18;
	v16 =	vld.idx.msk [tilespmem:v16+s4+$0x0], $0xffff  }
0xb1: {  	v18 =	vld.idx.msk [tilespmem:v19+s4+$0x0], $0xffff;
	[tilespmem:s31+$0x12200] =	vst v6;
	v6 =	vadd.s32 $0xD000, v7  }
0xb2: {  	[tilespmem:s8+$0x10600] =	vst v12;
	v12 =	vadd.s32 $0x6000, v1;
	v8 =	vld.idx.msk [tilespmem:v8+s4+$0x0], $0xffff  }
0xb3: {  	v13 =	vld.idx.msk [tilespmem:v13+s4+$0x0], $0xffff;
	[tilespmem:s30+$0x12C00] =	vst v9;
	v9 =	vadd.s32 $0x8800, v0  }
0xb4: {  	[tilespmem:s0+$0x11000] =	vst v14;
	v14 =	vadd.s32 $0x1800, v4;
	v10 =	vld.idx.msk [tilespmem:v10+s4+$0x0], $0xffff  }
0xb5: {  	v15 =	vld.idx.msk [tilespmem:v15+s4+$0x0], $0xffff;
	[tilespmem:s14+$0x13600] =	vst v11;
	v11 =	vadd.s32 $0xB000, v2  }
0xb6: {  	[tilespmem:s1+$0x11A00] =	vst v16;
	v16 =	vadd.s32 $0x4000, v3;
	v6 =	vld.idx.msk [tilespmem:v6+s4+$0x0], $0xffff  }
0xb7: {  	v12 =	vld.idx.msk [tilespmem:v12+s4+$0x0], $0xffff;
	[tilespmem:s31+$0x12400] =	vst v8  }
0xb8: {  	v8 =	vadd.s32 $0xD800, v7;
	[tilespmem:s8+$0x10800] =	vst v13;
	v9 =	vld.idx.msk [tilespmem:v9+s4+$0x0], $0xffff  }
0xb9: {  	v13 =	vadd.s32 $0x6800, v1;
	v14 =	vld.idx.msk [tilespmem:v14+s4+$0x0], $0xffff;
	[tilespmem:s30+$0x12E00] =	vst v10  }
0xba: {  	[tilespmem:s0+$0x11200] =	vst v15;
	v10 =	vadd.s32 $0x9000, v0;
	v11 =	vld.idx.msk [tilespmem:v11+s4+$0x0], $0xffff  }
0xbb: {  	s11 =	simm.s32 $0x70;
	v15 =	vadd.s32 $0x2000, v4;
	v16 =	vld.idx.msk [tilespmem:v16+s4+$0x0], $0xffff;
	[tilespmem:s14+$0x13800] =	vst v6  }
0xbc: {  	[tilespmem:s1+$0x11C00] =	vst v12;
	v12 =	vadd.s32 $0xB800, v2;
	v6 =	vld [tilespmem:s11+$0x10000]  }
0xbd: {  	v17 =	vadd.s32 $0x4800, v3;
	v8 =	vld.idx.msk [tilespmem:v8+s4+$0x0], $0xffff  }
0xbe: {  	v13 =	vld.idx.msk [tilespmem:v13+s4+$0x0], $0xffff;
	[tilespmem:s31+$0x12600] =	vst v9;
	v9 =	vadd.s32 $0xE000, v7  }
0xbf: {  	[tilespmem:s8+$0x10A00] =	vst v14;
	v14 =	vadd.s32 $0x7000, v1;
	v10 =	vld.idx.msk [tilespmem:v10+s4+$0x0], $0xffff  }
0xc0: {  	v15 =	vld.idx.msk [tilespmem:v15+s4+$0x0], $0xffff;
	[tilespmem:s30+$0x13000] =	vst v11;
	v11 =	vadd.s32 $0x9800, v0  }
0xc1: {  	[tilespmem:s0+$0x11400] =	vst v16;
	v16 =	vadd.s32 $0x2800, v4;
	v12 =	vld.idx.msk [tilespmem:v12+s4+$0x0], $0xffff  }
0xc2: {  	v17 =	vld.idx.msk [tilespmem:v17+s4+$0x0], $0xffff;
	[tilespmem:s14+$0x13A00] =	vst v8;
	v8 =	vadd.s32 $0xC000, v2  }
0xc3: {  	[tilespmem:s1+$0x11E00] =	vst v13;
	v13 =	vadd.s32 $0x5000, v3;
	v9 =	vld.idx.msk [tilespmem:v9+s4+$0x0], $0xffff  }
0xc4: {  	v14 =	vld.idx.msk [tilespmem:v14+s4+$0x0], $0xffff;
	[tilespmem:s31+$0x12800] =	vst v10;
	v10 =	vadd.s32 $0xE800, v7  }
0xc5: {  	[tilespmem:s8+$0x10C00] =	vst v15;
	v15 =	vadd.s32 $0x7800, v1;
	v11 =	vld.idx.msk [tilespmem:v11+s4+$0x0], $0xffff  }
0xc6: {  	v16 =	vld.idx.msk [tilespmem:v16+s4+$0x0], $0xffff;
	[tilespmem:s30+$0x13200] =	vst v12;
	v12 =	vadd.s32 $0xA000, v0  }
0xc7: {  	[tilespmem:s0+$0x11600] =	vst v17;
	v17 =	vadd.s32 $0x3000, v4;
	v8 =	vld.idx.msk [tilespmem:v8+s4+$0x0], $0xffff  }
0xc8: {  	v13 =	vld.idx.msk [tilespmem:v13+s4+$0x0], $0xffff;
	[tilespmem:s14+$0x13C00] =	vst v9;
	v9 =	vadd.s32 $0xC800, v2  }
0xc9: {  	[tilespmem:s1+$0x12000] =	vst v14;
	v14 =	vadd.s32 $0x5800, v3;
	v10 =	vld.idx.msk [tilespmem:v10+s4+$0x0], $0xffff  }
0xca: {  	v15 =	vld.idx.msk [tilespmem:v15+s4+$0x0], $0xffff;
	[tilespmem:s31+$0x12A00] =	vst v11;
	v11 =	vadd.s32 $0xF000, v7  }
0xcb: {  	[tilespmem:s8+$0x10E00] =	vst v16;
	v16 =	vadd.s32 $0x8000, v1;
	v12 =	vld.idx.msk [tilespmem:v12+s4+$0x0], $0xffff  }
0xcc: {  	v17 =	vld.idx.msk [tilespmem:v17+s4+$0x0], $0xffff;
	[tilespmem:s30+$0x13400] =	vst v8;
	v8 =	vadd.s32 $0xA800, v0  }
0xcd: {  	[tilespmem:s0+$0x11800] =	vst v13;
	v13 =	vadd.s32 $0x3800, v4;
	v9 =	vld.idx.msk [tilespmem:v9+s4+$0x0], $0xffff  }
0xce: {  	v14 =	vld.idx.msk [tilespmem:v14+s4+$0x0], $0xffff;
	[tilespmem:s14+$0x13E00] =	vst v10;
	v10 =	vadd.s32 $0xD000, v2  }
0xcf: {  	[tilespmem:s1+$0x12200] =	vst v15;
	v15 =	vadd.s32 $0x6000, v3;
	v11 =	vld.idx.msk [tilespmem:v11+s4+$0x0], $0xffff  }
0xd0: {  	v7 =	vadd.s32 $0xF800, v7;
	v16 =	vld.idx.msk [tilespmem:v16+s4+$0x0], $0xffff;
	[tilespmem:s31+$0x12C00] =	vst v12  }
0xd1: {  	[tilespmem:s8+$0x11000] =	vst v17;
	v12 =	vadd.s32 $0x8800, v1;
	v8 =	vld.idx.msk [tilespmem:v8+s4+$0x0], $0xffff  }
0xd2: {  	v17 =	vadd.s32 $0x1800, v5;
	v19 =	vld.idx.msk [tilespmem:v13+s4+$0x0], $0xffff;
	[tilespmem:s30+$0x13600] =	vst v9  }
0xd3: {  	[tilespmem:s0+$0x11A00] =	vst v14;
	v9 =	vadd.s32 $0xB000, v0;
	v10 =	vld.idx.msk [tilespmem:v10+s4+$0x0], $0xffff  }
0xd4: {  	v14 =	vadd.s32 $0x4000, v4;
	v20 =	vld.idx.msk [tilespmem:v15+s4+$0x0], $0xffff;
	[tilespmem:s14+$0x14000] =	vst v11  }
0xd5: {  	v21 =	vadd.s32 $0xD800, v2;
	[tilespmem:s1+$0x12400] =	vst v16;
	v7 =	vld.idx.msk [tilespmem:v7+s4+$0x0], $0xffff  }
0xd6: {  	[tilespmem:s10+$0x10800] =	vst v18;
	v16 =	vadd.s32 $0x6800, v3;
	v13 =	vld.idx.msk [tilespmem:v12+s4+$0x0], $0xffff  }
0xd7: {  	v11 =	vld.idx.msk [tilespmem:v17+s4+$0x0], $0xffff;
	[tilespmem:s31+$0x12E00] =	vst v8  }
0xd8: {  	v15 =	vadd.s32 $0x9000, v1;
	[tilespmem:s8+$0x11200] =	vst v19;
	v8 =	vld.idx.msk [tilespmem:v9+s4+$0x0], $0xffff  }
0xd9: {  	v9 =	vld.idx.msk [tilespmem:v14+s4+$0x0], $0xffff;
	v14 =	vadd.s32 $0x2000, v5;
	[tilespmem:s30+$0x13800] =	vst v10  }
0xda: {  	s15 =	simm.s32 $0x200;
	v12 =	vadd.s32 $0xB800, v0;
	[tilespmem:s0+$0x11C00] =	vst v20;
	v10 =	vld.idx.msk [tilespmem:v21+s4+$0x0], $0xffff  }
.LBB2_3:
0xdb: {  	s16 =	sshra.s32 s15, $0x2;
	p0 =	sne.s32 s15, $0x7C0;
	v17 =	vadd.s32 $0x4800, v4;
	v16 =	vld.idx.msk [tilespmem:v16+s4+$0x0], $0xffff;
	[tilespmem:s14+$0x14200] =	vst v7;
	s14 =	smov.u32 s30  }
0xdc: {  	s30 =	smov.u32 s31;
	s31 =	smov.u32 s1;
	v7 =	vld [tilespmem:s16+$0x10000];
	[tilespmem:s1+$0x12600] =	vst v13;
	v13 =	vadd.s32 $0xE000, v2;
	s1 =	smov.u32 s0  }
0xdd: {  	s0 =	smov.u32 s8;
	s8 =	smov.u32 s10;
	[tilespmem:s10+$0x10A00] =	vst v11;
	v11 =	vadd.s32 $0x7000, v3;
	v15 =	vld.idx.msk [tilespmem:v15+s4+$0x0], $0xffff;
	s10 =	smov.u32 s11  }
0xde: {  	s11 =	smov.u32 s16;
	v14 =	vld.idx.msk [tilespmem:v14+s4+$0x0], $0xffff;
	[tilespmem:s30+$0x13000] =	vst v8  }
0xdf: {  	v8 =	vadd.s32 $0x9800, v1;
	[tilespmem:s0+$0x11400] =	vst v9;
	v9 =	vld.idx.msk [tilespmem:v12+s4+$0x0], $0xffff  }
0xe0: {  	v12 =	vadd.s32 $0x2800, v5;
	v17 =	vld.idx.msk [tilespmem:v17+s4+$0x0], $0xffff;
	[tilespmem:s14+$0x13A00] =	vst v10  }
0xe1: {  	v10 =	vadd.s32 $0xC000, v0;
	[tilespmem:s1+$0x11E00] =	vst v16;
	v13 =	vld.idx.msk [tilespmem:v13+s4+$0x0], $0xffff  }
0xe2: {  	v16 =	vadd.s32 $0x5000, v4;
	v11 =	vld.idx.msk [tilespmem:v11+s4+$0x0], $0xffff  }
0xe3: {  	v18 =	vld.idx.msk [tilespmem:v6+s4+$0x0], $0xffff;
	[tilespmem:s31+$0x12800] =	vst v15;
	v15 =	vadd.s32 $0xE800, v2  }
0xe4: {  	[tilespmem:s8+$0x10C00] =	vst v14;
	v14 =	vadd.s32 $0x7800, v3;
	v8 =	vld.idx.msk [tilespmem:v8+s4+$0x0], $0xffff  }
0xe5: {  	v19 =	vadd.s32 $0x800, v6;
	v12 =	vld.idx.msk [tilespmem:v12+s4+$0x0], $0xffff;
	[tilespmem:s30+$0x13200] =	vst v9  }
0xe6: {  	v9 =	vadd.s32 $0xA000, v1;
	[tilespmem:s0+$0x11600] =	vst v17;
	v10 =	vld.idx.msk [tilespmem:v10+s4+$0x0], $0xffff  }
0xe7: {  	v17 =	vadd.s32 $0x3000, v5;
	v16 =	vld.idx.msk [tilespmem:v16+s4+$0x0], $0xffff;
	[tilespmem:s14+$0x13C00] =	vst v13  }
0xe8: {  	[tilespmem:s1+$0x12000] =	vst v11;
	v11 =	vadd.s32 $0xC800, v0;
	v13 =	vld.idx.msk [tilespmem:v15+s4+$0x0], $0xffff  }
0xe9: {  	v15 =	vadd.s32 $0x5800, v4;
	[tilespmem:s10+$0x10400] =	vst v18;
	v14 =	vld.idx.msk [tilespmem:v14+s4+$0x0], $0xffff  }
0xea: {  	v18 =	vld.idx.msk [tilespmem:v19+s4+$0x0], $0xffff;
	[tilespmem:s31+$0x12A00] =	vst v8;
	v8 =	vadd.s32 $0xF000, v2  }
0xeb: {  	[tilespmem:s8+$0x10E00] =	vst v12;
	v12 =	vadd.s32 $0x8000, v3;
	v9 =	vld.idx.msk [tilespmem:v9+s4+$0x0], $0xffff  }
0xec: {  	v19 =	vadd.s32 $0x1000, v6;
	v17 =	vld.idx.msk [tilespmem:v17+s4+$0x0], $0xffff;
	[tilespmem:s30+$0x13400] =	vst v10  }
0xed: {  	v10 =	vadd.s32 $0xA800, v1;
	[tilespmem:s0+$0x11800] =	vst v16;
	v11 =	vld.idx.msk [tilespmem:v11+s4+$0x0], $0xffff  }
0xee: {  	v16 =	vadd.s32 $0x3800, v5;
	v15 =	vld.idx.msk [tilespmem:v15+s4+$0x0], $0xffff;
	[tilespmem:s14+$0x13E00] =	vst v13  }
0xef: {  	v13 =	vadd.s32 $0xD000, v0;
	[tilespmem:s1+$0x12200] =	vst v14;
	v8 =	vld.idx.msk [tilespmem:v8+s4+$0x0], $0xffff  }
0xf0: {  	v14 =	vadd.s32 $0x6000, v4;
	[tilespmem:s10+$0x10600] =	vst v18;
	v12 =	vld.idx.msk [tilespmem:v12+s4+$0x0], $0xffff  }
0xf1: {  	v18 =	vld.idx.msk [tilespmem:v19+s4+$0x0], $0xffff;
	[tilespmem:s31+$0x12C00] =	vst v9;
	v9 =	vadd.s32 $0xF800, v2;
	v2 =	vmovc v0;
	v0 =	vmovc v1;
	v1 =	vmov v3;
	v3 =	vmov v4  }
0xf2: {  	v4 =	vmovc v5;
	v5 =	vmov v6;
	v6 =	vmov v7;
	[tilespmem:s8+$0x11000] =	vst v17;
	v17 =	vadd.s32 $0x8800, v1;
	v10 =	vld.idx.msk [tilespmem:v10+s4+$0x0], $0xffff  }
0xf3: {  	v19 =	vadd.s32 $0x1800, v5;
	v20 =	vld.idx.msk [tilespmem:v16+s4+$0x0], $0xffff;
	[tilespmem:s30+$0x13600] =	vst v11  }
0xf4: {  	v21 =	vadd.s32 $0xB000, v0;
	[tilespmem:s0+$0x11A00] =	vst v15;
	v22 =	vld.idx.msk [tilespmem:v13+s4+$0x0], $0xffff  }
0xf5: {  	v23 =	vadd.s32 $0x4000, v4;
	v24 =	vld.idx.msk [tilespmem:v14+s4+$0x0], $0xffff;
	[tilespmem:s14+$0x14000] =	vst v8  }
0xf6: {  	v25 =	vadd.s32 $0xD800, v2;
	[tilespmem:s1+$0x12400] =	vst v12;
	v7 =	vld.idx.msk [tilespmem:v9+s4+$0x0], $0xffff  }
.Ltmp0:
0xf7: {  	v16 =	vadd.s32 $0x6800, v3;
	[tilespmem:s10+$0x10800] =	vst v18;
	v13 =	vld.idx.msk [tilespmem:v17+s4+$0x0], $0xffff;
	(pc) =	sbr.rel @p0 .LBB2_3-.Ltmp0, $4  }
0xf8: {  	v11 =	vld.idx.msk [tilespmem:v19+s4+$0x0], $0xffff;
	[tilespmem:s31+$0x12E00] =	vst v10  }
0xf9: {  	v15 =	vadd.s32 $0x9000, v1;
	[tilespmem:s8+$0x11200] =	vst v20;
	v8 =	vld.idx.msk [tilespmem:v21+s4+$0x0], $0xffff  }
0xfa: {  	v14 =	vadd.s32 $0x2000, v5;
	v9 =	vld.idx.msk [tilespmem:v23+s4+$0x0], $0xffff;
	[tilespmem:s30+$0x13800] =	vst v22  }
0xfb: {  	s15 =	sadd.s32 $0x40, s15;
	v12 =	vadd.s32 $0xB800, v0;
	[tilespmem:s0+$0x11C00] =	vst v24;
	v10 =	vld.idx.msk [tilespmem:v25+s4+$0x0], $0xffff  }
0xfc: {  	_ =	sdelay $0x2  }
0xfd: {  	v17 =	vadd.s32 $0x4800, v4;
	[tilespmem:s1+$0x12600] =	vst v13  }
0xfe: {  	v16 =	vld.idx.msk [tilespmem:v16+s4+$0x0], $0xffff;
	v13 =	vadd.s32 $0xE000, v2;
	[tilespmem:s14+$0x14200] =	vst v7  }
0xff: {  	[tilespmem:s10+$0x10A00] =	vst v11;
	v11 =	vadd.s32 $0x7000, v3;
	v15 =	vld.idx.msk [tilespmem:v15+s4+$0x0], $0xffff  }
0x100: {  	v14 =	vld.idx.msk [tilespmem:v14+s4+$0x0], $0xffff;
	[tilespmem:s31+$0x13000] =	vst v8  }
0x101: {  	v8 =	vadd.s32 $0x9800, v1;
	[tilespmem:s8+$0x11400] =	vst v9;
	v12 =	vld.idx.msk [tilespmem:v12+s4+$0x0], $0xffff  }
0x102: {  	v18 =	vadd.s32 $0x2800, v5;
	[tilespmem:s30+$0x13A00] =	vst v10;
	v17 =	vld.idx.msk [tilespmem:v17+s4+$0x0], $0xffff  }
0x103: {  	v10 =	vadd.s32 $0xC000, v0;
	[tilespmem:s0+$0x11E00] =	vst v16;
	v13 =	vld.idx.msk [tilespmem:v13+s4+$0x0], $0xffff  }
0x104: {  	v7 =	vadd.s32 $0x5000, v4;
	v11 =	vld.idx.msk [tilespmem:v11+s4+$0x0], $0xffff;
	[tilespmem:s1+$0x12800] =	vst v15  }
0x105: {  	v16 =	vld.idx.msk [tilespmem:v6+s4+$0x0], $0xffff;
	v15 =	vadd.s32 $0xE800, v2;
	[tilespmem:s10+$0x10C00] =	vst v14  }
0x106: {  	v9 =	vld.idx.msk [tilespmem:v8+s4+$0x0], $0xffff;
	v14 =	vadd.s32 $0x800, v6;
	[tilespmem:s31+$0x13200] =	vst v12  }
0x107: {  	v18 =	vld.idx.msk [tilespmem:v18+s4+$0x0], $0xffff;
	[tilespmem:s8+$0x11600] =	vst v17  }
0x108: {  	v8 =	vld.idx.msk [tilespmem:v10+s4+$0x0], $0xffff;
	[tilespmem:s30+$0x13C00] =	vst v13  }
0x109: {  	v10 =	vld.idx.msk [tilespmem:v7+s4+$0x0], $0xffff;
	[tilespmem:s0+$0x12000] =	vst v11  }
0x10a: {  	v7 =	vld.idx.msk [tilespmem:v15+s4+$0x0], $0xffff;
	[tilespmem:s11+$0x10400] =	vst v16  }
0x10b: {  	v11 =	vld.idx.msk [tilespmem:v14+s4+$0x0], $0xffff  }
0x10c: {  	v12 =	vadd.s32 $0x1000, v6;
	_ =	sdelay $0x3  }
0x10d: {  	[tilespmem:s11+$0x10600] =	vst v11  }
0x10e: {  	v11 =	vld.idx.msk [tilespmem:v12+s4+$0x0], $0xffff  }
0x10f: {  	v12 =	vadd.s32 $0x1800, v6;
	_ =	sdelay $0x3  }
0x110: {  	[tilespmem:s11+$0x10800] =	vst v11  }
0x111: {  	v11 =	vld.idx.msk [tilespmem:v12+s4+$0x0], $0xffff  }
0x112: {  	v12 =	vadd.s32 $0x2000, v6;
	_ =	sdelay $0x3  }
0x113: {  	[tilespmem:s11+$0x10A00] =	vst v11  }
0x114: {  	v11 =	vld.idx.msk [tilespmem:v12+s4+$0x0], $0xffff  }
0x115: {  	v12 =	vadd.s32 $0x2800, v6;
	_ =	sdelay $0x3  }
0x116: {  	[tilespmem:s11+$0x10C00] =	vst v11  }
0x117: {  	v11 =	vadd.s32 $0x3000, v5;
	v12 =	vld.idx.msk [tilespmem:v12+s4+$0x0], $0xffff  }
0x118: {  	v13 =	vadd.s32 $0x3000, v6;
	_ =	sdelay $0x2  }
0x119: {  	[tilespmem:s10+$0x10E00] =	vst v18  }
0x11a: {  	v11 =	vld.idx.msk [tilespmem:v11+s4+$0x0], $0xffff;
	[tilespmem:s11+$0x10E00] =	vst v12  }
0x11b: {  	v12 =	vadd.s32 $0x3800, v5;
	v13 =	vld.idx.msk [tilespmem:v13+s4+$0x0], $0xffff  }
0x11c: {  	v14 =	vadd.s32 $0x3800, v6;
	_ =	sdelay $0x2  }
0x11d: {  	[tilespmem:s10+$0x11000] =	vst v11  }
0x11e: {  	v11 =	vld.idx.msk [tilespmem:v12+s4+$0x0], $0xffff;
	[tilespmem:s11+$0x11000] =	vst v13  }
0x11f: {  	v12 =	vadd.s32 $0x4000, v5;
	v13 =	vld.idx.msk [tilespmem:v14+s4+$0x0], $0xffff  }
0x120: {  	v14 =	vadd.s32 $0x4000, v6;
	_ =	sdelay $0x2  }
0x121: {  	[tilespmem:s10+$0x11200] =	vst v11  }
0x122: {  	v11 =	vld.idx.msk [tilespmem:v12+s4+$0x0], $0xffff;
	[tilespmem:s11+$0x11200] =	vst v13  }
0x123: {  	v12 =	vadd.s32 $0x4800, v5;
	v13 =	vld.idx.msk [tilespmem:v14+s4+$0x0], $0xffff  }
0x124: {  	v14 =	vadd.s32 $0x4800, v6;
	_ =	sdelay $0x2  }
0x125: {  	[tilespmem:s10+$0x11400] =	vst v11  }
0x126: {  	v11 =	vld.idx.msk [tilespmem:v12+s4+$0x0], $0xffff;
	[tilespmem:s11+$0x11400] =	vst v13  }
0x127: {  	v12 =	vadd.s32 $0x5000, v5;
	v13 =	vld.idx.msk [tilespmem:v14+s4+$0x0], $0xffff  }
0x128: {  	v14 =	vadd.s32 $0x5000, v6;
	_ =	sdelay $0x2  }
0x129: {  	[tilespmem:s10+$0x11600] =	vst v11  }
0x12a: {  	v11 =	vadd.s32 $0x5800, v4;
	v12 =	vld.idx.msk [tilespmem:v12+s4+$0x0], $0xffff;
	[tilespmem:s11+$0x11600] =	vst v13  }
0x12b: {  	v13 =	vadd.s32 $0x5800, v5;
	v14 =	vld.idx.msk [tilespmem:v14+s4+$0x0], $0xffff  }
0x12c: {  	v15 =	vadd.s32 $0x5800, v6;
	_ =	sdelay $0x1  }
0x12d: {  	[tilespmem:s8+$0x11800] =	vst v10  }
0x12e: {  	v10 =	vld.idx.msk [tilespmem:v11+s4+$0x0], $0xffff;
	[tilespmem:s10+$0x11800] =	vst v12  }
0x12f: {  	v11 =	vadd.s32 $0x6000, v4;
	v12 =	vld.idx.msk [tilespmem:v13+s4+$0x0], $0xffff;
	[tilespmem:s11+$0x11800] =	vst v14  }
0x130: {  	v13 =	vadd.s32 $0x6000, v5;
	v14 =	vld.idx.msk [tilespmem:v15+s4+$0x0], $0xffff  }
0x131: {  	v15 =	vadd.s32 $0x6000, v6;
	_ =	sdelay $0x1  }
0x132: {  	[tilespmem:s8+$0x11A00] =	vst v10  }
0x133: {  	v10 =	vld.idx.msk [tilespmem:v11+s4+$0x0], $0xffff;
	[tilespmem:s10+$0x11A00] =	vst v12  }
0x134: {  	v11 =	vadd.s32 $0x6800, v4;
	v12 =	vld.idx.msk [tilespmem:v13+s4+$0x0], $0xffff;
	[tilespmem:s11+$0x11A00] =	vst v14  }
0x135: {  	v13 =	vadd.s32 $0x6800, v5;
	v14 =	vld.idx.msk [tilespmem:v15+s4+$0x0], $0xffff  }
0x136: {  	v15 =	vadd.s32 $0x6800, v6;
	_ =	sdelay $0x1  }
0x137: {  	[tilespmem:s8+$0x11C00] =	vst v10  }
0x138: {  	v10 =	vld.idx.msk [tilespmem:v11+s4+$0x0], $0xffff;
	[tilespmem:s10+$0x11C00] =	vst v12  }
0x139: {  	v11 =	vadd.s32 $0x7000, v4;
	v12 =	vld.idx.msk [tilespmem:v13+s4+$0x0], $0xffff;
	[tilespmem:s11+$0x11C00] =	vst v14  }
0x13a: {  	v13 =	vadd.s32 $0x7000, v5;
	v14 =	vld.idx.msk [tilespmem:v15+s4+$0x0], $0xffff  }
0x13b: {  	v15 =	vadd.s32 $0x7000, v6;
	_ =	sdelay $0x1  }
0x13c: {  	[tilespmem:s8+$0x11E00] =	vst v10  }
0x13d: {  	v10 =	vadd.s32 $0x7800, v3;
	v11 =	vld.idx.msk [tilespmem:v11+s4+$0x0], $0xffff;
	[tilespmem:s10+$0x11E00] =	vst v12  }
0x13e: {  	v12 =	vadd.s32 $0x7800, v4;
	v13 =	vld.idx.msk [tilespmem:v13+s4+$0x0], $0xffff;
	[tilespmem:s11+$0x11E00] =	vst v14  }
0x13f: {  	v14 =	vadd.s32 $0x7800, v5;
	v15 =	vld.idx.msk [tilespmem:v15+s4+$0x0], $0xffff  }
0x140: {  	v16 =	vadd.s32 $0x7800, v6;
	_ =	sdelay $0x1  }
0x141: {  	v10 =	vld.idx.msk [tilespmem:v10+s4+$0x0], $0xffff;
	[tilespmem:s8+$0x12000] =	vst v11  }
0x142: {  	v11 =	vadd.s32 $0x8000, v3;
	v12 =	vld.idx.msk [tilespmem:v12+s4+$0x0], $0xffff;
	[tilespmem:s10+$0x12000] =	vst v13  }
0x143: {  	v13 =	vadd.s32 $0x8000, v4;
	v14 =	vld.idx.msk [tilespmem:v14+s4+$0x0], $0xffff;
	[tilespmem:s11+$0x12000] =	vst v15  }
0x144: {  	v15 =	vadd.s32 $0x8000, v5;
	v16 =	vld.idx.msk [tilespmem:v16+s4+$0x0], $0xffff  }
0x145: {  	v17 =	vadd.s32 $0x8000, v6  }
0x146: {  	[tilespmem:s0+$0x12200] =	vst v10  }
0x147: {  	v10 =	vld.idx.msk [tilespmem:v11+s4+$0x0], $0xffff;
	[tilespmem:s8+$0x12200] =	vst v12  }
0x148: {  	v11 =	vadd.s32 $0x8800, v3;
	v12 =	vld.idx.msk [tilespmem:v13+s4+$0x0], $0xffff;
	[tilespmem:s10+$0x12200] =	vst v14  }
0x149: {  	v13 =	vadd.s32 $0x8800, v4;
	v14 =	vld.idx.msk [tilespmem:v15+s4+$0x0], $0xffff;
	[tilespmem:s11+$0x12200] =	vst v16  }
0x14a: {  	v15 =	vadd.s32 $0x8800, v5;
	v16 =	vld.idx.msk [tilespmem:v17+s4+$0x0], $0xffff  }
0x14b: {  	v17 =	vadd.s32 $0x8800, v6  }
0x14c: {  	[tilespmem:s0+$0x12400] =	vst v10  }
0x14d: {  	v10 =	vld.idx.msk [tilespmem:v11+s4+$0x0], $0xffff;
	[tilespmem:s8+$0x12400] =	vst v12  }
0x14e: {  	v11 =	vadd.s32 $0x9000, v3;
	v12 =	vld.idx.msk [tilespmem:v13+s4+$0x0], $0xffff;
	[tilespmem:s10+$0x12400] =	vst v14  }
0x14f: {  	v13 =	vadd.s32 $0x9000, v4;
	v14 =	vld.idx.msk [tilespmem:v15+s4+$0x0], $0xffff;
	[tilespmem:s11+$0x12400] =	vst v16  }
0x150: {  	v15 =	vadd.s32 $0x9000, v5;
	v16 =	vld.idx.msk [tilespmem:v17+s4+$0x0], $0xffff  }
0x151: {  	v17 =	vadd.s32 $0x9000, v6  }
0x152: {  	[tilespmem:s0+$0x12600] =	vst v10  }
0x153: {  	v10 =	vld.idx.msk [tilespmem:v11+s4+$0x0], $0xffff;
	[tilespmem:s8+$0x12600] =	vst v12  }
0x154: {  	v11 =	vadd.s32 $0x9800, v3;
	v12 =	vld.idx.msk [tilespmem:v13+s4+$0x0], $0xffff;
	[tilespmem:s10+$0x12600] =	vst v14  }
0x155: {  	v13 =	vadd.s32 $0x9800, v4;
	v14 =	vld.idx.msk [tilespmem:v15+s4+$0x0], $0xffff;
	[tilespmem:s11+$0x12600] =	vst v16  }
0x156: {  	v15 =	vadd.s32 $0x9800, v5;
	v16 =	vld.idx.msk [tilespmem:v17+s4+$0x0], $0xffff  }
0x157: {  	v17 =	vadd.s32 $0x9800, v6  }
0x158: {  	[tilespmem:s0+$0x12800] =	vst v10  }
0x159: {  	v10 =	vadd.s32 $0xA000, v1;
	v11 =	vld.idx.msk [tilespmem:v11+s4+$0x0], $0xffff;
	[tilespmem:s8+$0x12800] =	vst v12  }
0x15a: {  	v12 =	vadd.s32 $0xA000, v3;
	v13 =	vld.idx.msk [tilespmem:v13+s4+$0x0], $0xffff;
	[tilespmem:s10+$0x12800] =	vst v14  }
0x15b: {  	v14 =	vadd.s32 $0xA000, v4;
	v15 =	vld.idx.msk [tilespmem:v15+s4+$0x0], $0xffff;
	[tilespmem:s11+$0x12800] =	vst v16  }
0x15c: {  	v16 =	vadd.s32 $0xA000, v5;
	v17 =	vld.idx.msk [tilespmem:v17+s4+$0x0], $0xffff  }
0x15d: {  	[tilespmem:s1+$0x12A00] =	vst v9;
	v9 =	vadd.s32 $0xA000, v6  }
0x15e: {  	v10 =	vld.idx.msk [tilespmem:v10+s4+$0x0], $0xffff;
	[tilespmem:s0+$0x12A00] =	vst v11  }
0x15f: {  	v11 =	vadd.s32 $0xA800, v1;
	v12 =	vld.idx.msk [tilespmem:v12+s4+$0x0], $0xffff;
	[tilespmem:s8+$0x12A00] =	vst v13  }
0x160: {  	v13 =	vadd.s32 $0xA800, v3;
	v14 =	vld.idx.msk [tilespmem:v14+s4+$0x0], $0xffff;
	[tilespmem:s10+$0x12A00] =	vst v15  }
0x161: {  	v15 =	vadd.s32 $0xA800, v4;
	v16 =	vld.idx.msk [tilespmem:v16+s4+$0x0], $0xffff;
	[tilespmem:s11+$0x12A00] =	vst v17  }
0x162: {  	v17 =	vadd.s32 $0xA800, v5;
	v9 =	vld.idx.msk [tilespmem:v9+s4+$0x0], $0xffff  }
0x163: {  	[tilespmem:s1+$0x12C00] =	vst v10;
	v10 =	vadd.s32 $0xA800, v6  }
0x164: {  	v11 =	vld.idx.msk [tilespmem:v11+s4+$0x0], $0xffff;
	[tilespmem:s0+$0x12C00] =	vst v12  }
0x165: {  	v12 =	vadd.s32 $0xB000, v1;
	v13 =	vld.idx.msk [tilespmem:v13+s4+$0x0], $0xffff;
	[tilespmem:s8+$0x12C00] =	vst v14  }
0x166: {  	v14 =	vadd.s32 $0xB000, v3;
	v15 =	vld.idx.msk [tilespmem:v15+s4+$0x0], $0xffff;
	[tilespmem:s10+$0x12C00] =	vst v16  }
0x167: {  	v16 =	vadd.s32 $0xB000, v4;
	v17 =	vld.idx.msk [tilespmem:v17+s4+$0x0], $0xffff;
	[tilespmem:s11+$0x12C00] =	vst v9  }
0x168: {  	[tilespmem:s31+$0x13400] =	vst v8;
	v8 =	vadd.s32 $0xB000, v5;
	v9 =	vld.idx.msk [tilespmem:v10+s4+$0x0], $0xffff  }
0x169: {  	[tilespmem:s1+$0x12E00] =	vst v11;
	v10 =	vadd.s32 $0xB000, v6  }
0x16a: {  	v11 =	vadd.s32 $0xC800, v0;
	v12 =	vld.idx.msk [tilespmem:v12+s4+$0x0], $0xffff;
	[tilespmem:s0+$0x12E00] =	vst v13  }
0x16b: {  	v13 =	vadd.s32 $0xB800, v1;
	v14 =	vld.idx.msk [tilespmem:v14+s4+$0x0], $0xffff;
	[tilespmem:s8+$0x12E00] =	vst v15  }
0x16c: {  	v15 =	vadd.s32 $0xB800, v3;
	v16 =	vld.idx.msk [tilespmem:v16+s4+$0x0], $0xffff;
	[tilespmem:s10+$0x12E00] =	vst v17  }
0x16d: {  	v17 =	vadd.s32 $0xB800, v4;
	v8 =	vld.idx.msk [tilespmem:v8+s4+$0x0], $0xffff;
	[tilespmem:s11+$0x12E00] =	vst v9  }
0x16e: {  	[tilespmem:s30+$0x13E00] =	vst v7;
	v7 =	vadd.s32 $0xB800, v5;
	v9 =	vld.idx.msk [tilespmem:v10+s4+$0x0], $0xffff  }
0x16f: {  	[tilespmem:s1+$0x13000] =	vst v12;
	v10 =	vld.idx.msk [tilespmem:v11+s4+$0x0], $0xffff;
	v11 =	vadd.s32 $0xB800, v6  }
0x170: {  	v12 =	vadd.s32 $0xF000, v2;
	v13 =	vld.idx.msk [tilespmem:v13+s4+$0x0], $0xffff;
	[tilespmem:s0+$0x13000] =	vst v14  }
0x171: {  	v14 =	vadd.s32 $0xC000, v1;
	v15 =	vld.idx.msk [tilespmem:v15+s4+$0x0], $0xffff;
	[tilespmem:s8+$0x13000] =	vst v16  }
0x172: {  	v16 =	vadd.s32 $0xC000, v3;
	v17 =	vld.idx.msk [tilespmem:v17+s4+$0x0], $0xffff;
	[tilespmem:s10+$0x13000] =	vst v8  }
0x173: {  	v8 =	vadd.s32 $0xC000, v4;
	v7 =	vld.idx.msk [tilespmem:v7+s4+$0x0], $0xffff;
	[tilespmem:s11+$0x13000] =	vst v9  }
0x174: {  	[tilespmem:s31+$0x13600] =	vst v10;
	v9 =	vadd.s32 $0xC000, v5;
	v10 =	vld.idx.msk [tilespmem:v11+s4+$0x0], $0xffff  }
0x175: {  	[tilespmem:s1+$0x13200] =	vst v13;
	v11 =	vld.idx.msk [tilespmem:v12+s4+$0x0], $0xffff;
	v12 =	vadd.s32 $0xC000, v6  }
0x176: {  	v13 =	vadd.s32 $0xD000, v0;
	v14 =	vld.idx.msk [tilespmem:v14+s4+$0x0], $0xffff;
	[tilespmem:s0+$0x13200] =	vst v15  }
0x177: {  	v15 =	vadd.s32 $0xC800, v1;
	v16 =	vld.idx.msk [tilespmem:v16+s4+$0x0], $0xffff;
	[tilespmem:s8+$0x13200] =	vst v17  }
0x178: {  	v17 =	vadd.s32 $0xC800, v3;
	v8 =	vld.idx.msk [tilespmem:v8+s4+$0x0], $0xffff;
	[tilespmem:s10+$0x13200] =	vst v7  }
0x179: {  	v7 =	vadd.s32 $0xC800, v4;
	v9 =	vld.idx.msk [tilespmem:v9+s4+$0x0], $0xffff;
	[tilespmem:s11+$0x13200] =	vst v10  }
0x17a: {  	[tilespmem:s30+$0x14000] =	vst v11;
	v10 =	vadd.s32 $0xC800, v5;
	v11 =	vld.idx.msk [tilespmem:v12+s4+$0x0], $0xffff  }
0x17b: {  	[tilespmem:s1+$0x13400] =	vst v14;
	v12 =	vld.idx.msk [tilespmem:v13+s4+$0x0], $0xffff;
	v13 =	vadd.s32 $0xC800, v6  }
0x17c: {  	v2 =	vadd.s32 $0xF800, v2;
	v14 =	vld.idx.msk [tilespmem:v15+s4+$0x0], $0xffff;
	[tilespmem:s0+$0x13400] =	vst v16  }
0x17d: {  	v15 =	vadd.s32 $0xD000, v1;
	v16 =	vld.idx.msk [tilespmem:v17+s4+$0x0], $0xffff;
	[tilespmem:s8+$0x13400] =	vst v8  }
0x17e: {  	v8 =	vadd.s32 $0xD000, v3;
	v7 =	vld.idx.msk [tilespmem:v7+s4+$0x0], $0xffff;
	[tilespmem:s10+$0x13400] =	vst v9  }
0x17f: {  	v9 =	vadd.s32 $0xD000, v4;
	v10 =	vld.idx.msk [tilespmem:v10+s4+$0x0], $0xffff;
	[tilespmem:s11+$0x13400] =	vst v11  }
0x180: {  	[tilespmem:s31+$0x13800] =	vst v12;
	v11 =	vadd.s32 $0xD000, v5;
	v12 =	vld.idx.msk [tilespmem:v13+s4+$0x0], $0xffff  }
0x181: {  	v2 =	vld.idx.msk [tilespmem:v2+s4+$0x0], $0xffff;
	[tilespmem:s1+$0x13600] =	vst v14;
	v13 =	vadd.s32 $0xD000, v6  }
0x182: {  	v14 =	vadd.s32 $0xD800, v0;
	v15 =	vld.idx.msk [tilespmem:v15+s4+$0x0], $0xffff;
	[tilespmem:s0+$0x13600] =	vst v16  }
0x183: {  	v16 =	vadd.s32 $0xD800, v1;
	v8 =	vld.idx.msk [tilespmem:v8+s4+$0x0], $0xffff;
	[tilespmem:s8+$0x13600] =	vst v7  }
0x184: {  	v7 =	vadd.s32 $0xD800, v3;
	v9 =	vld.idx.msk [tilespmem:v9+s4+$0x0], $0xffff;
	[tilespmem:s10+$0x13600] =	vst v10  }
0x185: {  	v10 =	vadd.s32 $0xD800, v4;
	v11 =	vld.idx.msk [tilespmem:v11+s4+$0x0], $0xffff;
	[tilespmem:s11+$0x13600] =	vst v12  }
0x186: {  	[tilespmem:s30+$0x14200] =	vst v2;
	v2 =	vadd.s32 $0xD800, v5;
	v12 =	vld.idx.msk [tilespmem:v13+s4+$0x0], $0xffff  }
0x187: {  	[tilespmem:s1+$0x13800] =	vst v15;
	v13 =	vld.idx.msk [tilespmem:v14+s4+$0x0], $0xffff;
	v14 =	vadd.s32 $0xD800, v6  }
0x188: {  	v15 =	vadd.s32 $0xE000, v0;
	v16 =	vld.idx.msk [tilespmem:v16+s4+$0x0], $0xffff;
	[tilespmem:s0+$0x13800] =	vst v8  }
0x189: {  	v8 =	vadd.s32 $0xE000, v1;
	v7 =	vld.idx.msk [tilespmem:v7+s4+$0x0], $0xffff;
	[tilespmem:s8+$0x13800] =	vst v9  }
0x18a: {  	v9 =	vadd.s32 $0xE000, v3;
	v10 =	vld.idx.msk [tilespmem:v10+s4+$0x0], $0xffff;
	[tilespmem:s10+$0x13800] =	vst v11  }
0x18b: {  	v11 =	vadd.s32 $0xE000, v4;
	v2 =	vld.idx.msk [tilespmem:v2+s4+$0x0], $0xffff;
	[tilespmem:s11+$0x13800] =	vst v12  }
0x18c: {  	[tilespmem:s31+$0x13A00] =	vst v13;
	v12 =	vadd.s32 $0xE000, v5;
	v13 =	vld.idx.msk [tilespmem:v14+s4+$0x0], $0xffff  }
0x18d: {  	[tilespmem:s1+$0x13A00] =	vst v16;
	v14 =	vld.idx.msk [tilespmem:v15+s4+$0x0], $0xffff;
	v15 =	vadd.s32 $0xE000, v6  }
0x18e: {  	v16 =	vadd.s32 $0xE800, v0;
	v8 =	vld.idx.msk [tilespmem:v8+s4+$0x0], $0xffff;
	[tilespmem:s0+$0x13A00] =	vst v7  }
0x18f: {  	v7 =	vadd.s32 $0xE800, v1;
	v9 =	vld.idx.msk [tilespmem:v9+s4+$0x0], $0xffff;
	[tilespmem:s8+$0x13A00] =	vst v10  }
0x190: {  	v10 =	vadd.s32 $0xE800, v3;
	v11 =	vld.idx.msk [tilespmem:v11+s4+$0x0], $0xffff;
	[tilespmem:s10+$0x13A00] =	vst v2  }
0x191: {  	v2 =	vadd.s32 $0xE800, v4;
	v12 =	vld.idx.msk [tilespmem:v12+s4+$0x0], $0xffff;
	[tilespmem:s11+$0x13A00] =	vst v13  }
0x192: {  	[tilespmem:s31+$0x13C00] =	vst v14;
	v13 =	vadd.s32 $0xE800, v5;
	v14 =	vld.idx.msk [tilespmem:v15+s4+$0x0], $0xffff  }
0x193: {  	[tilespmem:s1+$0x13C00] =	vst v8;
	v8 =	vadd.s32 $0xE800, v6;
	v15 =	vld.idx.msk [tilespmem:v16+s4+$0x0], $0xffff  }
0x194: {  	v7 =	vld.idx.msk [tilespmem:v7+s4+$0x0], $0xffff;
	[tilespmem:s0+$0x13C00] =	vst v9;
	v16 =	vadd.s32 $0xF000, v0  }
0x195: {  	v9 =	vadd.s32 $0xF000, v1;
	v10 =	vld.idx.msk [tilespmem:v10+s4+$0x0], $0xffff;
	[tilespmem:s8+$0x13C00] =	vst v11  }
0x196: {  	v11 =	vadd.s32 $0xF000, v3;
	v2 =	vld.idx.msk [tilespmem:v2+s4+$0x0], $0xffff;
	[tilespmem:s10+$0x13C00] =	vst v12  }
0x197: {  	v12 =	vadd.s32 $0xF000, v4;
	v13 =	vld.idx.msk [tilespmem:v13+s4+$0x0], $0xffff;
	[tilespmem:s11+$0x13C00] =	vst v14  }
0x198: {  	[tilespmem:s31+$0x13E00] =	vst v15;
	v14 =	vadd.s32 $0xF000, v5;
	v8 =	vld.idx.msk [tilespmem:v8+s4+$0x0], $0xffff  }
0x199: {  	[tilespmem:s1+$0x13E00] =	vst v7;
	v7 =	vadd.s32 $0xF000, v6;
	v15 =	vld.idx.msk [tilespmem:v16+s4+$0x0], $0xffff  }
0x19a: {  	s30 =	sshll.u32 s29, $0x5;
	v0 =	vadd.s32 $0xF800, v0;
	v9 =	vld.idx.msk [tilespmem:v9+s4+$0x0], $0xffff;
	[tilespmem:s0+$0x13E00] =	vst v10  }
0x19b: {  	s6 =	sadd.s32 s2, s30;
	v1 =	vadd.s32 $0xF800, v1;
	v10 =	vld.idx.msk [tilespmem:v11+s4+$0x0], $0xffff;
	[tilespmem:s8+$0x13E00] =	vst v2  }
0x19c: {  	s15 =	sshra.s32 s6, $0x1F;
	v2 =	vadd.s32 $0xF800, v3;
	v3 =	vld.idx.msk [tilespmem:v12+s4+$0x0], $0xffff;
	[tilespmem:s10+$0x13E00] =	vst v13  }
0x19d: {  	s15 =	sshrl.u32 s15, $0x1D;
	v4 =	vadd.s32 $0xF800, v4;
	v11 =	vld.idx.msk [tilespmem:v14+s4+$0x0], $0xffff;
	[tilespmem:s11+$0x13E00] =	vst v8  }
0x19e: {  	s15 =	sadd.s32 s15, s6;
	v5 =	vadd.s32 $0xF800, v5;
	[tilespmem:s31+$0x14000] =	vst v15;
	v7 =	vld.idx.msk [tilespmem:v7+s4+$0x0], $0xffff  }
0x19f: {  	s16 =	sand.u32 $0xFFFFFFF8, s15;
	v6 =	vadd.s32 $0xF800, v6;
	[tilespmem:s1+$0x14000] =	vst v9;
	v0 =	vld.idx.msk [tilespmem:v0+s4+$0x0], $0xffff  }
0x1a0: {  	p0 =	slt.s32 s6, $0x1;
	p1 =	sne.s32 s6, s16;
	v1 =	vld.idx.msk [tilespmem:v1+s4+$0x0], $0xffff;
	[tilespmem:s0+$0x14000] =	vst v10  }
0x1a1: {  	p0 =	por !p0, !p1;
	v2 =	vld.idx.msk [tilespmem:v2+s4+$0x0], $0xffff;
	[tilespmem:s8+$0x14000] =	vst v3  }
0x1a2: {  	s16 =	simm.s32 $0x1;
	p0 =	por !p0, !p0;
	v3 =	vld.idx.msk [tilespmem:v4+s4+$0x0], $0xffff;
	[tilespmem:s10+$0x14000] =	vst v11  }
0x1a3: {  	s14 =	sshll.u32 s6, $0x9;
	s15 =	sshrl.u32 s15, $0x3;
	s16 =	simm.s32 @!p0 $0x0;
	v4 =	vld.idx.msk [tilespmem:v5+s4+$0x0], $0xffff;
	[tilespmem:s11+$0x14000] =	vst v7  }
0x1a4: {  	s14 =	sadd.s32 $0x1000, s14;
	s15 =	ssub.s32 s15, s16;
	[tilespmem:s31+$0x14200] =	vst v0;
	v0 =	vld.idx.msk [tilespmem:v6+s4+$0x0], $0xffff  }
0x1a5: {  	s14 =	sand.u32 $0xE00, s14;
	s6 =	sshll.u32 s15, $0x12;
	[tilespmem:s1+$0x14200] =	vst v1  }
0x1a6: {  	s14 =	sor.u32 s14, s6;
	[tilespmem:s0+$0x14200] =	vst v2  }
0x1a7: {  	s0 =	sor.u32 s7, s14;
	[tilespmem:s8+$0x14200] =	vst v3  }
0x1a8: {  	s0 =	sshrl.u32 s0, $0x3;
	[tilespmem:s10+$0x14200] =	vst v4  }
0x1a9: {  	s15 =	sadd.s32 s30, s12;
	s0 =	sadd.s32 s5, s0;
	[tilespmem:s11+$0x14200] =	vst v0  }
0x1aa: {  	[hbm4b:s0+s20] =	stream.strided.scatter [tilespmem:s22], [sflag:$0x4], $0x4000, s21, s20, $0x38;
	[tilespmem:$0x18400] =	vst v63  }
0x1ab: {  	s0 =	sshll.u32 s15, $0x9  }
0x1ac: {  	s0 =	sand.u32 $0x7FFFF000, s0  }
0x1ad: {  	_ =	swait.ge [sflag:s23], $0x4000;
	s0 =	sor.u32 s9, s0  }
0x1ae: {  	[sflag:s23] =	ssyncset.done $0x0;
	s0 =	sshrl.u32 s0, $0x3  }
0x1af: {  	s16 =	simm.s32 $0x0;
	[sflag:s23] =	ssyncadd.s32 $0xFFFFC000;
	s0 =	sadd.s32 s3, s0  }
0x1b0: {  	[tilespmem:s17], [sflag:$0x2] =	stream.linear.gather [hbm4b:s0+s16], $0x200, $0x38;
	[tilespmem:$0x18400] =	vst v63  }
0x1b1: {  	_ =	swait.ge [sflag:s24], $0x200  }
0x1b2: {  	[sflag:s24] =	ssyncset.done $0x0  }
0x1b3: {  	s14 =	simm.s32 $0x0;
	[sflag:s24] =	ssyncadd.s32 $0xFFFFFE00  }
0x1b4: {  	v7 =	vld [tilespmem:s14+$0x10200];
	_ =	sdelay $0x7  }
0x1b5: {  	v0 =	vld.idx.msk [tilespmem:v7+s4+$0x0], $0xffff  }
0x1b6: {  	v1 =	vadd.s32 $0x800, v7;
	_ =	sdelay $0x3  }
0x1b7: {  	[tilespmem:s14+$0x14400] =	vst v0  }
0x1b8: {  	v0 =	vld.idx.msk [tilespmem:v1+s4+$0x0], $0xffff  }
0x1b9: {  	v1 =	vadd.s32 $0x1000, v7;
	_ =	sdelay $0x3  }
0x1ba: {  	[tilespmem:s14+$0x14600] =	vst v0  }
0x1bb: {  	v0 =	vld.idx.msk [tilespmem:v1+s4+$0x0], $0xffff  }
0x1bc: {  	v1 =	vadd.s32 $0x1800, v7;
	_ =	sdelay $0x3  }
0x1bd: {  	[tilespmem:s14+$0x14800] =	vst v0  }
0x1be: {  	v0 =	vld.idx.msk [tilespmem:v1+s4+$0x0], $0xffff  }
0x1bf: {  	s0 =	simm.s32 $0x10;
	v1 =	vadd.s32 $0x2000, v7  }
0x1c0: {  	v2 =	vld [tilespmem:s0+$0x10200];
	_ =	sdelay $0x2  }
0x1c1: {  	[tilespmem:s14+$0x14A00] =	vst v0  }
0x1c2: {  	v0 =	vld.idx.msk [tilespmem:v1+s4+$0x0], $0xffff  }
0x1c3: {  	v1 =	vadd.s32 $0x2800, v7;
	_ =	sdelay $0x2  }
0x1c4: {  	v3 =	vld.idx.msk [tilespmem:v2+s4+$0x0], $0xffff  }
0x1c5: {  	[tilespmem:s14+$0x14C00] =	vst v0;
	v0 =	vadd.s32 $0x800, v2  }
0x1c6: {  	v1 =	vld.idx.msk [tilespmem:v1+s4+$0x0], $0xffff  }
0x1c7: {  	v4 =	vadd.s32 $0x3000, v7;
	_ =	sdelay $0x1  }
0x1c8: {  	[tilespmem:s0+$0x14400] =	vst v3  }
0x1c9: {  	v0 =	vld.idx.msk [tilespmem:v0+s4+$0x0], $0xffff  }
0x1ca: {  	[tilespmem:s14+$0x14E00] =	vst v1;
	v1 =	vadd.s32 $0x1000, v2  }
0x1cb: {  	v3 =	vld.idx.msk [tilespmem:v4+s4+$0x0], $0xffff  }
0x1cc: {  	v4 =	vadd.s32 $0x3800, v7;
	_ =	sdelay $0x1  }
0x1cd: {  	[tilespmem:s0+$0x14600] =	vst v0  }
0x1ce: {  	v0 =	vld.idx.msk [tilespmem:v1+s4+$0x0], $0xffff  }
0x1cf: {  	v1 =	vadd.s32 $0x1800, v2;
	[tilespmem:s14+$0x15000] =	vst v3  }
0x1d0: {  	v3 =	vld.idx.msk [tilespmem:v4+s4+$0x0], $0xffff  }
0x1d1: {  	v4 =	vadd.s32 $0x4000, v7;
	_ =	sdelay $0x1  }
0x1d2: {  	[tilespmem:s0+$0x14800] =	vst v0  }
0x1d3: {  	s31 =	simm.s32 $0x20;
	v1 =	vld.idx.msk [tilespmem:v1+s4+$0x0], $0xffff  }
0x1d4: {  	v0 =	vld [tilespmem:s31+$0x10200];
	[tilespmem:s14+$0x15200] =	vst v3;
	v3 =	vadd.s32 $0x2000, v2  }
0x1d5: {  	v4 =	vld.idx.msk [tilespmem:v4+s4+$0x0], $0xffff  }
0x1d6: {  	v5 =	vadd.s32 $0x4800, v7;
	_ =	sdelay $0x1  }
0x1d7: {  	[tilespmem:s0+$0x14A00] =	vst v1  }
0x1d8: {  	v1 =	vld.idx.msk [tilespmem:v3+s4+$0x0], $0xffff  }
0x1d9: {  	v3 =	vadd.s32 $0x2800, v2;
	[tilespmem:s14+$0x15400] =	vst v4  }
0x1da: {  	v4 =	vld.idx.msk [tilespmem:v5+s4+$0x0], $0xffff  }
0x1db: {  	v5 =	vadd.s32 $0x5000, v7  }
0x1dc: {  	v6 =	vld.idx.msk [tilespmem:v0+s4+$0x0], $0xffff  }
0x1dd: {  	[tilespmem:s0+$0x14C00] =	vst v1;
	v1 =	vadd.s32 $0x800, v0  }
0x1de: {  	v3 =	vld.idx.msk [tilespmem:v3+s4+$0x0], $0xffff  }
0x1df: {  	[tilespmem:s14+$0x15600] =	vst v4;
	v4 =	vadd.s32 $0x3000, v2  }
0x1e0: {  	v5 =	vld.idx.msk [tilespmem:v5+s4+$0x0], $0xffff  }
0x1e1: {  	[tilespmem:s31+$0x14400] =	vst v6;
	v6 =	vadd.s32 $0x5800, v7  }
0x1e2: {  	v1 =	vld.idx.msk [tilespmem:v1+s4+$0x0], $0xffff  }
0x1e3: {  	[tilespmem:s0+$0x14E00] =	vst v3;
	v3 =	vadd.s32 $0x1000, v0  }
0x1e4: {  	v4 =	vld.idx.msk [tilespmem:v4+s4+$0x0], $0xffff  }
0x1e5: {  	[tilespmem:s14+$0x15800] =	vst v5;
	v5 =	vadd.s32 $0x3800, v2  }
0x1e6: {  	v6 =	vld.idx.msk [tilespmem:v6+s4+$0x0], $0xffff  }
0x1e7: {  	[tilespmem:s31+$0x14600] =	vst v1;
	v1 =	vadd.s32 $0x6000, v7  }
0x1e8: {  	v3 =	vld.idx.msk [tilespmem:v3+s4+$0x0], $0xffff  }
0x1e9: {  	[tilespmem:s0+$0x15000] =	vst v4;
	v4 =	vadd.s32 $0x1800, v0  }
0x1ea: {  	v5 =	vld.idx.msk [tilespmem:v5+s4+$0x0], $0xffff  }
0x1eb: {  	[tilespmem:s14+$0x15A00] =	vst v6;
	v6 =	vadd.s32 $0x4000, v2  }
0x1ec: {  	v8 =	vld.idx.msk [tilespmem:v1+s4+$0x0], $0xffff  }
0x1ed: {  	[tilespmem:s31+$0x14800] =	vst v3;
	v3 =	vadd.s32 $0x6800, v7  }
0x1ee: {  	v4 =	vld.idx.msk [tilespmem:v4+s4+$0x0], $0xffff  }
0x1ef: {  	[tilespmem:s0+$0x15200] =	vst v5;
	v5 =	vadd.s32 $0x2000, v0  }
0x1f0: {  	s1 =	simm.s32 $0x30;
	v6 =	vld.idx.msk [tilespmem:v6+s4+$0x0], $0xffff  }
0x1f1: {  	v1 =	vld [tilespmem:s1+$0x10200];
	[tilespmem:s14+$0x15C00] =	vst v8;
	v8 =	vadd.s32 $0x4800, v2  }
0x1f2: {  	v3 =	vld.idx.msk [tilespmem:v3+s4+$0x0], $0xffff  }
0x1f3: {  	[tilespmem:s31+$0x14A00] =	vst v4;
	v4 =	vadd.s32 $0x7000, v7  }
0x1f4: {  	v5 =	vld.idx.msk [tilespmem:v5+s4+$0x0], $0xffff  }
0x1f5: {  	[tilespmem:s0+$0x15400] =	vst v6;
	v6 =	vadd.s32 $0x2800, v0  }
0x1f6: {  	v8 =	vld.idx.msk [tilespmem:v8+s4+$0x0], $0xffff  }
0x1f7: {  	[tilespmem:s14+$0x15E00] =	vst v3;
	v3 =	vadd.s32 $0x5000, v2  }
0x1f8: {  	v4 =	vld.idx.msk [tilespmem:v4+s4+$0x0], $0xffff  }
0x1f9: {  	v9 =	vld.idx.msk [tilespmem:v1+s4+$0x0], $0xffff;
	[tilespmem:s31+$0x14C00] =	vst v5;
	v5 =	vadd.s32 $0x7800, v7  }
0x1fa: {  	v10 =	vadd.s32 $0x800, v1;
	v6 =	vld.idx.msk [tilespmem:v6+s4+$0x0], $0xffff  }
0x1fb: {  	[tilespmem:s0+$0x15600] =	vst v8;
	v8 =	vadd.s32 $0x3000, v0  }
0x1fc: {  	v3 =	vld.idx.msk [tilespmem:v3+s4+$0x0], $0xffff  }
0x1fd: {  	[tilespmem:s14+$0x16000] =	vst v4;
	v4 =	vadd.s32 $0x5800, v2  }
0x1fe: {  	[tilespmem:s1+$0x14400] =	vst v9;
	v5 =	vld.idx.msk [tilespmem:v5+s4+$0x0], $0xffff  }
0x1ff: {  	v9 =	vld.idx.msk [tilespmem:v10+s4+$0x0], $0xffff;
	[tilespmem:s31+$0x14E00] =	vst v6;
	v6 =	vadd.s32 $0x8000, v7  }
0x200: {  	v10 =	vadd.s32 $0x1000, v1;
	v8 =	vld.idx.msk [tilespmem:v8+s4+$0x0], $0xffff  }
0x201: {  	[tilespmem:s0+$0x15800] =	vst v3;
	v3 =	vadd.s32 $0x3800, v0  }
0x202: {  	v4 =	vld.idx.msk [tilespmem:v4+s4+$0x0], $0xffff  }
0x203: {  	[tilespmem:s14+$0x16200] =	vst v5;
	v5 =	vadd.s32 $0x6000, v2  }
0x204: {  	[tilespmem:s1+$0x14600] =	vst v9;
	v6 =	vld.idx.msk [tilespmem:v6+s4+$0x0], $0xffff  }
0x205: {  	v9 =	vld.idx.msk [tilespmem:v10+s4+$0x0], $0xffff;
	[tilespmem:s31+$0x15000] =	vst v8;
	v8 =	vadd.s32 $0x8800, v7  }
0x206: {  	v10 =	vadd.s32 $0x1800, v1;
	v3 =	vld.idx.msk [tilespmem:v3+s4+$0x0], $0xffff  }
0x207: {  	[tilespmem:s0+$0x15A00] =	vst v4;
	v4 =	vadd.s32 $0x4000, v0  }
0x208: {  	v5 =	vld.idx.msk [tilespmem:v5+s4+$0x0], $0xffff  }
0x209: {  	[tilespmem:s14+$0x16400] =	vst v6;
	v6 =	vadd.s32 $0x6800, v2  }
0x20a: {  	[tilespmem:s1+$0x14800] =	vst v9;
	v8 =	vld.idx.msk [tilespmem:v8+s4+$0x0], $0xffff  }
0x20b: {  	v9 =	vld.idx.msk [tilespmem:v10+s4+$0x0], $0xffff;
	v10 =	vadd.s32 $0x9000, v7;
	[tilespmem:s31+$0x15200] =	vst v3  }
0x20c: {  	s8 =	simm.s32 $0x40;
	v11 =	vadd.s32 $0x2000, v1;
	v4 =	vld.idx.msk [tilespmem:v4+s4+$0x0], $0xffff  }
0x20d: {  	v3 =	vld [tilespmem:s8+$0x10200];
	[tilespmem:s0+$0x15C00] =	vst v5;
	v5 =	vadd.s32 $0x4800, v0  }
0x20e: {  	v6 =	vld.idx.msk [tilespmem:v6+s4+$0x0], $0xffff  }
0x20f: {  	[tilespmem:s14+$0x16600] =	vst v8;
	v8 =	vadd.s32 $0x7000, v2  }
0x210: {  	[tilespmem:s1+$0x14A00] =	vst v9;
	v9 =	vld.idx.msk [tilespmem:v10+s4+$0x0], $0xffff  }
0x211: {  	v10 =	vld.idx.msk [tilespmem:v11+s4+$0x0], $0xffff;
	[tilespmem:s31+$0x15400] =	vst v4;
	v4 =	vadd.s32 $0x9800, v7  }
0x212: {  	v11 =	vadd.s32 $0x2800, v1;
	v5 =	vld.idx.msk [tilespmem:v5+s4+$0x0], $0xffff  }
0x213: {  	[tilespmem:s0+$0x15E00] =	vst v6  }
0x214: {  	v6 =	vadd.s32 $0x5000, v0;
	v8 =	vld.idx.msk [tilespmem:v8+s4+$0x0], $0xffff  }
0x215: {  	v12 =	vld.idx.msk [tilespmem:v3+s4+$0x0], $0xffff;
	[tilespmem:s14+$0x16800] =	vst v9;
	v9 =	vadd.s32 $0x7800, v2  }
0x216: {  	[tilespmem:s1+$0x14C00] =	vst v10;
	v10 =	vadd.s32 $0x800, v3;
	v4 =	vld.idx.msk [tilespmem:v4+s4+$0x0], $0xffff  }
0x217: {  	v11 =	vld.idx.msk [tilespmem:v11+s4+$0x0], $0xffff;
	[tilespmem:s31+$0x15600] =	vst v5;
	v5 =	vadd.s32 $0xA000, v7  }
0x218: {  	v13 =	vadd.s32 $0x3000, v1  }
0x219: {  	v6 =	vld.idx.msk [tilespmem:v6+s4+$0x0], $0xffff;
	[tilespmem:s0+$0x16000] =	vst v8  }
0x21a: {  	[tilespmem:s8+$0x14400] =	vst v12;
	v8 =	vadd.s32 $0x5800, v0;
	v9 =	vld.idx.msk [tilespmem:v9+s4+$0x0], $0xffff  }
0x21b: {  	v10 =	vld.idx.msk [tilespmem:v10+s4+$0x0], $0xffff;
	[tilespmem:s14+$0x16A00] =	vst v4;
	v4 =	vadd.s32 $0x8000, v2  }
0x21c: {  	[tilespmem:s1+$0x14E00] =	vst v11;
	v11 =	vadd.s32 $0x1000, v3;
	v5 =	vld.idx.msk [tilespmem:v5+s4+$0x0], $0xffff  }
0x21d: {  	v12 =	vld.idx.msk [tilespmem:v13+s4+$0x0], $0xffff  }
0x21e: {  	[tilespmem:s31+$0x15800] =	vst v6;
	v6 =	vadd.s32 $0xA800, v7  }
0x21f: {  	v13 =	vadd.s32 $0x3800, v1;
	v8 =	vld.idx.msk [tilespmem:v8+s4+$0x0], $0xffff;
	[tilespmem:s0+$0x16200] =	vst v9  }
0x220: {  	v9 =	vadd.s32 $0x6000, v0;
	[tilespmem:s8+$0x14600] =	vst v10;
	v10 =	vld.idx.msk [tilespmem:v4+s4+$0x0], $0xffff  }
0x221: {  	s10 =	simm.s32 $0x50;
	v11 =	vld.idx.msk [tilespmem:v11+s4+$0x0], $0xffff;
	[tilespmem:s14+$0x16C00] =	vst v5;
	v5 =	vadd.s32 $0x8800, v2  }
0x222: {  	v4 =	vld [tilespmem:s10+$0x10200];
	[tilespmem:s1+$0x15000] =	vst v12;
	v12 =	vadd.s32 $0x1800, v3  }
0x223: {  	v6 =	vld.idx.msk [tilespmem:v6+s4+$0x0], $0xffff  }
0x224: {  	v13 =	vld.idx.msk [tilespmem:v13+s4+$0x0], $0xffff;
	[tilespmem:s31+$0x15A00] =	vst v8;
	v8 =	vadd.s32 $0xB000, v7  }
0x225: {  	v14 =	vadd.s32 $0x4000, v1;
	v9 =	vld.idx.msk [tilespmem:v9+s4+$0x0], $0xffff;
	[tilespmem:s0+$0x16400] =	vst v10  }
0x226: {  	v10 =	vadd.s32 $0x6800, v0;
	[tilespmem:s8+$0x14800] =	vst v11;
	v11 =	vld.idx.msk [tilespmem:v5+s4+$0x0], $0xffff  }
0x227: {  	s11 =	simm.s32 $0x60;
	v12 =	vld.idx.msk [tilespmem:v12+s4+$0x0], $0xffff  }
0x228: {  	v5 =	vld [tilespmem:s11+$0x10200];
	[tilespmem:s14+$0x16E00] =	vst v6;
	v6 =	vadd.s32 $0x9000, v2  }
0x229: {  	[tilespmem:s1+$0x15200] =	vst v13;
	v13 =	vadd.s32 $0x2000, v3;
	v8 =	vld.idx.msk [tilespmem:v8+s4+$0x0], $0xffff  }
0x22a: {  	v14 =	vld.idx.msk [tilespmem:v14+s4+$0x0], $0xffff;
	[tilespmem:s31+$0x15C00] =	vst v9;
	v9 =	vadd.s32 $0xB800, v7  }
0x22b: {  	v15 =	vadd.s32 $0x4800, v1;
	v10 =	vld.idx.msk [tilespmem:v10+s4+$0x0], $0xffff  }
0x22c: {  	v16 =	vld.idx.msk [tilespmem:v4+s4+$0x0], $0xffff;
	[tilespmem:s0+$0x16600] =	vst v11  }
0x22d: {  	v11 =	vadd.s32 $0x7000, v0;
	[tilespmem:s8+$0x14A00] =	vst v12;
	v6 =	vld.idx.msk [tilespmem:v6+s4+$0x0], $0xffff  }
0x22e: {  	v12 =	vld.idx.msk [tilespmem:v13+s4+$0x0], $0xffff;
	[tilespmem:s14+$0x17000] =	vst v8;
	v8 =	vadd.s32 $0x9800, v2  }
0x22f: {  	v13 =	vadd.s32 $0x2800, v3;
	[tilespmem:s1+$0x15400] =	vst v14;
	v9 =	vld.idx.msk [tilespmem:v9+s4+$0x0], $0xffff  }
0x230: {  	v14 =	vld.idx.msk [tilespmem:v15+s4+$0x0], $0xffff;
	[tilespmem:s31+$0x15E00] =	vst v10;
	v10 =	vadd.s32 $0xC000, v7  }
0x231: {  	[tilespmem:s10+$0x14400] =	vst v16;
	v15 =	vadd.s32 $0x5000, v1;
	v18 =	vld.idx.msk [tilespmem:v5+s4+$0x0], $0xffff  }
0x232: {  	v19 =	vadd.s32 $0x800, v5;
	v11 =	vld.idx.msk [tilespmem:v11+s4+$0x0], $0xffff;
	[tilespmem:s0+$0x16800] =	vst v6  }
0x233: {  	v6 =	vadd.s32 $0x7800, v0;
	[tilespmem:s8+$0x14C00] =	vst v12;
	v8 =	vld.idx.msk [tilespmem:v8+s4+$0x0], $0xffff  }
0x234: {  	v12 =	vadd.s32 $0x800, v4;
	v13 =	vld.idx.msk [tilespmem:v13+s4+$0x0], $0xffff;
	[tilespmem:s14+$0x17200] =	vst v9  }
0x235: {  	v9 =	vadd.s32 $0xA000, v2;
	[tilespmem:s1+$0x15600] =	vst v14;
	v10 =	vld.idx.msk [tilespmem:v10+s4+$0x0], $0xffff  }
0x236: {  	v14 =	vadd.s32 $0x3000, v3;
	[tilespmem:s11+$0x14400] =	vst v18;
	v15 =	vld.idx.msk [tilespmem:v15+s4+$0x0], $0xffff  }
0x237: {  	v18 =	vld.idx.msk [tilespmem:v19+s4+$0x0], $0xffff;
	[tilespmem:s31+$0x16000] =	vst v11;
	v11 =	vadd.s32 $0xC800, v7  }
0x238: {  	v16 =	vadd.s32 $0x5800, v1;
	v6 =	vld.idx.msk [tilespmem:v6+s4+$0x0], $0xffff;
	[tilespmem:s0+$0x16A00] =	vst v8  }
0x239: {  	v12 =	vld.idx.msk [tilespmem:v12+s4+$0x0], $0xffff;
	v8 =	vadd.s32 $0x8000, v0;
	[tilespmem:s8+$0x14E00] =	vst v13  }
0x23a: {  	v13 =	vadd.s32 $0x1000, v4;
	v9 =	vld.idx.msk [tilespmem:v9+s4+$0x0], $0xffff;
	[tilespmem:s14+$0x17400] =	vst v10  }
0x23b: {  	v14 =	vld.idx.msk [tilespmem:v14+s4+$0x0], $0xffff;
	v10 =	vadd.s32 $0xA800, v2;
	[tilespmem:s1+$0x15800] =	vst v15  }
0x23c: {  	v15 =	vadd.s32 $0x3800, v3;
	[tilespmem:s11+$0x14600] =	vst v18;
	v11 =	vld.idx.msk [tilespmem:v11+s4+$0x0], $0xffff  }
0x23d: {  	v16 =	vld.idx.msk [tilespmem:v16+s4+$0x0], $0xffff;
	[tilespmem:s31+$0x16200] =	vst v6;
	v6 =	vadd.s32 $0xD000, v7  }
0x23e: {  	[tilespmem:s10+$0x14600] =	vst v12;
	v12 =	vadd.s32 $0x6000, v1;
	v8 =	vld.idx.msk [tilespmem:v8+s4+$0x0], $0xffff  }
0x23f: {  	v19 =	vadd.s32 $0x1000, v5;
	v13 =	vld.idx.msk [tilespmem:v13+s4+$0x0], $0xffff;
	[tilespmem:s0+$0x16C00] =	vst v9  }
0x240: {  	v9 =	vadd.s32 $0x8800, v0;
	[tilespmem:s8+$0x15000] =	vst v14;
	v10 =	vld.idx.msk [tilespmem:v10+s4+$0x0], $0xffff  }
0x241: {  	v14 =	vadd.s32 $0x1800, v4;
	v15 =	vld.idx.msk [tilespmem:v15+s4+$0x0], $0xffff;
	[tilespmem:s14+$0x17600] =	vst v11  }
0x242: {  	v11 =	vadd.s32 $0xB000, v2;
	[tilespmem:s1+$0x15A00] =	vst v16;
	v6 =	vld.idx.msk [tilespmem:v6+s4+$0x0], $0xffff  }
0x243: {  	v16 =	vadd.s32 $0x4000, v3;
	v12 =	vld.idx.msk [tilespmem:v12+s4+$0x0], $0xffff;
	[tilespmem:s31+$0x16400] =	vst v8  }
0x244: {  	v18 =	vld.idx.msk [tilespmem:v19+s4+$0x0], $0xffff;
	v8 =	vadd.s32 $0xD800, v7;
	[tilespmem:s10+$0x14800] =	vst v13  }
0x245: {  	v13 =	vadd.s32 $0x6800, v1;
	v9 =	vld.idx.msk [tilespmem:v9+s4+$0x0], $0xffff;
	[tilespmem:s0+$0x16E00] =	vst v10  }
0x246: {  	v14 =	vld.idx.msk [tilespmem:v14+s4+$0x0], $0xffff;
	[tilespmem:s8+$0x15200] =	vst v15;
	v10 =	vadd.s32 $0x9000, v0  }
0x247: {  	v15 =	vadd.s32 $0x2000, v4;
	v11 =	vld.idx.msk [tilespmem:v11+s4+$0x0], $0xffff;
	[tilespmem:s14+$0x17800] =	vst v6  }
0x248: {  	v16 =	vld.idx.msk [tilespmem:v16+s4+$0x0], $0xffff;
	[tilespmem:s1+$0x15C00] =	vst v12;
	v12 =	vadd.s32 $0xB800, v2  }
0x249: {  	v17 =	vadd.s32 $0x4800, v3;
	v8 =	vld.idx.msk [tilespmem:v8+s4+$0x0], $0xffff  }
0x24a: {  	v13 =	vld.idx.msk [tilespmem:v13+s4+$0x0], $0xffff;
	[tilespmem:s31+$0x16600] =	vst v9;
	v9 =	vadd.s32 $0xE000, v7  }
0x24b: {  	[tilespmem:s10+$0x14A00] =	vst v14;
	v14 =	vadd.s32 $0x7000, v1;
	v10 =	vld.idx.msk [tilespmem:v10+s4+$0x0], $0xffff  }
0x24c: {  	v15 =	vld.idx.msk [tilespmem:v15+s4+$0x0], $0xffff;
	[tilespmem:s0+$0x17000] =	vst v11;
	v11 =	vadd.s32 $0x9800, v0  }
0x24d: {  	[tilespmem:s8+$0x15400] =	vst v16;
	v16 =	vadd.s32 $0x2800, v4;
	v12 =	vld.idx.msk [tilespmem:v12+s4+$0x0], $0xffff  }
0x24e: {  	v17 =	vld.idx.msk [tilespmem:v17+s4+$0x0], $0xffff;
	[tilespmem:s14+$0x17A00] =	vst v8;
	v8 =	vadd.s32 $0xC000, v2  }
0x24f: {  	[tilespmem:s1+$0x15E00] =	vst v13;
	v13 =	vadd.s32 $0x5000, v3;
	v9 =	vld.idx.msk [tilespmem:v9+s4+$0x0], $0xffff  }
0x250: {  	v14 =	vld.idx.msk [tilespmem:v14+s4+$0x0], $0xffff;
	[tilespmem:s31+$0x16800] =	vst v10  }
0x251: {  	v10 =	vadd.s32 $0xE800, v7;
	[tilespmem:s10+$0x14C00] =	vst v15;
	v11 =	vld.idx.msk [tilespmem:v11+s4+$0x0], $0xffff  }
0x252: {  	v15 =	vadd.s32 $0x7800, v1;
	v16 =	vld.idx.msk [tilespmem:v16+s4+$0x0], $0xffff;
	[tilespmem:s0+$0x17200] =	vst v12  }
0x253: {  	[tilespmem:s8+$0x15600] =	vst v17;
	v17 =	vadd.s32 $0x3000, v4;
	v8 =	vld.idx.msk [tilespmem:v8+s4+$0x0], $0xffff  }
0x254: {  	s15 =	simm.s32 $0x70;
	v12 =	vadd.s32 $0xA000, v0;
	v13 =	vld.idx.msk [tilespmem:v13+s4+$0x0], $0xffff;
	[tilespmem:s14+$0x17C00] =	vst v9  }
0x255: {  	v6 =	vld [tilespmem:s15+$0x10200];
	[tilespmem:s1+$0x16000] =	vst v14;
	v9 =	vadd.s32 $0xC800, v2  }
0x256: {  	v14 =	vadd.s32 $0x5800, v3;
	v10 =	vld.idx.msk [tilespmem:v10+s4+$0x0], $0xffff;
	[tilespmem:s31+$0x16A00] =	vst v11  }
0x257: {  	v15 =	vld.idx.msk [tilespmem:v15+s4+$0x0], $0xffff;
	v11 =	vadd.s32 $0xF000, v7;
	[tilespmem:s10+$0x14E00] =	vst v16  }
0x258: {  	v16 =	vadd.s32 $0x8000, v1;
	v17 =	vld.idx.msk [tilespmem:v17+s4+$0x0], $0xffff;
	[tilespmem:s0+$0x17400] =	vst v8  }
0x259: {  	v12 =	vld.idx.msk [tilespmem:v12+s4+$0x0], $0xffff;
	[tilespmem:s8+$0x15800] =	vst v13;
	v13 =	vadd.s32 $0x3800, v4  }
0x25a: {  	[tilespmem:s11+$0x14800] =	vst v18;
	v8 =	vadd.s32 $0xA800, v0;
	v9 =	vld.idx.msk [tilespmem:v9+s4+$0x0], $0xffff  }
0x25b: {  	v14 =	vld.idx.msk [tilespmem:v14+s4+$0x0], $0xffff;
	[tilespmem:s14+$0x17E00] =	vst v10;
	v10 =	vadd.s32 $0xD000, v2  }
0x25c: {  	[tilespmem:s1+$0x16200] =	vst v15;
	v15 =	vadd.s32 $0x6000, v3;
	v11 =	vld.idx.msk [tilespmem:v11+s4+$0x0], $0xffff  }
0x25d: {  	v19 =	vadd.s32 $0x1800, v5;
	v16 =	vld.idx.msk [tilespmem:v16+s4+$0x0], $0xffff;
	[tilespmem:s10+$0x15000] =	vst v17  }
0x25e: {  	v7 =	vadd.s32 $0xF800, v7;
	[tilespmem:s31+$0x16C00] =	vst v12;
	v13 =	vld.idx.msk [tilespmem:v13+s4+$0x0], $0xffff  }
0x25f: {  	v17 =	vadd.s32 $0x8800, v1;
	v8 =	vld.idx.msk [tilespmem:v8+s4+$0x0], $0xffff;
	[tilespmem:s0+$0x17600] =	vst v9  }
0x260: {  	[tilespmem:s8+$0x15A00] =	vst v14;
	v9 =	vadd.s32 $0xB000, v0;
	v20 =	vld.idx.msk [tilespmem:v10+s4+$0x0], $0xffff  }
0x261: {  	v14 =	vadd.s32 $0x4000, v4;
	v21 =	vld.idx.msk [tilespmem:v15+s4+$0x0], $0xffff;
	[tilespmem:s14+$0x18000] =	vst v11  }
0x262: {  	v22 =	vadd.s32 $0xD800, v2;
	v15 =	vld.idx.msk [tilespmem:v19+s4+$0x0], $0xffff;
	[tilespmem:s1+$0x16400] =	vst v16  }
0x263: {  	v12 =	vld.idx.msk [tilespmem:v7+s4+$0x0], $0xffff;
	[tilespmem:s10+$0x15200] =	vst v13;
	v13 =	vadd.s32 $0x6800, v3  }
0x264: {  	v10 =	vld.idx.msk [tilespmem:v17+s4+$0x0], $0xffff;
	[tilespmem:s31+$0x16E00] =	vst v8  }
0x265: {  	v11 =	vadd.s32 $0x9000, v1;
	v9 =	vld.idx.msk [tilespmem:v9+s4+$0x0], $0xffff  }
0x266: {  	v16 =	vadd.s32 $0x2000, v5;
	v14 =	vld.idx.msk [tilespmem:v14+s4+$0x0], $0xffff;
	[tilespmem:s0+$0x17800] =	vst v20  }
0x267: {  	s16 =	simm.s32 $0x200;
	v7 =	vadd.s32 $0xB800, v0;
	[tilespmem:s8+$0x15C00] =	vst v21;
	v8 =	vld.idx.msk [tilespmem:v22+s4+$0x0], $0xffff  }
.LBB2_5:
0x268: {  	s6 =	sshra.s32 s16, $0x2;
	p0 =	sne.s32 s16, $0x7C0;
	v17 =	vadd.s32 $0x4800, v4;
	v13 =	vld.idx.msk [tilespmem:v13+s4+$0x0], $0xffff;
	[tilespmem:s14+$0x18200] =	vst v12;
	s14 =	smov.u32 s0  }
0x269: {  	s0 =	smov.u32 s31;
	s31 =	smov.u32 s1;
	v12 =	vld [tilespmem:s6+$0x10200];
	[tilespmem:s1+$0x16600] =	vst v10;
	v10 =	vadd.s32 $0xE000, v2;
	s1 =	smov.u32 s8  }
0x26a: {  	s8 =	smov.u32 s10;
	s10 =	smov.u32 s11;
	[tilespmem:s11+$0x14A00] =	vst v15;
	v15 =	vadd.s32 $0x7000, v3;
	v11 =	vld.idx.msk [tilespmem:v11+s4+$0x0], $0xffff;
	s11 =	smov.u32 s15  }
0x26b: {  	s15 =	smov.u32 s6;
	v16 =	vld.idx.msk [tilespmem:v16+s4+$0x0], $0xffff;
	[tilespmem:s0+$0x17000] =	vst v9  }
0x26c: {  	v9 =	vadd.s32 $0x9800, v1;
	[tilespmem:s8+$0x15400] =	vst v14;
	v7 =	vld.idx.msk [tilespmem:v7+s4+$0x0], $0xffff  }
0x26d: {  	v14 =	vadd.s32 $0x2800, v5;
	v17 =	vld.idx.msk [tilespmem:v17+s4+$0x0], $0xffff;
	[tilespmem:s14+$0x17A00] =	vst v8  }
0x26e: {  	v8 =	vadd.s32 $0xC000, v0;
	[tilespmem:s1+$0x15E00] =	vst v13;
	v10 =	vld.idx.msk [tilespmem:v10+s4+$0x0], $0xffff  }
0x26f: {  	v13 =	vadd.s32 $0x5000, v4;
	v15 =	vld.idx.msk [tilespmem:v15+s4+$0x0], $0xffff  }
0x270: {  	v18 =	vld.idx.msk [tilespmem:v6+s4+$0x0], $0xffff;
	[tilespmem:s31+$0x16800] =	vst v11;
	v11 =	vadd.s32 $0xE800, v2  }
0x271: {  	[tilespmem:s10+$0x14C00] =	vst v16;
	v16 =	vadd.s32 $0x7800, v3;
	v9 =	vld.idx.msk [tilespmem:v9+s4+$0x0], $0xffff  }
0x272: {  	v19 =	vadd.s32 $0x800, v6;
	v14 =	vld.idx.msk [tilespmem:v14+s4+$0x0], $0xffff;
	[tilespmem:s0+$0x17200] =	vst v7  }
0x273: {  	v7 =	vadd.s32 $0xA000, v1;
	[tilespmem:s8+$0x15600] =	vst v17;
	v8 =	vld.idx.msk [tilespmem:v8+s4+$0x0], $0xffff  }
0x274: {  	v17 =	vadd.s32 $0x3000, v5;
	v13 =	vld.idx.msk [tilespmem:v13+s4+$0x0], $0xffff;
	[tilespmem:s14+$0x17C00] =	vst v10  }
0x275: {  	v10 =	vadd.s32 $0xC800, v0;
	[tilespmem:s1+$0x16000] =	vst v15;
	v11 =	vld.idx.msk [tilespmem:v11+s4+$0x0], $0xffff  }
0x276: {  	v15 =	vadd.s32 $0x5800, v4;
	[tilespmem:s11+$0x14400] =	vst v18;
	v16 =	vld.idx.msk [tilespmem:v16+s4+$0x0], $0xffff  }
0x277: {  	v18 =	vld.idx.msk [tilespmem:v19+s4+$0x0], $0xffff;
	[tilespmem:s31+$0x16A00] =	vst v9;
	v9 =	vadd.s32 $0xF000, v2  }
0x278: {  	[tilespmem:s10+$0x14E00] =	vst v14;
	v14 =	vadd.s32 $0x8000, v3;
	v7 =	vld.idx.msk [tilespmem:v7+s4+$0x0], $0xffff  }
0x279: {  	v19 =	vadd.s32 $0x1000, v6;
	v17 =	vld.idx.msk [tilespmem:v17+s4+$0x0], $0xffff;
	[tilespmem:s0+$0x17400] =	vst v8  }
0x27a: {  	v8 =	vadd.s32 $0xA800, v1;
	[tilespmem:s8+$0x15800] =	vst v13;
	v10 =	vld.idx.msk [tilespmem:v10+s4+$0x0], $0xffff  }
0x27b: {  	v13 =	vadd.s32 $0x3800, v5;
	v15 =	vld.idx.msk [tilespmem:v15+s4+$0x0], $0xffff;
	[tilespmem:s14+$0x17E00] =	vst v11  }
0x27c: {  	v11 =	vadd.s32 $0xD000, v0;
	[tilespmem:s1+$0x16200] =	vst v16;
	v9 =	vld.idx.msk [tilespmem:v9+s4+$0x0], $0xffff  }
0x27d: {  	v16 =	vadd.s32 $0x6000, v4;
	[tilespmem:s11+$0x14600] =	vst v18;
	v14 =	vld.idx.msk [tilespmem:v14+s4+$0x0], $0xffff  }
0x27e: {  	v18 =	vld.idx.msk [tilespmem:v19+s4+$0x0], $0xffff;
	[tilespmem:s31+$0x16C00] =	vst v7;
	v7 =	vadd.s32 $0xF800, v2;
	v2 =	vmovc v0;
	v0 =	vmovc v1;
	v1 =	vmov v3;
	v3 =	vmov v4  }
0x27f: {  	v4 =	vmovc v5;
	v5 =	vmov v6;
	v6 =	vmov v12;
	[tilespmem:s10+$0x15000] =	vst v17;
	v17 =	vadd.s32 $0x8800, v1;
	v8 =	vld.idx.msk [tilespmem:v8+s4+$0x0], $0xffff  }
0x280: {  	v19 =	vadd.s32 $0x1800, v5;
	v20 =	vld.idx.msk [tilespmem:v13+s4+$0x0], $0xffff;
	[tilespmem:s0+$0x17600] =	vst v10  }
0x281: {  	v21 =	vadd.s32 $0xB000, v0;
	[tilespmem:s8+$0x15A00] =	vst v15;
	v22 =	vld.idx.msk [tilespmem:v11+s4+$0x0], $0xffff  }
0x282: {  	v23 =	vadd.s32 $0x4000, v4;
	v24 =	vld.idx.msk [tilespmem:v16+s4+$0x0], $0xffff;
	[tilespmem:s14+$0x18000] =	vst v9  }
0x283: {  	v25 =	vadd.s32 $0xD800, v2;
	[tilespmem:s1+$0x16400] =	vst v14;
	v12 =	vld.idx.msk [tilespmem:v7+s4+$0x0], $0xffff  }
.Ltmp1:
0x284: {  	v13 =	vadd.s32 $0x6800, v3;
	[tilespmem:s11+$0x14800] =	vst v18;
	v10 =	vld.idx.msk [tilespmem:v17+s4+$0x0], $0xffff;
	(pc) =	sbr.rel @p0 .LBB2_5-.Ltmp1, $4  }
0x285: {  	v15 =	vld.idx.msk [tilespmem:v19+s4+$0x0], $0xffff;
	[tilespmem:s31+$0x16E00] =	vst v8  }
0x286: {  	v11 =	vadd.s32 $0x9000, v1;
	[tilespmem:s10+$0x15200] =	vst v20;
	v9 =	vld.idx.msk [tilespmem:v21+s4+$0x0], $0xffff  }
0x287: {  	v16 =	vadd.s32 $0x2000, v5;
	v14 =	vld.idx.msk [tilespmem:v23+s4+$0x0], $0xffff;
	[tilespmem:s0+$0x17800] =	vst v22  }
0x288: {  	s16 =	sadd.s32 $0x40, s16;
	v7 =	vadd.s32 $0xB800, v0;
	[tilespmem:s8+$0x15C00] =	vst v24;
	v8 =	vld.idx.msk [tilespmem:v25+s4+$0x0], $0xffff  }
0x289: {  	_ =	sdelay $0x3  }
0x28a: {  	v17 =	vld.idx.msk [tilespmem:v6+s4+$0x0], $0xffff  }
0x28b: {  	v18 =	vadd.s32 $0x800, v6;
	_ =	sdelay $0x3  }
0x28c: {  	[tilespmem:s15+$0x14400] =	vst v17  }
0x28d: {  	v17 =	vld.idx.msk [tilespmem:v18+s4+$0x0], $0xffff  }
0x28e: {  	v56 =	vadd.s32 $0x1000, v6;
	_ =	sdelay $0x3  }
0x28f: {  	[tilespmem:s15+$0x14600] =	vst v17  }
0x290: {  	v17 =	vld.idx.msk [tilespmem:v56+s4+$0x0], $0xffff  }
0x291: {  	v57 =	vadd.s32 $0x1800, v6;
	_ =	sdelay $0x3  }
0x292: {  	[tilespmem:s15+$0x14800] =	vst v17  }
0x293: {  	v17 =	vld.idx.msk [tilespmem:v57+s4+$0x0], $0xffff  }
0x294: {  	v58 =	vadd.s32 $0x2000, v6;
	_ =	sdelay $0x2  }
0x295: {  	[tilespmem:s11+$0x14A00] =	vst v15  }
0x296: {  	v15 =	vld.idx.msk [tilespmem:v16+s4+$0x0], $0xffff;
	[tilespmem:s15+$0x14A00] =	vst v17  }
0x297: {  	v59 =	vadd.s32 $0x2800, v5;
	v17 =	vld.idx.msk [tilespmem:v58+s4+$0x0], $0xffff  }
0x298: {  	v60 =	vadd.s32 $0x2800, v6;
	_ =	sdelay $0x2  }
0x299: {  	[tilespmem:s11+$0x14C00] =	vst v15  }
0x29a: {  	v15 =	vld.idx.msk [tilespmem:v59+s4+$0x0], $0xffff;
	[tilespmem:s15+$0x14C00] =	vst v17  }
0x29b: {  	v61 =	vadd.s32 $0x3000, v5;
	v17 =	vld.idx.msk [tilespmem:v60+s4+$0x0], $0xffff  }
0x29c: {  	v62 =	vadd.s32 $0x3000, v6;
	_ =	sdelay $0x2  }
0x29d: {  	[tilespmem:s11+$0x14E00] =	vst v15  }
0x29e: {  	v15 =	vld.idx.msk [tilespmem:v61+s4+$0x0], $0xffff;
	[tilespmem:s15+$0x14E00] =	vst v17  }
0x29f: {  	v63 =	vadd.s32 $0x3800, v5;
	v17 =	vld.idx.msk [tilespmem:v62+s4+$0x0], $0xffff  }
0x2a0: {  	v21 =	vadd.s32 $0x3800, v6;
	_ =	sdelay $0x2  }
0x2a1: {  	[tilespmem:s11+$0x15000] =	vst v15  }
0x2a2: {  	v15 =	vld.idx.msk [tilespmem:v63+s4+$0x0], $0xffff;
	[tilespmem:s15+$0x15000] =	vst v17  }
0x2a3: {  	v22 =	vadd.s32 $0x4000, v5;
	v17 =	vld.idx.msk [tilespmem:v21+s4+$0x0], $0xffff  }
0x2a4: {  	v23 =	vadd.s32 $0x4000, v6;
	_ =	sdelay $0x2  }
0x2a5: {  	v24 =	vadd.s32 $0x4800, v4;
	[tilespmem:s11+$0x15200] =	vst v15  }
0x2a6: {  	v16 =	vld.idx.msk [tilespmem:v22+s4+$0x0], $0xffff;
	[tilespmem:s15+$0x15200] =	vst v17  }
0x2a7: {  	v25 =	vadd.s32 $0x4800, v5;
	v18 =	vld.idx.msk [tilespmem:v23+s4+$0x0], $0xffff  }
0x2a8: {  	v19 =	vadd.s32 $0x4800, v6  }
0x2a9: {  	[tilespmem:s10+$0x15400] =	vst v14  }
0x2aa: {  	v14 =	vld.idx.msk [tilespmem:v24+s4+$0x0], $0xffff  }
0x2ab: {  	v26 =	vadd.s32 $0x5000, v4;
	[tilespmem:s11+$0x15400] =	vst v16  }
0x2ac: {  	v16 =	vld.idx.msk [tilespmem:v25+s4+$0x0], $0xffff;
	[tilespmem:s15+$0x15400] =	vst v18  }
0x2ad: {  	v27 =	vadd.s32 $0x5000, v5;
	v18 =	vld.idx.msk [tilespmem:v19+s4+$0x0], $0xffff  }
0x2ae: {  	v28 =	vadd.s32 $0x5000, v6  }
0x2af: {  	[tilespmem:s10+$0x15600] =	vst v14  }
0x2b0: {  	v14 =	vld.idx.msk [tilespmem:v26+s4+$0x0], $0xffff  }
0x2b1: {  	v29 =	vadd.s32 $0x5800, v4;
	[tilespmem:s11+$0x15600] =	vst v16  }
0x2b2: {  	v16 =	vld.idx.msk [tilespmem:v27+s4+$0x0], $0xffff;
	[tilespmem:s15+$0x15600] =	vst v18  }
0x2b3: {  	v30 =	vadd.s32 $0x5800, v5;
	v18 =	vld.idx.msk [tilespmem:v28+s4+$0x0], $0xffff  }
0x2b4: {  	v31 =	vadd.s32 $0x5800, v6  }
0x2b5: {  	[tilespmem:s10+$0x15800] =	vst v14  }
0x2b6: {  	v14 =	vld.idx.msk [tilespmem:v29+s4+$0x0], $0xffff  }
0x2b7: {  	v32 =	vadd.s32 $0x6000, v4;
	[tilespmem:s11+$0x15800] =	vst v16  }
0x2b8: {  	v16 =	vld.idx.msk [tilespmem:v30+s4+$0x0], $0xffff;
	[tilespmem:s15+$0x15800] =	vst v18  }
0x2b9: {  	v33 =	vadd.s32 $0x6000, v5;
	v18 =	vld.idx.msk [tilespmem:v31+s4+$0x0], $0xffff  }
0x2ba: {  	v34 =	vadd.s32 $0x6000, v6  }
0x2bb: {  	[tilespmem:s10+$0x15A00] =	vst v14  }
0x2bc: {  	v14 =	vld.idx.msk [tilespmem:v32+s4+$0x0], $0xffff  }
0x2bd: {  	v35 =	vadd.s32 $0x6800, v4;
	[tilespmem:s11+$0x15A00] =	vst v16  }
0x2be: {  	v16 =	vld.idx.msk [tilespmem:v33+s4+$0x0], $0xffff;
	[tilespmem:s15+$0x15A00] =	vst v18  }
0x2bf: {  	v36 =	vadd.s32 $0x6800, v5;
	v18 =	vld.idx.msk [tilespmem:v34+s4+$0x0], $0xffff  }
0x2c0: {  	v37 =	vadd.s32 $0x6800, v6  }
0x2c1: {  	v13 =	vld.idx.msk [tilespmem:v13+s4+$0x0], $0xffff;
	[tilespmem:s10+$0x15C00] =	vst v14  }
0x2c2: {  	v38 =	vadd.s32 $0x7000, v3;
	v15 =	vld.idx.msk [tilespmem:v35+s4+$0x0], $0xffff  }
0x2c3: {  	v39 =	vadd.s32 $0x7000, v4;
	[tilespmem:s11+$0x15C00] =	vst v16  }
0x2c4: {  	v17 =	vld.idx.msk [tilespmem:v36+s4+$0x0], $0xffff;
	[tilespmem:s15+$0x15C00] =	vst v18  }
0x2c5: {  	v40 =	vadd.s32 $0x7000, v5;
	v19 =	vld.idx.msk [tilespmem:v37+s4+$0x0], $0xffff  }
0x2c6: {  	v20 =	vadd.s32 $0x7000, v6;
	[tilespmem:s8+$0x15E00] =	vst v13  }
0x2c7: {  	v13 =	vld.idx.msk [tilespmem:v38+s4+$0x0], $0xffff;
	[tilespmem:s10+$0x15E00] =	vst v15  }
0x2c8: {  	v41 =	vadd.s32 $0x7800, v3;
	v15 =	vld.idx.msk [tilespmem:v39+s4+$0x0], $0xffff  }
0x2c9: {  	v42 =	vadd.s32 $0x7800, v4;
	[tilespmem:s11+$0x15E00] =	vst v17  }
0x2ca: {  	v17 =	vld.idx.msk [tilespmem:v40+s4+$0x0], $0xffff;
	[tilespmem:s15+$0x15E00] =	vst v19  }
0x2cb: {  	v43 =	vadd.s32 $0x7800, v5;
	v19 =	vld.idx.msk [tilespmem:v20+s4+$0x0], $0xffff  }
0x2cc: {  	v44 =	vadd.s32 $0x7800, v6;
	[tilespmem:s8+$0x16000] =	vst v13  }
0x2cd: {  	v13 =	vld.idx.msk [tilespmem:v41+s4+$0x0], $0xffff;
	[tilespmem:s10+$0x16000] =	vst v15  }
0x2ce: {  	v45 =	vadd.s32 $0x8000, v3;
	v15 =	vld.idx.msk [tilespmem:v42+s4+$0x0], $0xffff  }
0x2cf: {  	v46 =	vadd.s32 $0x8000, v4;
	[tilespmem:s11+$0x16000] =	vst v17  }
0x2d0: {  	v17 =	vld.idx.msk [tilespmem:v43+s4+$0x0], $0xffff;
	[tilespmem:s15+$0x16000] =	vst v19  }
0x2d1: {  	v47 =	vadd.s32 $0x8000, v5;
	v19 =	vld.idx.msk [tilespmem:v44+s4+$0x0], $0xffff  }
0x2d2: {  	v48 =	vadd.s32 $0x8000, v6;
	[tilespmem:s8+$0x16200] =	vst v13  }
0x2d3: {  	v13 =	vld.idx.msk [tilespmem:v45+s4+$0x0], $0xffff;
	[tilespmem:s10+$0x16200] =	vst v15  }
0x2d4: {  	v49 =	vadd.s32 $0x8800, v3;
	v15 =	vld.idx.msk [tilespmem:v46+s4+$0x0], $0xffff  }
0x2d5: {  	v50 =	vadd.s32 $0x8800, v4;
	[tilespmem:s11+$0x16200] =	vst v17  }
0x2d6: {  	v17 =	vld.idx.msk [tilespmem:v47+s4+$0x0], $0xffff;
	[tilespmem:s15+$0x16200] =	vst v19  }
0x2d7: {  	v51 =	vadd.s32 $0x8800, v5;
	v19 =	vld.idx.msk [tilespmem:v48+s4+$0x0], $0xffff  }
0x2d8: {  	v52 =	vadd.s32 $0x8800, v6;
	[tilespmem:s8+$0x16400] =	vst v13  }
0x2d9: {  	v13 =	vld.idx.msk [tilespmem:v49+s4+$0x0], $0xffff;
	[tilespmem:s10+$0x16400] =	vst v15  }
0x2da: {  	[tilespmem:s14+$0x18200] =	vst v12;
	v53 =	vadd.s32 $0x9000, v3;
	v15 =	vld.idx.msk [tilespmem:v50+s4+$0x0], $0xffff  }
0x2db: {  	v54 =	vadd.s32 $0x9000, v4;
	[tilespmem:s11+$0x16400] =	vst v17  }
0x2dc: {  	v17 =	vld.idx.msk [tilespmem:v51+s4+$0x0], $0xffff;
	[tilespmem:s15+$0x16400] =	vst v19  }
0x2dd: {  	[tilespmem:s1+$0x16600] =	vst v10;
	v55 =	vadd.s32 $0x9000, v5;
	v12 =	vld.idx.msk [tilespmem:v52+s4+$0x0], $0xffff  }
0x2de: {  	v11 =	vld.idx.msk [tilespmem:v11+s4+$0x0], $0xffff;
	v56 =	vadd.s32 $0x9000, v6;
	[tilespmem:s8+$0x16600] =	vst v13  }
0x2df: {  	v57 =	vadd.s32 $0x9800, v1;
	v14 =	vld.idx.msk [tilespmem:v53+s4+$0x0], $0xffff;
	[tilespmem:s10+$0x16600] =	vst v15  }
0x2e0: {  	[tilespmem:s31+$0x17000] =	vst v9;
	v58 =	vadd.s32 $0x9800, v3;
	v16 =	vld.idx.msk [tilespmem:v54+s4+$0x0], $0xffff  }
0x2e1: {  	v59 =	vadd.s32 $0x9800, v4;
	[tilespmem:s11+$0x16600] =	vst v17  }
0x2e2: {  	v10 =	vld.idx.msk [tilespmem:v55+s4+$0x0], $0xffff;
	[tilespmem:s15+$0x16600] =	vst v12  }
0x2e3: {  	[tilespmem:s1+$0x16800] =	vst v11;
	v60 =	vadd.s32 $0x9800, v5;
	v9 =	vld.idx.msk [tilespmem:v56+s4+$0x0], $0xffff  }
0x2e4: {  	v61 =	vadd.s32 $0x9800, v6;
	v13 =	vld.idx.msk [tilespmem:v57+s4+$0x0], $0xffff;
	[tilespmem:s8+$0x16800] =	vst v14  }
0x2e5: {  	v63 =	vadd.s32 $0xA000, v1;
	v15 =	vld.idx.msk [tilespmem:v58+s4+$0x0], $0xffff;
	[tilespmem:s10+$0x16800] =	vst v16  }
0x2e6: {  	[tilespmem:s0+$0x17A00] =	vst v8;
	v20 =	vadd.s32 $0xA000, v3;
	v17 =	vld.idx.msk [tilespmem:v59+s4+$0x0], $0xffff  }
0x2e7: {  	v7 =	vld.idx.msk [tilespmem:v7+s4+$0x0], $0xffff;
	v21 =	vadd.s32 $0xA000, v4;
	[tilespmem:s11+$0x16800] =	vst v10  }
0x2e8: {  	v62 =	vadd.s32 $0xE000, v2;
	v8 =	vld.idx.msk [tilespmem:v60+s4+$0x0], $0xffff;
	[tilespmem:s15+$0x16800] =	vst v9  }
0x2e9: {  	v22 =	vadd.s32 $0xA000, v5;
	[tilespmem:s1+$0x16A00] =	vst v13;
	v9 =	vld.idx.msk [tilespmem:v61+s4+$0x0], $0xffff  }
0x2ea: {  	v24 =	vadd.s32 $0xA000, v6;
	v14 =	vld.idx.msk [tilespmem:v63+s4+$0x0], $0xffff;
	[tilespmem:s8+$0x16A00] =	vst v15  }
0x2eb: {  	v26 =	vadd.s32 $0xA800, v1;
	v16 =	vld.idx.msk [tilespmem:v20+s4+$0x0], $0xffff;
	[tilespmem:s10+$0x16A00] =	vst v17  }
0x2ec: {  	[tilespmem:s31+$0x17200] =	vst v7;
	v27 =	vadd.s32 $0xA800, v3;
	v10 =	vld.idx.msk [tilespmem:v21+s4+$0x0], $0xffff  }
0x2ed: {  	v23 =	vld.idx.msk [tilespmem:v62+s4+$0x0], $0xffff;
	v28 =	vadd.s32 $0xA800, v4;
	[tilespmem:s11+$0x16A00] =	vst v8  }
0x2ee: {  	v33 =	vadd.s32 $0xE800, v2;
	v7 =	vld.idx.msk [tilespmem:v22+s4+$0x0], $0xffff;
	[tilespmem:s15+$0x16A00] =	vst v9  }
0x2ef: {  	v29 =	vadd.s32 $0xA800, v5;
	[tilespmem:s1+$0x16C00] =	vst v14;
	v30 =	vld.idx.msk [tilespmem:v24+s4+$0x0], $0xffff  }
0x2f0: {  	v32 =	vadd.s32 $0xA800, v6;
	v15 =	vld.idx.msk [tilespmem:v26+s4+$0x0], $0xffff;
	[tilespmem:s8+$0x16C00] =	vst v16  }
0x2f1: {  	v34 =	vadd.s32 $0xB000, v1;
	v17 =	vld.idx.msk [tilespmem:v27+s4+$0x0], $0xffff;
	[tilespmem:s10+$0x16C00] =	vst v10  }
0x2f2: {  	v35 =	vadd.s32 $0xB000, v3;
	[tilespmem:s0+$0x17C00] =	vst v23;
	v8 =	vld.idx.msk [tilespmem:v28+s4+$0x0], $0xffff  }
0x2f3: {  	v39 =	vld.idx.msk [tilespmem:v33+s4+$0x0], $0xffff;
	v36 =	vadd.s32 $0xB000, v4;
	[tilespmem:s11+$0x16C00] =	vst v7  }
0x2f4: {  	v25 =	vadd.s32 $0xC000, v0;
	v9 =	vld.idx.msk [tilespmem:v29+s4+$0x0], $0xffff;
	[tilespmem:s15+$0x16C00] =	vst v30  }
0x2f5: {  	[tilespmem:s1+$0x16E00] =	vst v15;
	v37 =	vadd.s32 $0xB000, v5;
	v38 =	vld.idx.msk [tilespmem:v32+s4+$0x0], $0xffff  }
0x2f6: {  	v40 =	vadd.s32 $0xB000, v6;
	v16 =	vld.idx.msk [tilespmem:v34+s4+$0x0], $0xffff;
	[tilespmem:s8+$0x16E00] =	vst v17  }
0x2f7: {  	v42 =	vadd.s32 $0xB800, v1;
	v10 =	vld.idx.msk [tilespmem:v35+s4+$0x0], $0xffff;
	[tilespmem:s10+$0x16E00] =	vst v8  }
0x2f8: {  	[tilespmem:s0+$0x17E00] =	vst v39;
	v43 =	vadd.s32 $0xB800, v3;
	v7 =	vld.idx.msk [tilespmem:v36+s4+$0x0], $0xffff  }
0x2f9: {  	v31 =	vld.idx.msk [tilespmem:v25+s4+$0x0], $0xffff;
	v44 =	vadd.s32 $0xB800, v4;
	[tilespmem:s11+$0x16E00] =	vst v9  }
0x2fa: {  	v41 =	vadd.s32 $0xC800, v0;
	v11 =	vld.idx.msk [tilespmem:v37+s4+$0x0], $0xffff;
	[tilespmem:s15+$0x16E00] =	vst v38  }
0x2fb: {  	v45 =	vadd.s32 $0xB800, v5;
	[tilespmem:s1+$0x17000] =	vst v16;
	v46 =	vld.idx.msk [tilespmem:v40+s4+$0x0], $0xffff  }
0x2fc: {  	v48 =	vadd.s32 $0xB800, v6;
	v17 =	vld.idx.msk [tilespmem:v42+s4+$0x0], $0xffff;
	[tilespmem:s8+$0x17000] =	vst v10  }
0x2fd: {  	v50 =	vadd.s32 $0xC000, v1;
	v8 =	vld.idx.msk [tilespmem:v43+s4+$0x0], $0xffff;
	[tilespmem:s10+$0x17000] =	vst v7  }
0x2fe: {  	[tilespmem:s31+$0x17400] =	vst v31;
	v51 =	vadd.s32 $0xC000, v3;
	v9 =	vld.idx.msk [tilespmem:v44+s4+$0x0], $0xffff  }
0x2ff: {  	v47 =	vld.idx.msk [tilespmem:v41+s4+$0x0], $0xffff;
	v52 =	vadd.s32 $0xC000, v4;
	[tilespmem:s11+$0x17000] =	vst v11  }
0x300: {  	v57 =	vadd.s32 $0xD000, v0;
	v12 =	vld.idx.msk [tilespmem:v45+s4+$0x0], $0xffff;
	[tilespmem:s15+$0x17000] =	vst v46  }
0x301: {  	v53 =	vadd.s32 $0xC000, v5;
	[tilespmem:s1+$0x17200] =	vst v17;
	v54 =	vld.idx.msk [tilespmem:v48+s4+$0x0], $0xffff  }
0x302: {  	v10 =	vld.idx.msk [tilespmem:v50+s4+$0x0], $0xffff;
	v56 =	vadd.s32 $0xC000, v6;
	[tilespmem:s8+$0x17200] =	vst v8  }
0x303: {  	v58 =	vadd.s32 $0xC800, v1;
	v7 =	vld.idx.msk [tilespmem:v51+s4+$0x0], $0xffff;
	[tilespmem:s10+$0x17200] =	vst v9  }
0x304: {  	[tilespmem:s31+$0x17600] =	vst v47;
	v59 =	vadd.s32 $0xC800, v3;
	v11 =	vld.idx.msk [tilespmem:v52+s4+$0x0], $0xffff  }
0x305: {  	v63 =	vld.idx.msk [tilespmem:v57+s4+$0x0], $0xffff;
	v60 =	vadd.s32 $0xC800, v4;
	[tilespmem:s11+$0x17200] =	vst v12  }
0x306: {  	v49 =	vadd.s32 $0xF000, v2;
	v13 =	vld.idx.msk [tilespmem:v53+s4+$0x0], $0xffff;
	[tilespmem:s15+$0x17200] =	vst v54  }
0x307: {  	[tilespmem:s1+$0x17400] =	vst v10;
	v61 =	vadd.s32 $0xC800, v5;
	v62 =	vld.idx.msk [tilespmem:v56+s4+$0x0], $0xffff  }
0x308: {  	v20 =	vadd.s32 $0xC800, v6;
	v8 =	vld.idx.msk [tilespmem:v58+s4+$0x0], $0xffff;
	[tilespmem:s8+$0x17400] =	vst v7  }
0x309: {  	v22 =	vadd.s32 $0xD000, v1;
	v9 =	vld.idx.msk [tilespmem:v59+s4+$0x0], $0xffff;
	[tilespmem:s10+$0x17400] =	vst v11  }
0x30a: {  	v23 =	vadd.s32 $0xD000, v3;
	[tilespmem:s31+$0x17800] =	vst v63;
	v12 =	vld.idx.msk [tilespmem:v60+s4+$0x0], $0xffff  }
0x30b: {  	v55 =	vld.idx.msk [tilespmem:v49+s4+$0x0], $0xffff;
	v24 =	vadd.s32 $0xD000, v4;
	[tilespmem:s11+$0x17400] =	vst v13  }
0x30c: {  	v21 =	vadd.s32 $0xF800, v2;
	v14 =	vld.idx.msk [tilespmem:v61+s4+$0x0], $0xffff;
	[tilespmem:s15+$0x17400] =	vst v62  }
0x30d: {  	v25 =	vadd.s32 $0xD000, v5;
	[tilespmem:s1+$0x17600] =	vst v8;
	v10 =	vld.idx.msk [tilespmem:v20+s4+$0x0], $0xffff  }
0x30e: {  	v26 =	vadd.s32 $0xD000, v6;
	v7 =	vld.idx.msk [tilespmem:v22+s4+$0x0], $0xffff;
	[tilespmem:s8+$0x17600] =	vst v9  }
0x30f: {  	v28 =	vadd.s32 $0xD800, v1;
	v11 =	vld.idx.msk [tilespmem:v23+s4+$0x0], $0xffff;
	[tilespmem:s10+$0x17600] =	vst v12  }
0x310: {  	[tilespmem:s0+$0x18000] =	vst v55;
	v29 =	vadd.s32 $0xD800, v3;
	v13 =	vld.idx.msk [tilespmem:v24+s4+$0x0], $0xffff  }
0x311: {  	v2 =	vld.idx.msk [tilespmem:v21+s4+$0x0], $0xffff;
	v30 =	vadd.s32 $0xD800, v4;
	[tilespmem:s11+$0x17600] =	vst v14  }
0x312: {  	v27 =	vadd.s32 $0xD800, v0;
	v15 =	vld.idx.msk [tilespmem:v25+s4+$0x0], $0xffff;
	[tilespmem:s15+$0x17600] =	vst v10  }
0x313: {  	v31 =	vadd.s32 $0xD800, v5;
	[tilespmem:s1+$0x17800] =	vst v7;
	v8 =	vld.idx.msk [tilespmem:v26+s4+$0x0], $0xffff  }
0x314: {  	v33 =	vadd.s32 $0xD800, v6;
	v9 =	vld.idx.msk [tilespmem:v28+s4+$0x0], $0xffff;
	[tilespmem:s8+$0x17800] =	vst v11  }
0x315: {  	v35 =	vadd.s32 $0xE000, v1;
	v12 =	vld.idx.msk [tilespmem:v29+s4+$0x0], $0xffff;
	[tilespmem:s10+$0x17800] =	vst v13  }
0x316: {  	[tilespmem:s0+$0x18200] =	vst v2;
	v36 =	vadd.s32 $0xE000, v3;
	v14 =	vld.idx.msk [tilespmem:v30+s4+$0x0], $0xffff  }
0x317: {  	v37 =	vadd.s32 $0xE000, v4;
	v32 =	vld.idx.msk [tilespmem:v27+s4+$0x0], $0xffff;
	[tilespmem:s11+$0x17800] =	vst v15  }
0x318: {  	v34 =	vadd.s32 $0xE000, v0;
	v2 =	vld.idx.msk [tilespmem:v31+s4+$0x0], $0xffff;
	[tilespmem:s15+$0x17800] =	vst v8  }
0x319: {  	v38 =	vadd.s32 $0xE000, v5;
	[tilespmem:s1+$0x17A00] =	vst v9;
	v7 =	vld.idx.msk [tilespmem:v33+s4+$0x0], $0xffff  }
0x31a: {  	v39 =	vadd.s32 $0xE000, v6;
	v11 =	vld.idx.msk [tilespmem:v35+s4+$0x0], $0xffff;
	[tilespmem:s8+$0x17A00] =	vst v12  }
0x31b: {  	v41 =	vadd.s32 $0xE800, v1;
	v13 =	vld.idx.msk [tilespmem:v36+s4+$0x0], $0xffff;
	[tilespmem:s10+$0x17A00] =	vst v14  }
0x31c: {  	v42 =	vadd.s32 $0xE800, v3;
	[tilespmem:s31+$0x17A00] =	vst v32;
	v15 =	vld.idx.msk [tilespmem:v37+s4+$0x0], $0xffff  }
0x31d: {  	v43 =	vadd.s32 $0xE800, v4;
	v10 =	vld.idx.msk [tilespmem:v34+s4+$0x0], $0xffff;
	[tilespmem:s11+$0x17A00] =	vst v2  }
0x31e: {  	v40 =	vadd.s32 $0xE800, v0;
	v8 =	vld.idx.msk [tilespmem:v38+s4+$0x0], $0xffff;
	[tilespmem:s15+$0x17A00] =	vst v7  }
0x31f: {  	v44 =	vadd.s32 $0xE800, v5;
	[tilespmem:s1+$0x17C00] =	vst v11;
	v9 =	vld.idx.msk [tilespmem:v39+s4+$0x0], $0xffff  }
0x320: {  	v45 =	vadd.s32 $0xE800, v6;
	v12 =	vld.idx.msk [tilespmem:v41+s4+$0x0], $0xffff;
	[tilespmem:s8+$0x17C00] =	vst v13  }
0x321: {  	v47 =	vadd.s32 $0xF000, v1;
	v14 =	vld.idx.msk [tilespmem:v42+s4+$0x0], $0xffff;
	[tilespmem:s10+$0x17C00] =	vst v15  }
0x322: {  	v48 =	vadd.s32 $0xF000, v3;
	[tilespmem:s31+$0x17C00] =	vst v10;
	v2 =	vld.idx.msk [tilespmem:v43+s4+$0x0], $0xffff  }
0x323: {  	v49 =	vadd.s32 $0xF000, v4;
	v10 =	vld.idx.msk [tilespmem:v40+s4+$0x0], $0xffff;
	[tilespmem:s11+$0x17C00] =	vst v8  }
0x324: {  	v46 =	vadd.s32 $0xF000, v0;
	v7 =	vld.idx.msk [tilespmem:v44+s4+$0x0], $0xffff;
	[tilespmem:s15+$0x17C00] =	vst v9  }
0x325: {  	v50 =	vadd.s32 $0xF000, v5;
	[tilespmem:s1+$0x17E00] =	vst v12;
	v51 =	vld.idx.msk [tilespmem:v45+s4+$0x0], $0xffff  }
0x326: {  	v53 =	vadd.s32 $0xF000, v6;
	v13 =	vld.idx.msk [tilespmem:v47+s4+$0x0], $0xffff;
	[tilespmem:s8+$0x17E00] =	vst v14  }
0x327: {  	v55 =	vadd.s32 $0xF800, v1;
	v14 =	vld.idx.msk [tilespmem:v48+s4+$0x0], $0xffff;
	[tilespmem:s10+$0x17E00] =	vst v2  }
0x328: {  	v56 =	vadd.s32 $0xF800, v3;
	[tilespmem:s31+$0x17E00] =	vst v10;
	v57 =	vld.idx.msk [tilespmem:v49+s4+$0x0], $0xffff  }
0x329: {  	v58 =	vadd.s32 $0xF800, v4;
	v52 =	vld.idx.msk [tilespmem:v46+s4+$0x0], $0xffff;
	[tilespmem:s11+$0x17E00] =	vst v7  }
0x32a: {  	v54 =	vadd.s32 $0xF800, v0;
	v7 =	vld.idx.msk [tilespmem:v50+s4+$0x0], $0xffff;
	[tilespmem:s15+$0x17E00] =	vst v51  }
0x32b: {  	v59 =	vadd.s32 $0xF800, v5;
	[tilespmem:s1+$0x18000] =	vst v13;
	v60 =	vld.idx.msk [tilespmem:v53+s4+$0x0], $0xffff  }
0x32c: {  	v61 =	vadd.s32 $0xF800, v6;
	v1 =	vld.idx.msk [tilespmem:v55+s4+$0x0], $0xffff;
	[tilespmem:s8+$0x18000] =	vst v14  }
0x32d: {  	v2 =	vld.idx.msk [tilespmem:v56+s4+$0x0], $0xffff;
	[tilespmem:s10+$0x18000] =	vst v57  }
0x32e: {  	[tilespmem:s31+$0x18000] =	vst v52;
	v3 =	vld.idx.msk [tilespmem:v58+s4+$0x0], $0xffff  }
0x32f: {  	s16 =	sadd.s32 s30, s2;
	v0 =	vld.idx.msk [tilespmem:v54+s4+$0x0], $0xffff;
	[tilespmem:s11+$0x18000] =	vst v7  }
0x330: {  	s0 =	sshll.u32 s16, $0xF;
	v62 =	vld.idx.msk [tilespmem:v59+s4+$0x0], $0xffff;
	[tilespmem:s15+$0x18000] =	vst v60  }
0x331: {  	s0 =	sadd.s32 $0x80000, s0;
	[tilespmem:s1+$0x18200] =	vst v1;
	v63 =	vld.idx.msk [tilespmem:v61+s4+$0x0], $0xffff  }
0x332: {  	s0 =	sand.u32 $0x7FFC0000, s0;
	[tilespmem:s8+$0x18200] =	vst v2  }
0x333: {  	s0 =	sor.u32 s0, s9;
	[tilespmem:s10+$0x18200] =	vst v3  }
0x334: {  	s0 =	sor.u32 s7, s0;
	[tilespmem:s31+$0x18200] =	vst v0  }
0x335: {  	s0 =	sshrl.u32 s0, $0x3;
	[tilespmem:s11+$0x18200] =	vst v62  }
0x336: {  	s29 =	sadd.s32 $0x1, s29;
	s0 =	sadd.s32 s5, s0;
	s31 =	sadd.s32 s30, s13;
	[tilespmem:s15+$0x18200] =	vst v63  }
0x337: {  	[hbm4b:s0+s20] =	stream.strided.scatter [tilespmem:s25], [sflag:$0x5], $0x4000, s21, s20, $0x38;
	[tilespmem:$0x18400] =	vst v63  }
0x338: {  	p0 =	sne.s32 s29, $0x31;
	s0 =	sshll.u32 s31, $0x9  }
.Ltmp2:
0x339: {  	s0 =	sand.u32 $0x7FFFF000, s0;
	(pc) =	sbr.rel @p0 .LBB2_2-.Ltmp2, $4  }
0x33a: {  	_ =	swait.ge [sflag:s26], $0x4000;
	s0 =	sor.u32 s9, s0  }
0x33b: {  	[sflag:s26] =	ssyncset.done $0x0;
	s0 =	sshrl.u32 s0, $0x3  }
0x33c: {  	[sflag:s26] =	ssyncadd.s32 $0xFFFFC000;
	s0 =	sadd.s32 s3, s0  }
0x33d: {  	[tilespmem:s18], [sflag:$0x3] =	stream.linear.gather [hbm4b:s0+s4], $0x200, $0x38;
	[tilespmem:$0x18400] =	vst v63  }
0x33e: {  	_ =	swait.ge [sflag:s19], $0x200  }
0x33f: {  	[sflag:s19] =	ssyncset.done $0x0  }
0x340: {  	s15 =	simm.s32 $0x0;
	[sflag:s19] =	ssyncadd.s32 $0xFFFFFE00  }
0x341: {  	v7 =	vld [tilespmem:s15+$0x10000];
	_ =	sdelay $0x7  }
0x342: {  	v0 =	vld.idx.msk [tilespmem:v7+s4+$0x0], $0xffff  }
0x343: {  	v1 =	vadd.s32 $0x800, v7;
	_ =	sdelay $0x3  }
0x344: {  	[tilespmem:s15+$0x10400] =	vst v0  }
0x345: {  	v0 =	vld.idx.msk [tilespmem:v1+s4+$0x0], $0xffff  }
0x346: {  	v1 =	vadd.s32 $0x1000, v7;
	_ =	sdelay $0x3  }
0x347: {  	[tilespmem:s15+$0x10600] =	vst v0  }
0x348: {  	v0 =	vld.idx.msk [tilespmem:v1+s4+$0x0], $0xffff  }
0x349: {  	v1 =	vadd.s32 $0x1800, v7;
	_ =	sdelay $0x3  }
0x34a: {  	[tilespmem:s15+$0x10800] =	vst v0  }
0x34b: {  	v0 =	vld.idx.msk [tilespmem:v1+s4+$0x0], $0xffff  }
0x34c: {  	s0 =	simm.s32 $0x10;
	v1 =	vadd.s32 $0x2000, v7  }
0x34d: {  	v2 =	vld [tilespmem:s0+$0x10000];
	_ =	sdelay $0x2  }
0x34e: {  	[tilespmem:s15+$0x10A00] =	vst v0  }
0x34f: {  	v0 =	vld.idx.msk [tilespmem:v1+s4+$0x0], $0xffff  }
0x350: {  	v1 =	vadd.s32 $0x2800, v7;
	_ =	sdelay $0x2  }
0x351: {  	v3 =	vld.idx.msk [tilespmem:v2+s4+$0x0], $0xffff  }
0x352: {  	[tilespmem:s15+$0x10C00] =	vst v0;
	v0 =	vadd.s32 $0x800, v2  }
0x353: {  	v1 =	vld.idx.msk [tilespmem:v1+s4+$0x0], $0xffff  }
0x354: {  	v4 =	vadd.s32 $0x3000, v7;
	_ =	sdelay $0x1  }
0x355: {  	[tilespmem:s0+$0x10400] =	vst v3  }
0x356: {  	v0 =	vld.idx.msk [tilespmem:v0+s4+$0x0], $0xffff  }
0x357: {  	[tilespmem:s15+$0x10E00] =	vst v1;
	v1 =	vadd.s32 $0x1000, v2  }
0x358: {  	v3 =	vld.idx.msk [tilespmem:v4+s4+$0x0], $0xffff  }
0x359: {  	v4 =	vadd.s32 $0x3800, v7;
	_ =	sdelay $0x1  }
0x35a: {  	[tilespmem:s0+$0x10600] =	vst v0  }
0x35b: {  	v0 =	vld.idx.msk [tilespmem:v1+s4+$0x0], $0xffff  }
0x35c: {  	v1 =	vadd.s32 $0x1800, v2;
	[tilespmem:s15+$0x11000] =	vst v3  }
0x35d: {  	v3 =	vld.idx.msk [tilespmem:v4+s4+$0x0], $0xffff  }
0x35e: {  	v4 =	vadd.s32 $0x4000, v7;
	_ =	sdelay $0x1  }
0x35f: {  	[tilespmem:s0+$0x10800] =	vst v0  }
0x360: {  	s29 =	simm.s32 $0x20;
	v1 =	vld.idx.msk [tilespmem:v1+s4+$0x0], $0xffff  }
0x361: {  	v0 =	vld [tilespmem:s29+$0x10000];
	[tilespmem:s15+$0x11200] =	vst v3;
	v3 =	vadd.s32 $0x2000, v2  }
0x362: {  	v4 =	vld.idx.msk [tilespmem:v4+s4+$0x0], $0xffff  }
0x363: {  	v5 =	vadd.s32 $0x4800, v7;
	_ =	sdelay $0x1  }
0x364: {  	[tilespmem:s0+$0x10A00] =	vst v1  }
0x365: {  	v1 =	vld.idx.msk [tilespmem:v3+s4+$0x0], $0xffff  }
0x366: {  	v3 =	vadd.s32 $0x2800, v2;
	[tilespmem:s15+$0x11400] =	vst v4  }
0x367: {  	v4 =	vld.idx.msk [tilespmem:v5+s4+$0x0], $0xffff  }
0x368: {  	v5 =	vadd.s32 $0x5000, v7  }
0x369: {  	v6 =	vld.idx.msk [tilespmem:v0+s4+$0x0], $0xffff  }
0x36a: {  	[tilespmem:s0+$0x10C00] =	vst v1;
	v1 =	vadd.s32 $0x800, v0  }
0x36b: {  	v3 =	vld.idx.msk [tilespmem:v3+s4+$0x0], $0xffff  }
0x36c: {  	[tilespmem:s15+$0x11600] =	vst v4;
	v4 =	vadd.s32 $0x3000, v2  }
0x36d: {  	v5 =	vld.idx.msk [tilespmem:v5+s4+$0x0], $0xffff  }
0x36e: {  	[tilespmem:s29+$0x10400] =	vst v6;
	v6 =	vadd.s32 $0x5800, v7  }
0x36f: {  	v1 =	vld.idx.msk [tilespmem:v1+s4+$0x0], $0xffff  }
0x370: {  	[tilespmem:s0+$0x10E00] =	vst v3;
	v3 =	vadd.s32 $0x1000, v0  }
0x371: {  	v4 =	vld.idx.msk [tilespmem:v4+s4+$0x0], $0xffff  }
0x372: {  	[tilespmem:s15+$0x11800] =	vst v5;
	v5 =	vadd.s32 $0x3800, v2  }
0x373: {  	v6 =	vld.idx.msk [tilespmem:v6+s4+$0x0], $0xffff  }
0x374: {  	[tilespmem:s29+$0x10600] =	vst v1;
	v1 =	vadd.s32 $0x6000, v7  }
0x375: {  	v3 =	vld.idx.msk [tilespmem:v3+s4+$0x0], $0xffff  }
0x376: {  	[tilespmem:s0+$0x11000] =	vst v4;
	v4 =	vadd.s32 $0x1800, v0  }
0x377: {  	v5 =	vld.idx.msk [tilespmem:v5+s4+$0x0], $0xffff  }
0x378: {  	[tilespmem:s15+$0x11A00] =	vst v6;
	v6 =	vadd.s32 $0x4000, v2  }
0x379: {  	v8 =	vld.idx.msk [tilespmem:v1+s4+$0x0], $0xffff  }
0x37a: {  	[tilespmem:s29+$0x10800] =	vst v3;
	v3 =	vadd.s32 $0x6800, v7  }
0x37b: {  	v4 =	vld.idx.msk [tilespmem:v4+s4+$0x0], $0xffff  }
0x37c: {  	[tilespmem:s0+$0x11200] =	vst v5;
	v5 =	vadd.s32 $0x2000, v0  }
0x37d: {  	s1 =	simm.s32 $0x30;
	v6 =	vld.idx.msk [tilespmem:v6+s4+$0x0], $0xffff  }
0x37e: {  	v1 =	vld [tilespmem:s1+$0x10000];
	[tilespmem:s15+$0x11C00] =	vst v8;
	v8 =	vadd.s32 $0x4800, v2  }
0x37f: {  	v3 =	vld.idx.msk [tilespmem:v3+s4+$0x0], $0xffff  }
0x380: {  	[tilespmem:s29+$0x10A00] =	vst v4;
	v4 =	vadd.s32 $0x7000, v7  }
0x381: {  	v5 =	vld.idx.msk [tilespmem:v5+s4+$0x0], $0xffff  }
0x382: {  	[tilespmem:s0+$0x11400] =	vst v6;
	v6 =	vadd.s32 $0x2800, v0  }
0x383: {  	v8 =	vld.idx.msk [tilespmem:v8+s4+$0x0], $0xffff  }
0x384: {  	[tilespmem:s15+$0x11E00] =	vst v3;
	v3 =	vadd.s32 $0x5000, v2  }
0x385: {  	v4 =	vld.idx.msk [tilespmem:v4+s4+$0x0], $0xffff  }
0x386: {  	v9 =	vld.idx.msk [tilespmem:v1+s4+$0x0], $0xffff;
	[tilespmem:s29+$0x10C00] =	vst v5;
	v5 =	vadd.s32 $0x7800, v7  }
0x387: {  	v10 =	vadd.s32 $0x800, v1;
	v6 =	vld.idx.msk [tilespmem:v6+s4+$0x0], $0xffff  }
0x388: {  	[tilespmem:s0+$0x11600] =	vst v8;
	v8 =	vadd.s32 $0x3000, v0  }
0x389: {  	v3 =	vld.idx.msk [tilespmem:v3+s4+$0x0], $0xffff  }
0x38a: {  	[tilespmem:s15+$0x12000] =	vst v4;
	v4 =	vadd.s32 $0x5800, v2  }
0x38b: {  	[tilespmem:s1+$0x10400] =	vst v9;
	v5 =	vld.idx.msk [tilespmem:v5+s4+$0x0], $0xffff  }
0x38c: {  	v9 =	vld.idx.msk [tilespmem:v10+s4+$0x0], $0xffff;
	[tilespmem:s29+$0x10E00] =	vst v6;
	v6 =	vadd.s32 $0x8000, v7  }
0x38d: {  	v10 =	vadd.s32 $0x1000, v1;
	v8 =	vld.idx.msk [tilespmem:v8+s4+$0x0], $0xffff  }
0x38e: {  	[tilespmem:s0+$0x11800] =	vst v3;
	v3 =	vadd.s32 $0x3800, v0  }
0x38f: {  	v4 =	vld.idx.msk [tilespmem:v4+s4+$0x0], $0xffff  }
0x390: {  	[tilespmem:s15+$0x12200] =	vst v5;
	v5 =	vadd.s32 $0x6000, v2  }
0x391: {  	[tilespmem:s1+$0x10600] =	vst v9;
	v6 =	vld.idx.msk [tilespmem:v6+s4+$0x0], $0xffff  }
0x392: {  	v9 =	vld.idx.msk [tilespmem:v10+s4+$0x0], $0xffff;
	[tilespmem:s29+$0x11000] =	vst v8;
	v8 =	vadd.s32 $0x8800, v7  }
0x393: {  	v10 =	vadd.s32 $0x1800, v1;
	v3 =	vld.idx.msk [tilespmem:v3+s4+$0x0], $0xffff  }
0x394: {  	[tilespmem:s0+$0x11A00] =	vst v4;
	v4 =	vadd.s32 $0x4000, v0  }
0x395: {  	v5 =	vld.idx.msk [tilespmem:v5+s4+$0x0], $0xffff  }
0x396: {  	[tilespmem:s15+$0x12400] =	vst v6;
	v6 =	vadd.s32 $0x6800, v2  }
0x397: {  	[tilespmem:s1+$0x10800] =	vst v9;
	v8 =	vld.idx.msk [tilespmem:v8+s4+$0x0], $0xffff  }
0x398: {  	v9 =	vld.idx.msk [tilespmem:v10+s4+$0x0], $0xffff;
	v10 =	vadd.s32 $0x9000, v7;
	[tilespmem:s29+$0x11200] =	vst v3  }
0x399: {  	s8 =	simm.s32 $0x40;
	v11 =	vadd.s32 $0x2000, v1;
	v4 =	vld.idx.msk [tilespmem:v4+s4+$0x0], $0xffff  }
0x39a: {  	v3 =	vld [tilespmem:s8+$0x10000];
	[tilespmem:s0+$0x11C00] =	vst v5;
	v5 =	vadd.s32 $0x4800, v0  }
0x39b: {  	v6 =	vld.idx.msk [tilespmem:v6+s4+$0x0], $0xffff  }
0x39c: {  	[tilespmem:s15+$0x12600] =	vst v8;
	v8 =	vadd.s32 $0x7000, v2  }
0x39d: {  	[tilespmem:s1+$0x10A00] =	vst v9;
	v9 =	vld.idx.msk [tilespmem:v10+s4+$0x0], $0xffff  }
0x39e: {  	v10 =	vld.idx.msk [tilespmem:v11+s4+$0x0], $0xffff;
	[tilespmem:s29+$0x11400] =	vst v4;
	v4 =	vadd.s32 $0x9800, v7  }
0x39f: {  	v11 =	vadd.s32 $0x2800, v1;
	v5 =	vld.idx.msk [tilespmem:v5+s4+$0x0], $0xffff  }
0x3a0: {  	[tilespmem:s0+$0x11E00] =	vst v6  }
0x3a1: {  	v6 =	vadd.s32 $0x5000, v0;
	v8 =	vld.idx.msk [tilespmem:v8+s4+$0x0], $0xffff  }
0x3a2: {  	v12 =	vld.idx.msk [tilespmem:v3+s4+$0x0], $0xffff;
	[tilespmem:s15+$0x12800] =	vst v9;
	v9 =	vadd.s32 $0x7800, v2  }
0x3a3: {  	[tilespmem:s1+$0x10C00] =	vst v10;
	v10 =	vadd.s32 $0x800, v3;
	v4 =	vld.idx.msk [tilespmem:v4+s4+$0x0], $0xffff  }
0x3a4: {  	v11 =	vld.idx.msk [tilespmem:v11+s4+$0x0], $0xffff;
	[tilespmem:s29+$0x11600] =	vst v5;
	v5 =	vadd.s32 $0xA000, v7  }
0x3a5: {  	v13 =	vadd.s32 $0x3000, v1  }
0x3a6: {  	v6 =	vld.idx.msk [tilespmem:v6+s4+$0x0], $0xffff;
	[tilespmem:s0+$0x12000] =	vst v8  }
0x3a7: {  	[tilespmem:s8+$0x10400] =	vst v12;
	v8 =	vadd.s32 $0x5800, v0;
	v9 =	vld.idx.msk [tilespmem:v9+s4+$0x0], $0xffff  }
0x3a8: {  	v10 =	vld.idx.msk [tilespmem:v10+s4+$0x0], $0xffff;
	[tilespmem:s15+$0x12A00] =	vst v4;
	v4 =	vadd.s32 $0x8000, v2  }
0x3a9: {  	[tilespmem:s1+$0x10E00] =	vst v11;
	v11 =	vadd.s32 $0x1000, v3;
	v5 =	vld.idx.msk [tilespmem:v5+s4+$0x0], $0xffff  }
0x3aa: {  	v12 =	vld.idx.msk [tilespmem:v13+s4+$0x0], $0xffff  }
0x3ab: {  	[tilespmem:s29+$0x11800] =	vst v6;
	v6 =	vadd.s32 $0xA800, v7  }
0x3ac: {  	v13 =	vadd.s32 $0x3800, v1;
	v8 =	vld.idx.msk [tilespmem:v8+s4+$0x0], $0xffff;
	[tilespmem:s0+$0x12200] =	vst v9  }
0x3ad: {  	v9 =	vadd.s32 $0x6000, v0;
	[tilespmem:s8+$0x10600] =	vst v10;
	v10 =	vld.idx.msk [tilespmem:v4+s4+$0x0], $0xffff  }
0x3ae: {  	s10 =	simm.s32 $0x50;
	v11 =	vld.idx.msk [tilespmem:v11+s4+$0x0], $0xffff;
	[tilespmem:s15+$0x12C00] =	vst v5;
	v5 =	vadd.s32 $0x8800, v2  }
0x3af: {  	v4 =	vld [tilespmem:s10+$0x10000];
	[tilespmem:s1+$0x11000] =	vst v12;
	v12 =	vadd.s32 $0x1800, v3  }
0x3b0: {  	v6 =	vld.idx.msk [tilespmem:v6+s4+$0x0], $0xffff  }
0x3b1: {  	v13 =	vld.idx.msk [tilespmem:v13+s4+$0x0], $0xffff;
	[tilespmem:s29+$0x11A00] =	vst v8;
	v8 =	vadd.s32 $0xB000, v7  }
0x3b2: {  	v14 =	vadd.s32 $0x4000, v1;
	v9 =	vld.idx.msk [tilespmem:v9+s4+$0x0], $0xffff;
	[tilespmem:s0+$0x12400] =	vst v10  }
0x3b3: {  	v10 =	vadd.s32 $0x6800, v0;
	[tilespmem:s8+$0x10800] =	vst v11;
	v11 =	vld.idx.msk [tilespmem:v5+s4+$0x0], $0xffff  }
0x3b4: {  	s11 =	simm.s32 $0x60;
	v12 =	vld.idx.msk [tilespmem:v12+s4+$0x0], $0xffff  }
0x3b5: {  	v5 =	vld [tilespmem:s11+$0x10000];
	[tilespmem:s15+$0x12E00] =	vst v6;
	v6 =	vadd.s32 $0x9000, v2  }
0x3b6: {  	[tilespmem:s1+$0x11200] =	vst v13;
	v13 =	vadd.s32 $0x2000, v3;
	v8 =	vld.idx.msk [tilespmem:v8+s4+$0x0], $0xffff  }
0x3b7: {  	v14 =	vld.idx.msk [tilespmem:v14+s4+$0x0], $0xffff;
	[tilespmem:s29+$0x11C00] =	vst v9;
	v9 =	vadd.s32 $0xB800, v7  }
0x3b8: {  	v15 =	vadd.s32 $0x4800, v1;
	v10 =	vld.idx.msk [tilespmem:v10+s4+$0x0], $0xffff  }
0x3b9: {  	v16 =	vld.idx.msk [tilespmem:v4+s4+$0x0], $0xffff;
	[tilespmem:s0+$0x12600] =	vst v11  }
0x3ba: {  	v11 =	vadd.s32 $0x7000, v0;
	[tilespmem:s8+$0x10A00] =	vst v12;
	v6 =	vld.idx.msk [tilespmem:v6+s4+$0x0], $0xffff  }
0x3bb: {  	v12 =	vld.idx.msk [tilespmem:v13+s4+$0x0], $0xffff;
	[tilespmem:s15+$0x13000] =	vst v8;
	v8 =	vadd.s32 $0x9800, v2  }
0x3bc: {  	v13 =	vadd.s32 $0x2800, v3;
	[tilespmem:s1+$0x11400] =	vst v14;
	v9 =	vld.idx.msk [tilespmem:v9+s4+$0x0], $0xffff  }
0x3bd: {  	v14 =	vld.idx.msk [tilespmem:v15+s4+$0x0], $0xffff;
	[tilespmem:s29+$0x11E00] =	vst v10;
	v10 =	vadd.s32 $0xC000, v7  }
0x3be: {  	v15 =	vadd.s32 $0x5000, v1;
	v18 =	vld.idx.msk [tilespmem:v5+s4+$0x0], $0xffff  }
0x3bf: {  	v19 =	vadd.s32 $0x800, v5;
	v11 =	vld.idx.msk [tilespmem:v11+s4+$0x0], $0xffff;
	[tilespmem:s0+$0x12800] =	vst v6  }
0x3c0: {  	v6 =	vadd.s32 $0x7800, v0;
	[tilespmem:s8+$0x10C00] =	vst v12;
	v8 =	vld.idx.msk [tilespmem:v8+s4+$0x0], $0xffff  }
0x3c1: {  	v12 =	vadd.s32 $0x800, v4;
	v13 =	vld.idx.msk [tilespmem:v13+s4+$0x0], $0xffff;
	[tilespmem:s15+$0x13200] =	vst v9  }
0x3c2: {  	v9 =	vadd.s32 $0xA000, v2;
	[tilespmem:s1+$0x11600] =	vst v14;
	v10 =	vld.idx.msk [tilespmem:v10+s4+$0x0], $0xffff  }
0x3c3: {  	v14 =	vadd.s32 $0x3000, v3;
	[tilespmem:s11+$0x10400] =	vst v18;
	v15 =	vld.idx.msk [tilespmem:v15+s4+$0x0], $0xffff  }
0x3c4: {  	v18 =	vld.idx.msk [tilespmem:v19+s4+$0x0], $0xffff;
	[tilespmem:s29+$0x12000] =	vst v11;
	v11 =	vadd.s32 $0xC800, v7  }
0x3c5: {  	[tilespmem:s10+$0x10400] =	vst v16;
	v16 =	vadd.s32 $0x5800, v1;
	v6 =	vld.idx.msk [tilespmem:v6+s4+$0x0], $0xffff  }
0x3c6: {  	v19 =	vadd.s32 $0x1000, v5;
	v12 =	vld.idx.msk [tilespmem:v12+s4+$0x0], $0xffff;
	[tilespmem:s0+$0x12A00] =	vst v8  }
0x3c7: {  	v8 =	vadd.s32 $0x8000, v0;
	[tilespmem:s8+$0x10E00] =	vst v13;
	v9 =	vld.idx.msk [tilespmem:v9+s4+$0x0], $0xffff  }
0x3c8: {  	v13 =	vadd.s32 $0x1000, v4;
	v14 =	vld.idx.msk [tilespmem:v14+s4+$0x0], $0xffff;
	[tilespmem:s15+$0x13400] =	vst v10  }
0x3c9: {  	v10 =	vadd.s32 $0xA800, v2;
	[tilespmem:s1+$0x11800] =	vst v15;
	v11 =	vld.idx.msk [tilespmem:v11+s4+$0x0], $0xffff  }
0x3ca: {  	v15 =	vadd.s32 $0x3800, v3;
	[tilespmem:s11+$0x10600] =	vst v18;
	v16 =	vld.idx.msk [tilespmem:v16+s4+$0x0], $0xffff  }
0x3cb: {  	v18 =	vld.idx.msk [tilespmem:v19+s4+$0x0], $0xffff;
	[tilespmem:s29+$0x12200] =	vst v6;
	v6 =	vadd.s32 $0xD000, v7  }
0x3cc: {  	[tilespmem:s10+$0x10600] =	vst v12;
	v12 =	vadd.s32 $0x6000, v1;
	v8 =	vld.idx.msk [tilespmem:v8+s4+$0x0], $0xffff  }
0x3cd: {  	v13 =	vld.idx.msk [tilespmem:v13+s4+$0x0], $0xffff;
	[tilespmem:s0+$0x12C00] =	vst v9;
	v9 =	vadd.s32 $0x8800, v0  }
0x3ce: {  	[tilespmem:s8+$0x11000] =	vst v14;
	v14 =	vadd.s32 $0x1800, v4;
	v10 =	vld.idx.msk [tilespmem:v10+s4+$0x0], $0xffff  }
0x3cf: {  	v15 =	vld.idx.msk [tilespmem:v15+s4+$0x0], $0xffff;
	[tilespmem:s15+$0x13600] =	vst v11;
	v11 =	vadd.s32 $0xB000, v2  }
0x3d0: {  	[tilespmem:s1+$0x11A00] =	vst v16;
	v16 =	vadd.s32 $0x4000, v3;
	v6 =	vld.idx.msk [tilespmem:v6+s4+$0x0], $0xffff  }
0x3d1: {  	v12 =	vld.idx.msk [tilespmem:v12+s4+$0x0], $0xffff;
	[tilespmem:s29+$0x12400] =	vst v8  }
0x3d2: {  	v8 =	vadd.s32 $0xD800, v7;
	[tilespmem:s10+$0x10800] =	vst v13;
	v9 =	vld.idx.msk [tilespmem:v9+s4+$0x0], $0xffff  }
0x3d3: {  	v13 =	vadd.s32 $0x6800, v1;
	v14 =	vld.idx.msk [tilespmem:v14+s4+$0x0], $0xffff;
	[tilespmem:s0+$0x12E00] =	vst v10  }
0x3d4: {  	[tilespmem:s8+$0x11200] =	vst v15;
	v10 =	vadd.s32 $0x9000, v0;
	v11 =	vld.idx.msk [tilespmem:v11+s4+$0x0], $0xffff  }
0x3d5: {  	s14 =	simm.s32 $0x70;
	v15 =	vadd.s32 $0x2000, v4;
	v16 =	vld.idx.msk [tilespmem:v16+s4+$0x0], $0xffff;
	[tilespmem:s15+$0x13800] =	vst v6  }
0x3d6: {  	[tilespmem:s1+$0x11C00] =	vst v12;
	v12 =	vadd.s32 $0xB800, v2;
	v6 =	vld [tilespmem:s14+$0x10000]  }
0x3d7: {  	v17 =	vadd.s32 $0x4800, v3;
	v8 =	vld.idx.msk [tilespmem:v8+s4+$0x0], $0xffff  }
0x3d8: {  	v13 =	vld.idx.msk [tilespmem:v13+s4+$0x0], $0xffff;
	[tilespmem:s29+$0x12600] =	vst v9;
	v9 =	vadd.s32 $0xE000, v7  }
0x3d9: {  	[tilespmem:s10+$0x10A00] =	vst v14;
	v14 =	vadd.s32 $0x7000, v1;
	v10 =	vld.idx.msk [tilespmem:v10+s4+$0x0], $0xffff  }
0x3da: {  	v15 =	vld.idx.msk [tilespmem:v15+s4+$0x0], $0xffff;
	[tilespmem:s0+$0x13000] =	vst v11;
	v11 =	vadd.s32 $0x9800, v0  }
0x3db: {  	[tilespmem:s8+$0x11400] =	vst v16;
	v16 =	vadd.s32 $0x2800, v4;
	v12 =	vld.idx.msk [tilespmem:v12+s4+$0x0], $0xffff  }
0x3dc: {  	v17 =	vld.idx.msk [tilespmem:v17+s4+$0x0], $0xffff;
	[tilespmem:s15+$0x13A00] =	vst v8;
	v8 =	vadd.s32 $0xC000, v2  }
0x3dd: {  	[tilespmem:s1+$0x11E00] =	vst v13;
	v13 =	vadd.s32 $0x5000, v3;
	v9 =	vld.idx.msk [tilespmem:v9+s4+$0x0], $0xffff  }
0x3de: {  	v14 =	vld.idx.msk [tilespmem:v14+s4+$0x0], $0xffff;
	[tilespmem:s29+$0x12800] =	vst v10;
	v10 =	vadd.s32 $0xE800, v7  }
0x3df: {  	[tilespmem:s10+$0x10C00] =	vst v15;
	v15 =	vadd.s32 $0x7800, v1;
	v11 =	vld.idx.msk [tilespmem:v11+s4+$0x0], $0xffff  }
0x3e0: {  	v16 =	vld.idx.msk [tilespmem:v16+s4+$0x0], $0xffff;
	[tilespmem:s0+$0x13200] =	vst v12;
	v12 =	vadd.s32 $0xA000, v0  }
0x3e1: {  	[tilespmem:s8+$0x11600] =	vst v17;
	v17 =	vadd.s32 $0x3000, v4;
	v8 =	vld.idx.msk [tilespmem:v8+s4+$0x0], $0xffff  }
0x3e2: {  	v13 =	vld.idx.msk [tilespmem:v13+s4+$0x0], $0xffff;
	[tilespmem:s15+$0x13C00] =	vst v9;
	v9 =	vadd.s32 $0xC800, v2  }
0x3e3: {  	[tilespmem:s1+$0x12000] =	vst v14;
	v14 =	vadd.s32 $0x5800, v3;
	v10 =	vld.idx.msk [tilespmem:v10+s4+$0x0], $0xffff  }
0x3e4: {  	v15 =	vld.idx.msk [tilespmem:v15+s4+$0x0], $0xffff;
	[tilespmem:s29+$0x12A00] =	vst v11;
	v11 =	vadd.s32 $0xF000, v7  }
0x3e5: {  	[tilespmem:s10+$0x10E00] =	vst v16;
	v16 =	vadd.s32 $0x8000, v1;
	v12 =	vld.idx.msk [tilespmem:v12+s4+$0x0], $0xffff  }
0x3e6: {  	v17 =	vld.idx.msk [tilespmem:v17+s4+$0x0], $0xffff;
	[tilespmem:s0+$0x13400] =	vst v8;
	v8 =	vadd.s32 $0xA800, v0  }
0x3e7: {  	[tilespmem:s8+$0x11800] =	vst v13;
	v13 =	vadd.s32 $0x3800, v4;
	v9 =	vld.idx.msk [tilespmem:v9+s4+$0x0], $0xffff  }
0x3e8: {  	v14 =	vld.idx.msk [tilespmem:v14+s4+$0x0], $0xffff;
	[tilespmem:s15+$0x13E00] =	vst v10;
	v10 =	vadd.s32 $0xD000, v2  }
0x3e9: {  	[tilespmem:s1+$0x12200] =	vst v15;
	v15 =	vadd.s32 $0x6000, v3;
	v11 =	vld.idx.msk [tilespmem:v11+s4+$0x0], $0xffff  }
0x3ea: {  	v7 =	vadd.s32 $0xF800, v7;
	v16 =	vld.idx.msk [tilespmem:v16+s4+$0x0], $0xffff;
	[tilespmem:s29+$0x12C00] =	vst v12  }
0x3eb: {  	[tilespmem:s10+$0x11000] =	vst v17;
	v12 =	vadd.s32 $0x8800, v1;
	v8 =	vld.idx.msk [tilespmem:v8+s4+$0x0], $0xffff  }
0x3ec: {  	v17 =	vadd.s32 $0x1800, v5;
	v19 =	vld.idx.msk [tilespmem:v13+s4+$0x0], $0xffff;
	[tilespmem:s0+$0x13600] =	vst v9  }
0x3ed: {  	[tilespmem:s8+$0x11A00] =	vst v14;
	v14 =	vadd.s32 $0xB000, v0;
	v10 =	vld.idx.msk [tilespmem:v10+s4+$0x0], $0xffff  }
0x3ee: {  	v20 =	vadd.s32 $0x4000, v4;
	v21 =	vld.idx.msk [tilespmem:v15+s4+$0x0], $0xffff;
	[tilespmem:s15+$0x14000] =	vst v11  }
0x3ef: {  	v22 =	vadd.s32 $0xD800, v2;
	[tilespmem:s1+$0x12400] =	vst v16;
	v9 =	vld.idx.msk [tilespmem:v7+s4+$0x0], $0xffff  }
0x3f0: {  	[tilespmem:s11+$0x10800] =	vst v18;
	v16 =	vadd.s32 $0x6800, v3;
	v13 =	vld.idx.msk [tilespmem:v12+s4+$0x0], $0xffff  }
0x3f1: {  	v11 =	vld.idx.msk [tilespmem:v17+s4+$0x0], $0xffff;
	[tilespmem:s29+$0x12E00] =	vst v8  }
0x3f2: {  	v15 =	vadd.s32 $0x9000, v1;
	[tilespmem:s10+$0x11200] =	vst v19;
	v7 =	vld.idx.msk [tilespmem:v14+s4+$0x0], $0xffff  }
0x3f3: {  	v8 =	vld.idx.msk [tilespmem:v20+s4+$0x0], $0xffff;
	v14 =	vadd.s32 $0x2000, v5;
	[tilespmem:s0+$0x13800] =	vst v10  }
0x3f4: {  	s16 =	simm.s32 $0x200;
	v12 =	vadd.s32 $0xB800, v0;
	[tilespmem:s8+$0x11C00] =	vst v21;
	v10 =	vld.idx.msk [tilespmem:v22+s4+$0x0], $0xffff  }
.LBB2_8:
0x3f5: {  	s6 =	sshra.s32 s16, $0x2;
	p0 =	sne.s32 s16, $0x7C0;
	v17 =	vadd.s32 $0x4800, v4;
	v16 =	vld.idx.msk [tilespmem:v16+s4+$0x0], $0xffff;
	[tilespmem:s15+$0x14200] =	vst v9;
	s15 =	smov.u32 s0  }
0x3f6: {  	s0 =	smov.u32 s29;
	s29 =	smov.u32 s1;
	v9 =	vld [tilespmem:s6+$0x10000];
	[tilespmem:s1+$0x12600] =	vst v13;
	v13 =	vadd.s32 $0xE000, v2;
	s1 =	smov.u32 s8  }
0x3f7: {  	s8 =	smov.u32 s10;
	s10 =	smov.u32 s11;
	[tilespmem:s11+$0x10A00] =	vst v11;
	v11 =	vadd.s32 $0x7000, v3;
	v15 =	vld.idx.msk [tilespmem:v15+s4+$0x0], $0xffff;
	s11 =	smov.u32 s14  }
0x3f8: {  	s14 =	smov.u32 s6;
	v14 =	vld.idx.msk [tilespmem:v14+s4+$0x0], $0xffff;
	[tilespmem:s0+$0x13000] =	vst v7  }
0x3f9: {  	v7 =	vadd.s32 $0x9800, v1;
	[tilespmem:s8+$0x11400] =	vst v8;
	v8 =	vld.idx.msk [tilespmem:v12+s4+$0x0], $0xffff  }
0x3fa: {  	v12 =	vadd.s32 $0x2800, v5;
	v17 =	vld.idx.msk [tilespmem:v17+s4+$0x0], $0xffff;
	[tilespmem:s15+$0x13A00] =	vst v10  }
0x3fb: {  	v10 =	vadd.s32 $0xC000, v0;
	[tilespmem:s1+$0x11E00] =	vst v16;
	v13 =	vld.idx.msk [tilespmem:v13+s4+$0x0], $0xffff  }
0x3fc: {  	v16 =	vadd.s32 $0x5000, v4;
	v11 =	vld.idx.msk [tilespmem:v11+s4+$0x0], $0xffff  }
0x3fd: {  	v18 =	vld.idx.msk [tilespmem:v6+s4+$0x0], $0xffff;
	[tilespmem:s29+$0x12800] =	vst v15;
	v15 =	vadd.s32 $0xE800, v2  }
0x3fe: {  	[tilespmem:s10+$0x10C00] =	vst v14;
	v14 =	vadd.s32 $0x7800, v3;
	v7 =	vld.idx.msk [tilespmem:v7+s4+$0x0], $0xffff  }
0x3ff: {  	v19 =	vadd.s32 $0x800, v6;
	v12 =	vld.idx.msk [tilespmem:v12+s4+$0x0], $0xffff;
	[tilespmem:s0+$0x13200] =	vst v8  }
0x400: {  	v8 =	vadd.s32 $0xA000, v1;
	[tilespmem:s8+$0x11600] =	vst v17;
	v10 =	vld.idx.msk [tilespmem:v10+s4+$0x0], $0xffff  }
0x401: {  	v17 =	vadd.s32 $0x3000, v5;
	v16 =	vld.idx.msk [tilespmem:v16+s4+$0x0], $0xffff;
	[tilespmem:s15+$0x13C00] =	vst v13  }
0x402: {  	[tilespmem:s1+$0x12000] =	vst v11;
	v11 =	vadd.s32 $0xC800, v0;
	v13 =	vld.idx.msk [tilespmem:v15+s4+$0x0], $0xffff  }
0x403: {  	v15 =	vadd.s32 $0x5800, v4;
	[tilespmem:s11+$0x10400] =	vst v18;
	v14 =	vld.idx.msk [tilespmem:v14+s4+$0x0], $0xffff  }
0x404: {  	v18 =	vld.idx.msk [tilespmem:v19+s4+$0x0], $0xffff;
	[tilespmem:s29+$0x12A00] =	vst v7;
	v7 =	vadd.s32 $0xF000, v2  }
0x405: {  	[tilespmem:s10+$0x10E00] =	vst v12;
	v12 =	vadd.s32 $0x8000, v3;
	v8 =	vld.idx.msk [tilespmem:v8+s4+$0x0], $0xffff  }
0x406: {  	v19 =	vadd.s32 $0x1000, v6;
	v17 =	vld.idx.msk [tilespmem:v17+s4+$0x0], $0xffff;
	[tilespmem:s0+$0x13400] =	vst v10  }
0x407: {  	v10 =	vadd.s32 $0xA800, v1;
	[tilespmem:s8+$0x11800] =	vst v16;
	v11 =	vld.idx.msk [tilespmem:v11+s4+$0x0], $0xffff  }
0x408: {  	v16 =	vadd.s32 $0x3800, v5;
	v15 =	vld.idx.msk [tilespmem:v15+s4+$0x0], $0xffff;
	[tilespmem:s15+$0x13E00] =	vst v13  }
0x409: {  	v13 =	vadd.s32 $0xD000, v0;
	[tilespmem:s1+$0x12200] =	vst v14;
	v7 =	vld.idx.msk [tilespmem:v7+s4+$0x0], $0xffff  }
0x40a: {  	v14 =	vadd.s32 $0x6000, v4;
	[tilespmem:s11+$0x10600] =	vst v18;
	v12 =	vld.idx.msk [tilespmem:v12+s4+$0x0], $0xffff  }
0x40b: {  	v18 =	vld.idx.msk [tilespmem:v19+s4+$0x0], $0xffff;
	[tilespmem:s29+$0x12C00] =	vst v8;
	v8 =	vadd.s32 $0xF800, v2;
	v2 =	vmovc v0;
	v0 =	vmovc v1;
	v1 =	vmov v3;
	v3 =	vmov v4  }
0x40c: {  	v4 =	vmovc v5;
	v5 =	vmov v6;
	v6 =	vmov v9;
	[tilespmem:s10+$0x11000] =	vst v17;
	v17 =	vadd.s32 $0x8800, v1;
	v10 =	vld.idx.msk [tilespmem:v10+s4+$0x0], $0xffff  }
0x40d: {  	v19 =	vadd.s32 $0x1800, v5;
	v20 =	vld.idx.msk [tilespmem:v16+s4+$0x0], $0xffff;
	[tilespmem:s0+$0x13600] =	vst v11  }
0x40e: {  	v21 =	vadd.s32 $0xB000, v0;
	[tilespmem:s8+$0x11A00] =	vst v15;
	v22 =	vld.idx.msk [tilespmem:v13+s4+$0x0], $0xffff  }
0x40f: {  	v23 =	vadd.s32 $0x4000, v4;
	v24 =	vld.idx.msk [tilespmem:v14+s4+$0x0], $0xffff;
	[tilespmem:s15+$0x14000] =	vst v7  }
0x410: {  	v25 =	vadd.s32 $0xD800, v2;
	[tilespmem:s1+$0x12400] =	vst v12;
	v9 =	vld.idx.msk [tilespmem:v8+s4+$0x0], $0xffff  }
.Ltmp3:
0x411: {  	v16 =	vadd.s32 $0x6800, v3;
	[tilespmem:s11+$0x10800] =	vst v18;
	v13 =	vld.idx.msk [tilespmem:v17+s4+$0x0], $0xffff;
	(pc) =	sbr.rel @p0 .LBB2_8-.Ltmp3, $4  }
0x412: {  	v11 =	vld.idx.msk [tilespmem:v19+s4+$0x0], $0xffff;
	[tilespmem:s29+$0x12E00] =	vst v10  }
0x413: {  	v15 =	vadd.s32 $0x9000, v1;
	[tilespmem:s10+$0x11200] =	vst v20;
	v7 =	vld.idx.msk [tilespmem:v21+s4+$0x0], $0xffff  }
0x414: {  	v14 =	vadd.s32 $0x2000, v5;
	v8 =	vld.idx.msk [tilespmem:v23+s4+$0x0], $0xffff;
	[tilespmem:s0+$0x13800] =	vst v22  }
0x415: {  	s16 =	sadd.s32 $0x40, s16;
	v12 =	vadd.s32 $0xB800, v0;
	[tilespmem:s8+$0x11C00] =	vst v24;
	v10 =	vld.idx.msk [tilespmem:v25+s4+$0x0], $0xffff  }
0x416: {  	_ =	sdelay $0x2  }
0x417: {  	v17 =	vadd.s32 $0x4800, v4;
	[tilespmem:s1+$0x12600] =	vst v13  }
0x418: {  	v16 =	vld.idx.msk [tilespmem:v16+s4+$0x0], $0xffff;
	v13 =	vadd.s32 $0xE000, v2;
	[tilespmem:s15+$0x14200] =	vst v9  }
0x419: {  	[tilespmem:s11+$0x10A00] =	vst v11;
	v15 =	vld.idx.msk [tilespmem:v15+s4+$0x0], $0xffff  }
0x41a: {  	v11 =	vadd.s32 $0x7000, v3;
	v14 =	vld.idx.msk [tilespmem:v14+s4+$0x0], $0xffff;
	[tilespmem:s29+$0x13000] =	vst v7  }
0x41b: {  	v7 =	vadd.s32 $0x9800, v1;
	[tilespmem:s10+$0x11400] =	vst v8;
	v12 =	vld.idx.msk [tilespmem:v12+s4+$0x0], $0xffff  }
0x41c: {  	v18 =	vadd.s32 $0x2800, v5;
	[tilespmem:s0+$0x13A00] =	vst v10;
	v17 =	vld.idx.msk [tilespmem:v17+s4+$0x0], $0xffff  }
0x41d: {  	v10 =	vadd.s32 $0xC000, v0;
	[tilespmem:s8+$0x11E00] =	vst v16;
	v13 =	vld.idx.msk [tilespmem:v13+s4+$0x0], $0xffff  }
0x41e: {  	v19 =	vld.idx.msk [tilespmem:v6+s4+$0x0], $0xffff;
	v16 =	vadd.s32 $0x5000, v4;
	[tilespmem:s1+$0x12800] =	vst v15  }
0x41f: {  	v11 =	vld.idx.msk [tilespmem:v11+s4+$0x0], $0xffff;
	[tilespmem:s11+$0x10C00] =	vst v14;
	v14 =	vadd.s32 $0x800, v6  }
0x420: {  	v8 =	vld.idx.msk [tilespmem:v7+s4+$0x0], $0xffff;
	[tilespmem:s29+$0x13200] =	vst v12  }
0x421: {  	v15 =	vld.idx.msk [tilespmem:v18+s4+$0x0], $0xffff;
	[tilespmem:s10+$0x11600] =	vst v17  }
0x422: {  	v7 =	vld.idx.msk [tilespmem:v10+s4+$0x0], $0xffff;
	[tilespmem:s0+$0x13C00] =	vst v13  }
0x423: {  	v9 =	vld.idx.msk [tilespmem:v16+s4+$0x0], $0xffff;
	[tilespmem:s14+$0x10400] =	vst v19  }
0x424: {  	v10 =	vld.idx.msk [tilespmem:v14+s4+$0x0], $0xffff  }
0x425: {  	v12 =	vadd.s32 $0x1000, v6;
	_ =	sdelay $0x3  }
0x426: {  	[tilespmem:s14+$0x10600] =	vst v10  }
0x427: {  	v10 =	vld.idx.msk [tilespmem:v12+s4+$0x0], $0xffff  }
0x428: {  	v12 =	vadd.s32 $0x1800, v6;
	_ =	sdelay $0x3  }
0x429: {  	[tilespmem:s14+$0x10800] =	vst v10  }
0x42a: {  	v10 =	vld.idx.msk [tilespmem:v12+s4+$0x0], $0xffff  }
0x42b: {  	v12 =	vadd.s32 $0x2000, v6;
	_ =	sdelay $0x3  }
0x42c: {  	[tilespmem:s14+$0x10A00] =	vst v10  }
0x42d: {  	v10 =	vld.idx.msk [tilespmem:v12+s4+$0x0], $0xffff  }
0x42e: {  	v12 =	vadd.s32 $0x2800, v6;
	_ =	sdelay $0x3  }
0x42f: {  	[tilespmem:s14+$0x10C00] =	vst v10  }
0x430: {  	v10 =	vadd.s32 $0x3000, v5;
	v12 =	vld.idx.msk [tilespmem:v12+s4+$0x0], $0xffff  }
0x431: {  	v13 =	vadd.s32 $0x3000, v6;
	_ =	sdelay $0x2  }
0x432: {  	[tilespmem:s11+$0x10E00] =	vst v15  }
0x433: {  	v10 =	vld.idx.msk [tilespmem:v10+s4+$0x0], $0xffff;
	[tilespmem:s14+$0x10E00] =	vst v12  }
0x434: {  	v12 =	vadd.s32 $0x3800, v5;
	v13 =	vld.idx.msk [tilespmem:v13+s4+$0x0], $0xffff  }
0x435: {  	v14 =	vadd.s32 $0x3800, v6;
	_ =	sdelay $0x2  }
0x436: {  	[tilespmem:s11+$0x11000] =	vst v10  }
0x437: {  	v10 =	vld.idx.msk [tilespmem:v12+s4+$0x0], $0xffff;
	[tilespmem:s14+$0x11000] =	vst v13  }
0x438: {  	v12 =	vadd.s32 $0x4000, v5;
	v13 =	vld.idx.msk [tilespmem:v14+s4+$0x0], $0xffff  }
0x439: {  	v14 =	vadd.s32 $0x4000, v6;
	_ =	sdelay $0x2  }
0x43a: {  	[tilespmem:s11+$0x11200] =	vst v10  }
0x43b: {  	v10 =	vld.idx.msk [tilespmem:v12+s4+$0x0], $0xffff;
	[tilespmem:s14+$0x11200] =	vst v13  }
0x43c: {  	v12 =	vadd.s32 $0x4800, v5;
	v13 =	vld.idx.msk [tilespmem:v14+s4+$0x0], $0xffff  }
0x43d: {  	v14 =	vadd.s32 $0x4800, v6;
	_ =	sdelay $0x2  }
0x43e: {  	[tilespmem:s11+$0x11400] =	vst v10  }
0x43f: {  	v10 =	vld.idx.msk [tilespmem:v12+s4+$0x0], $0xffff;
	[tilespmem:s14+$0x11400] =	vst v13  }
0x440: {  	v12 =	vadd.s32 $0x5000, v5;
	v13 =	vld.idx.msk [tilespmem:v14+s4+$0x0], $0xffff  }
0x441: {  	v14 =	vadd.s32 $0x5000, v6;
	_ =	sdelay $0x2  }
0x442: {  	[tilespmem:s11+$0x11600] =	vst v10  }
0x443: {  	v10 =	vadd.s32 $0x5800, v4;
	v12 =	vld.idx.msk [tilespmem:v12+s4+$0x0], $0xffff;
	[tilespmem:s14+$0x11600] =	vst v13  }
0x444: {  	v13 =	vadd.s32 $0x5800, v5;
	v14 =	vld.idx.msk [tilespmem:v14+s4+$0x0], $0xffff  }
0x445: {  	v15 =	vadd.s32 $0x5800, v6;
	_ =	sdelay $0x1  }
0x446: {  	[tilespmem:s10+$0x11800] =	vst v9  }
0x447: {  	v9 =	vld.idx.msk [tilespmem:v10+s4+$0x0], $0xffff;
	[tilespmem:s11+$0x11800] =	vst v12  }
0x448: {  	v10 =	vadd.s32 $0x6000, v4;
	v12 =	vld.idx.msk [tilespmem:v13+s4+$0x0], $0xffff;
	[tilespmem:s14+$0x11800] =	vst v14  }
0x449: {  	v13 =	vadd.s32 $0x6000, v5;
	v14 =	vld.idx.msk [tilespmem:v15+s4+$0x0], $0xffff  }
0x44a: {  	v15 =	vadd.s32 $0x6000, v6;
	_ =	sdelay $0x1  }
0x44b: {  	[tilespmem:s10+$0x11A00] =	vst v9  }
0x44c: {  	v9 =	vld.idx.msk [tilespmem:v10+s4+$0x0], $0xffff;
	[tilespmem:s11+$0x11A00] =	vst v12  }
0x44d: {  	v10 =	vadd.s32 $0x6800, v4;
	v12 =	vld.idx.msk [tilespmem:v13+s4+$0x0], $0xffff;
	[tilespmem:s14+$0x11A00] =	vst v14  }
0x44e: {  	v13 =	vadd.s32 $0x6800, v5;
	v14 =	vld.idx.msk [tilespmem:v15+s4+$0x0], $0xffff  }
0x44f: {  	v15 =	vadd.s32 $0x6800, v6;
	_ =	sdelay $0x1  }
0x450: {  	[tilespmem:s10+$0x11C00] =	vst v9  }
0x451: {  	v9 =	vld.idx.msk [tilespmem:v10+s4+$0x0], $0xffff;
	[tilespmem:s11+$0x11C00] =	vst v12  }
0x452: {  	v10 =	vadd.s32 $0x7000, v4;
	v12 =	vld.idx.msk [tilespmem:v13+s4+$0x0], $0xffff;
	[tilespmem:s14+$0x11C00] =	vst v14  }
0x453: {  	v13 =	vadd.s32 $0x7000, v5;
	v14 =	vld.idx.msk [tilespmem:v15+s4+$0x0], $0xffff  }
0x454: {  	v15 =	vadd.s32 $0x7000, v6;
	_ =	sdelay $0x1  }
0x455: {  	[tilespmem:s10+$0x11E00] =	vst v9  }
0x456: {  	v9 =	vadd.s32 $0x7800, v3;
	v10 =	vld.idx.msk [tilespmem:v10+s4+$0x0], $0xffff;
	[tilespmem:s11+$0x11E00] =	vst v12  }
0x457: {  	v12 =	vadd.s32 $0x7800, v4;
	v13 =	vld.idx.msk [tilespmem:v13+s4+$0x0], $0xffff;
	[tilespmem:s14+$0x11E00] =	vst v14  }
0x458: {  	v14 =	vadd.s32 $0x7800, v5;
	v15 =	vld.idx.msk [tilespmem:v15+s4+$0x0], $0xffff  }
0x459: {  	v16 =	vadd.s32 $0x7800, v6  }
0x45a: {  	[tilespmem:s8+$0x12000] =	vst v11  }
0x45b: {  	v9 =	vld.idx.msk [tilespmem:v9+s4+$0x0], $0xffff;
	[tilespmem:s10+$0x12000] =	vst v10  }
0x45c: {  	v10 =	vadd.s32 $0x8000, v3;
	v11 =	vld.idx.msk [tilespmem:v12+s4+$0x0], $0xffff;
	[tilespmem:s11+$0x12000] =	vst v13  }
0x45d: {  	v12 =	vadd.s32 $0x8000, v4;
	v13 =	vld.idx.msk [tilespmem:v14+s4+$0x0], $0xffff;
	[tilespmem:s14+$0x12000] =	vst v15  }
0x45e: {  	v14 =	vadd.s32 $0x8000, v5;
	v15 =	vld.idx.msk [tilespmem:v16+s4+$0x0], $0xffff  }
0x45f: {  	v16 =	vadd.s32 $0x8000, v6  }
0x460: {  	[tilespmem:s8+$0x12200] =	vst v9  }
0x461: {  	v9 =	vld.idx.msk [tilespmem:v10+s4+$0x0], $0xffff;
	[tilespmem:s10+$0x12200] =	vst v11  }
0x462: {  	v10 =	vadd.s32 $0x8800, v3;
	v11 =	vld.idx.msk [tilespmem:v12+s4+$0x0], $0xffff;
	[tilespmem:s11+$0x12200] =	vst v13  }
0x463: {  	v12 =	vadd.s32 $0x8800, v4;
	v13 =	vld.idx.msk [tilespmem:v14+s4+$0x0], $0xffff;
	[tilespmem:s14+$0x12200] =	vst v15  }
0x464: {  	v14 =	vadd.s32 $0x8800, v5;
	v15 =	vld.idx.msk [tilespmem:v16+s4+$0x0], $0xffff  }
0x465: {  	v16 =	vadd.s32 $0x8800, v6  }
0x466: {  	[tilespmem:s8+$0x12400] =	vst v9  }
0x467: {  	v9 =	vld.idx.msk [tilespmem:v10+s4+$0x0], $0xffff;
	[tilespmem:s10+$0x12400] =	vst v11  }
0x468: {  	v10 =	vadd.s32 $0x9000, v3;
	v11 =	vld.idx.msk [tilespmem:v12+s4+$0x0], $0xffff;
	[tilespmem:s11+$0x12400] =	vst v13  }
0x469: {  	v12 =	vadd.s32 $0x9000, v4;
	v13 =	vld.idx.msk [tilespmem:v14+s4+$0x0], $0xffff;
	[tilespmem:s14+$0x12400] =	vst v15  }
0x46a: {  	v14 =	vadd.s32 $0x9000, v5;
	v15 =	vld.idx.msk [tilespmem:v16+s4+$0x0], $0xffff  }
0x46b: {  	v16 =	vadd.s32 $0x9000, v6  }
0x46c: {  	[tilespmem:s8+$0x12600] =	vst v9  }
0x46d: {  	v9 =	vld.idx.msk [tilespmem:v10+s4+$0x0], $0xffff;
	[tilespmem:s10+$0x12600] =	vst v11  }
0x46e: {  	v10 =	vadd.s32 $0x9800, v3;
	v11 =	vld.idx.msk [tilespmem:v12+s4+$0x0], $0xffff;
	[tilespmem:s11+$0x12600] =	vst v13  }
0x46f: {  	v12 =	vadd.s32 $0x9800, v4;
	v13 =	vld.idx.msk [tilespmem:v14+s4+$0x0], $0xffff;
	[tilespmem:s14+$0x12600] =	vst v15  }
0x470: {  	v14 =	vadd.s32 $0x9800, v5;
	v15 =	vld.idx.msk [tilespmem:v16+s4+$0x0], $0xffff  }
0x471: {  	v16 =	vadd.s32 $0x9800, v6  }
0x472: {  	[tilespmem:s8+$0x12800] =	vst v9  }
0x473: {  	v9 =	vadd.s32 $0xA000, v1;
	v10 =	vld.idx.msk [tilespmem:v10+s4+$0x0], $0xffff;
	[tilespmem:s10+$0x12800] =	vst v11  }
0x474: {  	v11 =	vadd.s32 $0xA000, v3;
	v12 =	vld.idx.msk [tilespmem:v12+s4+$0x0], $0xffff;
	[tilespmem:s11+$0x12800] =	vst v13  }
0x475: {  	v13 =	vadd.s32 $0xA000, v4;
	v14 =	vld.idx.msk [tilespmem:v14+s4+$0x0], $0xffff;
	[tilespmem:s14+$0x12800] =	vst v15  }
0x476: {  	v15 =	vadd.s32 $0xA000, v5;
	v16 =	vld.idx.msk [tilespmem:v16+s4+$0x0], $0xffff  }
0x477: {  	[tilespmem:s1+$0x12A00] =	vst v8;
	v8 =	vadd.s32 $0xA000, v6  }
0x478: {  	v9 =	vld.idx.msk [tilespmem:v9+s4+$0x0], $0xffff;
	[tilespmem:s8+$0x12A00] =	vst v10  }
0x479: {  	v10 =	vadd.s32 $0xA800, v1;
	v11 =	vld.idx.msk [tilespmem:v11+s4+$0x0], $0xffff;
	[tilespmem:s10+$0x12A00] =	vst v12  }
0x47a: {  	v12 =	vadd.s32 $0xA800, v3;
	v13 =	vld.idx.msk [tilespmem:v13+s4+$0x0], $0xffff;
	[tilespmem:s11+$0x12A00] =	vst v14  }
0x47b: {  	v14 =	vadd.s32 $0xA800, v4;
	v15 =	vld.idx.msk [tilespmem:v15+s4+$0x0], $0xffff;
	[tilespmem:s14+$0x12A00] =	vst v16  }
0x47c: {  	v16 =	vadd.s32 $0xA800, v5;
	v8 =	vld.idx.msk [tilespmem:v8+s4+$0x0], $0xffff  }
0x47d: {  	[tilespmem:s1+$0x12C00] =	vst v9;
	v9 =	vadd.s32 $0xA800, v6  }
0x47e: {  	v17 =	vadd.s32 $0xE800, v2;
	v10 =	vld.idx.msk [tilespmem:v10+s4+$0x0], $0xffff;
	[tilespmem:s8+$0x12C00] =	vst v11  }
0x47f: {  	v11 =	vadd.s32 $0xB000, v1;
	v12 =	vld.idx.msk [tilespmem:v12+s4+$0x0], $0xffff;
	[tilespmem:s10+$0x12C00] =	vst v13  }
0x480: {  	v13 =	vadd.s32 $0xB000, v3;
	v14 =	vld.idx.msk [tilespmem:v14+s4+$0x0], $0xffff;
	[tilespmem:s11+$0x12C00] =	vst v15  }
0x481: {  	v15 =	vadd.s32 $0xB000, v4;
	v16 =	vld.idx.msk [tilespmem:v16+s4+$0x0], $0xffff;
	[tilespmem:s14+$0x12C00] =	vst v8  }
0x482: {  	[tilespmem:s29+$0x13400] =	vst v7;
	v7 =	vadd.s32 $0xB000, v5;
	v8 =	vld.idx.msk [tilespmem:v9+s4+$0x0], $0xffff  }
0x483: {  	[tilespmem:s1+$0x12E00] =	vst v10;
	v10 =	vadd.s32 $0xB000, v6;
	v9 =	vld.idx.msk [tilespmem:v17+s4+$0x0], $0xffff  }
0x484: {  	v11 =	vld.idx.msk [tilespmem:v11+s4+$0x0], $0xffff;
	[tilespmem:s8+$0x12E00] =	vst v12;
	v17 =	vadd.s32 $0xC800, v0  }
0x485: {  	v12 =	vadd.s32 $0xB800, v1;
	v13 =	vld.idx.msk [tilespmem:v13+s4+$0x0], $0xffff;
	[tilespmem:s10+$0x12E00] =	vst v14  }
0x486: {  	v14 =	vadd.s32 $0xB800, v3;
	v15 =	vld.idx.msk [tilespmem:v15+s4+$0x0], $0xffff;
	[tilespmem:s11+$0x12E00] =	vst v16  }
0x487: {  	v16 =	vadd.s32 $0xB800, v4;
	v7 =	vld.idx.msk [tilespmem:v7+s4+$0x0], $0xffff;
	[tilespmem:s14+$0x12E00] =	vst v8  }
0x488: {  	[tilespmem:s0+$0x13E00] =	vst v9;
	v8 =	vadd.s32 $0xB800, v5;
	v9 =	vld.idx.msk [tilespmem:v10+s4+$0x0], $0xffff  }
0x489: {  	[tilespmem:s1+$0x13000] =	vst v11;
	v11 =	vadd.s32 $0xB800, v6;
	v10 =	vld.idx.msk [tilespmem:v17+s4+$0x0], $0xffff  }
0x48a: {  	v12 =	vld.idx.msk [tilespmem:v12+s4+$0x0], $0xffff;
	[tilespmem:s8+$0x13000] =	vst v13;
	v17 =	vadd.s32 $0xF000, v2  }
0x48b: {  	v13 =	vadd.s32 $0xC000, v1;
	v14 =	vld.idx.msk [tilespmem:v14+s4+$0x0], $0xffff;
	[tilespmem:s10+$0x13000] =	vst v15  }
0x48c: {  	v15 =	vadd.s32 $0xC000, v3;
	v16 =	vld.idx.msk [tilespmem:v16+s4+$0x0], $0xffff;
	[tilespmem:s11+$0x13000] =	vst v7  }
0x48d: {  	v7 =	vadd.s32 $0xC000, v4;
	v8 =	vld.idx.msk [tilespmem:v8+s4+$0x0], $0xffff;
	[tilespmem:s14+$0x13000] =	vst v9  }
0x48e: {  	[tilespmem:s29+$0x13600] =	vst v10;
	v9 =	vadd.s32 $0xC000, v5;
	v10 =	vld.idx.msk [tilespmem:v11+s4+$0x0], $0xffff  }
0x48f: {  	[tilespmem:s1+$0x13200] =	vst v12;
	v12 =	vadd.s32 $0xC000, v6;
	v11 =	vld.idx.msk [tilespmem:v17+s4+$0x0], $0xffff  }
0x490: {  	v13 =	vld.idx.msk [tilespmem:v13+s4+$0x0], $0xffff;
	[tilespmem:s8+$0x13200] =	vst v14;
	v17 =	vadd.s32 $0xD000, v0  }
0x491: {  	v14 =	vadd.s32 $0xC800, v1;
	v15 =	vld.idx.msk [tilespmem:v15+s4+$0x0], $0xffff;
	[tilespmem:s10+$0x13200] =	vst v16  }
0x492: {  	v16 =	vadd.s32 $0xC800, v3;
	v7 =	vld.idx.msk [tilespmem:v7+s4+$0x0], $0xffff;
	[tilespmem:s11+$0x13200] =	vst v8  }
0x493: {  	v8 =	vadd.s32 $0xC800, v4;
	v9 =	vld.idx.msk [tilespmem:v9+s4+$0x0], $0xffff;
	[tilespmem:s14+$0x13200] =	vst v10  }
0x494: {  	[tilespmem:s0+$0x14000] =	vst v11;
	v10 =	vadd.s32 $0xC800, v5;
	v11 =	vld.idx.msk [tilespmem:v12+s4+$0x0], $0xffff  }
0x495: {  	[tilespmem:s1+$0x13400] =	vst v13;
	v13 =	vadd.s32 $0xC800, v6;
	v12 =	vld.idx.msk [tilespmem:v17+s4+$0x0], $0xffff  }
0x496: {  	v2 =	vadd.s32 $0xF800, v2;
	v14 =	vld.idx.msk [tilespmem:v14+s4+$0x0], $0xffff;
	[tilespmem:s8+$0x13400] =	vst v15  }
0x497: {  	v15 =	vadd.s32 $0xD000, v1;
	v16 =	vld.idx.msk [tilespmem:v16+s4+$0x0], $0xffff;
	[tilespmem:s10+$0x13400] =	vst v7  }
0x498: {  	v7 =	vadd.s32 $0xD000, v3;
	v8 =	vld.idx.msk [tilespmem:v8+s4+$0x0], $0xffff;
	[tilespmem:s11+$0x13400] =	vst v9  }
0x499: {  	v9 =	vadd.s32 $0xD000, v4;
	v10 =	vld.idx.msk [tilespmem:v10+s4+$0x0], $0xffff;
	[tilespmem:s14+$0x13400] =	vst v11  }
0x49a: {  	[tilespmem:s29+$0x13800] =	vst v12;
	v11 =	vadd.s32 $0xD000, v5;
	v12 =	vld.idx.msk [tilespmem:v13+s4+$0x0], $0xffff  }
0x49b: {  	v2 =	vld.idx.msk [tilespmem:v2+s4+$0x0], $0xffff;
	[tilespmem:s1+$0x13600] =	vst v14;
	v13 =	vadd.s32 $0xD000, v6  }
0x49c: {  	v14 =	vadd.s32 $0xD800, v0;
	v15 =	vld.idx.msk [tilespmem:v15+s4+$0x0], $0xffff;
	[tilespmem:s8+$0x13600] =	vst v16  }
0x49d: {  	v16 =	vadd.s32 $0xD800, v1;
	v7 =	vld.idx.msk [tilespmem:v7+s4+$0x0], $0xffff;
	[tilespmem:s10+$0x13600] =	vst v8  }
0x49e: {  	v8 =	vadd.s32 $0xD800, v3;
	v9 =	vld.idx.msk [tilespmem:v9+s4+$0x0], $0xffff;
	[tilespmem:s11+$0x13600] =	vst v10  }
0x49f: {  	v10 =	vadd.s32 $0xD800, v4;
	v11 =	vld.idx.msk [tilespmem:v11+s4+$0x0], $0xffff;
	[tilespmem:s14+$0x13600] =	vst v12  }
0x4a0: {  	[tilespmem:s0+$0x14200] =	vst v2;
	v2 =	vadd.s32 $0xD800, v5;
	v12 =	vld.idx.msk [tilespmem:v13+s4+$0x0], $0xffff  }
0x4a1: {  	[tilespmem:s1+$0x13800] =	vst v15;
	v13 =	vld.idx.msk [tilespmem:v14+s4+$0x0], $0xffff;
	v14 =	vadd.s32 $0xD800, v6  }
0x4a2: {  	v15 =	vadd.s32 $0xE000, v0;
	v16 =	vld.idx.msk [tilespmem:v16+s4+$0x0], $0xffff;
	[tilespmem:s8+$0x13800] =	vst v7  }
0x4a3: {  	v7 =	vadd.s32 $0xE000, v1;
	v8 =	vld.idx.msk [tilespmem:v8+s4+$0x0], $0xffff;
	[tilespmem:s10+$0x13800] =	vst v9  }
0x4a4: {  	v9 =	vadd.s32 $0xE000, v3;
	v10 =	vld.idx.msk [tilespmem:v10+s4+$0x0], $0xffff;
	[tilespmem:s11+$0x13800] =	vst v11  }
0x4a5: {  	v11 =	vadd.s32 $0xE000, v4;
	v2 =	vld.idx.msk [tilespmem:v2+s4+$0x0], $0xffff;
	[tilespmem:s14+$0x13800] =	vst v12  }
0x4a6: {  	[tilespmem:s29+$0x13A00] =	vst v13;
	v12 =	vadd.s32 $0xE000, v5;
	v13 =	vld.idx.msk [tilespmem:v14+s4+$0x0], $0xffff  }
0x4a7: {  	[tilespmem:s1+$0x13A00] =	vst v16;
	v14 =	vld.idx.msk [tilespmem:v15+s4+$0x0], $0xffff;
	v15 =	vadd.s32 $0xE000, v6  }
0x4a8: {  	v16 =	vadd.s32 $0xE800, v0;
	v7 =	vld.idx.msk [tilespmem:v7+s4+$0x0], $0xffff;
	[tilespmem:s8+$0x13A00] =	vst v8  }
0x4a9: {  	v8 =	vadd.s32 $0xE800, v1;
	v9 =	vld.idx.msk [tilespmem:v9+s4+$0x0], $0xffff;
	[tilespmem:s10+$0x13A00] =	vst v10  }
0x4aa: {  	v10 =	vadd.s32 $0xE800, v3;
	v11 =	vld.idx.msk [tilespmem:v11+s4+$0x0], $0xffff;
	[tilespmem:s11+$0x13A00] =	vst v2  }
0x4ab: {  	v2 =	vadd.s32 $0xE800, v4;
	v12 =	vld.idx.msk [tilespmem:v12+s4+$0x0], $0xffff;
	[tilespmem:s14+$0x13A00] =	vst v13  }
0x4ac: {  	[tilespmem:s29+$0x13C00] =	vst v14;
	v13 =	vadd.s32 $0xE800, v5;
	v14 =	vld.idx.msk [tilespmem:v15+s4+$0x0], $0xffff  }
0x4ad: {  	[tilespmem:s1+$0x13C00] =	vst v7;
	v7 =	vadd.s32 $0xE800, v6;
	v15 =	vld.idx.msk [tilespmem:v16+s4+$0x0], $0xffff  }
0x4ae: {  	v8 =	vld.idx.msk [tilespmem:v8+s4+$0x0], $0xffff;
	[tilespmem:s8+$0x13C00] =	vst v9;
	v16 =	vadd.s32 $0xF000, v0  }
0x4af: {  	v9 =	vadd.s32 $0xF000, v1;
	v10 =	vld.idx.msk [tilespmem:v10+s4+$0x0], $0xffff;
	[tilespmem:s10+$0x13C00] =	vst v11  }
0x4b0: {  	v11 =	vadd.s32 $0xF000, v3;
	v2 =	vld.idx.msk [tilespmem:v2+s4+$0x0], $0xffff;
	[tilespmem:s11+$0x13C00] =	vst v12  }
0x4b1: {  	v12 =	vadd.s32 $0xF000, v4;
	v13 =	vld.idx.msk [tilespmem:v13+s4+$0x0], $0xffff;
	[tilespmem:s14+$0x13C00] =	vst v14  }
0x4b2: {  	[tilespmem:s29+$0x13E00] =	vst v15;
	v14 =	vadd.s32 $0xF000, v5;
	v7 =	vld.idx.msk [tilespmem:v7+s4+$0x0], $0xffff  }
0x4b3: {  	[tilespmem:s1+$0x13E00] =	vst v8;
	v8 =	vadd.s32 $0xF000, v6;
	v15 =	vld.idx.msk [tilespmem:v16+s4+$0x0], $0xffff  }
0x4b4: {  	v0 =	vadd.s32 $0xF800, v0;
	v9 =	vld.idx.msk [tilespmem:v9+s4+$0x0], $0xffff;
	[tilespmem:s8+$0x13E00] =	vst v10  }
0x4b5: {  	v1 =	vadd.s32 $0xF800, v1;
	v10 =	vld.idx.msk [tilespmem:v11+s4+$0x0], $0xffff;
	[tilespmem:s10+$0x13E00] =	vst v2  }
0x4b6: {  	v2 =	vadd.s32 $0xF800, v3;
	v3 =	vld.idx.msk [tilespmem:v12+s4+$0x0], $0xffff;
	[tilespmem:s11+$0x13E00] =	vst v13  }
0x4b7: {  	v4 =	vadd.s32 $0xF800, v4;
	v11 =	vld.idx.msk [tilespmem:v14+s4+$0x0], $0xffff;
	[tilespmem:s14+$0x13E00] =	vst v7  }
0x4b8: {  	v5 =	vadd.s32 $0xF800, v5;
	[tilespmem:s29+$0x14000] =	vst v15;
	v7 =	vld.idx.msk [tilespmem:v8+s4+$0x0], $0xffff  }
0x4b9: {  	v6 =	vadd.s32 $0xF800, v6;
	[tilespmem:s1+$0x14000] =	vst v9;
	v0 =	vld.idx.msk [tilespmem:v0+s4+$0x0], $0xffff  }
0x4ba: {  	v1 =	vld.idx.msk [tilespmem:v1+s4+$0x0], $0xffff;
	[tilespmem:s8+$0x14000] =	vst v10  }
0x4bb: {  	v2 =	vld.idx.msk [tilespmem:v2+s4+$0x0], $0xffff;
	[tilespmem:s10+$0x14000] =	vst v3  }
0x4bc: {  	v3 =	vld.idx.msk [tilespmem:v4+s4+$0x0], $0xffff;
	[tilespmem:s11+$0x14000] =	vst v11  }
0x4bd: {  	v4 =	vld.idx.msk [tilespmem:v5+s4+$0x0], $0xffff;
	[tilespmem:s14+$0x14000] =	vst v7  }
0x4be: {  	[tilespmem:s29+$0x14200] =	vst v0;
	v0 =	vld.idx.msk [tilespmem:v6+s4+$0x0], $0xffff  }
0x4bf: {  	[tilespmem:s1+$0x14200] =	vst v1  }
0x4c0: {  	[tilespmem:s8+$0x14200] =	vst v2  }
0x4c1: {  	[tilespmem:s10+$0x14200] =	vst v3  }
0x4c2: {  	[tilespmem:s11+$0x14200] =	vst v4  }
0x4c3: {  	[tilespmem:s14+$0x14200] =	vst v0  }
0x4c4: {  	s0 =	rddreg [dreg:$0x6]  }
0x4c5: {  	[hbm4b:s0+s20] =	stream.strided.scatter [tilespmem:s22], [sflag:$0x4], $0x4000, s21, s20, $0x38;
	[tilespmem:$0x18400] =	vst v63  }
0x4c6: {  	_ =	swait.ge [sflag:s24], $0x200  }
0x4c7: {  	[sflag:s24] =	ssyncset.done $0x0  }
0x4c8: {  	s14 =	simm.s32 $0x0;
	[sflag:s24] =	ssyncadd.s32 $0xFFFFFE00  }
0x4c9: {  	v7 =	vld [tilespmem:s14+$0x10200];
	_ =	sdelay $0x7  }
0x4ca: {  	v0 =	vld.idx.msk [tilespmem:v7+s4+$0x0], $0xffff  }
0x4cb: {  	v1 =	vadd.s32 $0x800, v7;
	_ =	sdelay $0x3  }
0x4cc: {  	[tilespmem:s14+$0x14400] =	vst v0  }
0x4cd: {  	v0 =	vld.idx.msk [tilespmem:v1+s4+$0x0], $0xffff  }
0x4ce: {  	v1 =	vadd.s32 $0x1000, v7;
	_ =	sdelay $0x3  }
0x4cf: {  	[tilespmem:s14+$0x14600] =	vst v0  }
0x4d0: {  	v0 =	vld.idx.msk [tilespmem:v1+s4+$0x0], $0xffff  }
0x4d1: {  	v1 =	vadd.s32 $0x1800, v7;
	_ =	sdelay $0x3  }
0x4d2: {  	[tilespmem:s14+$0x14800] =	vst v0  }
0x4d3: {  	v0 =	vld.idx.msk [tilespmem:v1+s4+$0x0], $0xffff  }
0x4d4: {  	s0 =	simm.s32 $0x10;
	v1 =	vadd.s32 $0x2000, v7  }
0x4d5: {  	v2 =	vld [tilespmem:s0+$0x10200];
	_ =	sdelay $0x2  }
0x4d6: {  	[tilespmem:s14+$0x14A00] =	vst v0  }
0x4d7: {  	v0 =	vld.idx.msk [tilespmem:v1+s4+$0x0], $0xffff  }
0x4d8: {  	v1 =	vadd.s32 $0x2800, v7;
	_ =	sdelay $0x2  }
0x4d9: {  	v3 =	vld.idx.msk [tilespmem:v2+s4+$0x0], $0xffff  }
0x4da: {  	[tilespmem:s14+$0x14C00] =	vst v0;
	v0 =	vadd.s32 $0x800, v2  }
0x4db: {  	v1 =	vld.idx.msk [tilespmem:v1+s4+$0x0], $0xffff  }
0x4dc: {  	v4 =	vadd.s32 $0x3000, v7;
	_ =	sdelay $0x1  }
0x4dd: {  	[tilespmem:s0+$0x14400] =	vst v3  }
0x4de: {  	v0 =	vld.idx.msk [tilespmem:v0+s4+$0x0], $0xffff  }
0x4df: {  	[tilespmem:s14+$0x14E00] =	vst v1;
	v1 =	vadd.s32 $0x1000, v2  }
0x4e0: {  	v3 =	vld.idx.msk [tilespmem:v4+s4+$0x0], $0xffff  }
0x4e1: {  	v4 =	vadd.s32 $0x3800, v7;
	_ =	sdelay $0x1  }
0x4e2: {  	[tilespmem:s0+$0x14600] =	vst v0  }
0x4e3: {  	v0 =	vld.idx.msk [tilespmem:v1+s4+$0x0], $0xffff  }
0x4e4: {  	v1 =	vadd.s32 $0x1800, v2;
	[tilespmem:s14+$0x15000] =	vst v3  }
0x4e5: {  	v3 =	vld.idx.msk [tilespmem:v4+s4+$0x0], $0xffff  }
0x4e6: {  	v4 =	vadd.s32 $0x4000, v7;
	_ =	sdelay $0x1  }
0x4e7: {  	[tilespmem:s0+$0x14800] =	vst v0  }
0x4e8: {  	s29 =	simm.s32 $0x20;
	v1 =	vld.idx.msk [tilespmem:v1+s4+$0x0], $0xffff  }
0x4e9: {  	v0 =	vld [tilespmem:s29+$0x10200];
	[tilespmem:s14+$0x15200] =	vst v3;
	v3 =	vadd.s32 $0x2000, v2  }
0x4ea: {  	v4 =	vld.idx.msk [tilespmem:v4+s4+$0x0], $0xffff  }
0x4eb: {  	v5 =	vadd.s32 $0x4800, v7;
	_ =	sdelay $0x1  }
0x4ec: {  	[tilespmem:s0+$0x14A00] =	vst v1  }
0x4ed: {  	v1 =	vld.idx.msk [tilespmem:v3+s4+$0x0], $0xffff  }
0x4ee: {  	v3 =	vadd.s32 $0x2800, v2;
	[tilespmem:s14+$0x15400] =	vst v4  }
0x4ef: {  	v4 =	vld.idx.msk [tilespmem:v5+s4+$0x0], $0xffff  }
0x4f0: {  	v5 =	vadd.s32 $0x5000, v7  }
0x4f1: {  	v6 =	vld.idx.msk [tilespmem:v0+s4+$0x0], $0xffff  }
0x4f2: {  	[tilespmem:s0+$0x14C00] =	vst v1;
	v1 =	vadd.s32 $0x800, v0  }
0x4f3: {  	v3 =	vld.idx.msk [tilespmem:v3+s4+$0x0], $0xffff  }
0x4f4: {  	[tilespmem:s14+$0x15600] =	vst v4;
	v4 =	vadd.s32 $0x3000, v2  }
0x4f5: {  	v5 =	vld.idx.msk [tilespmem:v5+s4+$0x0], $0xffff  }
0x4f6: {  	[tilespmem:s29+$0x14400] =	vst v6;
	v6 =	vadd.s32 $0x5800, v7  }
0x4f7: {  	v1 =	vld.idx.msk [tilespmem:v1+s4+$0x0], $0xffff  }
0x4f8: {  	[tilespmem:s0+$0x14E00] =	vst v3;
	v3 =	vadd.s32 $0x1000, v0  }
0x4f9: {  	v4 =	vld.idx.msk [tilespmem:v4+s4+$0x0], $0xffff  }
0x4fa: {  	[tilespmem:s14+$0x15800] =	vst v5;
	v5 =	vadd.s32 $0x3800, v2  }
0x4fb: {  	v6 =	vld.idx.msk [tilespmem:v6+s4+$0x0], $0xffff  }
0x4fc: {  	[tilespmem:s29+$0x14600] =	vst v1;
	v1 =	vadd.s32 $0x6000, v7  }
0x4fd: {  	v3 =	vld.idx.msk [tilespmem:v3+s4+$0x0], $0xffff  }
0x4fe: {  	[tilespmem:s0+$0x15000] =	vst v4;
	v4 =	vadd.s32 $0x1800, v0  }
0x4ff: {  	v5 =	vld.idx.msk [tilespmem:v5+s4+$0x0], $0xffff  }
0x500: {  	[tilespmem:s14+$0x15A00] =	vst v6;
	v6 =	vadd.s32 $0x4000, v2  }
0x501: {  	v8 =	vld.idx.msk [tilespmem:v1+s4+$0x0], $0xffff  }
0x502: {  	[tilespmem:s29+$0x14800] =	vst v3;
	v3 =	vadd.s32 $0x6800, v7  }
0x503: {  	v4 =	vld.idx.msk [tilespmem:v4+s4+$0x0], $0xffff  }
0x504: {  	[tilespmem:s0+$0x15200] =	vst v5;
	v5 =	vadd.s32 $0x2000, v0  }
0x505: {  	s1 =	simm.s32 $0x30;
	v6 =	vld.idx.msk [tilespmem:v6+s4+$0x0], $0xffff  }
0x506: {  	v1 =	vld [tilespmem:s1+$0x10200];
	[tilespmem:s14+$0x15C00] =	vst v8;
	v8 =	vadd.s32 $0x4800, v2  }
0x507: {  	v3 =	vld.idx.msk [tilespmem:v3+s4+$0x0], $0xffff  }
0x508: {  	[tilespmem:s29+$0x14A00] =	vst v4;
	v4 =	vadd.s32 $0x7000, v7  }
0x509: {  	v5 =	vld.idx.msk [tilespmem:v5+s4+$0x0], $0xffff  }
0x50a: {  	[tilespmem:s0+$0x15400] =	vst v6;
	v6 =	vadd.s32 $0x2800, v0  }
0x50b: {  	v8 =	vld.idx.msk [tilespmem:v8+s4+$0x0], $0xffff  }
0x50c: {  	[tilespmem:s14+$0x15E00] =	vst v3;
	v3 =	vadd.s32 $0x5000, v2  }
0x50d: {  	v4 =	vld.idx.msk [tilespmem:v4+s4+$0x0], $0xffff  }
0x50e: {  	v9 =	vld.idx.msk [tilespmem:v1+s4+$0x0], $0xffff;
	[tilespmem:s29+$0x14C00] =	vst v5;
	v5 =	vadd.s32 $0x7800, v7  }
0x50f: {  	v10 =	vadd.s32 $0x800, v1;
	v6 =	vld.idx.msk [tilespmem:v6+s4+$0x0], $0xffff  }
0x510: {  	[tilespmem:s0+$0x15600] =	vst v8;
	v8 =	vadd.s32 $0x3000, v0  }
0x511: {  	v3 =	vld.idx.msk [tilespmem:v3+s4+$0x0], $0xffff  }
0x512: {  	[tilespmem:s14+$0x16000] =	vst v4;
	v4 =	vadd.s32 $0x5800, v2  }
0x513: {  	[tilespmem:s1+$0x14400] =	vst v9;
	v5 =	vld.idx.msk [tilespmem:v5+s4+$0x0], $0xffff  }
0x514: {  	v9 =	vld.idx.msk [tilespmem:v10+s4+$0x0], $0xffff;
	[tilespmem:s29+$0x14E00] =	vst v6;
	v6 =	vadd.s32 $0x8000, v7  }
0x515: {  	v10 =	vadd.s32 $0x1000, v1;
	v8 =	vld.idx.msk [tilespmem:v8+s4+$0x0], $0xffff  }
0x516: {  	[tilespmem:s0+$0x15800] =	vst v3;
	v3 =	vadd.s32 $0x3800, v0  }
0x517: {  	v4 =	vld.idx.msk [tilespmem:v4+s4+$0x0], $0xffff  }
0x518: {  	[tilespmem:s14+$0x16200] =	vst v5;
	v5 =	vadd.s32 $0x6000, v2  }
0x519: {  	[tilespmem:s1+$0x14600] =	vst v9;
	v6 =	vld.idx.msk [tilespmem:v6+s4+$0x0], $0xffff  }
0x51a: {  	v9 =	vld.idx.msk [tilespmem:v10+s4+$0x0], $0xffff;
	[tilespmem:s29+$0x15000] =	vst v8;
	v8 =	vadd.s32 $0x8800, v7  }
0x51b: {  	v10 =	vadd.s32 $0x1800, v1;
	v3 =	vld.idx.msk [tilespmem:v3+s4+$0x0], $0xffff  }
0x51c: {  	[tilespmem:s0+$0x15A00] =	vst v4;
	v4 =	vadd.s32 $0x4000, v0  }
0x51d: {  	v5 =	vld.idx.msk [tilespmem:v5+s4+$0x0], $0xffff  }
0x51e: {  	[tilespmem:s14+$0x16400] =	vst v6;
	v6 =	vadd.s32 $0x6800, v2  }
0x51f: {  	[tilespmem:s1+$0x14800] =	vst v9;
	v8 =	vld.idx.msk [tilespmem:v8+s4+$0x0], $0xffff  }
0x520: {  	v9 =	vld.idx.msk [tilespmem:v10+s4+$0x0], $0xffff;
	v10 =	vadd.s32 $0x9000, v7;
	[tilespmem:s29+$0x15200] =	vst v3  }
0x521: {  	s8 =	simm.s32 $0x40;
	v11 =	vadd.s32 $0x2000, v1;
	v4 =	vld.idx.msk [tilespmem:v4+s4+$0x0], $0xffff  }
0x522: {  	v3 =	vld [tilespmem:s8+$0x10200];
	[tilespmem:s0+$0x15C00] =	vst v5;
	v5 =	vadd.s32 $0x4800, v0  }
0x523: {  	v6 =	vld.idx.msk [tilespmem:v6+s4+$0x0], $0xffff  }
0x524: {  	[tilespmem:s14+$0x16600] =	vst v8;
	v8 =	vadd.s32 $0x7000, v2  }
0x525: {  	[tilespmem:s1+$0x14A00] =	vst v9;
	v9 =	vld.idx.msk [tilespmem:v10+s4+$0x0], $0xffff  }
0x526: {  	v10 =	vld.idx.msk [tilespmem:v11+s4+$0x0], $0xffff;
	[tilespmem:s29+$0x15400] =	vst v4;
	v4 =	vadd.s32 $0x9800, v7  }
0x527: {  	v11 =	vadd.s32 $0x2800, v1;
	v5 =	vld.idx.msk [tilespmem:v5+s4+$0x0], $0xffff  }
0x528: {  	[tilespmem:s0+$0x15E00] =	vst v6  }
0x529: {  	v6 =	vadd.s32 $0x5000, v0;
	v8 =	vld.idx.msk [tilespmem:v8+s4+$0x0], $0xffff  }
0x52a: {  	v12 =	vld.idx.msk [tilespmem:v3+s4+$0x0], $0xffff;
	[tilespmem:s14+$0x16800] =	vst v9;
	v9 =	vadd.s32 $0x7800, v2  }
0x52b: {  	[tilespmem:s1+$0x14C00] =	vst v10;
	v10 =	vadd.s32 $0x800, v3;
	v4 =	vld.idx.msk [tilespmem:v4+s4+$0x0], $0xffff  }
0x52c: {  	v11 =	vld.idx.msk [tilespmem:v11+s4+$0x0], $0xffff;
	[tilespmem:s29+$0x15600] =	vst v5;
	v5 =	vadd.s32 $0xA000, v7  }
0x52d: {  	v13 =	vadd.s32 $0x3000, v1  }
0x52e: {  	v6 =	vld.idx.msk [tilespmem:v6+s4+$0x0], $0xffff;
	[tilespmem:s0+$0x16000] =	vst v8  }
0x52f: {  	[tilespmem:s8+$0x14400] =	vst v12;
	v8 =	vadd.s32 $0x5800, v0;
	v9 =	vld.idx.msk [tilespmem:v9+s4+$0x0], $0xffff  }
0x530: {  	v10 =	vld.idx.msk [tilespmem:v10+s4+$0x0], $0xffff;
	[tilespmem:s14+$0x16A00] =	vst v4;
	v4 =	vadd.s32 $0x8000, v2  }
0x531: {  	[tilespmem:s1+$0x14E00] =	vst v11;
	v11 =	vadd.s32 $0x1000, v3;
	v5 =	vld.idx.msk [tilespmem:v5+s4+$0x0], $0xffff  }
0x532: {  	v12 =	vld.idx.msk [tilespmem:v13+s4+$0x0], $0xffff  }
0x533: {  	[tilespmem:s29+$0x15800] =	vst v6;
	v6 =	vadd.s32 $0xA800, v7  }
0x534: {  	v13 =	vadd.s32 $0x3800, v1;
	v8 =	vld.idx.msk [tilespmem:v8+s4+$0x0], $0xffff;
	[tilespmem:s0+$0x16200] =	vst v9  }
0x535: {  	v9 =	vadd.s32 $0x6000, v0;
	[tilespmem:s8+$0x14600] =	vst v10;
	v10 =	vld.idx.msk [tilespmem:v4+s4+$0x0], $0xffff  }
0x536: {  	s10 =	simm.s32 $0x50;
	v11 =	vld.idx.msk [tilespmem:v11+s4+$0x0], $0xffff;
	[tilespmem:s14+$0x16C00] =	vst v5;
	v5 =	vadd.s32 $0x8800, v2  }
0x537: {  	v4 =	vld [tilespmem:s10+$0x10200];
	[tilespmem:s1+$0x15000] =	vst v12;
	v12 =	vadd.s32 $0x1800, v3  }
0x538: {  	v6 =	vld.idx.msk [tilespmem:v6+s4+$0x0], $0xffff  }
0x539: {  	v13 =	vld.idx.msk [tilespmem:v13+s4+$0x0], $0xffff;
	[tilespmem:s29+$0x15A00] =	vst v8;
	v8 =	vadd.s32 $0xB000, v7  }
0x53a: {  	v14 =	vadd.s32 $0x4000, v1;
	v9 =	vld.idx.msk [tilespmem:v9+s4+$0x0], $0xffff;
	[tilespmem:s0+$0x16400] =	vst v10  }
0x53b: {  	v10 =	vadd.s32 $0x6800, v0;
	[tilespmem:s8+$0x14800] =	vst v11;
	v11 =	vld.idx.msk [tilespmem:v5+s4+$0x0], $0xffff  }
0x53c: {  	s11 =	simm.s32 $0x60;
	v12 =	vld.idx.msk [tilespmem:v12+s4+$0x0], $0xffff  }
0x53d: {  	v5 =	vld [tilespmem:s11+$0x10200];
	[tilespmem:s14+$0x16E00] =	vst v6;
	v6 =	vadd.s32 $0x9000, v2  }
0x53e: {  	[tilespmem:s1+$0x15200] =	vst v13;
	v13 =	vadd.s32 $0x2000, v3;
	v8 =	vld.idx.msk [tilespmem:v8+s4+$0x0], $0xffff  }
0x53f: {  	v14 =	vld.idx.msk [tilespmem:v14+s4+$0x0], $0xffff;
	[tilespmem:s29+$0x15C00] =	vst v9;
	v9 =	vadd.s32 $0xB800, v7  }
0x540: {  	v15 =	vadd.s32 $0x4800, v1;
	v10 =	vld.idx.msk [tilespmem:v10+s4+$0x0], $0xffff  }
0x541: {  	v16 =	vld.idx.msk [tilespmem:v4+s4+$0x0], $0xffff;
	[tilespmem:s0+$0x16600] =	vst v11  }
0x542: {  	v11 =	vadd.s32 $0x7000, v0;
	[tilespmem:s8+$0x14A00] =	vst v12;
	v6 =	vld.idx.msk [tilespmem:v6+s4+$0x0], $0xffff  }
0x543: {  	v12 =	vld.idx.msk [tilespmem:v13+s4+$0x0], $0xffff;
	[tilespmem:s14+$0x17000] =	vst v8;
	v8 =	vadd.s32 $0x9800, v2  }
0x544: {  	v13 =	vadd.s32 $0x2800, v3;
	[tilespmem:s1+$0x15400] =	vst v14;
	v9 =	vld.idx.msk [tilespmem:v9+s4+$0x0], $0xffff  }
0x545: {  	v14 =	vld.idx.msk [tilespmem:v15+s4+$0x0], $0xffff;
	[tilespmem:s29+$0x15E00] =	vst v10;
	v10 =	vadd.s32 $0xC000, v7  }
0x546: {  	[tilespmem:s10+$0x14400] =	vst v16;
	v15 =	vadd.s32 $0x5000, v1;
	v18 =	vld.idx.msk [tilespmem:v5+s4+$0x0], $0xffff  }
0x547: {  	v19 =	vadd.s32 $0x800, v5;
	v11 =	vld.idx.msk [tilespmem:v11+s4+$0x0], $0xffff;
	[tilespmem:s0+$0x16800] =	vst v6  }
0x548: {  	v6 =	vadd.s32 $0x7800, v0;
	[tilespmem:s8+$0x14C00] =	vst v12;
	v8 =	vld.idx.msk [tilespmem:v8+s4+$0x0], $0xffff  }
0x549: {  	v12 =	vadd.s32 $0x800, v4;
	v13 =	vld.idx.msk [tilespmem:v13+s4+$0x0], $0xffff;
	[tilespmem:s14+$0x17200] =	vst v9  }
0x54a: {  	v9 =	vadd.s32 $0xA000, v2;
	[tilespmem:s1+$0x15600] =	vst v14;
	v10 =	vld.idx.msk [tilespmem:v10+s4+$0x0], $0xffff  }
0x54b: {  	v14 =	vadd.s32 $0x3000, v3;
	[tilespmem:s11+$0x14400] =	vst v18;
	v15 =	vld.idx.msk [tilespmem:v15+s4+$0x0], $0xffff  }
0x54c: {  	v18 =	vld.idx.msk [tilespmem:v19+s4+$0x0], $0xffff;
	[tilespmem:s29+$0x16000] =	vst v11;
	v11 =	vadd.s32 $0xC800, v7  }
0x54d: {  	v16 =	vadd.s32 $0x5800, v1;
	v6 =	vld.idx.msk [tilespmem:v6+s4+$0x0], $0xffff;
	[tilespmem:s0+$0x16A00] =	vst v8  }
0x54e: {  	v12 =	vld.idx.msk [tilespmem:v12+s4+$0x0], $0xffff;
	v8 =	vadd.s32 $0x8000, v0;
	[tilespmem:s8+$0x14E00] =	vst v13  }
0x54f: {  	v13 =	vadd.s32 $0x1000, v4;
	v9 =	vld.idx.msk [tilespmem:v9+s4+$0x0], $0xffff;
	[tilespmem:s14+$0x17400] =	vst v10  }
0x550: {  	v14 =	vld.idx.msk [tilespmem:v14+s4+$0x0], $0xffff;
	v10 =	vadd.s32 $0xA800, v2;
	[tilespmem:s1+$0x15800] =	vst v15  }
0x551: {  	v15 =	vadd.s32 $0x3800, v3;
	[tilespmem:s11+$0x14600] =	vst v18;
	v11 =	vld.idx.msk [tilespmem:v11+s4+$0x0], $0xffff  }
0x552: {  	v16 =	vld.idx.msk [tilespmem:v16+s4+$0x0], $0xffff;
	[tilespmem:s29+$0x16200] =	vst v6;
	v6 =	vadd.s32 $0xD000, v7  }
0x553: {  	[tilespmem:s10+$0x14600] =	vst v12;
	v12 =	vadd.s32 $0x6000, v1;
	v8 =	vld.idx.msk [tilespmem:v8+s4+$0x0], $0xffff  }
0x554: {  	v19 =	vadd.s32 $0x1000, v5;
	v13 =	vld.idx.msk [tilespmem:v13+s4+$0x0], $0xffff;
	[tilespmem:s0+$0x16C00] =	vst v9  }
0x555: {  	v9 =	vadd.s32 $0x8800, v0;
	[tilespmem:s8+$0x15000] =	vst v14;
	v10 =	vld.idx.msk [tilespmem:v10+s4+$0x0], $0xffff  }
0x556: {  	v14 =	vadd.s32 $0x1800, v4;
	v15 =	vld.idx.msk [tilespmem:v15+s4+$0x0], $0xffff;
	[tilespmem:s14+$0x17600] =	vst v11  }
0x557: {  	v11 =	vadd.s32 $0xB000, v2;
	[tilespmem:s1+$0x15A00] =	vst v16;
	v6 =	vld.idx.msk [tilespmem:v6+s4+$0x0], $0xffff  }
0x558: {  	v16 =	vadd.s32 $0x4000, v3;
	v12 =	vld.idx.msk [tilespmem:v12+s4+$0x0], $0xffff;
	[tilespmem:s29+$0x16400] =	vst v8  }
0x559: {  	v18 =	vld.idx.msk [tilespmem:v19+s4+$0x0], $0xffff;
	v8 =	vadd.s32 $0xD800, v7;
	[tilespmem:s10+$0x14800] =	vst v13  }
0x55a: {  	v13 =	vadd.s32 $0x6800, v1;
	v9 =	vld.idx.msk [tilespmem:v9+s4+$0x0], $0xffff;
	[tilespmem:s0+$0x16E00] =	vst v10  }
0x55b: {  	v14 =	vld.idx.msk [tilespmem:v14+s4+$0x0], $0xffff;
	[tilespmem:s8+$0x15200] =	vst v15;
	v10 =	vadd.s32 $0x9000, v0  }
0x55c: {  	v15 =	vadd.s32 $0x2000, v4;
	v11 =	vld.idx.msk [tilespmem:v11+s4+$0x0], $0xffff;
	[tilespmem:s14+$0x17800] =	vst v6  }
0x55d: {  	v16 =	vld.idx.msk [tilespmem:v16+s4+$0x0], $0xffff;
	[tilespmem:s1+$0x15C00] =	vst v12;
	v12 =	vadd.s32 $0xB800, v2  }
0x55e: {  	v17 =	vadd.s32 $0x4800, v3;
	v8 =	vld.idx.msk [tilespmem:v8+s4+$0x0], $0xffff  }
0x55f: {  	v13 =	vld.idx.msk [tilespmem:v13+s4+$0x0], $0xffff;
	[tilespmem:s29+$0x16600] =	vst v9;
	v9 =	vadd.s32 $0xE000, v7  }
0x560: {  	[tilespmem:s10+$0x14A00] =	vst v14;
	v14 =	vadd.s32 $0x7000, v1;
	v10 =	vld.idx.msk [tilespmem:v10+s4+$0x0], $0xffff  }
0x561: {  	v15 =	vld.idx.msk [tilespmem:v15+s4+$0x0], $0xffff;
	[tilespmem:s0+$0x17000] =	vst v11;
	v11 =	vadd.s32 $0x9800, v0  }
0x562: {  	[tilespmem:s8+$0x15400] =	vst v16;
	v16 =	vadd.s32 $0x2800, v4;
	v12 =	vld.idx.msk [tilespmem:v12+s4+$0x0], $0xffff  }
0x563: {  	v17 =	vld.idx.msk [tilespmem:v17+s4+$0x0], $0xffff;
	[tilespmem:s14+$0x17A00] =	vst v8;
	v8 =	vadd.s32 $0xC000, v2  }
0x564: {  	[tilespmem:s1+$0x15E00] =	vst v13;
	v13 =	vadd.s32 $0x5000, v3;
	v9 =	vld.idx.msk [tilespmem:v9+s4+$0x0], $0xffff  }
0x565: {  	v14 =	vld.idx.msk [tilespmem:v14+s4+$0x0], $0xffff;
	[tilespmem:s29+$0x16800] =	vst v10  }
0x566: {  	v10 =	vadd.s32 $0xE800, v7;
	[tilespmem:s10+$0x14C00] =	vst v15;
	v11 =	vld.idx.msk [tilespmem:v11+s4+$0x0], $0xffff  }
0x567: {  	v15 =	vadd.s32 $0x7800, v1;
	v16 =	vld.idx.msk [tilespmem:v16+s4+$0x0], $0xffff;
	[tilespmem:s0+$0x17200] =	vst v12  }
0x568: {  	[tilespmem:s8+$0x15600] =	vst v17;
	v17 =	vadd.s32 $0x3000, v4;
	v8 =	vld.idx.msk [tilespmem:v8+s4+$0x0], $0xffff  }
0x569: {  	s15 =	simm.s32 $0x70;
	v12 =	vadd.s32 $0xA000, v0;
	v13 =	vld.idx.msk [tilespmem:v13+s4+$0x0], $0xffff;
	[tilespmem:s14+$0x17C00] =	vst v9  }
0x56a: {  	v6 =	vld [tilespmem:s15+$0x10200];
	[tilespmem:s1+$0x16000] =	vst v14;
	v9 =	vadd.s32 $0xC800, v2  }
0x56b: {  	v14 =	vadd.s32 $0x5800, v3;
	v10 =	vld.idx.msk [tilespmem:v10+s4+$0x0], $0xffff;
	[tilespmem:s29+$0x16A00] =	vst v11  }
0x56c: {  	v15 =	vld.idx.msk [tilespmem:v15+s4+$0x0], $0xffff;
	v11 =	vadd.s32 $0xF000, v7;
	[tilespmem:s10+$0x14E00] =	vst v16  }
0x56d: {  	v16 =	vadd.s32 $0x8000, v1;
	v17 =	vld.idx.msk [tilespmem:v17+s4+$0x0], $0xffff;
	[tilespmem:s0+$0x17400] =	vst v8  }
0x56e: {  	v12 =	vld.idx.msk [tilespmem:v12+s4+$0x0], $0xffff;
	[tilespmem:s8+$0x15800] =	vst v13;
	v13 =	vadd.s32 $0x3800, v4  }
0x56f: {  	[tilespmem:s11+$0x14800] =	vst v18;
	v8 =	vadd.s32 $0xA800, v0;
	v9 =	vld.idx.msk [tilespmem:v9+s4+$0x0], $0xffff  }
0x570: {  	v14 =	vld.idx.msk [tilespmem:v14+s4+$0x0], $0xffff;
	[tilespmem:s14+$0x17E00] =	vst v10;
	v10 =	vadd.s32 $0xD000, v2  }
0x571: {  	[tilespmem:s1+$0x16200] =	vst v15;
	v15 =	vadd.s32 $0x6000, v3;
	v11 =	vld.idx.msk [tilespmem:v11+s4+$0x0], $0xffff  }
0x572: {  	v19 =	vadd.s32 $0x1800, v5;
	v16 =	vld.idx.msk [tilespmem:v16+s4+$0x0], $0xffff;
	[tilespmem:s10+$0x15000] =	vst v17  }
0x573: {  	v7 =	vadd.s32 $0xF800, v7;
	[tilespmem:s29+$0x16C00] =	vst v12;
	v13 =	vld.idx.msk [tilespmem:v13+s4+$0x0], $0xffff  }
0x574: {  	v17 =	vadd.s32 $0x8800, v1;
	v8 =	vld.idx.msk [tilespmem:v8+s4+$0x0], $0xffff;
	[tilespmem:s0+$0x17600] =	vst v9  }
0x575: {  	[tilespmem:s8+$0x15A00] =	vst v14;
	v9 =	vadd.s32 $0xB000, v0;
	v20 =	vld.idx.msk [tilespmem:v10+s4+$0x0], $0xffff  }
0x576: {  	v14 =	vadd.s32 $0x4000, v4;
	v21 =	vld.idx.msk [tilespmem:v15+s4+$0x0], $0xffff;
	[tilespmem:s14+$0x18000] =	vst v11  }
0x577: {  	v22 =	vadd.s32 $0xD800, v2;
	v15 =	vld.idx.msk [tilespmem:v19+s4+$0x0], $0xffff;
	[tilespmem:s1+$0x16400] =	vst v16  }
0x578: {  	v12 =	vld.idx.msk [tilespmem:v7+s4+$0x0], $0xffff;
	[tilespmem:s10+$0x15200] =	vst v13;
	v13 =	vadd.s32 $0x6800, v3  }
0x579: {  	v10 =	vld.idx.msk [tilespmem:v17+s4+$0x0], $0xffff;
	[tilespmem:s29+$0x16E00] =	vst v8  }
0x57a: {  	v11 =	vadd.s32 $0x9000, v1;
	v9 =	vld.idx.msk [tilespmem:v9+s4+$0x0], $0xffff  }
0x57b: {  	v16 =	vadd.s32 $0x2000, v5;
	v14 =	vld.idx.msk [tilespmem:v14+s4+$0x0], $0xffff;
	[tilespmem:s0+$0x17800] =	vst v20  }
0x57c: {  	s16 =	simm.s32 $0x200;
	v7 =	vadd.s32 $0xB800, v0;
	[tilespmem:s8+$0x15C00] =	vst v21;
	v8 =	vld.idx.msk [tilespmem:v22+s4+$0x0], $0xffff  }
.LBB2_10:
0x57d: {  	s6 =	sshra.s32 s16, $0x2;
	p0 =	sne.s32 s16, $0x7C0;
	v17 =	vadd.s32 $0x4800, v4;
	v13 =	vld.idx.msk [tilespmem:v13+s4+$0x0], $0xffff;
	[tilespmem:s14+$0x18200] =	vst v12;
	s14 =	smov.u32 s0  }
0x57e: {  	s0 =	smov.u32 s29;
	s29 =	smov.u32 s1;
	v12 =	vld [tilespmem:s6+$0x10200];
	[tilespmem:s1+$0x16600] =	vst v10;
	v10 =	vadd.s32 $0xE000, v2;
	s1 =	smov.u32 s8  }
0x57f: {  	s8 =	smov.u32 s10;
	s10 =	smov.u32 s11;
	[tilespmem:s11+$0x14A00] =	vst v15;
	v15 =	vadd.s32 $0x7000, v3;
	v11 =	vld.idx.msk [tilespmem:v11+s4+$0x0], $0xffff;
	s11 =	smov.u32 s15  }
0x580: {  	s15 =	smov.u32 s6;
	v16 =	vld.idx.msk [tilespmem:v16+s4+$0x0], $0xffff;
	[tilespmem:s0+$0x17000] =	vst v9  }
0x581: {  	v9 =	vadd.s32 $0x9800, v1;
	[tilespmem:s8+$0x15400] =	vst v14;
	v7 =	vld.idx.msk [tilespmem:v7+s4+$0x0], $0xffff  }
0x582: {  	v14 =	vadd.s32 $0x2800, v5;
	v17 =	vld.idx.msk [tilespmem:v17+s4+$0x0], $0xffff;
	[tilespmem:s14+$0x17A00] =	vst v8  }
0x583: {  	v8 =	vadd.s32 $0xC000, v0;
	[tilespmem:s1+$0x15E00] =	vst v13;
	v10 =	vld.idx.msk [tilespmem:v10+s4+$0x0], $0xffff  }
0x584: {  	v13 =	vadd.s32 $0x5000, v4;
	v15 =	vld.idx.msk [tilespmem:v15+s4+$0x0], $0xffff  }
0x585: {  	v18 =	vld.idx.msk [tilespmem:v6+s4+$0x0], $0xffff;
	[tilespmem:s29+$0x16800] =	vst v11;
	v11 =	vadd.s32 $0xE800, v2  }
0x586: {  	[tilespmem:s10+$0x14C00] =	vst v16;
	v16 =	vadd.s32 $0x7800, v3;
	v9 =	vld.idx.msk [tilespmem:v9+s4+$0x0], $0xffff  }
0x587: {  	v19 =	vadd.s32 $0x800, v6;
	v14 =	vld.idx.msk [tilespmem:v14+s4+$0x0], $0xffff;
	[tilespmem:s0+$0x17200] =	vst v7  }
0x588: {  	v7 =	vadd.s32 $0xA000, v1;
	[tilespmem:s8+$0x15600] =	vst v17;
	v8 =	vld.idx.msk [tilespmem:v8+s4+$0x0], $0xffff  }
0x589: {  	v17 =	vadd.s32 $0x3000, v5;
	v13 =	vld.idx.msk [tilespmem:v13+s4+$0x0], $0xffff;
	[tilespmem:s14+$0x17C00] =	vst v10  }
0x58a: {  	v10 =	vadd.s32 $0xC800, v0;
	[tilespmem:s1+$0x16000] =	vst v15;
	v11 =	vld.idx.msk [tilespmem:v11+s4+$0x0], $0xffff  }
0x58b: {  	v15 =	vadd.s32 $0x5800, v4;
	[tilespmem:s11+$0x14400] =	vst v18;
	v16 =	vld.idx.msk [tilespmem:v16+s4+$0x0], $0xffff  }
0x58c: {  	v18 =	vld.idx.msk [tilespmem:v19+s4+$0x0], $0xffff;
	[tilespmem:s29+$0x16A00] =	vst v9;
	v9 =	vadd.s32 $0xF000, v2  }
0x58d: {  	[tilespmem:s10+$0x14E00] =	vst v14;
	v14 =	vadd.s32 $0x8000, v3;
	v7 =	vld.idx.msk [tilespmem:v7+s4+$0x0], $0xffff  }
0x58e: {  	v19 =	vadd.s32 $0x1000, v6;
	v17 =	vld.idx.msk [tilespmem:v17+s4+$0x0], $0xffff;
	[tilespmem:s0+$0x17400] =	vst v8  }
0x58f: {  	v8 =	vadd.s32 $0xA800, v1;
	[tilespmem:s8+$0x15800] =	vst v13;
	v10 =	vld.idx.msk [tilespmem:v10+s4+$0x0], $0xffff  }
0x590: {  	v13 =	vadd.s32 $0x3800, v5;
	v15 =	vld.idx.msk [tilespmem:v15+s4+$0x0], $0xffff;
	[tilespmem:s14+$0x17E00] =	vst v11  }
0x591: {  	v11 =	vadd.s32 $0xD000, v0;
	[tilespmem:s1+$0x16200] =	vst v16;
	v9 =	vld.idx.msk [tilespmem:v9+s4+$0x0], $0xffff  }
0x592: {  	v16 =	vadd.s32 $0x6000, v4;
	[tilespmem:s11+$0x14600] =	vst v18;
	v14 =	vld.idx.msk [tilespmem:v14+s4+$0x0], $0xffff  }
0x593: {  	v18 =	vld.idx.msk [tilespmem:v19+s4+$0x0], $0xffff;
	[tilespmem:s29+$0x16C00] =	vst v7;
	v7 =	vadd.s32 $0xF800, v2;
	v2 =	vmovc v0;
	v0 =	vmovc v1;
	v1 =	vmov v3;
	v3 =	vmov v4  }
0x594: {  	v4 =	vmovc v5;
	v5 =	vmov v6;
	v6 =	vmov v12;
	[tilespmem:s10+$0x15000] =	vst v17;
	v17 =	vadd.s32 $0x8800, v1;
	v8 =	vld.idx.msk [tilespmem:v8+s4+$0x0], $0xffff  }
0x595: {  	v19 =	vadd.s32 $0x1800, v5;
	v20 =	vld.idx.msk [tilespmem:v13+s4+$0x0], $0xffff;
	[tilespmem:s0+$0x17600] =	vst v10  }
0x596: {  	v21 =	vadd.s32 $0xB000, v0;
	[tilespmem:s8+$0x15A00] =	vst v15;
	v22 =	vld.idx.msk [tilespmem:v11+s4+$0x0], $0xffff  }
0x597: {  	v23 =	vadd.s32 $0x4000, v4;
	v24 =	vld.idx.msk [tilespmem:v16+s4+$0x0], $0xffff;
	[tilespmem:s14+$0x18000] =	vst v9  }
0x598: {  	v25 =	vadd.s32 $0xD800, v2;
	[tilespmem:s1+$0x16400] =	vst v14;
	v12 =	vld.idx.msk [tilespmem:v7+s4+$0x0], $0xffff  }
.Ltmp4:
0x599: {  	v13 =	vadd.s32 $0x6800, v3;
	[tilespmem:s11+$0x14800] =	vst v18;
	v10 =	vld.idx.msk [tilespmem:v17+s4+$0x0], $0xffff;
	(pc) =	sbr.rel @p0 .LBB2_10-.Ltmp4, $4  }
0x59a: {  	v15 =	vld.idx.msk [tilespmem:v19+s4+$0x0], $0xffff;
	[tilespmem:s29+$0x16E00] =	vst v8  }
0x59b: {  	v11 =	vadd.s32 $0x9000, v1;
	[tilespmem:s10+$0x15200] =	vst v20;
	v9 =	vld.idx.msk [tilespmem:v21+s4+$0x0], $0xffff  }
0x59c: {  	v16 =	vadd.s32 $0x2000, v5;
	v14 =	vld.idx.msk [tilespmem:v23+s4+$0x0], $0xffff;
	[tilespmem:s0+$0x17800] =	vst v22  }
0x59d: {  	s16 =	sadd.s32 $0x40, s16;
	v7 =	vadd.s32 $0xB800, v0;
	[tilespmem:s8+$0x15C00] =	vst v24;
	v8 =	vld.idx.msk [tilespmem:v25+s4+$0x0], $0xffff  }
0x59e: {  	_ =	sdelay $0x3  }
0x59f: {  	v17 =	vld.idx.msk [tilespmem:v6+s4+$0x0], $0xffff  }
0x5a0: {  	v18 =	vadd.s32 $0x800, v6;
	_ =	sdelay $0x3  }
0x5a1: {  	[tilespmem:s15+$0x14400] =	vst v17  }
0x5a2: {  	v17 =	vld.idx.msk [tilespmem:v18+s4+$0x0], $0xffff  }
0x5a3: {  	v56 =	vadd.s32 $0x1000, v6;
	_ =	sdelay $0x3  }
0x5a4: {  	[tilespmem:s15+$0x14600] =	vst v17  }
0x5a5: {  	v17 =	vld.idx.msk [tilespmem:v56+s4+$0x0], $0xffff  }
0x5a6: {  	v57 =	vadd.s32 $0x1800, v6;
	_ =	sdelay $0x3  }
0x5a7: {  	[tilespmem:s15+$0x14800] =	vst v17  }
0x5a8: {  	v17 =	vld.idx.msk [tilespmem:v57+s4+$0x0], $0xffff  }
0x5a9: {  	v58 =	vadd.s32 $0x2000, v6;
	_ =	sdelay $0x2  }
0x5aa: {  	[tilespmem:s11+$0x14A00] =	vst v15  }
0x5ab: {  	v15 =	vld.idx.msk [tilespmem:v16+s4+$0x0], $0xffff;
	[tilespmem:s15+$0x14A00] =	vst v17  }
0x5ac: {  	v59 =	vadd.s32 $0x2800, v5;
	v17 =	vld.idx.msk [tilespmem:v58+s4+$0x0], $0xffff  }
0x5ad: {  	v60 =	vadd.s32 $0x2800, v6;
	_ =	sdelay $0x2  }
0x5ae: {  	[tilespmem:s11+$0x14C00] =	vst v15  }
0x5af: {  	v15 =	vld.idx.msk [tilespmem:v59+s4+$0x0], $0xffff;
	[tilespmem:s15+$0x14C00] =	vst v17  }
0x5b0: {  	v61 =	vadd.s32 $0x3000, v5;
	v17 =	vld.idx.msk [tilespmem:v60+s4+$0x0], $0xffff  }
0x5b1: {  	v62 =	vadd.s32 $0x3000, v6;
	_ =	sdelay $0x2  }
0x5b2: {  	[tilespmem:s11+$0x14E00] =	vst v15  }
0x5b3: {  	v15 =	vld.idx.msk [tilespmem:v61+s4+$0x0], $0xffff;
	[tilespmem:s15+$0x14E00] =	vst v17  }
0x5b4: {  	v63 =	vadd.s32 $0x3800, v5;
	v17 =	vld.idx.msk [tilespmem:v62+s4+$0x0], $0xffff  }
0x5b5: {  	v21 =	vadd.s32 $0x3800, v6;
	_ =	sdelay $0x2  }
0x5b6: {  	[tilespmem:s11+$0x15000] =	vst v15  }
0x5b7: {  	v15 =	vld.idx.msk [tilespmem:v63+s4+$0x0], $0xffff;
	[tilespmem:s15+$0x15000] =	vst v17  }
0x5b8: {  	v22 =	vadd.s32 $0x4000, v5;
	v17 =	vld.idx.msk [tilespmem:v21+s4+$0x0], $0xffff  }
0x5b9: {  	v23 =	vadd.s32 $0x4000, v6;
	_ =	sdelay $0x2  }
0x5ba: {  	v24 =	vadd.s32 $0x4800, v4;
	[tilespmem:s11+$0x15200] =	vst v15  }
0x5bb: {  	v16 =	vld.idx.msk [tilespmem:v22+s4+$0x0], $0xffff;
	[tilespmem:s15+$0x15200] =	vst v17  }
0x5bc: {  	v25 =	vadd.s32 $0x4800, v5;
	v18 =	vld.idx.msk [tilespmem:v23+s4+$0x0], $0xffff  }
0x5bd: {  	v19 =	vadd.s32 $0x4800, v6  }
0x5be: {  	[tilespmem:s10+$0x15400] =	vst v14  }
0x5bf: {  	v14 =	vld.idx.msk [tilespmem:v24+s4+$0x0], $0xffff  }
0x5c0: {  	v26 =	vadd.s32 $0x5000, v4;
	[tilespmem:s11+$0x15400] =	vst v16  }
0x5c1: {  	v16 =	vld.idx.msk [tilespmem:v25+s4+$0x0], $0xffff;
	[tilespmem:s15+$0x15400] =	vst v18  }
0x5c2: {  	v27 =	vadd.s32 $0x5000, v5;
	v18 =	vld.idx.msk [tilespmem:v19+s4+$0x0], $0xffff  }
0x5c3: {  	v28 =	vadd.s32 $0x5000, v6  }
0x5c4: {  	[tilespmem:s10+$0x15600] =	vst v14  }
0x5c5: {  	v14 =	vld.idx.msk [tilespmem:v26+s4+$0x0], $0xffff  }
0x5c6: {  	v29 =	vadd.s32 $0x5800, v4;
	[tilespmem:s11+$0x15600] =	vst v16  }
0x5c7: {  	v16 =	vld.idx.msk [tilespmem:v27+s4+$0x0], $0xffff;
	[tilespmem:s15+$0x15600] =	vst v18  }
0x5c8: {  	v30 =	vadd.s32 $0x5800, v5;
	v18 =	vld.idx.msk [tilespmem:v28+s4+$0x0], $0xffff  }
0x5c9: {  	v31 =	vadd.s32 $0x5800, v6  }
0x5ca: {  	[tilespmem:s10+$0x15800] =	vst v14  }
0x5cb: {  	v14 =	vld.idx.msk [tilespmem:v29+s4+$0x0], $0xffff  }
0x5cc: {  	v32 =	vadd.s32 $0x6000, v4;
	[tilespmem:s11+$0x15800] =	vst v16  }
0x5cd: {  	v16 =	vld.idx.msk [tilespmem:v30+s4+$0x0], $0xffff;
	[tilespmem:s15+$0x15800] =	vst v18  }
0x5ce: {  	v33 =	vadd.s32 $0x6000, v5;
	v18 =	vld.idx.msk [tilespmem:v31+s4+$0x0], $0xffff  }
0x5cf: {  	v34 =	vadd.s32 $0x6000, v6  }
0x5d0: {  	[tilespmem:s10+$0x15A00] =	vst v14  }
0x5d1: {  	v14 =	vld.idx.msk [tilespmem:v32+s4+$0x0], $0xffff  }
0x5d2: {  	v35 =	vadd.s32 $0x6800, v4;
	[tilespmem:s11+$0x15A00] =	vst v16  }
0x5d3: {  	v16 =	vld.idx.msk [tilespmem:v33+s4+$0x0], $0xffff;
	[tilespmem:s15+$0x15A00] =	vst v18  }
0x5d4: {  	v36 =	vadd.s32 $0x6800, v5;
	v18 =	vld.idx.msk [tilespmem:v34+s4+$0x0], $0xffff  }
0x5d5: {  	v37 =	vadd.s32 $0x6800, v6  }
0x5d6: {  	v13 =	vld.idx.msk [tilespmem:v13+s4+$0x0], $0xffff;
	[tilespmem:s10+$0x15C00] =	vst v14  }
0x5d7: {  	v38 =	vadd.s32 $0x7000, v3;
	v15 =	vld.idx.msk [tilespmem:v35+s4+$0x0], $0xffff  }
0x5d8: {  	v39 =	vadd.s32 $0x7000, v4;
	[tilespmem:s11+$0x15C00] =	vst v16  }
0x5d9: {  	v17 =	vld.idx.msk [tilespmem:v36+s4+$0x0], $0xffff;
	[tilespmem:s15+$0x15C00] =	vst v18  }
0x5da: {  	v40 =	vadd.s32 $0x7000, v5;
	v19 =	vld.idx.msk [tilespmem:v37+s4+$0x0], $0xffff  }
0x5db: {  	v20 =	vadd.s32 $0x7000, v6;
	[tilespmem:s8+$0x15E00] =	vst v13  }
0x5dc: {  	v13 =	vld.idx.msk [tilespmem:v38+s4+$0x0], $0xffff;
	[tilespmem:s10+$0x15E00] =	vst v15  }
0x5dd: {  	v41 =	vadd.s32 $0x7800, v3;
	v15 =	vld.idx.msk [tilespmem:v39+s4+$0x0], $0xffff  }
0x5de: {  	v42 =	vadd.s32 $0x7800, v4;
	[tilespmem:s11+$0x15E00] =	vst v17  }
0x5df: {  	v17 =	vld.idx.msk [tilespmem:v40+s4+$0x0], $0xffff;
	[tilespmem:s15+$0x15E00] =	vst v19  }
0x5e0: {  	v43 =	vadd.s32 $0x7800, v5;
	v19 =	vld.idx.msk [tilespmem:v20+s4+$0x0], $0xffff  }
0x5e1: {  	v44 =	vadd.s32 $0x7800, v6;
	[tilespmem:s8+$0x16000] =	vst v13  }
0x5e2: {  	v13 =	vld.idx.msk [tilespmem:v41+s4+$0x0], $0xffff;
	[tilespmem:s10+$0x16000] =	vst v15  }
0x5e3: {  	v45 =	vadd.s32 $0x8000, v3;
	v15 =	vld.idx.msk [tilespmem:v42+s4+$0x0], $0xffff  }
0x5e4: {  	v46 =	vadd.s32 $0x8000, v4;
	[tilespmem:s11+$0x16000] =	vst v17  }
0x5e5: {  	v17 =	vld.idx.msk [tilespmem:v43+s4+$0x0], $0xffff;
	[tilespmem:s15+$0x16000] =	vst v19  }
0x5e6: {  	v47 =	vadd.s32 $0x8000, v5;
	v19 =	vld.idx.msk [tilespmem:v44+s4+$0x0], $0xffff  }
0x5e7: {  	v48 =	vadd.s32 $0x8000, v6;
	[tilespmem:s8+$0x16200] =	vst v13  }
0x5e8: {  	v13 =	vld.idx.msk [tilespmem:v45+s4+$0x0], $0xffff;
	[tilespmem:s10+$0x16200] =	vst v15  }
0x5e9: {  	v49 =	vadd.s32 $0x8800, v3;
	v15 =	vld.idx.msk [tilespmem:v46+s4+$0x0], $0xffff  }
0x5ea: {  	v50 =	vadd.s32 $0x8800, v4;
	[tilespmem:s11+$0x16200] =	vst v17  }
0x5eb: {  	v17 =	vld.idx.msk [tilespmem:v47+s4+$0x0], $0xffff;
	[tilespmem:s15+$0x16200] =	vst v19  }
0x5ec: {  	v51 =	vadd.s32 $0x8800, v5;
	v19 =	vld.idx.msk [tilespmem:v48+s4+$0x0], $0xffff  }
0x5ed: {  	v52 =	vadd.s32 $0x8800, v6;
	[tilespmem:s8+$0x16400] =	vst v13  }
0x5ee: {  	v13 =	vld.idx.msk [tilespmem:v49+s4+$0x0], $0xffff;
	[tilespmem:s10+$0x16400] =	vst v15  }
0x5ef: {  	[tilespmem:s14+$0x18200] =	vst v12;
	v53 =	vadd.s32 $0x9000, v3;
	v15 =	vld.idx.msk [tilespmem:v50+s4+$0x0], $0xffff  }
0x5f0: {  	v54 =	vadd.s32 $0x9000, v4;
	[tilespmem:s11+$0x16400] =	vst v17  }
0x5f1: {  	v17 =	vld.idx.msk [tilespmem:v51+s4+$0x0], $0xffff;
	[tilespmem:s15+$0x16400] =	vst v19  }
0x5f2: {  	[tilespmem:s1+$0x16600] =	vst v10;
	v55 =	vadd.s32 $0x9000, v5;
	v12 =	vld.idx.msk [tilespmem:v52+s4+$0x0], $0xffff  }
0x5f3: {  	v11 =	vld.idx.msk [tilespmem:v11+s4+$0x0], $0xffff;
	v56 =	vadd.s32 $0x9000, v6;
	[tilespmem:s8+$0x16600] =	vst v13  }
0x5f4: {  	v57 =	vadd.s32 $0x9800, v1;
	v14 =	vld.idx.msk [tilespmem:v53+s4+$0x0], $0xffff;
	[tilespmem:s10+$0x16600] =	vst v15  }
0x5f5: {  	[tilespmem:s29+$0x17000] =	vst v9;
	v58 =	vadd.s32 $0x9800, v3;
	v16 =	vld.idx.msk [tilespmem:v54+s4+$0x0], $0xffff  }
0x5f6: {  	v59 =	vadd.s32 $0x9800, v4;
	[tilespmem:s11+$0x16600] =	vst v17  }
0x5f7: {  	v10 =	vld.idx.msk [tilespmem:v55+s4+$0x0], $0xffff;
	[tilespmem:s15+$0x16600] =	vst v12  }
0x5f8: {  	[tilespmem:s1+$0x16800] =	vst v11;
	v60 =	vadd.s32 $0x9800, v5;
	v9 =	vld.idx.msk [tilespmem:v56+s4+$0x0], $0xffff  }
0x5f9: {  	v61 =	vadd.s32 $0x9800, v6;
	v13 =	vld.idx.msk [tilespmem:v57+s4+$0x0], $0xffff;
	[tilespmem:s8+$0x16800] =	vst v14  }
0x5fa: {  	v63 =	vadd.s32 $0xA000, v1;
	v15 =	vld.idx.msk [tilespmem:v58+s4+$0x0], $0xffff;
	[tilespmem:s10+$0x16800] =	vst v16  }
0x5fb: {  	[tilespmem:s0+$0x17A00] =	vst v8;
	v20 =	vadd.s32 $0xA000, v3;
	v17 =	vld.idx.msk [tilespmem:v59+s4+$0x0], $0xffff  }
0x5fc: {  	v7 =	vld.idx.msk [tilespmem:v7+s4+$0x0], $0xffff;
	v21 =	vadd.s32 $0xA000, v4;
	[tilespmem:s11+$0x16800] =	vst v10  }
0x5fd: {  	v62 =	vadd.s32 $0xE000, v2;
	v8 =	vld.idx.msk [tilespmem:v60+s4+$0x0], $0xffff;
	[tilespmem:s15+$0x16800] =	vst v9  }
0x5fe: {  	v22 =	vadd.s32 $0xA000, v5;
	[tilespmem:s1+$0x16A00] =	vst v13;
	v9 =	vld.idx.msk [tilespmem:v61+s4+$0x0], $0xffff  }
0x5ff: {  	v24 =	vadd.s32 $0xA000, v6;
	v14 =	vld.idx.msk [tilespmem:v63+s4+$0x0], $0xffff;
	[tilespmem:s8+$0x16A00] =	vst v15  }
0x600: {  	v26 =	vadd.s32 $0xA800, v1;
	v16 =	vld.idx.msk [tilespmem:v20+s4+$0x0], $0xffff;
	[tilespmem:s10+$0x16A00] =	vst v17  }
0x601: {  	[tilespmem:s29+$0x17200] =	vst v7;
	v27 =	vadd.s32 $0xA800, v3;
	v10 =	vld.idx.msk [tilespmem:v21+s4+$0x0], $0xffff  }
0x602: {  	v23 =	vld.idx.msk [tilespmem:v62+s4+$0x0], $0xffff;
	v28 =	vadd.s32 $0xA800, v4;
	[tilespmem:s11+$0x16A00] =	vst v8  }
0x603: {  	v33 =	vadd.s32 $0xE800, v2;
	v7 =	vld.idx.msk [tilespmem:v22+s4+$0x0], $0xffff;
	[tilespmem:s15+$0x16A00] =	vst v9  }
0x604: {  	v29 =	vadd.s32 $0xA800, v5;
	[tilespmem:s1+$0x16C00] =	vst v14;
	v30 =	vld.idx.msk [tilespmem:v24+s4+$0x0], $0xffff  }
0x605: {  	v32 =	vadd.s32 $0xA800, v6;
	v15 =	vld.idx.msk [tilespmem:v26+s4+$0x0], $0xffff;
	[tilespmem:s8+$0x16C00] =	vst v16  }
0x606: {  	v34 =	vadd.s32 $0xB000, v1;
	v17 =	vld.idx.msk [tilespmem:v27+s4+$0x0], $0xffff;
	[tilespmem:s10+$0x16C00] =	vst v10  }
0x607: {  	v35 =	vadd.s32 $0xB000, v3;
	[tilespmem:s0+$0x17C00] =	vst v23;
	v8 =	vld.idx.msk [tilespmem:v28+s4+$0x0], $0xffff  }
0x608: {  	v39 =	vld.idx.msk [tilespmem:v33+s4+$0x0], $0xffff;
	v36 =	vadd.s32 $0xB000, v4;
	[tilespmem:s11+$0x16C00] =	vst v7  }
0x609: {  	v25 =	vadd.s32 $0xC000, v0;
	v9 =	vld.idx.msk [tilespmem:v29+s4+$0x0], $0xffff;
	[tilespmem:s15+$0x16C00] =	vst v30  }
0x60a: {  	[tilespmem:s1+$0x16E00] =	vst v15;
	v37 =	vadd.s32 $0xB000, v5;
	v38 =	vld.idx.msk [tilespmem:v32+s4+$0x0], $0xffff  }
0x60b: {  	v40 =	vadd.s32 $0xB000, v6;
	v16 =	vld.idx.msk [tilespmem:v34+s4+$0x0], $0xffff;
	[tilespmem:s8+$0x16E00] =	vst v17  }
0x60c: {  	v42 =	vadd.s32 $0xB800, v1;
	v10 =	vld.idx.msk [tilespmem:v35+s4+$0x0], $0xffff;
	[tilespmem:s10+$0x16E00] =	vst v8  }
0x60d: {  	[tilespmem:s0+$0x17E00] =	vst v39;
	v43 =	vadd.s32 $0xB800, v3;
	v7 =	vld.idx.msk [tilespmem:v36+s4+$0x0], $0xffff  }
0x60e: {  	v31 =	vld.idx.msk [tilespmem:v25+s4+$0x0], $0xffff;
	v44 =	vadd.s32 $0xB800, v4;
	[tilespmem:s11+$0x16E00] =	vst v9  }
0x60f: {  	v41 =	vadd.s32 $0xC800, v0;
	v11 =	vld.idx.msk [tilespmem:v37+s4+$0x0], $0xffff;
	[tilespmem:s15+$0x16E00] =	vst v38  }
0x610: {  	v45 =	vadd.s32 $0xB800, v5;
	[tilespmem:s1+$0x17000] =	vst v16;
	v46 =	vld.idx.msk [tilespmem:v40+s4+$0x0], $0xffff  }
0x611: {  	v48 =	vadd.s32 $0xB800, v6;
	v17 =	vld.idx.msk [tilespmem:v42+s4+$0x0], $0xffff;
	[tilespmem:s8+$0x17000] =	vst v10  }
0x612: {  	v50 =	vadd.s32 $0xC000, v1;
	v8 =	vld.idx.msk [tilespmem:v43+s4+$0x0], $0xffff;
	[tilespmem:s10+$0x17000] =	vst v7  }
0x613: {  	[tilespmem:s29+$0x17400] =	vst v31;
	v51 =	vadd.s32 $0xC000, v3;
	v9 =	vld.idx.msk [tilespmem:v44+s4+$0x0], $0xffff  }
0x614: {  	v47 =	vld.idx.msk [tilespmem:v41+s4+$0x0], $0xffff;
	v52 =	vadd.s32 $0xC000, v4;
	[tilespmem:s11+$0x17000] =	vst v11  }
0x615: {  	v57 =	vadd.s32 $0xD000, v0;
	v12 =	vld.idx.msk [tilespmem:v45+s4+$0x0], $0xffff;
	[tilespmem:s15+$0x17000] =	vst v46  }
0x616: {  	v53 =	vadd.s32 $0xC000, v5;
	[tilespmem:s1+$0x17200] =	vst v17;
	v54 =	vld.idx.msk [tilespmem:v48+s4+$0x0], $0xffff  }
0x617: {  	v10 =	vld.idx.msk [tilespmem:v50+s4+$0x0], $0xffff;
	v56 =	vadd.s32 $0xC000, v6;
	[tilespmem:s8+$0x17200] =	vst v8  }
0x618: {  	v58 =	vadd.s32 $0xC800, v1;
	v7 =	vld.idx.msk [tilespmem:v51+s4+$0x0], $0xffff;
	[tilespmem:s10+$0x17200] =	vst v9  }
0x619: {  	[tilespmem:s29+$0x17600] =	vst v47;
	v59 =	vadd.s32 $0xC800, v3;
	v11 =	vld.idx.msk [tilespmem:v52+s4+$0x0], $0xffff  }
0x61a: {  	v63 =	vld.idx.msk [tilespmem:v57+s4+$0x0], $0xffff;
	v60 =	vadd.s32 $0xC800, v4;
	[tilespmem:s11+$0x17200] =	vst v12  }
0x61b: {  	v49 =	vadd.s32 $0xF000, v2;
	v13 =	vld.idx.msk [tilespmem:v53+s4+$0x0], $0xffff;
	[tilespmem:s15+$0x17200] =	vst v54  }
0x61c: {  	[tilespmem:s1+$0x17400] =	vst v10;
	v61 =	vadd.s32 $0xC800, v5;
	v62 =	vld.idx.msk [tilespmem:v56+s4+$0x0], $0xffff  }
0x61d: {  	v20 =	vadd.s32 $0xC800, v6;
	v8 =	vld.idx.msk [tilespmem:v58+s4+$0x0], $0xffff;
	[tilespmem:s8+$0x17400] =	vst v7  }
0x61e: {  	v22 =	vadd.s32 $0xD000, v1;
	v9 =	vld.idx.msk [tilespmem:v59+s4+$0x0], $0xffff;
	[tilespmem:s10+$0x17400] =	vst v11  }
0x61f: {  	v23 =	vadd.s32 $0xD000, v3;
	[tilespmem:s29+$0x17800] =	vst v63;
	v12 =	vld.idx.msk [tilespmem:v60+s4+$0x0], $0xffff  }
0x620: {  	v55 =	vld.idx.msk [tilespmem:v49+s4+$0x0], $0xffff;
	v24 =	vadd.s32 $0xD000, v4;
	[tilespmem:s11+$0x17400] =	vst v13  }
0x621: {  	v21 =	vadd.s32 $0xF800, v2;
	v14 =	vld.idx.msk [tilespmem:v61+s4+$0x0], $0xffff;
	[tilespmem:s15+$0x17400] =	vst v62  }
0x622: {  	v25 =	vadd.s32 $0xD000, v5;
	[tilespmem:s1+$0x17600] =	vst v8;
	v10 =	vld.idx.msk [tilespmem:v20+s4+$0x0], $0xffff  }
0x623: {  	v26 =	vadd.s32 $0xD000, v6;
	v7 =	vld.idx.msk [tilespmem:v22+s4+$0x0], $0xffff;
	[tilespmem:s8+$0x17600] =	vst v9  }
0x624: {  	v28 =	vadd.s32 $0xD800, v1;
	v11 =	vld.idx.msk [tilespmem:v23+s4+$0x0], $0xffff;
	[tilespmem:s10+$0x17600] =	vst v12  }
0x625: {  	[tilespmem:s0+$0x18000] =	vst v55;
	v29 =	vadd.s32 $0xD800, v3;
	v13 =	vld.idx.msk [tilespmem:v24+s4+$0x0], $0xffff  }
0x626: {  	v2 =	vld.idx.msk [tilespmem:v21+s4+$0x0], $0xffff;
	v30 =	vadd.s32 $0xD800, v4;
	[tilespmem:s11+$0x17600] =	vst v14  }
0x627: {  	v27 =	vadd.s32 $0xD800, v0;
	v15 =	vld.idx.msk [tilespmem:v25+s4+$0x0], $0xffff;
	[tilespmem:s15+$0x17600] =	vst v10  }
0x628: {  	v31 =	vadd.s32 $0xD800, v5;
	[tilespmem:s1+$0x17800] =	vst v7;
	v8 =	vld.idx.msk [tilespmem:v26+s4+$0x0], $0xffff  }
0x629: {  	v33 =	vadd.s32 $0xD800, v6;
	v9 =	vld.idx.msk [tilespmem:v28+s4+$0x0], $0xffff;
	[tilespmem:s8+$0x17800] =	vst v11  }
0x62a: {  	v35 =	vadd.s32 $0xE000, v1;
	v12 =	vld.idx.msk [tilespmem:v29+s4+$0x0], $0xffff;
	[tilespmem:s10+$0x17800] =	vst v13  }
0x62b: {  	[tilespmem:s0+$0x18200] =	vst v2;
	v36 =	vadd.s32 $0xE000, v3;
	v14 =	vld.idx.msk [tilespmem:v30+s4+$0x0], $0xffff  }
0x62c: {  	v37 =	vadd.s32 $0xE000, v4;
	v32 =	vld.idx.msk [tilespmem:v27+s4+$0x0], $0xffff;
	[tilespmem:s11+$0x17800] =	vst v15  }
0x62d: {  	v34 =	vadd.s32 $0xE000, v0;
	v2 =	vld.idx.msk [tilespmem:v31+s4+$0x0], $0xffff;
	[tilespmem:s15+$0x17800] =	vst v8  }
0x62e: {  	v38 =	vadd.s32 $0xE000, v5;
	[tilespmem:s1+$0x17A00] =	vst v9;
	v7 =	vld.idx.msk [tilespmem:v33+s4+$0x0], $0xffff  }
0x62f: {  	v39 =	vadd.s32 $0xE000, v6;
	v11 =	vld.idx.msk [tilespmem:v35+s4+$0x0], $0xffff;
	[tilespmem:s8+$0x17A00] =	vst v12  }
0x630: {  	v41 =	vadd.s32 $0xE800, v1;
	v13 =	vld.idx.msk [tilespmem:v36+s4+$0x0], $0xffff;
	[tilespmem:s10+$0x17A00] =	vst v14  }
0x631: {  	v42 =	vadd.s32 $0xE800, v3;
	[tilespmem:s29+$0x17A00] =	vst v32;
	v15 =	vld.idx.msk [tilespmem:v37+s4+$0x0], $0xffff  }
0x632: {  	v43 =	vadd.s32 $0xE800, v4;
	v10 =	vld.idx.msk [tilespmem:v34+s4+$0x0], $0xffff;
	[tilespmem:s11+$0x17A00] =	vst v2  }
0x633: {  	v40 =	vadd.s32 $0xE800, v0;
	v8 =	vld.idx.msk [tilespmem:v38+s4+$0x0], $0xffff;
	[tilespmem:s15+$0x17A00] =	vst v7  }
0x634: {  	v44 =	vadd.s32 $0xE800, v5;
	[tilespmem:s1+$0x17C00] =	vst v11;
	v9 =	vld.idx.msk [tilespmem:v39+s4+$0x0], $0xffff  }
0x635: {  	v45 =	vadd.s32 $0xE800, v6;
	v12 =	vld.idx.msk [tilespmem:v41+s4+$0x0], $0xffff;
	[tilespmem:s8+$0x17C00] =	vst v13  }
0x636: {  	v47 =	vadd.s32 $0xF000, v1;
	v14 =	vld.idx.msk [tilespmem:v42+s4+$0x0], $0xffff;
	[tilespmem:s10+$0x17C00] =	vst v15  }
0x637: {  	v48 =	vadd.s32 $0xF000, v3;
	[tilespmem:s29+$0x17C00] =	vst v10;
	v2 =	vld.idx.msk [tilespmem:v43+s4+$0x0], $0xffff  }
0x638: {  	v49 =	vadd.s32 $0xF000, v4;
	v10 =	vld.idx.msk [tilespmem:v40+s4+$0x0], $0xffff;
	[tilespmem:s11+$0x17C00] =	vst v8  }
0x639: {  	v46 =	vadd.s32 $0xF000, v0;
	v7 =	vld.idx.msk [tilespmem:v44+s4+$0x0], $0xffff;
	[tilespmem:s15+$0x17C00] =	vst v9  }
0x63a: {  	v50 =	vadd.s32 $0xF000, v5;
	[tilespmem:s1+$0x17E00] =	vst v12;
	v51 =	vld.idx.msk [tilespmem:v45+s4+$0x0], $0xffff  }
0x63b: {  	v53 =	vadd.s32 $0xF000, v6;
	v13 =	vld.idx.msk [tilespmem:v47+s4+$0x0], $0xffff;
	[tilespmem:s8+$0x17E00] =	vst v14  }
0x63c: {  	v55 =	vadd.s32 $0xF800, v1;
	v14 =	vld.idx.msk [tilespmem:v48+s4+$0x0], $0xffff;
	[tilespmem:s10+$0x17E00] =	vst v2  }
0x63d: {  	v56 =	vadd.s32 $0xF800, v3;
	[tilespmem:s29+$0x17E00] =	vst v10;
	v57 =	vld.idx.msk [tilespmem:v49+s4+$0x0], $0xffff  }
0x63e: {  	v58 =	vadd.s32 $0xF800, v4;
	v52 =	vld.idx.msk [tilespmem:v46+s4+$0x0], $0xffff;
	[tilespmem:s11+$0x17E00] =	vst v7  }
0x63f: {  	v54 =	vadd.s32 $0xF800, v0;
	v7 =	vld.idx.msk [tilespmem:v50+s4+$0x0], $0xffff;
	[tilespmem:s15+$0x17E00] =	vst v51  }
0x640: {  	v59 =	vadd.s32 $0xF800, v5;
	[tilespmem:s1+$0x18000] =	vst v13;
	v60 =	vld.idx.msk [tilespmem:v53+s4+$0x0], $0xffff  }
0x641: {  	v61 =	vadd.s32 $0xF800, v6;
	v1 =	vld.idx.msk [tilespmem:v55+s4+$0x0], $0xffff;
	[tilespmem:s8+$0x18000] =	vst v14  }
0x642: {  	v2 =	vld.idx.msk [tilespmem:v56+s4+$0x0], $0xffff;
	[tilespmem:s10+$0x18000] =	vst v57  }
0x643: {  	[tilespmem:s29+$0x18000] =	vst v52;
	v3 =	vld.idx.msk [tilespmem:v58+s4+$0x0], $0xffff  }
0x644: {  	v0 =	vld.idx.msk [tilespmem:v54+s4+$0x0], $0xffff;
	[tilespmem:s11+$0x18000] =	vst v7  }
0x645: {  	v62 =	vld.idx.msk [tilespmem:v59+s4+$0x0], $0xffff;
	[tilespmem:s15+$0x18000] =	vst v60  }
0x646: {  	[tilespmem:s1+$0x18200] =	vst v1;
	v63 =	vld.idx.msk [tilespmem:v61+s4+$0x0], $0xffff  }
0x647: {  	[tilespmem:s8+$0x18200] =	vst v2  }
0x648: {  	[tilespmem:s10+$0x18200] =	vst v3  }
0x649: {  	[tilespmem:s29+$0x18200] =	vst v0  }
0x64a: {  	[tilespmem:s11+$0x18200] =	vst v62  }
0x64b: {  	[tilespmem:s15+$0x18200] =	vst v63  }
0x64c: {  	s0 =	rddreg [dreg:$0x7]  }
0x64d: {  	[hbm4b:s0+s20] =	stream.strided.scatter [tilespmem:s25], [sflag:$0x5], $0x4000, s21, s20, $0x38;
	[tilespmem:$0x18400] =	vst v63  }
0x64e: {  	_ =	swait.ge [sflag:s23], $0x4000  }
0x64f: {  	[sflag:s23] =	ssyncset.done $0x0  }
0x650: {  	[sflag:s23] =	ssyncadd.s32 $0xFFFFC000  }
0x651: {  	_ =	swait.ge [sflag:s26], $0x4000  }
0x652: {  	s28 =	sadd.s32 $0x1, s28;
	s31 =	rddreg [dreg:$0x8]  }
0x653: {  	p0 =	sne.s32 s28, s31  }
.Ltmp5:
0x654: {  	_ = 	snop;
	(pc) =	sbr.rel @p0 .LBB2_1-.Ltmp5, $3  }
0x655: {  	_ =	sdelay $0x1  }
0x656: {  	[sflag:s26] =	ssyncset.done $0x0  }
0x657: {  	[sflag:s26] =	ssyncadd.s32 $0xFFFFC000  }
0x658: {  	_ =	sfence.sel $0x180000  }
0x659: {  	[bflag:$0x0] =	sbarrier.arrive $0xFFFF  }
0x65a: {  	_ =	strace $0x90000047  }
0x65b: {  	s0 =	stileid.u32;
	[bflag:$0x2] =	sbarrier.arrive $0xFFFF  }
0x65c: {  	p0 =	sne.s32 s0, $0x0;
	s0 =	rddreg [dreg:$0x2]  }
0x65d: {  	s0 =	sadd.s32 @!p0 $0x100000, s0  }
0x65e: {  	[sflag:s0] =	ssyncadd.tile.s32 @!p0 $0x1;
	_ =	shalt  }
.Lfunc_end2:
_tile_overlayer_lowered:
.L_overlay_start_2:
0x65f: {  	(tag) =	ssettag $0x2  }
0x660: {  	s0 =	rddreg [dreg:$0x0];
	s2 =	stileid.u32  }
0x661: {  	s1 =	rddreg [dreg:$0x1];
	p0 =	sne.s32 s2, $0x0  }
0x662: {  	s3 =	rddreg [dreg:$0x2];
	[bflag:$0x3] =	sbarrier.arrive $0xFFFF;
	s2 =	simm.s32 @!p0 $0x1C06  }
0x663: {  	[timem:s3], [sflag:s2] =	dma.local @!p0 [hbm:s0], s1  }
0x664: {  	s0 =	simm.s32 @!p0 $0x6  }
0x665: {  	_ =	swait.ge @!p0 [sflag:s0], s1  }
0x666: {  	s1 =	ssub.s32 @!p0 $0x0, s1;
	[sflag:s0] =	ssyncset.done @!p0 $0x0  }
0x667: {  	[sflag:s0] =	ssyncadd.s32 @!p0 s1  }
0x668: {  	[bflag:$0x3] =	sbarrier.arrive $0xFFFF  }
0x669: {  	_ =	shalt  }

</sc_bundles>
